<compile_context>
chip_gen: v7x
topology: tpu7x:2x2x1
jax: 0.10.2.dev20260603
libtpu: 0.0.44.dev20260713+nightly
codegen_flags: <defaults>
</compile_context>

<pallas_src>
import functools

import jax
import jax.numpy as jnp
from jax import lax
from jax.experimental import pallas as pl
from jax.experimental.pallas import tpu as pltpu
from jax.experimental.pallas import tpu_sc as plsc

_IDX_PAD = 304
_NEG_INF = float("-inf")


def _topk_body(conf_ref, mask_ref, topk_ref, idxg_ref):
    b = pl.program_id(0)
    N = conf_ref.shape[2]
    K = N - 600

    conf = jnp.max(conf_ref[0], axis=0)
    col = conf[:, None]
    row = conf[None, :]
    jj = lax.broadcasted_iota(jnp.int32, (N, N), 0)
    ii = lax.broadcasted_iota(jnp.int32, (N, N), 1)
    gt = (col > row) | ((col == row) & (jj < ii))
    rank = jnp.sum(gt.astype(jnp.int32), axis=0)

    r_iota = lax.broadcasted_iota(jnp.int32, (N, K), 1)
    Eb = rank[:, None] == r_iota
    E = Eb.astype(jnp.float32)
    topk_ref[0, 0] = jnp.sum(E * conf[:, None], axis=0)

    src = lax.broadcasted_iota(jnp.int32, (N, K), 0)
    idx2 = jnp.sum(jnp.where(Eb, src, 0), axis=0, keepdims=True)

    mi = mask_ref[b]
    rk = lax.broadcasted_iota(jnp.int32, (1, K), 1)
    ids2 = jnp.where(mi != 0, idx2, 600 + rk) + b * N
    rkp = lax.broadcasted_iota(jnp.int32, (1, _IDX_PAD - K), 1)
    pad2 = jnp.where(rkp == _IDX_PAD - K - 1, 4 + mi, rkp) + b * N
    idxg_ref[0, 0] = jnp.concatenate([ids2, pad2], axis=1)[0]


def _run_topk(conf_t, mask_i32):
    bs, C, N = conf_t.shape
    K = N - 600
    return pl.pallas_call(
        _topk_body,
        grid=(bs,),
        in_specs=[
            pl.BlockSpec((1, C, N), lambda b: (b, 0, 0)),
            pl.BlockSpec(memory_space=pltpu.SMEM),
        ],
        out_specs=(
            pl.BlockSpec((1, 1, K), lambda b: (b, 0, 0)),
            pl.BlockSpec((1, 1, _IDX_PAD), lambda b: (b, 0, 0)),
        ),
        out_shape=(
            jax.ShapeDtypeStruct((bs, 1, K), jnp.float32),
            jax.ShapeDtypeStruct((bs, 1, _IDX_PAD), jnp.int32),
        ),
    )(conf_t, mask_i32)


def _make_sc_assemble(bs, N, T, D):
    K = N - T
    info = plsc.get_sparse_core_info()
    NC, NS = info.num_cores, info.num_subcores
    NW = NC * NS
    per_w = bs // NW
    mesh = plsc.VectorSubcoreMesh(core_axis_name="c", subcore_axis_name="s")
    RA = 16

    @functools.partial(
        pl.kernel,
        mesh=mesh,
        out_type=(
            jax.ShapeDtypeStruct((bs, N, D), jnp.float32),
            jax.ShapeDtypeStruct((bs * N * RA,), jnp.float32),
        ),
        scratch_types=[
            pltpu.VMEM((per_w * _IDX_PAD,), jnp.int32),
            pltpu.VMEM((_IDX_PAD, D), jnp.float32),
            pltpu.VMEM((4, D), jnp.float32),
            pltpu.VMEM((N * RA,), jnp.float32),
            pltpu.VMEM((_IDX_PAD * RA,), jnp.float32),
            pltpu.SemaphoreType.DMA,
            pltpu.SemaphoreType.DMA,
        ],
    )
    def sc_assemble(feat_flat, ancf, idxgf, outf, outaf,
                    idx_v, rows_v, buf_d, anc_v, out_av, sem_g, sem_a):
        wid = lax.axis_index("s") * NC + lax.axis_index("c")
        b0 = wid * per_w
        pltpu.sync_copy(
            idxgf.at[pl.ds(b0 * _IDX_PAD, per_w * _IDX_PAD)], idx_v)
        for j in range(per_w):
            b = b0 + j
            ib = j * _IDX_PAD
            boff = b * N

            anc_cp = pltpu.async_copy(
                ancf.at[pl.ds(b * N * RA, N * RA)], anc_v, sem_a)

            cps = [
                pltpu.async_copy(
                    feat_flat.at[idx_v.at[pl.ds(ib, 128)]],
                    rows_v.at[pl.ds(0, 128)], sem_g),
                pltpu.async_copy(
                    feat_flat.at[idx_v.at[pl.ds(ib + 128, 128)]],
                    rows_v.at[pl.ds(128, 128)], sem_g),
                pltpu.async_copy(
                    feat_flat.at[idx_v.at[pl.ds(ib + 256, 48)]],
                    rows_v.at[pl.ds(256, 48)], sem_g),
            ]

            anc_cp.wait()

            def permute_chunk(c, _):
                idx16 = (idx_v[pl.ds(ib + c * 16, 16)] - boff) * RA
                for l in range(16):
                    s = pl.multiple_of(idx16[l], RA)
                    out_av[pl.ds((c * 16 + l) * RA, RA)] = (
                        anc_v[pl.ds(s, RA)])
                return 0

            lax.fori_loop(0, _IDX_PAD // 16, permute_chunk, 0)
            a_cp = pltpu.async_copy(
                out_av.at[pl.ds(0, K * RA)],
                outaf.at[pl.ds(boff * RA + T * RA, K * RA)], sem_a)

            for c in cps:
                c.wait()
            out_cp = pltpu.async_copy(
                rows_v.at[pl.ds(0, 296)], outf.at[b, pl.ds(T, 296)], sem_g)
            for r in range(4):
                for c16 in range(D // 16):
                    buf_d[r, pl.ds(c16 * 16, 16)] = (
                        rows_v[296 + r, pl.ds(c16 * 16, 16)])
            tail_cp = pltpu.async_copy(
                buf_d, outf.at[b, pl.ds(T + 296, 4)], sem_g)
            out_cp.wait()
            tail_cp.wait()
            a_cp.wait()

    return sc_assemble


def _fill_body(mask_ref, cfeat_ref, canc_ref, feat_hbm, ancp_hbm,
               outf_in, outa_in, outf_ref, outa_ref, sem):
    b = pl.program_id(0)
    T = cfeat_ref.shape[1]
    m = mask_ref[b] != 0

    @pl.when(m)
    def _():
        outf_ref[0] = cfeat_ref[0]
        outa_ref[0] = canc_ref[0]

    @pl.when(jnp.logical_not(m))
    def _():
        pltpu.async_copy(feat_hbm.at[b, pl.ds(0, T)],
                         outf_ref.at[0], sem).wait()
        pltpu.async_copy(ancp_hbm.at[b, pl.ds(0, T)],
                         outa_ref.at[0], sem).wait()


def _run_fill(mask_i32, cached_feature, cancp, instance_feature, ancp,
              outf_sc, outa_sc):
    bs, N, D = outf_sc.shape
    T = cached_feature.shape[1]
    return pl.pallas_call(
        _fill_body,
        grid=(bs,),
        in_specs=[
            pl.BlockSpec(memory_space=pltpu.SMEM),
            pl.BlockSpec((1, T, D), lambda b: (b, 0, 0)),
            pl.BlockSpec((1, T, 16), lambda b: (b, 0, 0)),
            pl.BlockSpec(memory_space=pl.ANY),
            pl.BlockSpec(memory_space=pl.ANY),
            pl.BlockSpec(memory_space=pl.ANY),
            pl.BlockSpec(memory_space=pl.ANY),
        ],
        out_specs=(
            pl.BlockSpec((1, T, D), lambda b: (b, 0, 0)),
            pl.BlockSpec((1, T, 16), lambda b: (b, 0, 0)),
        ),
        out_shape=(
            jax.ShapeDtypeStruct((bs, N, D), jnp.float32),
            jax.ShapeDtypeStruct((bs, N, 16), jnp.float32),
        ),
        input_output_aliases={5: 0, 6: 1},
        scratch_shapes=[pltpu.SemaphoreType.DMA],
    )(mask_i32, cached_feature, cancp, instance_feature, ancp,
      outf_sc, outa_sc)


def kernel(confidence, instance_feature, anchor, cached_feature,
           cached_anchor, mask):
    bs, N, C = confidence.shape
    D = instance_feature.shape[2]
    A = anchor.shape[2]
    T = cached_feature.shape[1]
    K = N - T

    mask_i32 = mask.astype(jnp.int32)
    conf_t = jnp.transpose(confidence, (0, 2, 1))
    topk_p, idxg = _run_topk(conf_t, mask_i32)
    topk = topk_p.reshape(bs, K)

    feat_flat = instance_feature.reshape(bs * N, D)
    ancp = jnp.pad(anchor, ((0, 0), (0, 0), (0, 16 - A)))
    cancp = jnp.pad(cached_anchor, ((0, 0), (0, 0), (0, 16 - A)))
    sc_assemble = _make_sc_assemble(bs, N, T, D)
    outf_sc, outaf = sc_assemble(feat_flat, ancp.reshape(-1),
                                 idxg.reshape(-1))
    outf, outa16 = _run_fill(mask_i32, cached_feature, cancp,
                             instance_feature, ancp,
                             outf_sc, outaf.reshape(bs, N, 16))
    return outf, outa16[..., :A], topk

# --- scband reference (transcript-rebuilt; emitter-appended) ---
"""Pipeline reference for scband-instance-bank-283467842493 (READ-ONLY COPY).

The authoritative reference and input builder live on the scoring server;
editing this copy changes nothing except your own understanding.
"""

import jax, jax.numpy as jnp
import numpy as np


def setup_inputs(seed: int = 0) -> dict:
    key = jax.random.key(seed)
    ks = jax.random.split(key, 5)
    bs, N, C, D, A, T = 64, 900, 10, 256, 11, 600
    return {
        'confidence': jax.random.normal(ks[0], (bs, N, C), dtype=jnp.float32),
        'instance_feature': jax.random.normal(ks[1], (bs, N, D), dtype=jnp.float32),
        'anchor': jax.random.normal(ks[2], (bs, N, A), dtype=jnp.float32),
        'cached_feature': jax.random.normal(ks[3], (bs, T, D), dtype=jnp.float32),
        'cached_anchor': jax.random.normal(ks[4], (bs, T, A), dtype=jnp.float32),
        'mask': jnp.ones((bs,), dtype=bool),
    }


def reference(confidence, instance_feature, anchor, cached_feature, cached_anchor, mask):
    # Faithful translation of InstanceBank.update() core:
    #   conf = confidence.max(dim=-1).values
    #   top-(num_anchor - num_temp_instances) selection of current instances,
    #   gather their features/anchors, concat with cached (temporal) instances,
    #   then mask-select between temporal-fused and fresh instances.
    N = confidence.shape[1]
    num_temp = cached_feature.shape[1]
    k = N - num_temp
    conf = jnp.max(confidence, axis=-1)  # (bs, N)
    conf_topk, indices = jax.lax.top_k(conf, k)  # (bs, k)
    # torch: input.flatten(end_dim=1)[flat_indices].reshape(bs, k, -1)
    sel_feat = jnp.take_along_axis(instance_feature, indices[:, :, None], axis=1)
    sel_anc = jnp.take_along_axis(anchor, indices[:, :, None], axis=1)
    selected_feature = jnp.concatenate([cached_feature, sel_feat], axis=1)  # (bs, N, D)
    selected_anchor = jnp.concatenate([cached_anchor, sel_anc], axis=1)  # (bs, N, A)
    out_feature = jnp.where(mask[:, None, None], selected_feature, instance_feature)
    out_anchor = jnp.where(mask[:, None, None], selected_anchor, anchor)
    return (out_feature, out_anchor, conf_topk)

if __name__ == "__main__":
    import jax
    _d = setup_inputs()
    print(jax.jit(kernel)(*tuple(_d.values())))

</pallas_src>

<mosaic_0001>
#map = affine_map<(d0, d1) -> (0, 0)>
#map1 = affine_map<(d0, d1) -> (0)>
#map2 = affine_map<(d0, d1) -> (0, 0, 0)>
module attributes {stable_mosaic.version = 14 : i64} {
  func.func @sc_assemble(%arg0: i32, %arg1: i32, %arg2: memref<57600x256xf32, #tpu.memory_space<hbm>>, %arg3: memref<921600xf32, #tpu.memory_space<hbm>>, %arg4: memref<19456xi32, #tpu.memory_space<hbm>>, %arg5: memref<64x900x256xf32, #tpu.memory_space<hbm>>, %arg6: memref<921600xf32, #tpu.memory_space<hbm>>, %arg7: memref<608xi32, #tpu.memory_space<vmem>>, %arg8: memref<304x256xf32, #tpu.memory_space<vmem>>, %arg9: memref<4x256xf32, #tpu.memory_space<vmem>>, %arg10: memref<14400xf32, #tpu.memory_space<vmem>>, %arg11: memref<4864xf32, #tpu.memory_space<vmem>>, %arg12: memref<!tpu.dma_semaphore, #tpu.memory_space<semaphore_mem>>, %arg13: memref<!tpu.dma_semaphore, #tpu.memory_space<semaphore_mem>>) attributes {dimension_semantics = [#tpu.dimension_semantics<core_parallel>, #tpu.dimension_semantics<subcore_parallel>], iteration_bounds = array<i64: 2, 16>, scalar_prefetch = 0 : i64, scratch_operands = 7 : i64, tpu.core_type = #tpu.core_type<sc_vector_subcore>, window_params = [{transform_indices = #map}, {transform_indices = #map1}, {transform_indices = #map1}, {transform_indices = #map2}, {transform_indices = #map1}]} {
    %mul3A = arith.constant 2 : i32
    %mul3A_0 = arith.muli %arg1, %mul3A : i32
    %add3A = arith.addi %mul3A_0, %arg0 : i32
    %mul3A_1 = arith.constant 2 : i32
    %mul3A_2 = arith.muli %add3A, %mul3A_1 : i32
    %mul3A_3 = arith.constant 304 : i32
    %mul3A_4 = arith.muli %mul3A_2, %mul3A_3 : i32
    "tpu.region"() ({
      %run_scoped3A = tpu.sem_alloc : memref<!tpu.dma_semaphore, #tpu.memory_space<semaphore_mem>>
      %dma_start3A_1662 = tpu.memref_slice %arg4[%mul3A_4] : memref<19456xi32, #tpu.memory_space<hbm>> -> memref<608xi32, #tpu.memory_space<hbm>>
      %dma_start3A_1663 = tpu.memref_slice %arg4[%mul3A_4] : memref<19456xi32, #tpu.memory_space<hbm>> -> memref<608xi32, #tpu.memory_space<hbm>>
      tpu.enqueue_dma source(%dma_start3A_1663 : memref<608xi32, #tpu.memory_space<hbm>>) target(%arg7 : memref<608xi32, #tpu.memory_space<vmem>>) target_semaphore(%run_scoped3A : memref<!tpu.dma_semaphore, #tpu.memory_space<semaphore_mem>>)
      %dma_wait3A_1664 = tpu.memref_slice %arg4[%mul3A_4] : memref<19456xi32, #tpu.memory_space<hbm>> -> memref<608xi32, #tpu.memory_space<hbm>>
      %dma_wait3A_1665 = tpu.memref_slice %arg4[%mul3A_4] : memref<19456xi32, #tpu.memory_space<hbm>> -> memref<608xi32, #tpu.memory_space<hbm>>
      tpu.wait_dma2 semaphore(%run_scoped3A : memref<!tpu.dma_semaphore, #tpu.memory_space<semaphore_mem>>) src(%dma_wait3A_1665 : memref<608xi32, #tpu.memory_space<hbm>>) dst(%arg7 : memref<608xi32, #tpu.memory_space<vmem>>)
      tpu.yield
    }) : () -> ()
    %add3A_5 = arith.constant 0 : i32
    %add3A_6 = arith.addi %mul3A_2, %add3A_5 : i32
    %mul3A_7 = arith.constant 900 : i32
    %mul3A_8 = arith.muli %add3A_6, %mul3A_7 : i32
    %mul3A_9 = arith.constant 900 : i32
    %mul3A_10 = arith.muli %add3A_6, %mul3A_9 : i32
    %mul3A_11 = arith.constant 16 : i32
    %mul3A_12 = arith.muli %mul3A_10, %mul3A_11 : i32
    %dma_start3A = tpu.memref_slice %arg3[%mul3A_12] : memref<921600xf32, #tpu.memory_space<hbm>> -> memref<14400xf32, #tpu.memory_space<hbm>>
    %dma_start3A_13 = tpu.memref_slice %arg3[%mul3A_12] : memref<921600xf32, #tpu.memory_space<hbm>> -> memref<14400xf32, #tpu.memory_space<hbm>>
    tpu.enqueue_dma source(%dma_start3A_13 : memref<14400xf32, #tpu.memory_space<hbm>>) target(%arg10 : memref<14400xf32, #tpu.memory_space<vmem>>) target_semaphore(%arg13 : memref<!tpu.dma_semaphore, #tpu.memory_space<semaphore_mem>>)
    %dma_start3A_14 = arith.constant 0 : i32
    %dma_start3A_15 = arith.constant 0 : i32
    %dma_start3A_16 = tpu.memref_slice %arg8[%dma_start3A_14, %dma_start3A_15] : memref<304x256xf32, #tpu.memory_space<vmem>> -> memref<128x256xf32, #tpu.memory_space<vmem>>
    %dma_start3A_17 = arith.constant 0 : i32
    %dma_start3A_18 = tpu.memref_slice %arg7[%dma_start3A_17] : memref<608xi32, #tpu.memory_space<vmem>> -> memref<128xi32, #tpu.memory_space<vmem>>
    %dma_start3A_19 = arith.constant 0 : i32
    %dma_start3A_20 = arith.constant 0 : i32
    %dma_start3A_21 = tpu.memref_slice %arg2[%dma_start3A_19, %dma_start3A_20] : memref<57600x256xf32, #tpu.memory_space<hbm>> -> memref<57600x256xf32, #tpu.memory_space<hbm>>
    tpu.enqueue_indirect_dma source(%dma_start3A_21 : memref<57600x256xf32, #tpu.memory_space<hbm>>) target(%dma_start3A_16 : memref<128x256xf32, #tpu.memory_space<vmem>>) offsets(%dma_start3A_18 : memref<128xi32, #tpu.memory_space<vmem>>) semaphore(%arg12 : memref<!tpu.dma_semaphore, #tpu.memory_space<semaphore_mem>>)
    %dma_start3A_22 = arith.constant 128 : i32
    %dma_start3A_23 = arith.constant 0 : i32
    %dma_start3A_24 = tpu.memref_slice %arg8[%dma_start3A_22, %dma_start3A_23] : memref<304x256xf32, #tpu.memory_space<vmem>> -> memref<128x256xf32, #tpu.memory_space<vmem>>
    %dma_start3A_25 = arith.constant 128 : i32
    %dma_start3A_26 = tpu.memref_slice %arg7[%dma_start3A_25] : memref<608xi32, #tpu.memory_space<vmem>> -> memref<128xi32, #tpu.memory_space<vmem>>
    %dma_start3A_27 = arith.constant 0 : i32
    %dma_start3A_28 = arith.constant 0 : i32
    %dma_start3A_29 = tpu.memref_slice %arg2[%dma_start3A_27, %dma_start3A_28] : memref<57600x256xf32, #tpu.memory_space<hbm>> -> memref<57600x256xf32, #tpu.memory_space<hbm>>
    tpu.enqueue_indirect_dma source(%dma_start3A_29 : memref<57600x256xf32, #tpu.memory_space<hbm>>) target(%dma_start3A_24 : memref<128x256xf32, #tpu.memory_space<vmem>>) offsets(%dma_start3A_26 : memref<128xi32, #tpu.memory_space<vmem>>) semaphore(%arg12 : memref<!tpu.dma_semaphore, #tpu.memory_space<semaphore_mem>>)
    %dma_start3A_30 = arith.constant 256 : i32
    %dma_start3A_31 = arith.constant 0 : i32
    %dma_start3A_32 = tpu.memref_slice %arg8[%dma_start3A_30, %dma_start3A_31] : memref<304x256xf32, #tpu.memory_space<vmem>> -> memref<48x256xf32, #tpu.memory_space<vmem>>
    %dma_start3A_33 = arith.constant 256 : i32
    %dma_start3A_34 = tpu.memref_slice %arg7[%dma_start3A_33] : memref<608xi32, #tpu.memory_space<vmem>> -> memref<48xi32, #tpu.memory_space<vmem>>
    %dma_start3A_35 = arith.constant 0 : i32
    %dma_start3A_36 = arith.constant 0 : i32
    %dma_start3A_37 = tpu.memref_slice %arg2[%dma_start3A_35, %dma_start3A_36] : memref<57600x256xf32, #tpu.memory_space<hbm>> -> memref<57600x256xf32, #tpu.memory_space<hbm>>
    tpu.enqueue_indirect_dma source(%dma_start3A_37 : memref<57600x256xf32, #tpu.memory_space<hbm>>) target(%dma_start3A_32 : memref<48x256xf32, #tpu.memory_space<vmem>>) offsets(%dma_start3A_34 : memref<48xi32, #tpu.memory_space<vmem>>) semaphore(%arg12 : memref<!tpu.dma_semaphore, #tpu.memory_space<semaphore_mem>>)
    %dma_wait3A = tpu.memref_slice %arg3[%mul3A_12] : memref<921600xf32, #tpu.memory_space<hbm>> -> memref<14400xf32, #tpu.memory_space<hbm>>
    %dma_wait3A_38 = tpu.memref_slice %arg3[%mul3A_12] : memref<921600xf32, #tpu.memory_space<hbm>> -> memref<14400xf32, #tpu.memory_space<hbm>>
    tpu.wait_dma2 semaphore(%arg13 : memref<!tpu.dma_semaphore, #tpu.memory_space<semaphore_mem>>) src(%dma_wait3A_38 : memref<14400xf32, #tpu.memory_space<hbm>>) dst(%arg10 : memref<14400xf32, #tpu.memory_space<vmem>>)
    %scan3A = arith.constant 0 : i32
    %scan3A_39 = arith.constant 0 : i32
    %scan3A_40 = arith.constant 19 : i32
    %scan3A_41 = arith.addi %scan3A_39, %scan3A_40 : i32
    %scan3A_42 = arith.constant 1 : i32
    %scan3A_43 = scf.for %scan3A_1662 = %scan3A_39 to %scan3A_41 step %scan3A_42 iter_args(%scan3A_1663 = %scan3A) -> (i32)  : i32 {
      %mul3A_1664 = arith.constant 16 : i32
      %mul3A_1665 = arith.muli %scan3A_1662, %mul3A_1664 : i32
      %add3A_1666 = arith.constant 0 : i32
      %add3A_1667 = arith.addi %add3A_1666, %mul3A_1665 : i32
      %get3A_1668 = arith.index_cast %add3A_1667 : i32 to index
      %get3A_1669 = tpu.vector_load %arg7[%get3A_1668] {strides = array<i32>} : memref<608xi32, #tpu.memory_space<vmem>>, vector<16xi32>,
      %get3A_1670 = vector.shape_cast %get3A_1669 : vector<16xi32> to vector<16xi32>
      %sub3A = vector.broadcast %mul3A_8 : i32 to vector<16xi32>
      %sub3A_1671 = arith.subi %get3A_1670, %sub3A : vector<16xi32>
      %mul3A_1672 = arith.constant 16 : i32
      %mul3A_1673 = vector.broadcast %mul3A_1672 : i32 to vector<16xi32>
      %mul3A_1674 = arith.muli %sub3A_1671, %mul3A_1673 : vector<16xi32>
      %slice3A = vector.extract_strided_slice %mul3A_1674 {offsets = [0], sizes = [1], strides = [1]} : vector<16xi32> to vector<1xi32>
      %squeeze3A = vector.extract %slice3A[0] : i32 from vector<1xi32>
      %multiple_of3A = tpu.assume_multiple %squeeze3A, 16 : i32
      %get3A_1675 = arith.index_cast %multiple_of3A : i32 to index
      %get3A_1676 = tpu.vector_load %arg10[%get3A_1675] {strides = array<i32>} : memref<14400xf32, #tpu.memory_space<vmem>>, vector<16xf32>,
      %get3A_1677 = vector.shape_cast %get3A_1676 : vector<16xf32> to vector<16xf32>
      %mul3A_1678 = arith.constant 16 : i32
      %mul3A_1679 = arith.muli %scan3A_1662, %mul3A_1678 : i32
      %add3A_1680 = arith.constant 0 : i32
      %add3A_1681 = arith.addi %mul3A_1679, %add3A_1680 : i32
      %mul3A_1682 = arith.constant 16 : i32
      %mul3A_1683 = arith.muli %add3A_1681, %mul3A_1682 : i32
      %swap3A_1684 = arith.index_cast %mul3A_1683 : i32 to index
      %swap3A_1685 = tpu.vector_load %arg11[%swap3A_1684] {strides = array<i32>} : memref<4864xf32, #tpu.memory_space<vmem>>, vector<16xf32>,
      %swap3A_1686 = vector.shape_cast %swap3A_1685 : vector<16xf32> to vector<16xf32>
      %swap3A_1687 = vector.shape_cast %get3A_1677 : vector<16xf32> to vector<16xf32>
      tpu.vector_store %arg11[%swap3A_1684], %swap3A_1687 {strides = array<i32>} : memref<4864xf32, #tpu.memory_space<vmem>>, vector<16xf32>,
      %slice3A_1688 = vector.extract_strided_slice %mul3A_1674 {offsets = [1], sizes = [1], strides = [1]} : vector<16xi32> to vector<1xi32>
      %squeeze3A_1689 = vector.extract %slice3A_1688[0] : i32 from vector<1xi32>
      %multiple_of3A_1690 = tpu.assume_multiple %squeeze3A_1689, 16 : i32
      %get3A_1691 = arith.index_cast %multiple_of3A_1690 : i32 to index
      %get3A_1692 = tpu.vector_load %arg10[%get3A_1691] {strides = array<i32>} : memref<14400xf32, #tpu.memory_space<vmem>>, vector<16xf32>,
      %get3A_1693 = vector.shape_cast %get3A_1692 : vector<16xf32> to vector<16xf32>
      %mul3A_1694 = arith.constant 16 : i32
      %mul3A_1695 = arith.muli %scan3A_1662, %mul3A_1694 : i32
      %add3A_1696 = arith.constant 1 : i32
      %add3A_1697 = arith.addi %mul3A_1695, %add3A_1696 : i32
      %mul3A_1698 = arith.constant 16 : i32
      %mul3A_1699 = arith.muli %add3A_1697, %mul3A_1698 : i32
      %swap3A_1700 = arith.index_cast %mul3A_1699 : i32 to index
      %swap3A_1701 = tpu.vector_load %arg11[%swap3A_1700] {strides = array<i32>} : memref<4864xf32, #tpu.memory_space<vmem>>, vector<16xf32>,
      %swap3A_1702 = vector.shape_cast %swap3A_1701 : vector<16xf32> to vector<16xf32>
      %swap3A_1703 = vector.shape_cast %get3A_1693 : vector<16xf32> to vector<16xf32>
      tpu.vector_store %arg11[%swap3A_1700], %swap3A_1703 {strides = array<i32>} : memref<4864xf32, #tpu.memory_space<vmem>>, vector<16xf32>,
      %slice3A_1704 = vector.extract_strided_slice %mul3A_1674 {offsets = [2], sizes = [1], strides = [1]} : vector<16xi32> to vector<1xi32>
      %squeeze3A_1705 = vector.extract %slice3A_1704[0] : i32 from vector<1xi32>
      %multiple_of3A_1706 = tpu.assume_multiple %squeeze3A_1705, 16 : i32
      %get3A_1707 = arith.index_cast %multiple_of3A_1706 : i32 to index
      %get3A_1708 = tpu.vector_load %arg10[%get3A_1707] {strides = array<i32>} : memref<14400xf32, #tpu.memory_space<vmem>>, vector<16xf32>,
      %get3A_1709 = vector.shape_cast %get3A_1708 : vector<16xf32> to vector<16xf32>
      %mul3A_1710 = arith.constant 16 : i32
      %mul3A_1711 = arith.muli %scan3A_1662, %mul3A_1710 : i32
      %add3A_1712 = arith.constant 2 : i32
      %add3A_1713 = arith.addi %mul3A_1711, %add3A_1712 : i32
      %mul3A_1714 = arith.constant 16 : i32
      %mul3A_1715 = arith.muli %add3A_1713, %mul3A_1714 : i32
      %swap3A_1716 = arith.index_cast %mul3A_1715 : i32 to index
      %swap3A_1717 = tpu.vector_load %arg11[%swap3A_1716] {strides = array<i32>} : memref<4864xf32, #tpu.memory_space<vmem>>, vector<16xf32>,
      %swap3A_1718 = vector.shape_cast %swap3A_1717 : vector<16xf32> to vector<16xf32>
      %swap3A_1719 = vector.shape_cast %get3A_1709 : vector<16xf32> to vector<16xf32>
      tpu.vector_store %arg11[%swap3A_1716], %swap3A_1719 {strides = array<i32>} : memref<4864xf32, #tpu.memory_space<vmem>>, vector<16xf32>,
      %slice3A_1720 = vector.extract_strided_slice %mul3A_1674 {offsets = [3], sizes = [1], strides = [1]} : vector<16xi32> to vector<1xi32>
      %squeeze3A_1721 = vector.extract %slice3A_1720[0] : i32 from vector<1xi32>
      %multiple_of3A_1722 = tpu.assume_multiple %squeeze3A_1721, 16 : i32
      %get3A_1723 = arith.index_cast %multiple_of3A_1722 : i32 to index
      %get3A_1724 = tpu.vector_load %arg10[%get3A_1723] {strides = array<i32>} : memref<14400xf32, #tpu.memory_space<vmem>>, vector<16xf32>,
      %get3A_1725 = vector.shape_cast %get3A_1724 : vector<16xf32> to vector<16xf32>
      %mul3A_1726 = arith.constant 16 : i32
      %mul3A_1727 = arith.muli %scan3A_1662, %mul3A_1726 : i32
      %add3A_1728 = arith.constant 3 : i32
      %add3A_1729 = arith.addi %mul3A_1727, %add3A_1728 : i32
      %mul3A_1730 = arith.constant 16 : i32
      %mul3A_1731 = arith.muli %add3A_1729, %mul3A_1730 : i32
      %swap3A_1732 = arith.index_cast %mul3A_1731 : i32 to index
      %swap3A_1733 = tpu.vector_load %arg11[%swap3A_1732] {strides = array<i32>} : memref<4864xf32, #tpu.memory_space<vmem>>, vector<16xf32>,
      %swap3A_1734 = vector.shape_cast %swap3A_1733 : vector<16xf32> to vector<16xf32>
      %swap3A_1735 = vector.shape_cast %get3A_1725 : vector<16xf32> to vector<16xf32>
      tpu.vector_store %arg11[%swap3A_1732], %swap3A_1735 {strides = array<i32>} : memref<4864xf32, #tpu.memory_space<vmem>>, vector<16xf32>,
      %slice3A_1736 = vector.extract_strided_slice %mul3A_1674 {offsets = [4], sizes = [1], strides = [1]} : vector<16xi32> to vector<1xi32>
      %squeeze3A_1737 = vector.extract %slice3A_1736[0] : i32 from vector<1xi32>
      %multiple_of3A_1738 = tpu.assume_multiple %squeeze3A_1737, 16 : i32
      %get3A_1739 = arith.index_cast %multiple_of3A_1738 : i32 to index
      %get3A_1740 = tpu.vector_load %arg10[%get3A_1739] {strides = array<i32>} : memref<14400xf32, #tpu.memory_space<vmem>>, vector<16xf32>,
      %get3A_1741 = vector.shape_cast %get3A_1740 : vector<16xf32> to vector<16xf32>
      %mul3A_1742 = arith.constant 16 : i32
      %mul3A_1743 = arith.muli %scan3A_1662, %mul3A_1742 : i32
      %add3A_1744 = arith.constant 4 : i32
      %add3A_1745 = arith.addi %mul3A_1743, %add3A_1744 : i32
      %mul3A_1746 = arith.constant 16 : i32
      %mul3A_1747 = arith.muli %add3A_1745, %mul3A_1746 : i32
      %swap3A_1748 = arith.index_cast %mul3A_1747 : i32 to index
      %swap3A_1749 = tpu.vector_load %arg11[%swap3A_1748] {strides = array<i32>} : memref<4864xf32, #tpu.memory_space<vmem>>, vector<16xf32>,
      %swap3A_1750 = vector.shape_cast %swap3A_1749 : vector<16xf32> to vector<16xf32>
      %swap3A_1751 = vector.shape_cast %get3A_1741 : vector<16xf32> to vector<16xf32>
      tpu.vector_store %arg11[%swap3A_1748], %swap3A_1751 {strides = array<i32>} : memref<4864xf32, #tpu.memory_space<vmem>>, vector<16xf32>,
      %slice3A_1752 = vector.extract_strided_slice %mul3A_1674 {offsets = [5], sizes = [1], strides = [1]} : vector<16xi32> to vector<1xi32>
      %squeeze3A_1753 = vector.extract %slice3A_1752[0] : i32 from vector<1xi32>
      %multiple_of3A_1754 = tpu.assume_multiple %squeeze3A_1753, 16 : i32
      %get3A_1755 = arith.index_cast %multiple_of3A_1754 : i32 to index
      %get3A_1756 = tpu.vector_load %arg10[%get3A_1755] {strides = array<i32>} : memref<14400xf32, #tpu.memory_space<vmem>>, vector<16xf32>,
      %get3A_1757 = vector.shape_cast %get3A_1756 : vector<16xf32> to vector<16xf32>
      %mul3A_1758 = arith.constant 16 : i32
      %mul3A_1759 = arith.muli %scan3A_1662, %mul3A_1758 : i32
      %add3A_1760 = arith.constant 5 : i32
      %add3A_1761 = arith.addi %mul3A_1759, %add3A_1760 : i32
      %mul3A_1762 = arith.constant 16 : i32
      %mul3A_1763 = arith.muli %add3A_1761, %mul3A_1762 : i32
      %swap3A_1764 = arith.index_cast %mul3A_1763 : i32 to index
      %swap3A_1765 = tpu.vector_load %arg11[%swap3A_1764] {strides = array<i32>} : memref<4864xf32, #tpu.memory_space<vmem>>, vector<16xf32>,
      %swap3A_1766 = vector.shape_cast %swap3A_1765 : vector<16xf32> to vector<16xf32>
      %swap3A_1767 = vector.shape_cast %get3A_1757 : vector<16xf32> to vector<16xf32>
      tpu.vector_store %arg11[%swap3A_1764], %swap3A_1767 {strides = array<i32>} : memref<4864xf32, #tpu.memory_space<vmem>>, vector<16xf32>,
      %slice3A_1768 = vector.extract_strided_slice %mul3A_1674 {offsets = [6], sizes = [1], strides = [1]} : vector<16xi32> to vector<1xi32>
      %squeeze3A_1769 = vector.extract %slice3A_1768[0] : i32 from vector<1xi32>
      %multiple_of3A_1770 = tpu.assume_multiple %squeeze3A_1769, 16 : i32
      %get3A_1771 = arith.index_cast %multiple_of3A_1770 : i32 to index
      %get3A_1772 = tpu.vector_load %arg10[%get3A_1771] {strides = array<i32>} : memref<14400xf32, #tpu.memory_space<vmem>>, vector<16xf32>,
      %get3A_1773 = vector.shape_cast %get3A_1772 : vector<16xf32> to vector<16xf32>
      %mul3A_1774 = arith.constant 16 : i32
      %mul3A_1775 = arith.muli %scan3A_1662, %mul3A_1774 : i32
      %add3A_1776 = arith.constant 6 : i32
      %add3A_1777 = arith.addi %mul3A_1775, %add3A_1776 : i32
      %mul3A_1778 = arith.constant 16 : i32
      %mul3A_1779 = arith.muli %add3A_1777, %mul3A_1778 : i32
      %swap3A_1780 = arith.index_cast %mul3A_1779 : i32 to index
      %swap3A_1781 = tpu.vector_load %arg11[%swap3A_1780] {strides = array<i32>} : memref<4864xf32, #tpu.memory_space<vmem>>, vector<16xf32>,
      %swap3A_1782 = vector.shape_cast %swap3A_1781 : vector<16xf32> to vector<16xf32>
      %swap3A_1783 = vector.shape_cast %get3A_1773 : vector<16xf32> to vector<16xf32>
      tpu.vector_store %arg11[%swap3A_1780], %swap3A_1783 {strides = array<i32>} : memref<4864xf32, #tpu.memory_space<vmem>>, vector<16xf32>,
      %slice3A_1784 = vector.extract_strided_slice %mul3A_1674 {offsets = [7], sizes = [1], strides = [1]} : vector<16xi32> to vector<1xi32>
      %squeeze3A_1785 = vector.extract %slice3A_1784[0] : i32 from vector<1xi32>
      %multiple_of3A_1786 = tpu.assume_multiple %squeeze3A_1785, 16 : i32
      %get3A_1787 = arith.index_cast %multiple_of3A_1786 : i32 to index
      %get3A_1788 = tpu.vector_load %arg10[%get3A_1787] {strides = array<i32>} : memref<14400xf32, #tpu.memory_space<vmem>>, vector<16xf32>,
      %get3A_1789 = vector.shape_cast %get3A_1788 : vector<16xf32> to vector<16xf32>
      %mul3A_1790 = arith.constant 16 : i32
      %mul3A_1791 = arith.muli %scan3A_1662, %mul3A_1790 : i32
      %add3A_1792 = arith.constant 7 : i32
      %add3A_1793 = arith.addi %mul3A_1791, %add3A_1792 : i32
      %mul3A_1794 = arith.constant 16 : i32
      %mul3A_1795 = arith.muli %add3A_1793, %mul3A_1794 : i32
      %swap3A_1796 = arith.index_cast %mul3A_1795 : i32 to index
      %swap3A_1797 = tpu.vector_load %arg11[%swap3A_1796] {strides = array<i32>} : memref<4864xf32, #tpu.memory_space<vmem>>, vector<16xf32>,
      %swap3A_1798 = vector.shape_cast %swap3A_1797 : vector<16xf32> to vector<16xf32>
      %swap3A_1799 = vector.shape_cast %get3A_1789 : vector<16xf32> to vector<16xf32>
      tpu.vector_store %arg11[%swap3A_1796], %swap3A_1799 {strides = array<i32>} : memref<4864xf32, #tpu.memory_space<vmem>>, vector<16xf32>,
      %slice3A_1800 = vector.extract_strided_slice %mul3A_1674 {offsets = [8], sizes = [1], strides = [1]} : vector<16xi32> to vector<1xi32>
      %squeeze3A_1801 = vector.extract %slice3A_1800[0] : i32 from vector<1xi32>
      %multiple_of3A_1802 = tpu.assume_multiple %squeeze3A_1801, 16 : i32
      %get3A_1803 = arith.index_cast %multiple_of3A_1802 : i32 to index
      %get3A_1804 = tpu.vector_load %arg10[%get3A_1803] {strides = array<i32>} : memref<14400xf32, #tpu.memory_space<vmem>>, vector<16xf32>,
      %get3A_1805 = vector.shape_cast %get3A_1804 : vector<16xf32> to vector<16xf32>
      %mul3A_1806 = arith.constant 16 : i32
      %mul3A_1807 = arith.muli %scan3A_1662, %mul3A_1806 : i32
      %add3A_1808 = arith.constant 8 : i32
      %add3A_1809 = arith.addi %mul3A_1807, %add3A_1808 : i32
      %mul3A_1810 = arith.constant 16 : i32
      %mul3A_1811 = arith.muli %add3A_1809, %mul3A_1810 : i32
      %swap3A_1812 = arith.index_cast %mul3A_1811 : i32 to index
      %swap3A_1813 = tpu.vector_load %arg11[%swap3A_1812] {strides = array<i32>} : memref<4864xf32, #tpu.memory_space<vmem>>, vector<16xf32>,
      %swap3A_1814 = vector.shape_cast %swap3A_1813 : vector<16xf32> to vector<16xf32>
      %swap3A_1815 = vector.shape_cast %get3A_1805 : vector<16xf32> to vector<16xf32>
      tpu.vector_store %arg11[%swap3A_1812], %swap3A_1815 {strides = array<i32>} : memref<4864xf32, #tpu.memory_space<vmem>>, vector<16xf32>,
      %slice3A_1816 = vector.extract_strided_slice %mul3A_1674 {offsets = [9], sizes = [1], strides = [1]} : vector<16xi32> to vector<1xi32>
      %squeeze3A_1817 = vector.extract %slice3A_1816[0] : i32 from vector<1xi32>
      %multiple_of3A_1818 = tpu.assume_multiple %squeeze3A_1817, 16 : i32
      %get3A_1819 = arith.index_cast %multiple_of3A_1818 : i32 to index
      %get3A_1820 = tpu.vector_load %arg10[%get3A_1819] {strides = array<i32>} : memref<14400xf32, #tpu.memory_space<vmem>>, vector<16xf32>,
      %get3A_1821 = vector.shape_cast %get3A_1820 : vector<16xf32> to vector<16xf32>
      %mul3A_1822 = arith.constant 16 : i32
      %mul3A_1823 = arith.muli %scan3A_1662, %mul3A_1822 : i32
      %add3A_1824 = arith.constant 9 : i32
      %add3A_1825 = arith.addi %mul3A_1823, %add3A_1824 : i32
      %mul3A_1826 = arith.constant 16 : i32
      %mul3A_1827 = arith.muli %add3A_1825, %mul3A_1826 : i32
      %swap3A_1828 = arith.index_cast %mul3A_1827 : i32 to index
      %swap3A_1829 = tpu.vector_load %arg11[%swap3A_1828] {strides = array<i32>} : memref<4864xf32, #tpu.memory_space<vmem>>, vector<16xf32>,
      %swap3A_1830 = vector.shape_cast %swap3A_1829 : vector<16xf32> to vector<16xf32>
      %swap3A_1831 = vector.shape_cast %get3A_1821 : vector<16xf32> to vector<16xf32>
      tpu.vector_store %arg11[%swap3A_1828], %swap3A_1831 {strides = array<i32>} : memref<4864xf32, #tpu.memory_space<vmem>>, vector<16xf32>,
      %slice3A_1832 = vector.extract_strided_slice %mul3A_1674 {offsets = [10], sizes = [1], strides = [1]} : vector<16xi32> to vector<1xi32>
      %squeeze3A_1833 = vector.extract %slice3A_1832[0] : i32 from vector<1xi32>
      %multiple_of3A_1834 = tpu.assume_multiple %squeeze3A_1833, 16 : i32
      %get3A_1835 = arith.index_cast %multiple_of3A_1834 : i32 to index
      %get3A_1836 = tpu.vector_load %arg10[%get3A_1835] {strides = array<i32>} : memref<14400xf32, #tpu.memory_space<vmem>>, vector<16xf32>,
      %get3A_1837 = vector.shape_cast %get3A_1836 : vector<16xf32> to vector<16xf32>
      %mul3A_1838 = arith.constant 16 : i32
      %mul3A_1839 = arith.muli %scan3A_1662, %mul3A_1838 : i32
      %add3A_1840 = arith.constant 10 : i32
      %add3A_1841 = arith.addi %mul3A_1839, %add3A_1840 : i32
      %mul3A_1842 = arith.constant 16 : i32
      %mul3A_1843 = arith.muli %add3A_1841, %mul3A_1842 : i32
      %swap3A_1844 = arith.index_cast %mul3A_1843 : i32 to index
      %swap3A_1845 = tpu.vector_load %arg11[%swap3A_1844] {strides = array<i32>} : memref<4864xf32, #tpu.memory_space<vmem>>, vector<16xf32>,
      %swap3A_1846 = vector.shape_cast %swap3A_1845 : vector<16xf32> to vector<16xf32>
      %swap3A_1847 = vector.shape_cast %get3A_1837 : vector<16xf32> to vector<16xf32>
      tpu.vector_store %arg11[%swap3A_1844], %swap3A_1847 {strides = array<i32>} : memref<4864xf32, #tpu.memory_space<vmem>>, vector<16xf32>,
      %slice3A_1848 = vector.extract_strided_slice %mul3A_1674 {offsets = [11], sizes = [1], strides = [1]} : vector<16xi32> to vector<1xi32>
      %squeeze3A_1849 = vector.extract %slice3A_1848[0] : i32 from vector<1xi32>
      %multiple_of3A_1850 = tpu.assume_multiple %squeeze3A_1849, 16 : i32
      %get3A_1851 = arith.index_cast %multiple_of3A_1850 : i32 to index
      %get3A_1852 = tpu.vector_load %arg10[%get3A_1851] {strides = array<i32>} : memref<14400xf32, #tpu.memory_space<vmem>>, vector<16xf32>,
      %get3A_1853 = vector.shape_cast %get3A_1852 : vector<16xf32> to vector<16xf32>
      %mul3A_1854 = arith.constant 16 : i32
      %mul3A_1855 = arith.muli %scan3A_1662, %mul3A_1854 : i32
      %add3A_1856 = arith.constant 11 : i32
      %add3A_1857 = arith.addi %mul3A_1855, %add3A_1856 : i32
      %mul3A_1858 = arith.constant 16 : i32
      %mul3A_1859 = arith.muli %add3A_1857, %mul3A_1858 : i32
      %swap3A_1860 = arith.index_cast %mul3A_1859 : i32 to index
      %swap3A_1861 = tpu.vector_load %arg11[%swap3A_1860] {strides = array<i32>} : memref<4864xf32, #tpu.memory_space<vmem>>, vector<16xf32>,
      %swap3A_1862 = vector.shape_cast %swap3A_1861 : vector<16xf32> to vector<16xf32>
      %swap3A_1863 = vector.shape_cast %get3A_1853 : vector<16xf32> to vector<16xf32>
      tpu.vector_store %arg11[%swap3A_1860], %swap3A_1863 {strides = array<i32>} : memref<4864xf32, #tpu.memory_space<vmem>>, vector<16xf32>,
      %slice3A_1864 = vector.extract_strided_slice %mul3A_1674 {offsets = [12], sizes = [1], strides = [1]} : vector<16xi32> to vector<1xi32>
      %squeeze3A_1865 = vector.extract %slice3A_1864[0] : i32 from vector<1xi32>
      %multiple_of3A_1866 = tpu.assume_multiple %squeeze3A_1865, 16 : i32
      %get3A_1867 = arith.index_cast %multiple_of3A_1866 : i32 to index
      %get3A_1868 = tpu.vector_load %arg10[%get3A_1867] {strides = array<i32>} : memref<14400xf32, #tpu.memory_space<vmem>>, vector<16xf32>,
      %get3A_1869 = vector.shape_cast %get3A_1868 : vector<16xf32> to vector<16xf32>
      %mul3A_1870 = arith.constant 16 : i32
      %mul3A_1871 = arith.muli %scan3A_1662, %mul3A_1870 : i32
      %add3A_1872 = arith.constant 12 : i32
      %add3A_1873 = arith.addi %mul3A_1871, %add3A_1872 : i32
      %mul3A_1874 = arith.constant 16 : i32
      %mul3A_1875 = arith.muli %add3A_1873, %mul3A_1874 : i32
      %swap3A_1876 = arith.index_cast %mul3A_1875 : i32 to index
      %swap3A_1877 = tpu.vector_load %arg11[%swap3A_1876] {strides = array<i32>} : memref<4864xf32, #tpu.memory_space<vmem>>, vector<16xf32>,
      %swap3A_1878 = vector.shape_cast %swap3A_1877 : vector<16xf32> to vector<16xf32>
      %swap3A_1879 = vector.shape_cast %get3A_1869 : vector<16xf32> to vector<16xf32>
      tpu.vector_store %arg11[%swap3A_1876], %swap3A_1879 {strides = array<i32>} : memref<4864xf32, #tpu.memory_space<vmem>>, vector<16xf32>,
      %slice3A_1880 = vector.extract_strided_slice %mul3A_1674 {offsets = [13], sizes = [1], strides = [1]} : vector<16xi32> to vector<1xi32>
      %squeeze3A_1881 = vector.extract %slice3A_1880[0] : i32 from vector<1xi32>
      %multiple_of3A_1882 = tpu.assume_multiple %squeeze3A_1881, 16 : i32
      %get3A_1883 = arith.index_cast %multiple_of3A_1882 : i32 to index
      %get3A_1884 = tpu.vector_load %arg10[%get3A_1883] {strides = array<i32>} : memref<14400xf32, #tpu.memory_space<vmem>>, vector<16xf32>,
      %get3A_1885 = vector.shape_cast %get3A_1884 : vector<16xf32> to vector<16xf32>
      %mul3A_1886 = arith.constant 16 : i32
      %mul3A_1887 = arith.muli %scan3A_1662, %mul3A_1886 : i32
      %add3A_1888 = arith.constant 13 : i32
      %add3A_1889 = arith.addi %mul3A_1887, %add3A_1888 : i32
      %mul3A_1890 = arith.constant 16 : i32
      %mul3A_1891 = arith.muli %add3A_1889, %mul3A_1890 : i32
      %swap3A_1892 = arith.index_cast %mul3A_1891 : i32 to index
      %swap3A_1893 = tpu.vector_load %arg11[%swap3A_1892] {strides = array<i32>} : memref<4864xf32, #tpu.memory_space<vmem>>, vector<16xf32>,
      %swap3A_1894 = vector.shape_cast %swap3A_1893 : vector<16xf32> to vector<16xf32>
      %swap3A_1895 = vector.shape_cast %get3A_1885 : vector<16xf32> to vector<16xf32>
      tpu.vector_store %arg11[%swap3A_1892], %swap3A_1895 {strides = array<i32>} : memref<4864xf32, #tpu.memory_space<vmem>>, vector<16xf32>,
      %slice3A_1896 = vector.extract_strided_slice %mul3A_1674 {offsets = [14], sizes = [1], strides = [1]} : vector<16xi32> to vector<1xi32>
      %squeeze3A_1897 = vector.extract %slice3A_1896[0] : i32 from vector<1xi32>
      %multiple_of3A_1898 = tpu.assume_multiple %squeeze3A_1897, 16 : i32
      %get3A_1899 = arith.index_cast %multiple_of3A_1898 : i32 to index
      %get3A_1900 = tpu.vector_load %arg10[%get3A_1899] {strides = array<i32>} : memref<14400xf32, #tpu.memory_space<vmem>>, vector<16xf32>,
      %get3A_1901 = vector.shape_cast %get3A_1900 : vector<16xf32> to vector<16xf32>
      %mul3A_1902 = arith.constant 16 : i32
      %mul3A_1903 = arith.muli %scan3A_1662, %mul3A_1902 : i32
      %add3A_1904 = arith.constant 14 : i32
      %add3A_1905 = arith.addi %mul3A_1903, %add3A_1904 : i32
      %mul3A_1906 = arith.constant 16 : i32
      %mul3A_1907 = arith.muli %add3A_1905, %mul3A_1906 : i32
      %swap3A_1908 = arith.index_cast %mul3A_1907 : i32 to index
      %swap3A_1909 = tpu.vector_load %arg11[%swap3A_1908] {strides = array<i32>} : memref<4864xf32, #tpu.memory_space<vmem>>, vector<16xf32>,
      %swap3A_1910 = vector.shape_cast %swap3A_1909 : vector<16xf32> to vector<16xf32>
      %swap3A_1911 = vector.shape_cast %get3A_1901 : vector<16xf32> to vector<16xf32>
      tpu.vector_store %arg11[%swap3A_1908], %swap3A_1911 {strides = array<i32>} : memref<4864xf32, #tpu.memory_space<vmem>>, vector<16xf32>,
      %slice3A_1912 = vector.extract_strided_slice %mul3A_1674 {offsets = [15], sizes = [1], strides = [1]} : vector<16xi32> to vector<1xi32>
      %squeeze3A_1913 = vector.extract %slice3A_1912[0] : i32 from vector<1xi32>
      %multiple_of3A_1914 = tpu.assume_multiple %squeeze3A_1913, 16 : i32
      %get3A_1915 = arith.index_cast %multiple_of3A_1914 : i32 to index
      %get3A_1916 = tpu.vector_load %arg10[%get3A_1915] {strides = array<i32>} : memref<14400xf32, #tpu.memory_space<vmem>>, vector<16xf32>,
      %get3A_1917 = vector.shape_cast %get3A_1916 : vector<16xf32> to vector<16xf32>
      %mul3A_1918 = arith.constant 16 : i32
      %mul3A_1919 = arith.muli %scan3A_1662, %mul3A_1918 : i32
      %add3A_1920 = arith.constant 15 : i32
      %add3A_1921 = arith.addi %mul3A_1919, %add3A_1920 : i32
      %mul3A_1922 = arith.constant 16 : i32
      %mul3A_1923 = arith.muli %add3A_1921, %mul3A_1922 : i32
      %swap3A_1924 = arith.index_cast %mul3A_1923 : i32 to index
      %swap3A_1925 = tpu.vector_load %arg11[%swap3A_1924] {strides = array<i32>} : memref<4864xf32, #tpu.memory_space<vmem>>, vector<16xf32>,
      %swap3A_1926 = vector.shape_cast %swap3A_1925 : vector<16xf32> to vector<16xf32>
      %swap3A_1927 = vector.shape_cast %get3A_1917 : vector<16xf32> to vector<16xf32>
      tpu.vector_store %arg11[%swap3A_1924], %swap3A_1927 {strides = array<i32>} : memref<4864xf32, #tpu.memory_space<vmem>>, vector<16xf32>,
      %scan3A_1928 = arith.constant 0 : i32
      scf.yield %scan3A_1928 : i32
    }
    %scan3A_44 = arith.constant 19 : i32
    %mul3A_45 = arith.constant 16 : i32
    %mul3A_46 = arith.muli %mul3A_8, %mul3A_45 : i32
    %add3A_47 = arith.constant 9600 : i32
    %add3A_48 = arith.addi %mul3A_46, %add3A_47 : i32
    %dma_start3A_49 = arith.constant 0 : i32
    %dma_start3A_50 = tpu.memref_slice %arg11[%dma_start3A_49] : memref<4864xf32, #tpu.memory_space<vmem>> -> memref<4800xf32, #tpu.memory_space<vmem>>
    %dma_start3A_51 = tpu.memref_slice %arg6[%add3A_48] : memref<921600xf32, #tpu.memory_space<hbm>> -> memref<4800xf32, #tpu.memory_space<hbm>>
    %dma_start3A_52 = tpu.memref_slice %arg6[%add3A_48] : memref<921600xf32, #tpu.memory_space<hbm>> -> memref<4800xf32, #tpu.memory_space<hbm>>
    %dma_start3A_53 = arith.constant 0 : i32
    %dma_start3A_54 = tpu.memref_slice %arg11[%dma_start3A_53] : memref<4864xf32, #tpu.memory_space<vmem>> -> memref<4800xf32, #tpu.memory_space<vmem>>
    tpu.enqueue_dma source(%dma_start3A_54 : memref<4800xf32, #tpu.memory_space<vmem>>) target(%dma_start3A_52 : memref<4800xf32, #tpu.memory_space<hbm>>) target_semaphore(%arg13 : memref<!tpu.dma_semaphore, #tpu.memory_space<semaphore_mem>>)
    %dma_wait3A_55 = arith.constant 0 : i32
    %dma_wait3A_56 = arith.constant 0 : i32
    %dma_wait3A_57 = tpu.memref_slice %arg8[%dma_wait3A_55, %dma_wait3A_56] : memref<304x256xf32, #tpu.memory_space<vmem>> -> memref<128x256xf32, #tpu.memory_space<vmem>>
    %dma_wait3A_58 = arith.constant 0 : i32
    %dma_wait3A_59 = tpu.memref_slice %arg7[%dma_wait3A_58] : memref<608xi32, #tpu.memory_space<vmem>> -> memref<128xi32, #tpu.memory_space<vmem>>
    %dma_wait3A_60 = arith.constant 0 : i32
    %dma_wait3A_61 = arith.constant 0 : i32
    %dma_wait3A_62 = tpu.memref_slice %arg2[%dma_wait3A_60, %dma_wait3A_61] : memref<57600x256xf32, #tpu.memory_space<hbm>> -> memref<57600x256xf32, #tpu.memory_space<hbm>>
    tpu.wait_indirect_dma semaphore(%arg12 : memref<!tpu.dma_semaphore, #tpu.memory_space<semaphore_mem>>) src(%dma_wait3A_62 : memref<57600x256xf32, #tpu.memory_space<hbm>>) dst(%dma_wait3A_57 : memref<128x256xf32, #tpu.memory_space<vmem>>)
    %dma_wait3A_63 = arith.constant 128 : i32
    %dma_wait3A_64 = arith.constant 0 : i32
    %dma_wait3A_65 = tpu.memref_slice %arg8[%dma_wait3A_63, %dma_wait3A_64] : memref<304x256xf32, #tpu.memory_space<vmem>> -> memref<128x256xf32, #tpu.memory_space<vmem>>
    %dma_wait3A_66 = arith.constant 128 : i32
    %dma_wait3A_67 = tpu.memref_slice %arg7[%dma_wait3A_66] : memref<608xi32, #tpu.memory_space<vmem>> -> memref<128xi32, #tpu.memory_space<vmem>>
    %dma_wait3A_68 = arith.constant 0 : i32
    %dma_wait3A_69 = arith.constant 0 : i32
    %dma_wait3A_70 = tpu.memref_slice %arg2[%dma_wait3A_68, %dma_wait3A_69] : memref<57600x256xf32, #tpu.memory_space<hbm>> -> memref<57600x256xf32, #tpu.memory_space<hbm>>
    tpu.wait_indirect_dma semaphore(%arg12 : memref<!tpu.dma_semaphore, #tpu.memory_space<semaphore_mem>>) src(%dma_wait3A_70 : memref<57600x256xf32, #tpu.memory_space<hbm>>) dst(%dma_wait3A_65 : memref<128x256xf32, #tpu.memory_space<vmem>>)
    %dma_wait3A_71 = arith.constant 256 : i32
    %dma_wait3A_72 = arith.constant 0 : i32
    %dma_wait3A_73 = tpu.memref_slice %arg8[%dma_wait3A_71, %dma_wait3A_72] : memref<304x256xf32, #tpu.memory_space<vmem>> -> memref<48x256xf32, #tpu.memory_space<vmem>>
    %dma_wait3A_74 = arith.constant 256 : i32
    %dma_wait3A_75 = tpu.memref_slice %arg7[%dma_wait3A_74] : memref<608xi32, #tpu.memory_space<vmem>> -> memref<48xi32, #tpu.memory_space<vmem>>
    %dma_wait3A_76 = arith.constant 0 : i32
    %dma_wait3A_77 = arith.constant 0 : i32
    %dma_wait3A_78 = tpu.memref_slice %arg2[%dma_wait3A_76, %dma_wait3A_77] : memref<57600x256xf32, #tpu.memory_space<hbm>> -> memref<57600x256xf32, #tpu.memory_space<hbm>>
    tpu.wait_indirect_dma semaphore(%arg12 : memref<!tpu.dma_semaphore, #tpu.memory_space<semaphore_mem>>) src(%dma_wait3A_78 : memref<57600x256xf32, #tpu.memory_space<hbm>>) dst(%dma_wait3A_73 : memref<48x256xf32, #tpu.memory_space<vmem>>)
    %dma_start3A_79 = arith.constant 0 : i32
    %dma_start3A_80 = arith.constant 0 : i32
    %dma_start3A_81 = tpu.memref_slice %arg8[%dma_start3A_79, %dma_start3A_80] : memref<304x256xf32, #tpu.memory_space<vmem>> -> memref<296x256xf32, #tpu.memory_space<vmem>>
    %dma_start3A_82 = arith.constant 600 : i32
    %dma_start3A_83 = arith.constant 0 : i32
    %dma_start3A_84 = tpu.memref_slice %arg5[%add3A_6, %dma_start3A_82, %dma_start3A_83] : memref<64x900x256xf32, #tpu.memory_space<hbm>> -> memref<1x296x256xf32, #tpu.memory_space<hbm>>
    %dma_start3A_85 = tpu.memref_squeeze %dma_start3A_84 : memref<1x296x256xf32, #tpu.memory_space<hbm>> -> memref<296x256xf32, #tpu.memory_space<hbm>>
    %dma_start3A_86 = arith.constant 600 : i32
    %dma_start3A_87 = arith.constant 0 : i32
    %dma_start3A_88 = tpu.memref_slice %arg5[%add3A_6, %dma_start3A_86, %dma_start3A_87] : memref<64x900x256xf32, #tpu.memory_space<hbm>> -> memref<1x296x256xf32, #tpu.memory_space<hbm>>
    %dma_start3A_89 = tpu.memref_squeeze %dma_start3A_88 : memref<1x296x256xf32, #tpu.memory_space<hbm>> -> memref<296x256xf32, #tpu.memory_space<hbm>>
    %dma_start3A_90 = arith.constant 0 : i32
    %dma_start3A_91 = arith.constant 0 : i32
    %dma_start3A_92 = tpu.memref_slice %arg8[%dma_start3A_90, %dma_start3A_91] : memref<304x256xf32, #tpu.memory_space<vmem>> -> memref<296x256xf32, #tpu.memory_space<vmem>>
    tpu.enqueue_dma source(%dma_start3A_92 : memref<296x256xf32, #tpu.memory_space<vmem>>) target(%dma_start3A_89 : memref<296x256xf32, #tpu.memory_space<hbm>>) target_semaphore(%arg12 : memref<!tpu.dma_semaphore, #tpu.memory_space<semaphore_mem>>)
    %get3A = arith.constant 296 : i32
    %get3A_93 = arith.index_cast %get3A : i32 to index
    %get3A_94 = arith.constant 0 : index
    %get3A_95 = tpu.vector_load %arg8[%get3A_93, %get3A_94] {strides = array<i32>} : memref<304x256xf32, #tpu.memory_space<vmem>>, vector<1x16xf32>,
    %get3A_96 = vector.shape_cast %get3A_95 : vector<1x16xf32> to vector<16xf32>
    %swap3A = arith.constant 0 : i32
    %swap3A_97 = arith.index_cast %swap3A : i32 to index
    %swap3A_98 = arith.constant 0 : index
    %swap3A_99 = tpu.vector_load %arg9[%swap3A_97, %swap3A_98] {strides = array<i32>} : memref<4x256xf32, #tpu.memory_space<vmem>>, vector<1x16xf32>,
    %swap3A_100 = vector.shape_cast %swap3A_99 : vector<1x16xf32> to vector<16xf32>
    %swap3A_101 = vector.shape_cast %get3A_96 : vector<16xf32> to vector<1x16xf32>
    tpu.vector_store %arg9[%swap3A_97, %swap3A_98], %swap3A_101 {strides = array<i32>} : memref<4x256xf32, #tpu.memory_space<vmem>>, vector<1x16xf32>,
    %get3A_102 = arith.constant 296 : i32
    %get3A_103 = arith.index_cast %get3A_102 : i32 to index
    %get3A_104 = arith.constant 16 : index
    %get3A_105 = tpu.vector_load %arg8[%get3A_103, %get3A_104] {strides = array<i32>} : memref<304x256xf32, #tpu.memory_space<vmem>>, vector<1x16xf32>,
    %get3A_106 = vector.shape_cast %get3A_105 : vector<1x16xf32> to vector<16xf32>
    %swap3A_107 = arith.constant 0 : i32
    %swap3A_108 = arith.index_cast %swap3A_107 : i32 to index
    %swap3A_109 = arith.constant 16 : index
    %swap3A_110 = tpu.vector_load %arg9[%swap3A_108, %swap3A_109] {strides = array<i32>} : memref<4x256xf32, #tpu.memory_space<vmem>>, vector<1x16xf32>,
    %swap3A_111 = vector.shape_cast %swap3A_110 : vector<1x16xf32> to vector<16xf32>
    %swap3A_112 = vector.shape_cast %get3A_106 : vector<16xf32> to vector<1x16xf32>
    tpu.vector_store %arg9[%swap3A_108, %swap3A_109], %swap3A_112 {strides = array<i32>} : memref<4x256xf32, #tpu.memory_space<vmem>>, vector<1x16xf32>,
    %get3A_113 = arith.constant 296 : i32
    %get3A_114 = arith.index_cast %get3A_113 : i32 to index
    %get3A_115 = arith.constant 32 : index
    %get3A_116 = tpu.vector_load %arg8[%get3A_114, %get3A_115] {strides = array<i32>} : memref<304x256xf32, #tpu.memory_space<vmem>>, vector<1x16xf32>,
    %get3A_117 = vector.shape_cast %get3A_116 : vector<1x16xf32> to vector<16xf32>
    %swap3A_118 = arith.constant 0 : i32
    %swap3A_119 = arith.index_cast %swap3A_118 : i32 to index
    %swap3A_120 = arith.constant 32 : index
    %swap3A_121 = tpu.vector_load %arg9[%swap3A_119, %swap3A_120] {strides = array<i32>} : memref<4x256xf32, #tpu.memory_space<vmem>>, vector<1x16xf32>,
    %swap3A_122 = vector.shape_cast %swap3A_121 : vector<1x16xf32> to vector<16xf32>
    %swap3A_123 = vector.shape_cast %get3A_117 : vector<16xf32> to vector<1x16xf32>
    tpu.vector_store %arg9[%swap3A_119, %swap3A_120], %swap3A_123 {strides = array<i32>} : memref<4x256xf32, #tpu.memory_space<vmem>>, vector<1x16xf32>,
    %get3A_124 = arith.constant 296 : i32
    %get3A_125 = arith.index_cast %get3A_124 : i32 to index
    %get3A_126 = arith.constant 48 : index
    %get3A_127 = tpu.vector_load %arg8[%get3A_125, %get3A_126] {strides = array<i32>} : memref<304x256xf32, #tpu.memory_space<vmem>>, vector<1x16xf32>,
    %get3A_128 = vector.shape_cast %get3A_127 : vector<1x16xf32> to vector<16xf32>
    %swap3A_129 = arith.constant 0 : i32
    %swap3A_130 = arith.index_cast %swap3A_129 : i32 to index
    %swap3A_131 = arith.constant 48 : index
    %swap3A_132 = tpu.vector_load %arg9[%swap3A_130, %swap3A_131] {strides = array<i32>} : memref<4x256xf32, #tpu.memory_space<vmem>>, vector<1x16xf32>,
    %swap3A_133 = vector.shape_cast %swap3A_132 : vector<1x16xf32> to vector<16xf32>
    %swap3A_134 = vector.shape_cast %get3A_128 : vector<16xf32> to vector<1x16xf32>
    tpu.vector_store %arg9[%swap3A_130, %swap3A_131], %swap3A_134 {strides = array<i32>} : memref<4x256xf32, #tpu.memory_space<vmem>>, vector<1x16xf32>,
    %get3A_135 = arith.constant 296 : i32
    %get3A_136 = arith.index_cast %get3A_135 : i32 to index
    %get3A_137 = arith.constant 64 : index
    %get3A_138 = tpu.vector_load %arg8[%get3A_136, %get3A_137] {strides = array<i32>} : memref<304x256xf32, #tpu.memory_space<vmem>>, vector<1x16xf32>,
    %get3A_139 = vector.shape_cast %get3A_138 : vector<1x16xf32> to vector<16xf32>
    %swap3A_140 = arith.constant 0 : i32
    %swap3A_141 = arith.index_cast %swap3A_140 : i32 to index
    %swap3A_142 = arith.constant 64 : index
    %swap3A_143 = tpu.vector_load %arg9[%swap3A_141, %swap3A_142] {strides = array<i32>} : memref<4x256xf32, #tpu.memory_space<vmem>>, vector<1x16xf32>,
    %swap3A_144 = vector.shape_cast %swap3A_143 : vector<1x16xf32> to vector<16xf32>
    %swap3A_145 = vector.shape_cast %get3A_139 : vector<16xf32> to vector<1x16xf32>
    tpu.vector_store %arg9[%swap3A_141, %swap3A_142], %swap3A_145 {strides = array<i32>} : memref<4x256xf32, #tpu.memory_space<vmem>>, vector<1x16xf32>,
    %get3A_146 = arith.constant 296 : i32
    %get3A_147 = arith.index_cast %get3A_146 : i32 to index
    %get3A_148 = arith.constant 80 : index
    %get3A_149 = tpu.vector_load %arg8[%get3A_147, %get3A_148] {strides = array<i32>} : memref<304x256xf32, #tpu.memory_space<vmem>>, vector<1x16xf32>,
    %get3A_150 = vector.shape_cast %get3A_149 : vector<1x16xf32> to vector<16xf32>
    %swap3A_151 = arith.constant 0 : i32
    %swap3A_152 = arith.index_cast %swap3A_151 : i32 to index
    %swap3A_153 = arith.constant 80 : index
    %swap3A_154 = tpu.vector_load %arg9[%swap3A_152, %swap3A_153] {strides = array<i32>} : memref<4x256xf32, #tpu.memory_space<vmem>>, vector<1x16xf32>,
    %swap3A_155 = vector.shape_cast %swap3A_154 : vector<1x16xf32> to vector<16xf32>
    %swap3A_156 = vector.shape_cast %get3A_150 : vector<16xf32> to vector<1x16xf32>
    tpu.vector_store %arg9[%swap3A_152, %swap3A_153], %swap3A_156 {strides = array<i32>} : memref<4x256xf32, #tpu.memory_space<vmem>>, vector<1x16xf32>,
    %get3A_157 = arith.constant 296 : i32
    %get3A_158 = arith.index_cast %get3A_157 : i32 to index
    %get3A_159 = arith.constant 96 : index
    %get3A_160 = tpu.vector_load %arg8[%get3A_158, %get3A_159] {strides = array<i32>} : memref<304x256xf32, #tpu.memory_space<vmem>>, vector<1x16xf32>,
    %get3A_161 = vector.shape_cast %get3A_160 : vector<1x16xf32> to vector<16xf32>
    %swap3A_162 = arith.constant 0 : i32
    %swap3A_163 = arith.index_cast %swap3A_162 : i32 to index
    %swap3A_164 = arith.constant 96 : index
    %swap3A_165 = tpu.vector_load %arg9[%swap3A_163, %swap3A_164] {strides = array<i32>} : memref<4x256xf32, #tpu.memory_space<vmem>>, vector<1x16xf32>,
    %swap3A_166 = vector.shape_cast %swap3A_165 : vector<1x16xf32> to vector<16xf32>
    %swap3A_167 = vector.shape_cast %get3A_161 : vector<16xf32> to vector<1x16xf32>
    tpu.vector_store %arg9[%swap3A_163, %swap3A_164], %swap3A_167 {strides = array<i32>} : memref<4x256xf32, #tpu.memory_space<vmem>>, vector<1x16xf32>,
    %get3A_168 = arith.constant 296 : i32
    %get3A_169 = arith.index_cast %get3A_168 : i32 to index
    %get3A_170 = arith.constant 112 : index
    %get3A_171 = tpu.vector_load %arg8[%get3A_169, %get3A_170] {strides = array<i32>} : memref<304x256xf32, #tpu.memory_space<vmem>>, vector<1x16xf32>,
    %get3A_172 = vector.shape_cast %get3A_171 : vector<1x16xf32> to vector<16xf32>
    %swap3A_173 = arith.constant 0 : i32
    %swap3A_174 = arith.index_cast %swap3A_173 : i32 to index
    %swap3A_175 = arith.constant 112 : index
    %swap3A_176 = tpu.vector_load %arg9[%swap3A_174, %swap3A_175] {strides = array<i32>} : memref<4x256xf32, #tpu.memory_space<vmem>>, vector<1x16xf32>,
    %swap3A_177 = vector.shape_cast %swap3A_176 : vector<1x16xf32> to vector<16xf32>
    %swap3A_178 = vector.shape_cast %get3A_172 : vector<16xf32> to vector<1x16xf32>
    tpu.vector_store %arg9[%swap3A_174, %swap3A_175], %swap3A_178 {strides = array<i32>} : memref<4x256xf32, #tpu.memory_space<vmem>>, vector<1x16xf32>,
    %get3A_179 = arith.constant 296 : i32
    %get3A_180 = arith.index_cast %get3A_179 : i32 to index
    %get3A_181 = arith.constant 128 : index
    %get3A_182 = tpu.vector_load %arg8[%get3A_180, %get3A_181] {strides = array<i32>} : memref<304x256xf32, #tpu.memory_space<vmem>>, vector<1x16xf32>,
    %get3A_183 = vector.shape_cast %get3A_182 : vector<1x16xf32> to vector<16xf32>
    %swap3A_184 = arith.constant 0 : i32
    %swap3A_185 = arith.index_cast %swap3A_184 : i32 to index
    %swap3A_186 = arith.constant 128 : index
    %swap3A_187 = tpu.vector_load %arg9[%swap3A_185, %swap3A_186] {strides = array<i32>} : memref<4x256xf32, #tpu.memory_space<vmem>>, vector<1x16xf32>,
    %swap3A_188 = vector.shape_cast %swap3A_187 : vector<1x16xf32> to vector<16xf32>
    %swap3A_189 = vector.shape_cast %get3A_183 : vector<16xf32> to vector<1x16xf32>
    tpu.vector_store %arg9[%swap3A_185, %swap3A_186], %swap3A_189 {strides = array<i32>} : memref<4x256xf32, #tpu.memory_space<vmem>>, vector<1x16xf32>,
    %get3A_190 = arith.constant 296 : i32
    %get3A_191 = arith.index_cast %get3A_190 : i32 to index
    %get3A_192 = arith.constant 144 : index
    %get3A_193 = tpu.vector_load %arg8[%get3A_191, %get3A_192] {strides = array<i32>} : memref<304x256xf32, #tpu.memory_space<vmem>>, vector<1x16xf32>,
    %get3A_194 = vector.shape_cast %get3A_193 : vector<1x16xf32> to vector<16xf32>
    %swap3A_195 = arith.constant 0 : i32
    %swap3A_196 = arith.index_cast %swap3A_195 : i32 to index
    %swap3A_197 = arith.constant 144 : index
    %swap3A_198 = tpu.vector_load %arg9[%swap3A_196, %swap3A_197] {strides = array<i32>} : memref<4x256xf32, #tpu.memory_space<vmem>>, vector<1x16xf32>,
    %swap3A_199 = vector.shape_cast %swap3A_198 : vector<1x16xf32> to vector<16xf32>
    %swap3A_200 = vector.shape_cast %get3A_194 : vector<16xf32> to vector<1x16xf32>
    tpu.vector_store %arg9[%swap3A_196, %swap3A_197], %swap3A_200 {strides = array<i32>} : memref<4x256xf32, #tpu.memory_space<vmem>>, vector<1x16xf32>,
    %get3A_201 = arith.constant 296 : i32
    %get3A_202 = arith.index_cast %get3A_201 : i32 to index
    %get3A_203 = arith.constant 160 : index
    %get3A_204 = tpu.vector_load %arg8[%get3A_202, %get3A_203] {strides = array<i32>} : memref<304x256xf32, #tpu.memory_space<vmem>>, vector<1x16xf32>,
    %get3A_205 = vector.shape_cast %get3A_204 : vector<1x16xf32> to vector<16xf32>
    %swap3A_206 = arith.constant 0 : i32
    %swap3A_207 = arith.index_cast %swap3A_206 : i32 to index
    %swap3A_208 = arith.constant 160 : index
    %swap3A_209 = tpu.vector_load %arg9[%swap3A_207, %swap3A_208] {strides = array<i32>} : memref<4x256xf32, #tpu.memory_space<vmem>>, vector<1x16xf32>,
    %swap3A_210 = vector.shape_cast %swap3A_209 : vector<1x16xf32> to vector<16xf32>
    %swap3A_211 = vector.shape_cast %get3A_205 : vector<16xf32> to vector<1x16xf32>
    tpu.vector_store %arg9[%swap3A_207, %swap3A_208], %swap3A_211 {strides = array<i32>} : memref<4x256xf32, #tpu.memory_space<vmem>>, vector<1x16xf32>,
    %get3A_212 = arith.constant 296 : i32
    %get3A_213 = arith.index_cast %get3A_212 : i32 to index
    %get3A_214 = arith.constant 176 : index
    %get3A_215 = tpu.vector_load %arg8[%get3A_213, %get3A_214] {strides = array<i32>} : memref<304x256xf32, #tpu.memory_space<vmem>>, vector<1x16xf32>,
    %get3A_216 = vector.shape_cast %get3A_215 : vector<1x16xf32> to vector<16xf32>
    %swap3A_217 = arith.constant 0 : i32
    %swap3A_218 = arith.index_cast %swap3A_217 : i32 to index
    %swap3A_219 = arith.constant 176 : index
    %swap3A_220 = tpu.vector_load %arg9[%swap3A_218, %swap3A_219] {strides = array<i32>} : memref<4x256xf32, #tpu.memory_space<vmem>>, vector<1x16xf32>,
    %swap3A_221 = vector.shape_cast %swap3A_220 : vector<1x16xf32> to vector<16xf32>
    %swap3A_222 = vector.shape_cast %get3A_216 : vector<16xf32> to vector<1x16xf32>
    tpu.vector_store %arg9[%swap3A_218, %swap3A_219], %swap3A_222 {strides = array<i32>} : memref<4x256xf32, #tpu.memory_space<vmem>>, vector<1x16xf32>,
    %get3A_223 = arith.constant 296 : i32
    %get3A_224 = arith.index_cast %get3A_223 : i32 to index
    %get3A_225 = arith.constant 192 : index
    %get3A_226 = tpu.vector_load %arg8[%get3A_224, %get3A_225] {strides = array<i32>} : memref<304x256xf32, #tpu.memory_space<vmem>>, vector<1x16xf32>,
    %get3A_227 = vector.shape_cast %get3A_226 : vector<1x16xf32> to vector<16xf32>
    %swap3A_228 = arith.constant 0 : i32
    %swap3A_229 = arith.index_cast %swap3A_228 : i32 to index
    %swap3A_230 = arith.constant 192 : index
    %swap3A_231 = tpu.vector_load %arg9[%swap3A_229, %swap3A_230] {strides = array<i32>} : memref<4x256xf32, #tpu.memory_space<vmem>>, vector<1x16xf32>,
    %swap3A_232 = vector.shape_cast %swap3A_231 : vector<1x16xf32> to vector<16xf32>
    %swap3A_233 = vector.shape_cast %get3A_227 : vector<16xf32> to vector<1x16xf32>
    tpu.vector_store %arg9[%swap3A_229, %swap3A_230], %swap3A_233 {strides = array<i32>} : memref<4x256xf32, #tpu.memory_space<vmem>>, vector<1x16xf32>,
    %get3A_234 = arith.constant 296 : i32
    %get3A_235 = arith.index_cast %get3A_234 : i32 to index
    %get3A_236 = arith.constant 208 : index
    %get3A_237 = tpu.vector_load %arg8[%get3A_235, %get3A_236] {strides = array<i32>} : memref<304x256xf32, #tpu.memory_space<vmem>>, vector<1x16xf32>,
    %get3A_238 = vector.shape_cast %get3A_237 : vector<1x16xf32> to vector<16xf32>
    %swap3A_239 = arith.constant 0 : i32
    %swap3A_240 = arith.index_cast %swap3A_239 : i32 to index
    %swap3A_241 = arith.constant 208 : index
    %swap3A_242 = tpu.vector_load %arg9[%swap3A_240, %swap3A_241] {strides = array<i32>} : memref<4x256xf32, #tpu.memory_space<vmem>>, vector<1x16xf32>,
    %swap3A_243 = vector.shape_cast %swap3A_242 : vector<1x16xf32> to vector<16xf32>
    %swap3A_244 = vector.shape_cast %get3A_238 : vector<16xf32> to vector<1x16xf32>
    tpu.vector_store %arg9[%swap3A_240, %swap3A_241], %swap3A_244 {strides = array<i32>} : memref<4x256xf32, #tpu.memory_space<vmem>>, vector<1x16xf32>,
    %get3A_245 = arith.constant 296 : i32
    %get3A_246 = arith.index_cast %get3A_245 : i32 to index
    %get3A_247 = arith.constant 224 : index
    %get3A_248 = tpu.vector_load %arg8[%get3A_246, %get3A_247] {strides = array<i32>} : memref<304x256xf32, #tpu.memory_space<vmem>>, vector<1x16xf32>,
    %get3A_249 = vector.shape_cast %get3A_248 : vector<1x16xf32> to vector<16xf32>
    %swap3A_250 = arith.constant 0 : i32
    %swap3A_251 = arith.index_cast %swap3A_250 : i32 to index
    %swap3A_252 = arith.constant 224 : index
    %swap3A_253 = tpu.vector_load %arg9[%swap3A_251, %swap3A_252] {strides = array<i32>} : memref<4x256xf32, #tpu.memory_space<vmem>>, vector<1x16xf32>,
    %swap3A_254 = vector.shape_cast %swap3A_253 : vector<1x16xf32> to vector<16xf32>
    %swap3A_255 = vector.shape_cast %get3A_249 : vector<16xf32> to vector<1x16xf32>
    tpu.vector_store %arg9[%swap3A_251, %swap3A_252], %swap3A_255 {strides = array<i32>} : memref<4x256xf32, #tpu.memory_space<vmem>>, vector<1x16xf32>,
    %get3A_256 = arith.constant 296 : i32
    %get3A_257 = arith.index_cast %get3A_256 : i32 to index
    %get3A_258 = arith.constant 240 : index
    %get3A_259 = tpu.vector_load %arg8[%get3A_257, %get3A_258] {strides = array<i32>} : memref<304x256xf32, #tpu.memory_space<vmem>>, vector<1x16xf32>,
    %get3A_260 = vector.shape_cast %get3A_259 : vector<1x16xf32> to vector<16xf32>
    %swap3A_261 = arith.constant 0 : i32
    %swap3A_262 = arith.index_cast %swap3A_261 : i32 to index
    %swap3A_263 = arith.constant 240 : index
    %swap3A_264 = tpu.vector_load %arg9[%swap3A_262, %swap3A_263] {strides = array<i32>} : memref<4x256xf32, #tpu.memory_space<vmem>>, vector<1x16xf32>,
    %swap3A_265 = vector.shape_cast %swap3A_264 : vector<1x16xf32> to vector<16xf32>
    %swap3A_266 = vector.shape_cast %get3A_260 : vector<16xf32> to vector<1x16xf32>
    tpu.vector_store %arg9[%swap3A_262, %swap3A_263], %swap3A_266 {strides = array<i32>} : memref<4x256xf32, #tpu.memory_space<vmem>>, vector<1x16xf32>,
    %get3A_267 = arith.constant 297 : i32
    %get3A_268 = arith.index_cast %get3A_267 : i32 to index
    %get3A_269 = arith.constant 0 : index
    %get3A_270 = tpu.vector_load %arg8[%get3A_268, %get3A_269] {strides = array<i32>} : memref<304x256xf32, #tpu.memory_space<vmem>>, vector<1x16xf32>,
    %get3A_271 = vector.shape_cast %get3A_270 : vector<1x16xf32> to vector<16xf32>
    %swap3A_272 = arith.constant 1 : i32
    %swap3A_273 = arith.index_cast %swap3A_272 : i32 to index
    %swap3A_274 = arith.constant 0 : index
    %swap3A_275 = tpu.vector_load %arg9[%swap3A_273, %swap3A_274] {strides = array<i32>} : memref<4x256xf32, #tpu.memory_space<vmem>>, vector<1x16xf32>,
    %swap3A_276 = vector.shape_cast %swap3A_275 : vector<1x16xf32> to vector<16xf32>
    %swap3A_277 = vector.shape_cast %get3A_271 : vector<16xf32> to vector<1x16xf32>
    tpu.vector_store %arg9[%swap3A_273, %swap3A_274], %swap3A_277 {strides = array<i32>} : memref<4x256xf32, #tpu.memory_space<vmem>>, vector<1x16xf32>,
    %get3A_278 = arith.constant 297 : i32
    %get3A_279 = arith.index_cast %get3A_278 : i32 to index
    %get3A_280 = arith.constant 16 : index
    %get3A_281 = tpu.vector_load %arg8[%get3A_279, %get3A_280] {strides = array<i32>} : memref<304x256xf32, #tpu.memory_space<vmem>>, vector<1x16xf32>,
    %get3A_282 = vector.shape_cast %get3A_281 : vector<1x16xf32> to vector<16xf32>
    %swap3A_283 = arith.constant 1 : i32
    %swap3A_284 = arith.index_cast %swap3A_283 : i32 to index
    %swap3A_285 = arith.constant 16 : index
    %swap3A_286 = tpu.vector_load %arg9[%swap3A_284, %swap3A_285] {strides = array<i32>} : memref<4x256xf32, #tpu.memory_space<vmem>>, vector<1x16xf32>,
    %swap3A_287 = vector.shape_cast %swap3A_286 : vector<1x16xf32> to vector<16xf32>
    %swap3A_288 = vector.shape_cast %get3A_282 : vector<16xf32> to vector<1x16xf32>
    tpu.vector_store %arg9[%swap3A_284, %swap3A_285], %swap3A_288 {strides = array<i32>} : memref<4x256xf32, #tpu.memory_space<vmem>>, vector<1x16xf32>,
    %get3A_289 = arith.constant 297 : i32
    %get3A_290 = arith.index_cast %get3A_289 : i32 to index
    %get3A_291 = arith.constant 32 : index
    %get3A_292 = tpu.vector_load %arg8[%get3A_290, %get3A_291] {strides = array<i32>} : memref<304x256xf32, #tpu.memory_space<vmem>>, vector<1x16xf32>,
    %get3A_293 = vector.shape_cast %get3A_292 : vector<1x16xf32> to vector<16xf32>
    %swap3A_294 = arith.constant 1 : i32
    %swap3A_295 = arith.index_cast %swap3A_294 : i32 to index
    %swap3A_296 = arith.constant 32 : index
    %swap3A_297 = tpu.vector_load %arg9[%swap3A_295, %swap3A_296] {strides = array<i32>} : memref<4x256xf32, #tpu.memory_space<vmem>>, vector<1x16xf32>,
    %swap3A_298 = vector.shape_cast %swap3A_297 : vector<1x16xf32> to vector<16xf32>
    %swap3A_299 = vector.shape_cast %get3A_293 : vector<16xf32> to vector<1x16xf32>
    tpu.vector_store %arg9[%swap3A_295, %swap3A_296], %swap3A_299 {strides = array<i32>} : memref<4x256xf32, #tpu.memory_space<vmem>>, vector<1x16xf32>,
    %get3A_300 = arith.constant 297 : i32
    %get3A_301 = arith.index_cast %get3A_300 : i32 to index
    %get3A_302 = arith.constant 48 : index
    %get3A_303 = tpu.vector_load %arg8[%get3A_301, %get3A_302] {strides = array<i32>} : memref<304x256xf32, #tpu.memory_space<vmem>>, vector<1x16xf32>,
    %get3A_304 = vector.shape_cast %get3A_303 : vector<1x16xf32> to vector<16xf32>
    %swap3A_305 = arith.constant 1 : i32
    %swap3A_306 = arith.index_cast %swap3A_305 : i32 to index
    %swap3A_307 = arith.constant 48 : index
    %swap3A_308 = tpu.vector_load %arg9[%swap3A_306, %swap3A_307] {strides = array<i32>} : memref<4x256xf32, #tpu.memory_space<vmem>>, vector<1x16xf32>,
    %swap3A_309 = vector.shape_cast %swap3A_308 : vector<1x16xf32> to vector<16xf32>
    %swap3A_310 = vector.shape_cast %get3A_304 : vector<16xf32> to vector<1x16xf32>
    tpu.vector_store %arg9[%swap3A_306, %swap3A_307], %swap3A_310 {strides = array<i32>} : memref<4x256xf32, #tpu.memory_space<vmem>>, vector<1x16xf32>,
    %get3A_311 = arith.constant 297 : i32
    %get3A_312 = arith.index_cast %get3A_311 : i32 to index
    %get3A_313 = arith.constant 64 : index
    %get3A_314 = tpu.vector_load %arg8[%get3A_312, %get3A_313] {strides = array<i32>} : memref<304x256xf32, #tpu.memory_space<vmem>>, vector<1x16xf32>,
    %get3A_315 = vector.shape_cast %get3A_314 : vector<1x16xf32> to vector<16xf32>
    %swap3A_316 = arith.constant 1 : i32
    %swap3A_317 = arith.index_cast %swap3A_316 : i32 to index
    %swap3A_318 = arith.constant 64 : index
    %swap3A_319 = tpu.vector_load %arg9[%swap3A_317, %swap3A_318] {strides = array<i32>} : memref<4x256xf32, #tpu.memory_space<vmem>>, vector<1x16xf32>,
    %swap3A_320 = vector.shape_cast %swap3A_319 : vector<1x16xf32> to vector<16xf32>
    %swap3A_321 = vector.shape_cast %get3A_315 : vector<16xf32> to vector<1x16xf32>
    tpu.vector_store %arg9[%swap3A_317, %swap3A_318], %swap3A_321 {strides = array<i32>} : memref<4x256xf32, #tpu.memory_space<vmem>>, vector<1x16xf32>,
    %get3A_322 = arith.constant 297 : i32
    %get3A_323 = arith.index_cast %get3A_322 : i32 to index
    %get3A_324 = arith.constant 80 : index
    %get3A_325 = tpu.vector_load %arg8[%get3A_323, %get3A_324] {strides = array<i32>} : memref<304x256xf32, #tpu.memory_space<vmem>>, vector<1x16xf32>,
    %get3A_326 = vector.shape_cast %get3A_325 : vector<1x16xf32> to vector<16xf32>
    %swap3A_327 = arith.constant 1 : i32
    %swap3A_328 = arith.index_cast %swap3A_327 : i32 to index
    %swap3A_329 = arith.constant 80 : index
    %swap3A_330 = tpu.vector_load %arg9[%swap3A_328, %swap3A_329] {strides = array<i32>} : memref<4x256xf32, #tpu.memory_space<vmem>>, vector<1x16xf32>,
    %swap3A_331 = vector.shape_cast %swap3A_330 : vector<1x16xf32> to vector<16xf32>
    %swap3A_332 = vector.shape_cast %get3A_326 : vector<16xf32> to vector<1x16xf32>
    tpu.vector_store %arg9[%swap3A_328, %swap3A_329], %swap3A_332 {strides = array<i32>} : memref<4x256xf32, #tpu.memory_space<vmem>>, vector<1x16xf32>,
    %get3A_333 = arith.constant 297 : i32
    %get3A_334 = arith.index_cast %get3A_333 : i32 to index
    %get3A_335 = arith.constant 96 : index
    %get3A_336 = tpu.vector_load %arg8[%get3A_334, %get3A_335] {strides = array<i32>} : memref<304x256xf32, #tpu.memory_space<vmem>>, vector<1x16xf32>,
    %get3A_337 = vector.shape_cast %get3A_336 : vector<1x16xf32> to vector<16xf32>
    %swap3A_338 = arith.constant 1 : i32
    %swap3A_339 = arith.index_cast %swap3A_338 : i32 to index
    %swap3A_340 = arith.constant 96 : index
    %swap3A_341 = tpu.vector_load %arg9[%swap3A_339, %swap3A_340] {strides = array<i32>} : memref<4x256xf32, #tpu.memory_space<vmem>>, vector<1x16xf32>,
    %swap3A_342 = vector.shape_cast %swap3A_341 : vector<1x16xf32> to vector<16xf32>
    %swap3A_343 = vector.shape_cast %get3A_337 : vector<16xf32> to vector<1x16xf32>
    tpu.vector_store %arg9[%swap3A_339, %swap3A_340], %swap3A_343 {strides = array<i32>} : memref<4x256xf32, #tpu.memory_space<vmem>>, vector<1x16xf32>,
    %get3A_344 = arith.constant 297 : i32
    %get3A_345 = arith.index_cast %get3A_344 : i32 to index
    %get3A_346 = arith.constant 112 : index
    %get3A_347 = tpu.vector_load %arg8[%get3A_345, %get3A_346] {strides = array<i32>} : memref<304x256xf32, #tpu.memory_space<vmem>>, vector<1x16xf32>,
    %get3A_348 = vector.shape_cast %get3A_347 : vector<1x16xf32> to vector<16xf32>
    %swap3A_349 = arith.constant 1 : i32
    %swap3A_350 = arith.index_cast %swap3A_349 : i32 to index
    %swap3A_351 = arith.constant 112 : index
    %swap3A_352 = tpu.vector_load %arg9[%swap3A_350, %swap3A_351] {strides = array<i32>} : memref<4x256xf32, #tpu.memory_space<vmem>>, vector<1x16xf32>,
    %swap3A_353 = vector.shape_cast %swap3A_352 : vector<1x16xf32> to vector<16xf32>
    %swap3A_354 = vector.shape_cast %get3A_348 : vector<16xf32> to vector<1x16xf32>
    tpu.vector_store %arg9[%swap3A_350, %swap3A_351], %swap3A_354 {strides = array<i32>} : memref<4x256xf32, #tpu.memory_space<vmem>>, vector<1x16xf32>,
    %get3A_355 = arith.constant 297 : i32
    %get3A_356 = arith.index_cast %get3A_355 : i32 to index
    %get3A_357 = arith.constant 128 : index
    %get3A_358 = tpu.vector_load %arg8[%get3A_356, %get3A_357] {strides = array<i32>} : memref<304x256xf32, #tpu.memory_space<vmem>>, vector<1x16xf32>,
    %get3A_359 = vector.shape_cast %get3A_358 : vector<1x16xf32> to vector<16xf32>
    %swap3A_360 = arith.constant 1 : i32
    %swap3A_361 = arith.index_cast %swap3A_360 : i32 to index
    %swap3A_362 = arith.constant 128 : index
    %swap3A_363 = tpu.vector_load %arg9[%swap3A_361, %swap3A_362] {strides = array<i32>} : memref<4x256xf32, #tpu.memory_space<vmem>>, vector<1x16xf32>,
    %swap3A_364 = vector.shape_cast %swap3A_363 : vector<1x16xf32> to vector<16xf32>
    %swap3A_365 = vector.shape_cast %get3A_359 : vector<16xf32> to vector<1x16xf32>
    tpu.vector_store %arg9[%swap3A_361, %swap3A_362], %swap3A_365 {strides = array<i32>} : memref<4x256xf32, #tpu.memory_space<vmem>>, vector<1x16xf32>,
    %get3A_366 = arith.constant 297 : i32
    %get3A_367 = arith.index_cast %get3A_366 : i32 to index
    %get3A_368 = arith.constant 144 : index
    %get3A_369 = tpu.vector_load %arg8[%get3A_367, %get3A_368] {strides = array<i32>} : memref<304x256xf32, #tpu.memory_space<vmem>>, vector<1x16xf32>,
    %get3A_370 = vector.shape_cast %get3A_369 : vector<1x16xf32> to vector<16xf32>
    %swap3A_371 = arith.constant 1 : i32
    %swap3A_372 = arith.index_cast %swap3A_371 : i32 to index
    %swap3A_373 = arith.constant 144 : index
    %swap3A_374 = tpu.vector_load %arg9[%swap3A_372, %swap3A_373] {strides = array<i32>} : memref<4x256xf32, #tpu.memory_space<vmem>>, vector<1x16xf32>,
    %swap3A_375 = vector.shape_cast %swap3A_374 : vector<1x16xf32> to vector<16xf32>
    %swap3A_376 = vector.shape_cast %get3A_370 : vector<16xf32> to vector<1x16xf32>
    tpu.vector_store %arg9[%swap3A_372, %swap3A_373], %swap3A_376 {strides = array<i32>} : memref<4x256xf32, #tpu.memory_space<vmem>>, vector<1x16xf32>,
    %get3A_377 = arith.constant 297 : i32
    %get3A_378 = arith.index_cast %get3A_377 : i32 to index
    %get3A_379 = arith.constant 160 : index
    %get3A_380 = tpu.vector_load %arg8[%get3A_378, %get3A_379] {strides = array<i32>} : memref<304x256xf32, #tpu.memory_space<vmem>>, vector<1x16xf32>,
    %get3A_381 = vector.shape_cast %get3A_380 : vector<1x16xf32> to vector<16xf32>
    %swap3A_382 = arith.constant 1 : i32
    %swap3A_383 = arith.index_cast %swap3A_382 : i32 to index
    %swap3A_384 = arith.constant 160 : index
    %swap3A_385 = tpu.vector_load %arg9[%swap3A_383, %swap3A_384] {strides = array<i32>} : memref<4x256xf32, #tpu.memory_space<vmem>>, vector<1x16xf32>,
    %swap3A_386 = vector.shape_cast %swap3A_385 : vector<1x16xf32> to vector<16xf32>
    %swap3A_387 = vector.shape_cast %get3A_381 : vector<16xf32> to vector<1x16xf32>
    tpu.vector_store %arg9[%swap3A_383, %swap3A_384], %swap3A_387 {strides = array<i32>} : memref<4x256xf32, #tpu.memory_space<vmem>>, vector<1x16xf32>,
    %get3A_388 = arith.constant 297 : i32
    %get3A_389 = arith.index_cast %get3A_388 : i32 to index
    %get3A_390 = arith.constant 176 : index
    %get3A_391 = tpu.vector_load %arg8[%get3A_389, %get3A_390] {strides = array<i32>} : memref<304x256xf32, #tpu.memory_space<vmem>>, vector<1x16xf32>,
    %get3A_392 = vector.shape_cast %get3A_391 : vector<1x16xf32> to vector<16xf32>
    %swap3A_393 = arith.constant 1 : i32
    %swap3A_394 = arith.index_cast %swap3A_393 : i32 to index
    %swap3A_395 = arith.constant 176 : index
    %swap3A_396 = tpu.vector_load %arg9[%swap3A_394, %swap3A_395] {strides = array<i32>} : memref<4x256xf32, #tpu.memory_space<vmem>>, vector<1x16xf32>,
    %swap3A_397 = vector.shape_cast %swap3A_396 : vector<1x16xf32> to vector<16xf32>
    %swap3A_398 = vector.shape_cast %get3A_392 : vector<16xf32> to vector<1x16xf32>
    tpu.vector_store %arg9[%swap3A_394, %swap3A_395], %swap3A_398 {strides = array<i32>} : memref<4x256xf32, #tpu.memory_space<vmem>>, vector<1x16xf32>,
    %get3A_399 = arith.constant 297 : i32
    %get3A_400 = arith.index_cast %get3A_399 : i32 to index
    %get3A_401 = arith.constant 192 : index
    %get3A_402 = tpu.vector_load %arg8[%get3A_400, %get3A_401] {strides = array<i32>} : memref<304x256xf32, #tpu.memory_space<vmem>>, vector<1x16xf32>,
    %get3A_403 = vector.shape_cast %get3A_402 : vector<1x16xf32> to vector<16xf32>
    %swap3A_404 = arith.constant 1 : i32
    %swap3A_405 = arith.index_cast %swap3A_404 : i32 to index
    %swap3A_406 = arith.constant 192 : index
    %swap3A_407 = tpu.vector_load %arg9[%swap3A_405, %swap3A_406] {strides = array<i32>} : memref<4x256xf32, #tpu.memory_space<vmem>>, vector<1x16xf32>,
    %swap3A_408 = vector.shape_cast %swap3A_407 : vector<1x16xf32> to vector<16xf32>
    %swap3A_409 = vector.shape_cast %get3A_403 : vector<16xf32> to vector<1x16xf32>
    tpu.vector_store %arg9[%swap3A_405, %swap3A_406], %swap3A_409 {strides = array<i32>} : memref<4x256xf32, #tpu.memory_space<vmem>>, vector<1x16xf32>,
    %get3A_410 = arith.constant 297 : i32
    %get3A_411 = arith.index_cast %get3A_410 : i32 to index
    %get3A_412 = arith.constant 208 : index
    %get3A_413 = tpu.vector_load %arg8[%get3A_411, %get3A_412] {strides = array<i32>} : memref<304x256xf32, #tpu.memory_space<vmem>>, vector<1x16xf32>,
    %get3A_414 = vector.shape_cast %get3A_413 : vector<1x16xf32> to vector<16xf32>
    %swap3A_415 = arith.constant 1 : i32
    %swap3A_416 = arith.index_cast %swap3A_415 : i32 to index
    %swap3A_417 = arith.constant 208 : index
    %swap3A_418 = tpu.vector_load %arg9[%swap3A_416, %swap3A_417] {strides = array<i32>} : memref<4x256xf32, #tpu.memory_space<vmem>>, vector<1x16xf32>,
    %swap3A_419 = vector.shape_cast %swap3A_418 : vector<1x16xf32> to vector<16xf32>
    %swap3A_420 = vector.shape_cast %get3A_414 : vector<16xf32> to vector<1x16xf32>
    tpu.vector_store %arg9[%swap3A_416, %swap3A_417], %swap3A_420 {strides = array<i32>} : memref<4x256xf32, #tpu.memory_space<vmem>>, vector<1x16xf32>,
    %get3A_421 = arith.constant 297 : i32
    %get3A_422 = arith.index_cast %get3A_421 : i32 to index
    %get3A_423 = arith.constant 224 : index
    %get3A_424 = tpu.vector_load %arg8[%get3A_422, %get3A_423] {strides = array<i32>} : memref<304x256xf32, #tpu.memory_space<vmem>>, vector<1x16xf32>,
    %get3A_425 = vector.shape_cast %get3A_424 : vector<1x16xf32> to vector<16xf32>
    %swap3A_426 = arith.constant 1 : i32
    %swap3A_427 = arith.index_cast %swap3A_426 : i32 to index
    %swap3A_428 = arith.constant 224 : index
    %swap3A_429 = tpu.vector_load %arg9[%swap3A_427, %swap3A_428] {strides = array<i32>} : memref<4x256xf32, #tpu.memory_space<vmem>>, vector<1x16xf32>,
    %swap3A_430 = vector.shape_cast %swap3A_429 : vector<1x16xf32> to vector<16xf32>
    %swap3A_431 = vector.shape_cast %get3A_425 : vector<16xf32> to vector<1x16xf32>
    tpu.vector_store %arg9[%swap3A_427, %swap3A_428], %swap3A_431 {strides = array<i32>} : memref<4x256xf32, #tpu.memory_space<vmem>>, vector<1x16xf32>,
    %get3A_432 = arith.constant 297 : i32
    %get3A_433 = arith.index_cast %get3A_432 : i32 to index
    %get3A_434 = arith.constant 240 : index
    %get3A_435 = tpu.vector_load %arg8[%get3A_433, %get3A_434] {strides = array<i32>} : memref<304x256xf32, #tpu.memory_space<vmem>>, vector<1x16xf32>,
    %get3A_436 = vector.shape_cast %get3A_435 : vector<1x16xf32> to vector<16xf32>
    %swap3A_437 = arith.constant 1 : i32
    %swap3A_438 = arith.index_cast %swap3A_437 : i32 to index
    %swap3A_439 = arith.constant 240 : index
    %swap3A_440 = tpu.vector_load %arg9[%swap3A_438, %swap3A_439] {strides = array<i32>} : memref<4x256xf32, #tpu.memory_space<vmem>>, vector<1x16xf32>,
    %swap3A_441 = vector.shape_cast %swap3A_440 : vector<1x16xf32> to vector<16xf32>
    %swap3A_442 = vector.shape_cast %get3A_436 : vector<16xf32> to vector<1x16xf32>
    tpu.vector_store %arg9[%swap3A_438, %swap3A_439], %swap3A_442 {strides = array<i32>} : memref<4x256xf32, #tpu.memory_space<vmem>>, vector<1x16xf32>,
    %get3A_443 = arith.constant 298 : i32
    %get3A_444 = arith.index_cast %get3A_443 : i32 to index
    %get3A_445 = arith.constant 0 : index
    %get3A_446 = tpu.vector_load %arg8[%get3A_444, %get3A_445] {strides = array<i32>} : memref<304x256xf32, #tpu.memory_space<vmem>>, vector<1x16xf32>,
    %get3A_447 = vector.shape_cast %get3A_446 : vector<1x16xf32> to vector<16xf32>
    %swap3A_448 = arith.constant 2 : i32
    %swap3A_449 = arith.index_cast %swap3A_448 : i32 to index
    %swap3A_450 = arith.constant 0 : index
    %swap3A_451 = tpu.vector_load %arg9[%swap3A_449, %swap3A_450] {strides = array<i32>} : memref<4x256xf32, #tpu.memory_space<vmem>>, vector<1x16xf32>,
    %swap3A_452 = vector.shape_cast %swap3A_451 : vector<1x16xf32> to vector<16xf32>
    %swap3A_453 = vector.shape_cast %get3A_447 : vector<16xf32> to vector<1x16xf32>
    tpu.vector_store %arg9[%swap3A_449, %swap3A_450], %swap3A_453 {strides = array<i32>} : memref<4x256xf32, #tpu.memory_space<vmem>>, vector<1x16xf32>,
    %get3A_454 = arith.constant 298 : i32
    %get3A_455 = arith.index_cast %get3A_454 : i32 to index
    %get3A_456 = arith.constant 16 : index
    %get3A_457 = tpu.vector_load %arg8[%get3A_455, %get3A_456] {strides = array<i32>} : memref<304x256xf32, #tpu.memory_space<vmem>>, vector<1x16xf32>,
    %get3A_458 = vector.shape_cast %get3A_457 : vector<1x16xf32> to vector<16xf32>
    %swap3A_459 = arith.constant 2 : i32
    %swap3A_460 = arith.index_cast %swap3A_459 : i32 to index
    %swap3A_461 = arith.constant 16 : index
    %swap3A_462 = tpu.vector_load %arg9[%swap3A_460, %swap3A_461] {strides = array<i32>} : memref<4x256xf32, #tpu.memory_space<vmem>>, vector<1x16xf32>,
    %swap3A_463 = vector.shape_cast %swap3A_462 : vector<1x16xf32> to vector<16xf32>
    %swap3A_464 = vector.shape_cast %get3A_458 : vector<16xf32> to vector<1x16xf32>
    tpu.vector_store %arg9[%swap3A_460, %swap3A_461], %swap3A_464 {strides = array<i32>} : memref<4x256xf32, #tpu.memory_space<vmem>>, vector<1x16xf32>,
    %get3A_465 = arith.constant 298 : i32
    %get3A_466 = arith.index_cast %get3A_465 : i32 to index
    %get3A_467 = arith.constant 32 : index
    %get3A_468 = tpu.vector_load %arg8[%get3A_466, %get3A_467] {strides = array<i32>} : memref<304x256xf32, #tpu.memory_space<vmem>>, vector<1x16xf32>,
    %get3A_469 = vector.shape_cast %get3A_468 : vector<1x16xf32> to vector<16xf32>
    %swap3A_470 = arith.constant 2 : i32
    %swap3A_471 = arith.index_cast %swap3A_470 : i32 to index
    %swap3A_472 = arith.constant 32 : index
    %swap3A_473 = tpu.vector_load %arg9[%swap3A_471, %swap3A_472] {strides = array<i32>} : memref<4x256xf32, #tpu.memory_space<vmem>>, vector<1x16xf32>,
    %swap3A_474 = vector.shape_cast %swap3A_473 : vector<1x16xf32> to vector<16xf32>
    %swap3A_475 = vector.shape_cast %get3A_469 : vector<16xf32> to vector<1x16xf32>
    tpu.vector_store %arg9[%swap3A_471, %swap3A_472], %swap3A_475 {strides = array<i32>} : memref<4x256xf32, #tpu.memory_space<vmem>>, vector<1x16xf32>,
    %get3A_476 = arith.constant 298 : i32
    %get3A_477 = arith.index_cast %get3A_476 : i32 to index
    %get3A_478 = arith.constant 48 : index
    %get3A_479 = tpu.vector_load %arg8[%get3A_477, %get3A_478] {strides = array<i32>} : memref<304x256xf32, #tpu.memory_space<vmem>>, vector<1x16xf32>,
    %get3A_480 = vector.shape_cast %get3A_479 : vector<1x16xf32> to vector<16xf32>
    %swap3A_481 = arith.constant 2 : i32
    %swap3A_482 = arith.index_cast %swap3A_481 : i32 to index
    %swap3A_483 = arith.constant 48 : index
    %swap3A_484 = tpu.vector_load %arg9[%swap3A_482, %swap3A_483] {strides = array<i32>} : memref<4x256xf32, #tpu.memory_space<vmem>>, vector<1x16xf32>,
    %swap3A_485 = vector.shape_cast %swap3A_484 : vector<1x16xf32> to vector<16xf32>
    %swap3A_486 = vector.shape_cast %get3A_480 : vector<16xf32> to vector<1x16xf32>
    tpu.vector_store %arg9[%swap3A_482, %swap3A_483], %swap3A_486 {strides = array<i32>} : memref<4x256xf32, #tpu.memory_space<vmem>>, vector<1x16xf32>,
    %get3A_487 = arith.constant 298 : i32
    %get3A_488 = arith.index_cast %get3A_487 : i32 to index
    %get3A_489 = arith.constant 64 : index
    %get3A_490 = tpu.vector_load %arg8[%get3A_488, %get3A_489] {strides = array<i32>} : memref<304x256xf32, #tpu.memory_space<vmem>>, vector<1x16xf32>,
    %get3A_491 = vector.shape_cast %get3A_490 : vector<1x16xf32> to vector<16xf32>
    %swap3A_492 = arith.constant 2 : i32
    %swap3A_493 = arith.index_cast %swap3A_492 : i32 to index
    %swap3A_494 = arith.constant 64 : index
    %swap3A_495 = tpu.vector_load %arg9[%swap3A_493, %swap3A_494] {strides = array<i32>} : memref<4x256xf32, #tpu.memory_space<vmem>>, vector<1x16xf32>,
    %swap3A_496 = vector.shape_cast %swap3A_495 : vector<1x16xf32> to vector<16xf32>
    %swap3A_497 = vector.shape_cast %get3A_491 : vector<16xf32> to vector<1x16xf32>
    tpu.vector_store %arg9[%swap3A_493, %swap3A_494], %swap3A_497 {strides = array<i32>} : memref<4x256xf32, #tpu.memory_space<vmem>>, vector<1x16xf32>,
    %get3A_498 = arith.constant 298 : i32
    %get3A_499 = arith.index_cast %get3A_498 : i32 to index
    %get3A_500 = arith.constant 80 : index
    %get3A_501 = tpu.vector_load %arg8[%get3A_499, %get3A_500] {strides = array<i32>} : memref<304x256xf32, #tpu.memory_space<vmem>>, vector<1x16xf32>,
    %get3A_502 = vector.shape_cast %get3A_501 : vector<1x16xf32> to vector<16xf32>
    %swap3A_503 = arith.constant 2 : i32
    %swap3A_504 = arith.index_cast %swap3A_503 : i32 to index
    %swap3A_505 = arith.constant 80 : index
    %swap3A_506 = tpu.vector_load %arg9[%swap3A_504, %swap3A_505] {strides = array<i32>} : memref<4x256xf32, #tpu.memory_space<vmem>>, vector<1x16xf32>,
    %swap3A_507 = vector.shape_cast %swap3A_506 : vector<1x16xf32> to vector<16xf32>
    %swap3A_508 = vector.shape_cast %get3A_502 : vector<16xf32> to vector<1x16xf32>
    tpu.vector_store %arg9[%swap3A_504, %swap3A_505], %swap3A_508 {strides = array<i32>} : memref<4x256xf32, #tpu.memory_space<vmem>>, vector<1x16xf32>,
    %get3A_509 = arith.constant 298 : i32
    %get3A_510 = arith.index_cast %get3A_509 : i32 to index
    %get3A_511 = arith.constant 96 : index
    %get3A_512 = tpu.vector_load %arg8[%get3A_510, %get3A_511] {strides = array<i32>} : memref<304x256xf32, #tpu.memory_space<vmem>>, vector<1x16xf32>,
    %get3A_513 = vector.shape_cast %get3A_512 : vector<1x16xf32> to vector<16xf32>
    %swap3A_514 = arith.constant 2 : i32
    %swap3A_515 = arith.index_cast %swap3A_514 : i32 to index
    %swap3A_516 = arith.constant 96 : index
    %swap3A_517 = tpu.vector_load %arg9[%swap3A_515, %swap3A_516] {strides = array<i32>} : memref<4x256xf32, #tpu.memory_space<vmem>>, vector<1x16xf32>,
    %swap3A_518 = vector.shape_cast %swap3A_517 : vector<1x16xf32> to vector<16xf32>
    %swap3A_519 = vector.shape_cast %get3A_513 : vector<16xf32> to vector<1x16xf32>
    tpu.vector_store %arg9[%swap3A_515, %swap3A_516], %swap3A_519 {strides = array<i32>} : memref<4x256xf32, #tpu.memory_space<vmem>>, vector<1x16xf32>,
    %get3A_520 = arith.constant 298 : i32
    %get3A_521 = arith.index_cast %get3A_520 : i32 to index
    %get3A_522 = arith.constant 112 : index
    %get3A_523 = tpu.vector_load %arg8[%get3A_521, %get3A_522] {strides = array<i32>} : memref<304x256xf32, #tpu.memory_space<vmem>>, vector<1x16xf32>,
    %get3A_524 = vector.shape_cast %get3A_523 : vector<1x16xf32> to vector<16xf32>
    %swap3A_525 = arith.constant 2 : i32
    %swap3A_526 = arith.index_cast %swap3A_525 : i32 to index
    %swap3A_527 = arith.constant 112 : index
    %swap3A_528 = tpu.vector_load %arg9[%swap3A_526, %swap3A_527] {strides = array<i32>} : memref<4x256xf32, #tpu.memory_space<vmem>>, vector<1x16xf32>,
    %swap3A_529 = vector.shape_cast %swap3A_528 : vector<1x16xf32> to vector<16xf32>
    %swap3A_530 = vector.shape_cast %get3A_524 : vector<16xf32> to vector<1x16xf32>
    tpu.vector_store %arg9[%swap3A_526, %swap3A_527], %swap3A_530 {strides = array<i32>} : memref<4x256xf32, #tpu.memory_space<vmem>>, vector<1x16xf32>,
    %get3A_531 = arith.constant 298 : i32
    %get3A_532 = arith.index_cast %get3A_531 : i32 to index
    %get3A_533 = arith.constant 128 : index
    %get3A_534 = tpu.vector_load %arg8[%get3A_532, %get3A_533] {strides = array<i32>} : memref<304x256xf32, #tpu.memory_space<vmem>>, vector<1x16xf32>,
    %get3A_535 = vector.shape_cast %get3A_534 : vector<1x16xf32> to vector<16xf32>
    %swap3A_536 = arith.constant 2 : i32
    %swap3A_537 = arith.index_cast %swap3A_536 : i32 to index
    %swap3A_538 = arith.constant 128 : index
    %swap3A_539 = tpu.vector_load %arg9[%swap3A_537, %swap3A_538] {strides = array<i32>} : memref<4x256xf32, #tpu.memory_space<vmem>>, vector<1x16xf32>,
    %swap3A_540 = vector.shape_cast %swap3A_539 : vector<1x16xf32> to vector<16xf32>
    %swap3A_541 = vector.shape_cast %get3A_535 : vector<16xf32> to vector<1x16xf32>
    tpu.vector_store %arg9[%swap3A_537, %swap3A_538], %swap3A_541 {strides = array<i32>} : memref<4x256xf32, #tpu.memory_space<vmem>>, vector<1x16xf32>,
    %get3A_542 = arith.constant 298 : i32
    %get3A_543 = arith.index_cast %get3A_542 : i32 to index
    %get3A_544 = arith.constant 144 : index
    %get3A_545 = tpu.vector_load %arg8[%get3A_543, %get3A_544] {strides = array<i32>} : memref<304x256xf32, #tpu.memory_space<vmem>>, vector<1x16xf32>,
    %get3A_546 = vector.shape_cast %get3A_545 : vector<1x16xf32> to vector<16xf32>
    %swap3A_547 = arith.constant 2 : i32
    %swap3A_548 = arith.index_cast %swap3A_547 : i32 to index
    %swap3A_549 = arith.constant 144 : index
    %swap3A_550 = tpu.vector_load %arg9[%swap3A_548, %swap3A_549] {strides = array<i32>} : memref<4x256xf32, #tpu.memory_space<vmem>>, vector<1x16xf32>,
    %swap3A_551 = vector.shape_cast %swap3A_550 : vector<1x16xf32> to vector<16xf32>
    %swap3A_552 = vector.shape_cast %get3A_546 : vector<16xf32> to vector<1x16xf32>
    tpu.vector_store %arg9[%swap3A_548, %swap3A_549], %swap3A_552 {strides = array<i32>} : memref<4x256xf32, #tpu.memory_space<vmem>>, vector<1x16xf32>,
    %get3A_553 = arith.constant 298 : i32
    %get3A_554 = arith.index_cast %get3A_553 : i32 to index
    %get3A_555 = arith.constant 160 : index
    %get3A_556 = tpu.vector_load %arg8[%get3A_554, %get3A_555] {strides = array<i32>} : memref<304x256xf32, #tpu.memory_space<vmem>>, vector<1x16xf32>,
    %get3A_557 = vector.shape_cast %get3A_556 : vector<1x16xf32> to vector<16xf32>
    %swap3A_558 = arith.constant 2 : i32
    %swap3A_559 = arith.index_cast %swap3A_558 : i32 to index
    %swap3A_560 = arith.constant 160 : index
    %swap3A_561 = tpu.vector_load %arg9[%swap3A_559, %swap3A_560] {strides = array<i32>} : memref<4x256xf32, #tpu.memory_space<vmem>>, vector<1x16xf32>,
    %swap3A_562 = vector.shape_cast %swap3A_561 : vector<1x16xf32> to vector<16xf32>
    %swap3A_563 = vector.shape_cast %get3A_557 : vector<16xf32> to vector<1x16xf32>
    tpu.vector_store %arg9[%swap3A_559, %swap3A_560], %swap3A_563 {strides = array<i32>} : memref<4x256xf32, #tpu.memory_space<vmem>>, vector<1x16xf32>,
    %get3A_564 = arith.constant 298 : i32
    %get3A_565 = arith.index_cast %get3A_564 : i32 to index
    %get3A_566 = arith.constant 176 : index
    %get3A_567 = tpu.vector_load %arg8[%get3A_565, %get3A_566] {strides = array<i32>} : memref<304x256xf32, #tpu.memory_space<vmem>>, vector<1x16xf32>,
    %get3A_568 = vector.shape_cast %get3A_567 : vector<1x16xf32> to vector<16xf32>
    %swap3A_569 = arith.constant 2 : i32
    %swap3A_570 = arith.index_cast %swap3A_569 : i32 to index
    %swap3A_571 = arith.constant 176 : index
    %swap3A_572 = tpu.vector_load %arg9[%swap3A_570, %swap3A_571] {strides = array<i32>} : memref<4x256xf32, #tpu.memory_space<vmem>>, vector<1x16xf32>,
    %swap3A_573 = vector.shape_cast %swap3A_572 : vector<1x16xf32> to vector<16xf32>
    %swap3A_574 = vector.shape_cast %get3A_568 : vector<16xf32> to vector<1x16xf32>
    tpu.vector_store %arg9[%swap3A_570, %swap3A_571], %swap3A_574 {strides = array<i32>} : memref<4x256xf32, #tpu.memory_space<vmem>>, vector<1x16xf32>,
    %get3A_575 = arith.constant 298 : i32
    %get3A_576 = arith.index_cast %get3A_575 : i32 to index
    %get3A_577 = arith.constant 192 : index
    %get3A_578 = tpu.vector_load %arg8[%get3A_576, %get3A_577] {strides = array<i32>} : memref<304x256xf32, #tpu.memory_space<vmem>>, vector<1x16xf32>,
    %get3A_579 = vector.shape_cast %get3A_578 : vector<1x16xf32> to vector<16xf32>
    %swap3A_580 = arith.constant 2 : i32
    %swap3A_581 = arith.index_cast %swap3A_580 : i32 to index
    %swap3A_582 = arith.constant 192 : index
    %swap3A_583 = tpu.vector_load %arg9[%swap3A_581, %swap3A_582] {strides = array<i32>} : memref<4x256xf32, #tpu.memory_space<vmem>>, vector<1x16xf32>,
    %swap3A_584 = vector.shape_cast %swap3A_583 : vector<1x16xf32> to vector<16xf32>
    %swap3A_585 = vector.shape_cast %get3A_579 : vector<16xf32> to vector<1x16xf32>
    tpu.vector_store %arg9[%swap3A_581, %swap3A_582], %swap3A_585 {strides = array<i32>} : memref<4x256xf32, #tpu.memory_space<vmem>>, vector<1x16xf32>,
    %get3A_586 = arith.constant 298 : i32
    %get3A_587 = arith.index_cast %get3A_586 : i32 to index
    %get3A_588 = arith.constant 208 : index
    %get3A_589 = tpu.vector_load %arg8[%get3A_587, %get3A_588] {strides = array<i32>} : memref<304x256xf32, #tpu.memory_space<vmem>>, vector<1x16xf32>,
    %get3A_590 = vector.shape_cast %get3A_589 : vector<1x16xf32> to vector<16xf32>
    %swap3A_591 = arith.constant 2 : i32
    %swap3A_592 = arith.index_cast %swap3A_591 : i32 to index
    %swap3A_593 = arith.constant 208 : index
    %swap3A_594 = tpu.vector_load %arg9[%swap3A_592, %swap3A_593] {strides = array<i32>} : memref<4x256xf32, #tpu.memory_space<vmem>>, vector<1x16xf32>,
    %swap3A_595 = vector.shape_cast %swap3A_594 : vector<1x16xf32> to vector<16xf32>
    %swap3A_596 = vector.shape_cast %get3A_590 : vector<16xf32> to vector<1x16xf32>
    tpu.vector_store %arg9[%swap3A_592, %swap3A_593], %swap3A_596 {strides = array<i32>} : memref<4x256xf32, #tpu.memory_space<vmem>>, vector<1x16xf32>,
    %get3A_597 = arith.constant 298 : i32
    %get3A_598 = arith.index_cast %get3A_597 : i32 to index
    %get3A_599 = arith.constant 224 : index
    %get3A_600 = tpu.vector_load %arg8[%get3A_598, %get3A_599] {strides = array<i32>} : memref<304x256xf32, #tpu.memory_space<vmem>>, vector<1x16xf32>,
    %get3A_601 = vector.shape_cast %get3A_600 : vector<1x16xf32> to vector<16xf32>
    %swap3A_602 = arith.constant 2 : i32
    %swap3A_603 = arith.index_cast %swap3A_602 : i32 to index
    %swap3A_604 = arith.constant 224 : index
    %swap3A_605 = tpu.vector_load %arg9[%swap3A_603, %swap3A_604] {strides = array<i32>} : memref<4x256xf32, #tpu.memory_space<vmem>>, vector<1x16xf32>,
    %swap3A_606 = vector.shape_cast %swap3A_605 : vector<1x16xf32> to vector<16xf32>
    %swap3A_607 = vector.shape_cast %get3A_601 : vector<16xf32> to vector<1x16xf32>
    tpu.vector_store %arg9[%swap3A_603, %swap3A_604], %swap3A_607 {strides = array<i32>} : memref<4x256xf32, #tpu.memory_space<vmem>>, vector<1x16xf32>,
    %get3A_608 = arith.constant 298 : i32
    %get3A_609 = arith.index_cast %get3A_608 : i32 to index
    %get3A_610 = arith.constant 240 : index
    %get3A_611 = tpu.vector_load %arg8[%get3A_609, %get3A_610] {strides = array<i32>} : memref<304x256xf32, #tpu.memory_space<vmem>>, vector<1x16xf32>,
    %get3A_612 = vector.shape_cast %get3A_611 : vector<1x16xf32> to vector<16xf32>
    %swap3A_613 = arith.constant 2 : i32
    %swap3A_614 = arith.index_cast %swap3A_613 : i32 to index
    %swap3A_615 = arith.constant 240 : index
    %swap3A_616 = tpu.vector_load %arg9[%swap3A_614, %swap3A_615] {strides = array<i32>} : memref<4x256xf32, #tpu.memory_space<vmem>>, vector<1x16xf32>,
    %swap3A_617 = vector.shape_cast %swap3A_616 : vector<1x16xf32> to vector<16xf32>
    %swap3A_618 = vector.shape_cast %get3A_612 : vector<16xf32> to vector<1x16xf32>
    tpu.vector_store %arg9[%swap3A_614, %swap3A_615], %swap3A_618 {strides = array<i32>} : memref<4x256xf32, #tpu.memory_space<vmem>>, vector<1x16xf32>,
    %get3A_619 = arith.constant 299 : i32
    %get3A_620 = arith.index_cast %get3A_619 : i32 to index
    %get3A_621 = arith.constant 0 : index
    %get3A_622 = tpu.vector_load %arg8[%get3A_620, %get3A_621] {strides = array<i32>} : memref<304x256xf32, #tpu.memory_space<vmem>>, vector<1x16xf32>,
    %get3A_623 = vector.shape_cast %get3A_622 : vector<1x16xf32> to vector<16xf32>
    %swap3A_624 = arith.constant 3 : i32
    %swap3A_625 = arith.index_cast %swap3A_624 : i32 to index
    %swap3A_626 = arith.constant 0 : index
    %swap3A_627 = tpu.vector_load %arg9[%swap3A_625, %swap3A_626] {strides = array<i32>} : memref<4x256xf32, #tpu.memory_space<vmem>>, vector<1x16xf32>,
    %swap3A_628 = vector.shape_cast %swap3A_627 : vector<1x16xf32> to vector<16xf32>
    %swap3A_629 = vector.shape_cast %get3A_623 : vector<16xf32> to vector<1x16xf32>
    tpu.vector_store %arg9[%swap3A_625, %swap3A_626], %swap3A_629 {strides = array<i32>} : memref<4x256xf32, #tpu.memory_space<vmem>>, vector<1x16xf32>,
    %get3A_630 = arith.constant 299 : i32
    %get3A_631 = arith.index_cast %get3A_630 : i32 to index
    %get3A_632 = arith.constant 16 : index
    %get3A_633 = tpu.vector_load %arg8[%get3A_631, %get3A_632] {strides = array<i32>} : memref<304x256xf32, #tpu.memory_space<vmem>>, vector<1x16xf32>,
    %get3A_634 = vector.shape_cast %get3A_633 : vector<1x16xf32> to vector<16xf32>
    %swap3A_635 = arith.constant 3 : i32
    %swap3A_636 = arith.index_cast %swap3A_635 : i32 to index
    %swap3A_637 = arith.constant 16 : index
    %swap3A_638 = tpu.vector_load %arg9[%swap3A_636, %swap3A_637] {strides = array<i32>} : memref<4x256xf32, #tpu.memory_space<vmem>>, vector<1x16xf32>,
    %swap3A_639 = vector.shape_cast %swap3A_638 : vector<1x16xf32> to vector<16xf32>
    %swap3A_640 = vector.shape_cast %get3A_634 : vector<16xf32> to vector<1x16xf32>
    tpu.vector_store %arg9[%swap3A_636, %swap3A_637], %swap3A_640 {strides = array<i32>} : memref<4x256xf32, #tpu.memory_space<vmem>>, vector<1x16xf32>,
    %get3A_641 = arith.constant 299 : i32
    %get3A_642 = arith.index_cast %get3A_641 : i32 to index
    %get3A_643 = arith.constant 32 : index
    %get3A_644 = tpu.vector_load %arg8[%get3A_642, %get3A_643] {strides = array<i32>} : memref<304x256xf32, #tpu.memory_space<vmem>>, vector<1x16xf32>,
    %get3A_645 = vector.shape_cast %get3A_644 : vector<1x16xf32> to vector<16xf32>
    %swap3A_646 = arith.constant 3 : i32
    %swap3A_647 = arith.index_cast %swap3A_646 : i32 to index
    %swap3A_648 = arith.constant 32 : index
    %swap3A_649 = tpu.vector_load %arg9[%swap3A_647, %swap3A_648] {strides = array<i32>} : memref<4x256xf32, #tpu.memory_space<vmem>>, vector<1x16xf32>,
    %swap3A_650 = vector.shape_cast %swap3A_649 : vector<1x16xf32> to vector<16xf32>
    %swap3A_651 = vector.shape_cast %get3A_645 : vector<16xf32> to vector<1x16xf32>
    tpu.vector_store %arg9[%swap3A_647, %swap3A_648], %swap3A_651 {strides = array<i32>} : memref<4x256xf32, #tpu.memory_space<vmem>>, vector<1x16xf32>,
    %get3A_652 = arith.constant 299 : i32
    %get3A_653 = arith.index_cast %get3A_652 : i32 to index
    %get3A_654 = arith.constant 48 : index
    %get3A_655 = tpu.vector_load %arg8[%get3A_653, %get3A_654] {strides = array<i32>} : memref<304x256xf32, #tpu.memory_space<vmem>>, vector<1x16xf32>,
    %get3A_656 = vector.shape_cast %get3A_655 : vector<1x16xf32> to vector<16xf32>
    %swap3A_657 = arith.constant 3 : i32
    %swap3A_658 = arith.index_cast %swap3A_657 : i32 to index
    %swap3A_659 = arith.constant 48 : index
    %swap3A_660 = tpu.vector_load %arg9[%swap3A_658, %swap3A_659] {strides = array<i32>} : memref<4x256xf32, #tpu.memory_space<vmem>>, vector<1x16xf32>,
    %swap3A_661 = vector.shape_cast %swap3A_660 : vector<1x16xf32> to vector<16xf32>
    %swap3A_662 = vector.shape_cast %get3A_656 : vector<16xf32> to vector<1x16xf32>
    tpu.vector_store %arg9[%swap3A_658, %swap3A_659], %swap3A_662 {strides = array<i32>} : memref<4x256xf32, #tpu.memory_space<vmem>>, vector<1x16xf32>,
    %get3A_663 = arith.constant 299 : i32
    %get3A_664 = arith.index_cast %get3A_663 : i32 to index
    %get3A_665 = arith.constant 64 : index
    %get3A_666 = tpu.vector_load %arg8[%get3A_664, %get3A_665] {strides = array<i32>} : memref<304x256xf32, #tpu.memory_space<vmem>>, vector<1x16xf32>,
    %get3A_667 = vector.shape_cast %get3A_666 : vector<1x16xf32> to vector<16xf32>
    %swap3A_668 = arith.constant 3 : i32
    %swap3A_669 = arith.index_cast %swap3A_668 : i32 to index
    %swap3A_670 = arith.constant 64 : index
    %swap3A_671 = tpu.vector_load %arg9[%swap3A_669, %swap3A_670] {strides = array<i32>} : memref<4x256xf32, #tpu.memory_space<vmem>>, vector<1x16xf32>,
    %swap3A_672 = vector.shape_cast %swap3A_671 : vector<1x16xf32> to vector<16xf32>
    %swap3A_673 = vector.shape_cast %get3A_667 : vector<16xf32> to vector<1x16xf32>
    tpu.vector_store %arg9[%swap3A_669, %swap3A_670], %swap3A_673 {strides = array<i32>} : memref<4x256xf32, #tpu.memory_space<vmem>>, vector<1x16xf32>,
    %get3A_674 = arith.constant 299 : i32
    %get3A_675 = arith.index_cast %get3A_674 : i32 to index
    %get3A_676 = arith.constant 80 : index
    %get3A_677 = tpu.vector_load %arg8[%get3A_675, %get3A_676] {strides = array<i32>} : memref<304x256xf32, #tpu.memory_space<vmem>>, vector<1x16xf32>,
    %get3A_678 = vector.shape_cast %get3A_677 : vector<1x16xf32> to vector<16xf32>
    %swap3A_679 = arith.constant 3 : i32
    %swap3A_680 = arith.index_cast %swap3A_679 : i32 to index
    %swap3A_681 = arith.constant 80 : index
    %swap3A_682 = tpu.vector_load %arg9[%swap3A_680, %swap3A_681] {strides = array<i32>} : memref<4x256xf32, #tpu.memory_space<vmem>>, vector<1x16xf32>,
    %swap3A_683 = vector.shape_cast %swap3A_682 : vector<1x16xf32> to vector<16xf32>
    %swap3A_684 = vector.shape_cast %get3A_678 : vector<16xf32> to vector<1x16xf32>
    tpu.vector_store %arg9[%swap3A_680, %swap3A_681], %swap3A_684 {strides = array<i32>} : memref<4x256xf32, #tpu.memory_space<vmem>>, vector<1x16xf32>,
    %get3A_685 = arith.constant 299 : i32
    %get3A_686 = arith.index_cast %get3A_685 : i32 to index
    %get3A_687 = arith.constant 96 : index
    %get3A_688 = tpu.vector_load %arg8[%get3A_686, %get3A_687] {strides = array<i32>} : memref<304x256xf32, #tpu.memory_space<vmem>>, vector<1x16xf32>,
    %get3A_689 = vector.shape_cast %get3A_688 : vector<1x16xf32> to vector<16xf32>
    %swap3A_690 = arith.constant 3 : i32
    %swap3A_691 = arith.index_cast %swap3A_690 : i32 to index
    %swap3A_692 = arith.constant 96 : index
    %swap3A_693 = tpu.vector_load %arg9[%swap3A_691, %swap3A_692] {strides = array<i32>} : memref<4x256xf32, #tpu.memory_space<vmem>>, vector<1x16xf32>,
    %swap3A_694 = vector.shape_cast %swap3A_693 : vector<1x16xf32> to vector<16xf32>
    %swap3A_695 = vector.shape_cast %get3A_689 : vector<16xf32> to vector<1x16xf32>
    tpu.vector_store %arg9[%swap3A_691, %swap3A_692], %swap3A_695 {strides = array<i32>} : memref<4x256xf32, #tpu.memory_space<vmem>>, vector<1x16xf32>,
    %get3A_696 = arith.constant 299 : i32
    %get3A_697 = arith.index_cast %get3A_696 : i32 to index
    %get3A_698 = arith.constant 112 : index
    %get3A_699 = tpu.vector_load %arg8[%get3A_697, %get3A_698] {strides = array<i32>} : memref<304x256xf32, #tpu.memory_space<vmem>>, vector<1x16xf32>,
    %get3A_700 = vector.shape_cast %get3A_699 : vector<1x16xf32> to vector<16xf32>
    %swap3A_701 = arith.constant 3 : i32
    %swap3A_702 = arith.index_cast %swap3A_701 : i32 to index
    %swap3A_703 = arith.constant 112 : index
    %swap3A_704 = tpu.vector_load %arg9[%swap3A_702, %swap3A_703] {strides = array<i32>} : memref<4x256xf32, #tpu.memory_space<vmem>>, vector<1x16xf32>,
    %swap3A_705 = vector.shape_cast %swap3A_704 : vector<1x16xf32> to vector<16xf32>
    %swap3A_706 = vector.shape_cast %get3A_700 : vector<16xf32> to vector<1x16xf32>
    tpu.vector_store %arg9[%swap3A_702, %swap3A_703], %swap3A_706 {strides = array<i32>} : memref<4x256xf32, #tpu.memory_space<vmem>>, vector<1x16xf32>,
    %get3A_707 = arith.constant 299 : i32
    %get3A_708 = arith.index_cast %get3A_707 : i32 to index
    %get3A_709 = arith.constant 128 : index
    %get3A_710 = tpu.vector_load %arg8[%get3A_708, %get3A_709] {strides = array<i32>} : memref<304x256xf32, #tpu.memory_space<vmem>>, vector<1x16xf32>,
    %get3A_711 = vector.shape_cast %get3A_710 : vector<1x16xf32> to vector<16xf32>
    %swap3A_712 = arith.constant 3 : i32
    %swap3A_713 = arith.index_cast %swap3A_712 : i32 to index
    %swap3A_714 = arith.constant 128 : index
    %swap3A_715 = tpu.vector_load %arg9[%swap3A_713, %swap3A_714] {strides = array<i32>} : memref<4x256xf32, #tpu.memory_space<vmem>>, vector<1x16xf32>,
    %swap3A_716 = vector.shape_cast %swap3A_715 : vector<1x16xf32> to vector<16xf32>
    %swap3A_717 = vector.shape_cast %get3A_711 : vector<16xf32> to vector<1x16xf32>
    tpu.vector_store %arg9[%swap3A_713, %swap3A_714], %swap3A_717 {strides = array<i32>} : memref<4x256xf32, #tpu.memory_space<vmem>>, vector<1x16xf32>,
    %get3A_718 = arith.constant 299 : i32
    %get3A_719 = arith.index_cast %get3A_718 : i32 to index
    %get3A_720 = arith.constant 144 : index
    %get3A_721 = tpu.vector_load %arg8[%get3A_719, %get3A_720] {strides = array<i32>} : memref<304x256xf32, #tpu.memory_space<vmem>>, vector<1x16xf32>,
    %get3A_722 = vector.shape_cast %get3A_721 : vector<1x16xf32> to vector<16xf32>
    %swap3A_723 = arith.constant 3 : i32
    %swap3A_724 = arith.index_cast %swap3A_723 : i32 to index
    %swap3A_725 = arith.constant 144 : index
    %swap3A_726 = tpu.vector_load %arg9[%swap3A_724, %swap3A_725] {strides = array<i32>} : memref<4x256xf32, #tpu.memory_space<vmem>>, vector<1x16xf32>,
    %swap3A_727 = vector.shape_cast %swap3A_726 : vector<1x16xf32> to vector<16xf32>
    %swap3A_728 = vector.shape_cast %get3A_722 : vector<16xf32> to vector<1x16xf32>
    tpu.vector_store %arg9[%swap3A_724, %swap3A_725], %swap3A_728 {strides = array<i32>} : memref<4x256xf32, #tpu.memory_space<vmem>>, vector<1x16xf32>,
    %get3A_729 = arith.constant 299 : i32
    %get3A_730 = arith.index_cast %get3A_729 : i32 to index
    %get3A_731 = arith.constant 160 : index
    %get3A_732 = tpu.vector_load %arg8[%get3A_730, %get3A_731] {strides = array<i32>} : memref<304x256xf32, #tpu.memory_space<vmem>>, vector<1x16xf32>,
    %get3A_733 = vector.shape_cast %get3A_732 : vector<1x16xf32> to vector<16xf32>
    %swap3A_734 = arith.constant 3 : i32
    %swap3A_735 = arith.index_cast %swap3A_734 : i32 to index
    %swap3A_736 = arith.constant 160 : index
    %swap3A_737 = tpu.vector_load %arg9[%swap3A_735, %swap3A_736] {strides = array<i32>} : memref<4x256xf32, #tpu.memory_space<vmem>>, vector<1x16xf32>,
    %swap3A_738 = vector.shape_cast %swap3A_737 : vector<1x16xf32> to vector<16xf32>
    %swap3A_739 = vector.shape_cast %get3A_733 : vector<16xf32> to vector<1x16xf32>
    tpu.vector_store %arg9[%swap3A_735, %swap3A_736], %swap3A_739 {strides = array<i32>} : memref<4x256xf32, #tpu.memory_space<vmem>>, vector<1x16xf32>,
    %get3A_740 = arith.constant 299 : i32
    %get3A_741 = arith.index_cast %get3A_740 : i32 to index
    %get3A_742 = arith.constant 176 : index
    %get3A_743 = tpu.vector_load %arg8[%get3A_741, %get3A_742] {strides = array<i32>} : memref<304x256xf32, #tpu.memory_space<vmem>>, vector<1x16xf32>,
    %get3A_744 = vector.shape_cast %get3A_743 : vector<1x16xf32> to vector<16xf32>
    %swap3A_745 = arith.constant 3 : i32
    %swap3A_746 = arith.index_cast %swap3A_745 : i32 to index
    %swap3A_747 = arith.constant 176 : index
    %swap3A_748 = tpu.vector_load %arg9[%swap3A_746, %swap3A_747] {strides = array<i32>} : memref<4x256xf32, #tpu.memory_space<vmem>>, vector<1x16xf32>,
    %swap3A_749 = vector.shape_cast %swap3A_748 : vector<1x16xf32> to vector<16xf32>
    %swap3A_750 = vector.shape_cast %get3A_744 : vector<16xf32> to vector<1x16xf32>
    tpu.vector_store %arg9[%swap3A_746, %swap3A_747], %swap3A_750 {strides = array<i32>} : memref<4x256xf32, #tpu.memory_space<vmem>>, vector<1x16xf32>,
    %get3A_751 = arith.constant 299 : i32
    %get3A_752 = arith.index_cast %get3A_751 : i32 to index
    %get3A_753 = arith.constant 192 : index
    %get3A_754 = tpu.vector_load %arg8[%get3A_752, %get3A_753] {strides = array<i32>} : memref<304x256xf32, #tpu.memory_space<vmem>>, vector<1x16xf32>,
    %get3A_755 = vector.shape_cast %get3A_754 : vector<1x16xf32> to vector<16xf32>
    %swap3A_756 = arith.constant 3 : i32
    %swap3A_757 = arith.index_cast %swap3A_756 : i32 to index
    %swap3A_758 = arith.constant 192 : index
    %swap3A_759 = tpu.vector_load %arg9[%swap3A_757, %swap3A_758] {strides = array<i32>} : memref<4x256xf32, #tpu.memory_space<vmem>>, vector<1x16xf32>,
    %swap3A_760 = vector.shape_cast %swap3A_759 : vector<1x16xf32> to vector<16xf32>
    %swap3A_761 = vector.shape_cast %get3A_755 : vector<16xf32> to vector<1x16xf32>
    tpu.vector_store %arg9[%swap3A_757, %swap3A_758], %swap3A_761 {strides = array<i32>} : memref<4x256xf32, #tpu.memory_space<vmem>>, vector<1x16xf32>,
    %get3A_762 = arith.constant 299 : i32
    %get3A_763 = arith.index_cast %get3A_762 : i32 to index
    %get3A_764 = arith.constant 208 : index
    %get3A_765 = tpu.vector_load %arg8[%get3A_763, %get3A_764] {strides = array<i32>} : memref<304x256xf32, #tpu.memory_space<vmem>>, vector<1x16xf32>,
    %get3A_766 = vector.shape_cast %get3A_765 : vector<1x16xf32> to vector<16xf32>
    %swap3A_767 = arith.constant 3 : i32
    %swap3A_768 = arith.index_cast %swap3A_767 : i32 to index
    %swap3A_769 = arith.constant 208 : index
    %swap3A_770 = tpu.vector_load %arg9[%swap3A_768, %swap3A_769] {strides = array<i32>} : memref<4x256xf32, #tpu.memory_space<vmem>>, vector<1x16xf32>,
    %swap3A_771 = vector.shape_cast %swap3A_770 : vector<1x16xf32> to vector<16xf32>
    %swap3A_772 = vector.shape_cast %get3A_766 : vector<16xf32> to vector<1x16xf32>
    tpu.vector_store %arg9[%swap3A_768, %swap3A_769], %swap3A_772 {strides = array<i32>} : memref<4x256xf32, #tpu.memory_space<vmem>>, vector<1x16xf32>,
    %get3A_773 = arith.constant 299 : i32
    %get3A_774 = arith.index_cast %get3A_773 : i32 to index
    %get3A_775 = arith.constant 224 : index
    %get3A_776 = tpu.vector_load %arg8[%get3A_774, %get3A_775] {strides = array<i32>} : memref<304x256xf32, #tpu.memory_space<vmem>>, vector<1x16xf32>,
    %get3A_777 = vector.shape_cast %get3A_776 : vector<1x16xf32> to vector<16xf32>
    %swap3A_778 = arith.constant 3 : i32
    %swap3A_779 = arith.index_cast %swap3A_778 : i32 to index
    %swap3A_780 = arith.constant 224 : index
    %swap3A_781 = tpu.vector_load %arg9[%swap3A_779, %swap3A_780] {strides = array<i32>} : memref<4x256xf32, #tpu.memory_space<vmem>>, vector<1x16xf32>,
    %swap3A_782 = vector.shape_cast %swap3A_781 : vector<1x16xf32> to vector<16xf32>
    %swap3A_783 = vector.shape_cast %get3A_777 : vector<16xf32> to vector<1x16xf32>
    tpu.vector_store %arg9[%swap3A_779, %swap3A_780], %swap3A_783 {strides = array<i32>} : memref<4x256xf32, #tpu.memory_space<vmem>>, vector<1x16xf32>,
    %get3A_784 = arith.constant 299 : i32
    %get3A_785 = arith.index_cast %get3A_784 : i32 to index
    %get3A_786 = arith.constant 240 : index
    %get3A_787 = tpu.vector_load %arg8[%get3A_785, %get3A_786] {strides = array<i32>} : memref<304x256xf32, #tpu.memory_space<vmem>>, vector<1x16xf32>,
    %get3A_788 = vector.shape_cast %get3A_787 : vector<1x16xf32> to vector<16xf32>
    %swap3A_789 = arith.constant 3 : i32
    %swap3A_790 = arith.index_cast %swap3A_789 : i32 to index
    %swap3A_791 = arith.constant 240 : index
    %swap3A_792 = tpu.vector_load %arg9[%swap3A_790, %swap3A_791] {strides = array<i32>} : memref<4x256xf32, #tpu.memory_space<vmem>>, vector<1x16xf32>,
    %swap3A_793 = vector.shape_cast %swap3A_792 : vector<1x16xf32> to vector<16xf32>
    %swap3A_794 = vector.shape_cast %get3A_788 : vector<16xf32> to vector<1x16xf32>
    tpu.vector_store %arg9[%swap3A_790, %swap3A_791], %swap3A_794 {strides = array<i32>} : memref<4x256xf32, #tpu.memory_space<vmem>>, vector<1x16xf32>,
    %dma_start3A_795 = arith.constant 896 : i32
    %dma_start3A_796 = arith.constant 0 : i32
    %dma_start3A_797 = tpu.memref_slice %arg5[%add3A_6, %dma_start3A_795, %dma_start3A_796] : memref<64x900x256xf32, #tpu.memory_space<hbm>> -> memref<1x4x256xf32, #tpu.memory_space<hbm>>
    %dma_start3A_798 = tpu.memref_squeeze %dma_start3A_797 : memref<1x4x256xf32, #tpu.memory_space<hbm>> -> memref<4x256xf32, #tpu.memory_space<hbm>>
    %dma_start3A_799 = arith.constant 896 : i32
    %dma_start3A_800 = arith.constant 0 : i32
    %dma_start3A_801 = tpu.memref_slice %arg5[%add3A_6, %dma_start3A_799, %dma_start3A_800] : memref<64x900x256xf32, #tpu.memory_space<hbm>> -> memref<1x4x256xf32, #tpu.memory_space<hbm>>
    %dma_start3A_802 = tpu.memref_squeeze %dma_start3A_801 : memref<1x4x256xf32, #tpu.memory_space<hbm>> -> memref<4x256xf32, #tpu.memory_space<hbm>>
    tpu.enqueue_dma source(%arg9 : memref<4x256xf32, #tpu.memory_space<vmem>>) target(%dma_start3A_802 : memref<4x256xf32, #tpu.memory_space<hbm>>) target_semaphore(%arg12 : memref<!tpu.dma_semaphore, #tpu.memory_space<semaphore_mem>>)
    %dma_wait3A_803 = arith.constant 0 : i32
    %dma_wait3A_804 = arith.constant 0 : i32
    %dma_wait3A_805 = tpu.memref_slice %arg8[%dma_wait3A_803, %dma_wait3A_804] : memref<304x256xf32, #tpu.memory_space<vmem>> -> memref<296x256xf32, #tpu.memory_space<vmem>>
    %dma_wait3A_806 = arith.constant 600 : i32
    %dma_wait3A_807 = arith.constant 0 : i32
    %dma_wait3A_808 = tpu.memref_slice %arg5[%add3A_6, %dma_wait3A_806, %dma_wait3A_807] : memref<64x900x256xf32, #tpu.memory_space<hbm>> -> memref<1x296x256xf32, #tpu.memory_space<hbm>>
    %dma_wait3A_809 = tpu.memref_squeeze %dma_wait3A_808 : memref<1x296x256xf32, #tpu.memory_space<hbm>> -> memref<296x256xf32, #tpu.memory_space<hbm>>
    %dma_wait3A_810 = arith.constant 600 : i32
    %dma_wait3A_811 = arith.constant 0 : i32
    %dma_wait3A_812 = tpu.memref_slice %arg5[%add3A_6, %dma_wait3A_810, %dma_wait3A_811] : memref<64x900x256xf32, #tpu.memory_space<hbm>> -> memref<1x296x256xf32, #tpu.memory_space<hbm>>
    %dma_wait3A_813 = tpu.memref_squeeze %dma_wait3A_812 : memref<1x296x256xf32, #tpu.memory_space<hbm>> -> memref<296x256xf32, #tpu.memory_space<hbm>>
    %dma_wait3A_814 = arith.constant 0 : i32
    %dma_wait3A_815 = arith.constant 0 : i32
    %dma_wait3A_816 = tpu.memref_slice %arg8[%dma_wait3A_814, %dma_wait3A_815] : memref<304x256xf32, #tpu.memory_space<vmem>> -> memref<296x256xf32, #tpu.memory_space<vmem>>
    tpu.wait_dma2 semaphore(%arg12 : memref<!tpu.dma_semaphore, #tpu.memory_space<semaphore_mem>>) src(%dma_wait3A_816 : memref<296x256xf32, #tpu.memory_space<vmem>>) dst(%dma_wait3A_813 : memref<296x256xf32, #tpu.memory_space<hbm>>)
    %dma_wait3A_817 = arith.constant 896 : i32
    %dma_wait3A_818 = arith.constant 0 : i32
    %dma_wait3A_819 = tpu.memref_slice %arg5[%add3A_6, %dma_wait3A_817, %dma_wait3A_818] : memref<64x900x256xf32, #tpu.memory_space<hbm>> -> memref<1x4x256xf32, #tpu.memory_space<hbm>>
    %dma_wait3A_820 = tpu.memref_squeeze %dma_wait3A_819 : memref<1x4x256xf32, #tpu.memory_space<hbm>> -> memref<4x256xf32, #tpu.memory_space<hbm>>
    %dma_wait3A_821 = arith.constant 896 : i32
    %dma_wait3A_822 = arith.constant 0 : i32
    %dma_wait3A_823 = tpu.memref_slice %arg5[%add3A_6, %dma_wait3A_821, %dma_wait3A_822] : memref<64x900x256xf32, #tpu.memory_space<hbm>> -> memref<1x4x256xf32, #tpu.memory_space<hbm>>
    %dma_wait3A_824 = tpu.memref_squeeze %dma_wait3A_823 : memref<1x4x256xf32, #tpu.memory_space<hbm>> -> memref<4x256xf32, #tpu.memory_space<hbm>>
    tpu.wait_dma2 semaphore(%arg12 : memref<!tpu.dma_semaphore, #tpu.memory_space<semaphore_mem>>) src(%arg9 : memref<4x256xf32, #tpu.memory_space<vmem>>) dst(%dma_wait3A_824 : memref<4x256xf32, #tpu.memory_space<hbm>>)
    %dma_wait3A_825 = arith.constant 0 : i32
    %dma_wait3A_826 = tpu.memref_slice %arg11[%dma_wait3A_825] : memref<4864xf32, #tpu.memory_space<vmem>> -> memref<4800xf32, #tpu.memory_space<vmem>>
    %dma_wait3A_827 = tpu.memref_slice %arg6[%add3A_48] : memref<921600xf32, #tpu.memory_space<hbm>> -> memref<4800xf32, #tpu.memory_space<hbm>>
    %dma_wait3A_828 = tpu.memref_slice %arg6[%add3A_48] : memref<921600xf32, #tpu.memory_space<hbm>> -> memref<4800xf32, #tpu.memory_space<hbm>>
    %dma_wait3A_829 = arith.constant 0 : i32
    %dma_wait3A_830 = tpu.memref_slice %arg11[%dma_wait3A_829] : memref<4864xf32, #tpu.memory_space<vmem>> -> memref<4800xf32, #tpu.memory_space<vmem>>
    tpu.wait_dma2 semaphore(%arg13 : memref<!tpu.dma_semaphore, #tpu.memory_space<semaphore_mem>>) src(%dma_wait3A_830 : memref<4800xf32, #tpu.memory_space<vmem>>) dst(%dma_wait3A_828 : memref<4800xf32, #tpu.memory_space<hbm>>)
    %add3A_831 = arith.constant 1 : i32
    %add3A_832 = arith.addi %mul3A_2, %add3A_831 : i32
    %mul3A_833 = arith.constant 900 : i32
    %mul3A_834 = arith.muli %add3A_832, %mul3A_833 : i32
    %mul3A_835 = arith.constant 900 : i32
    %mul3A_836 = arith.muli %add3A_832, %mul3A_835 : i32
    %mul3A_837 = arith.constant 16 : i32
    %mul3A_838 = arith.muli %mul3A_836, %mul3A_837 : i32
    %dma_start3A_839 = tpu.memref_slice %arg3[%mul3A_838] : memref<921600xf32, #tpu.memory_space<hbm>> -> memref<14400xf32, #tpu.memory_space<hbm>>
    %dma_start3A_840 = tpu.memref_slice %arg3[%mul3A_838] : memref<921600xf32, #tpu.memory_space<hbm>> -> memref<14400xf32, #tpu.memory_space<hbm>>
    tpu.enqueue_dma source(%dma_start3A_840 : memref<14400xf32, #tpu.memory_space<hbm>>) target(%arg10 : memref<14400xf32, #tpu.memory_space<vmem>>) target_semaphore(%arg13 : memref<!tpu.dma_semaphore, #tpu.memory_space<semaphore_mem>>)
    %dma_start3A_841 = arith.constant 0 : i32
    %dma_start3A_842 = arith.constant 0 : i32
    %dma_start3A_843 = tpu.memref_slice %arg8[%dma_start3A_841, %dma_start3A_842] : memref<304x256xf32, #tpu.memory_space<vmem>> -> memref<128x256xf32, #tpu.memory_space<vmem>>
    %dma_start3A_844 = arith.constant 304 : i32
    %dma_start3A_845 = tpu.memref_slice %arg7[%dma_start3A_844] : memref<608xi32, #tpu.memory_space<vmem>> -> memref<128xi32, #tpu.memory_space<vmem>>
    %dma_start3A_846 = arith.constant 0 : i32
    %dma_start3A_847 = arith.constant 0 : i32
    %dma_start3A_848 = tpu.memref_slice %arg2[%dma_start3A_846, %dma_start3A_847] : memref<57600x256xf32, #tpu.memory_space<hbm>> -> memref<57600x256xf32, #tpu.memory_space<hbm>>
    tpu.enqueue_indirect_dma source(%dma_start3A_848 : memref<57600x256xf32, #tpu.memory_space<hbm>>) target(%dma_start3A_843 : memref<128x256xf32, #tpu.memory_space<vmem>>) offsets(%dma_start3A_845 : memref<128xi32, #tpu.memory_space<vmem>>) semaphore(%arg12 : memref<!tpu.dma_semaphore, #tpu.memory_space<semaphore_mem>>)
    %dma_start3A_849 = arith.constant 128 : i32
    %dma_start3A_850 = arith.constant 0 : i32
    %dma_start3A_851 = tpu.memref_slice %arg8[%dma_start3A_849, %dma_start3A_850] : memref<304x256xf32, #tpu.memory_space<vmem>> -> memref<128x256xf32, #tpu.memory_space<vmem>>
    %dma_start3A_852 = arith.constant 432 : i32
    %dma_start3A_853 = tpu.memref_slice %arg7[%dma_start3A_852] : memref<608xi32, #tpu.memory_space<vmem>> -> memref<128xi32, #tpu.memory_space<vmem>>
    %dma_start3A_854 = arith.constant 0 : i32
    %dma_start3A_855 = arith.constant 0 : i32
    %dma_start3A_856 = tpu.memref_slice %arg2[%dma_start3A_854, %dma_start3A_855] : memref<57600x256xf32, #tpu.memory_space<hbm>> -> memref<57600x256xf32, #tpu.memory_space<hbm>>
    tpu.enqueue_indirect_dma source(%dma_start3A_856 : memref<57600x256xf32, #tpu.memory_space<hbm>>) target(%dma_start3A_851 : memref<128x256xf32, #tpu.memory_space<vmem>>) offsets(%dma_start3A_853 : memref<128xi32, #tpu.memory_space<vmem>>) semaphore(%arg12 : memref<!tpu.dma_semaphore, #tpu.memory_space<semaphore_mem>>)
    %dma_start3A_857 = arith.constant 256 : i32
    %dma_start3A_858 = arith.constant 0 : i32
    %dma_start3A_859 = tpu.memref_slice %arg8[%dma_start3A_857, %dma_start3A_858] : memref<304x256xf32, #tpu.memory_space<vmem>> -> memref<48x256xf32, #tpu.memory_space<vmem>>
    %dma_start3A_860 = arith.constant 560 : i32
    %dma_start3A_861 = tpu.memref_slice %arg7[%dma_start3A_860] : memref<608xi32, #tpu.memory_space<vmem>> -> memref<48xi32, #tpu.memory_space<vmem>>
    %dma_start3A_862 = arith.constant 0 : i32
    %dma_start3A_863 = arith.constant 0 : i32
    %dma_start3A_864 = tpu.memref_slice %arg2[%dma_start3A_862, %dma_start3A_863] : memref<57600x256xf32, #tpu.memory_space<hbm>> -> memref<57600x256xf32, #tpu.memory_space<hbm>>
    tpu.enqueue_indirect_dma source(%dma_start3A_864 : memref<57600x256xf32, #tpu.memory_space<hbm>>) target(%dma_start3A_859 : memref<48x256xf32, #tpu.memory_space<vmem>>) offsets(%dma_start3A_861 : memref<48xi32, #tpu.memory_space<vmem>>) semaphore(%arg12 : memref<!tpu.dma_semaphore, #tpu.memory_space<semaphore_mem>>)
    %dma_wait3A_865 = tpu.memref_slice %arg3[%mul3A_838] : memref<921600xf32, #tpu.memory_space<hbm>> -> memref<14400xf32, #tpu.memory_space<hbm>>
    %dma_wait3A_866 = tpu.memref_slice %arg3[%mul3A_838] : memref<921600xf32, #tpu.memory_space<hbm>> -> memref<14400xf32, #tpu.memory_space<hbm>>
    tpu.wait_dma2 semaphore(%arg13 : memref<!tpu.dma_semaphore, #tpu.memory_space<semaphore_mem>>) src(%dma_wait3A_866 : memref<14400xf32, #tpu.memory_space<hbm>>) dst(%arg10 : memref<14400xf32, #tpu.memory_space<vmem>>)
    %scan3A_867 = arith.constant 0 : i32
    %scan3A_868 = arith.constant 0 : i32
    %scan3A_869 = arith.constant 19 : i32
    %scan3A_870 = arith.addi %scan3A_868, %scan3A_869 : i32
    %scan3A_871 = arith.constant 1 : i32
    %scan3A_872 = scf.for %scan3A_1662 = %scan3A_868 to %scan3A_870 step %scan3A_871 iter_args(%scan3A_1663 = %scan3A_867) -> (i32)  : i32 {
      %mul3A_1664 = arith.constant 16 : i32
      %mul3A_1665 = arith.muli %scan3A_1662, %mul3A_1664 : i32
      %add3A_1666 = arith.constant 304 : i32
      %add3A_1667 = arith.addi %add3A_1666, %mul3A_1665 : i32
      %get3A_1668 = arith.index_cast %add3A_1667 : i32 to index
      %get3A_1669 = tpu.vector_load %arg7[%get3A_1668] {strides = array<i32>} : memref<608xi32, #tpu.memory_space<vmem>>, vector<16xi32>,
      %get3A_1670 = vector.shape_cast %get3A_1669 : vector<16xi32> to vector<16xi32>
      %sub3A = vector.broadcast %mul3A_834 : i32 to vector<16xi32>
      %sub3A_1671 = arith.subi %get3A_1670, %sub3A : vector<16xi32>
      %mul3A_1672 = arith.constant 16 : i32
      %mul3A_1673 = vector.broadcast %mul3A_1672 : i32 to vector<16xi32>
      %mul3A_1674 = arith.muli %sub3A_1671, %mul3A_1673 : vector<16xi32>
      %slice3A = vector.extract_strided_slice %mul3A_1674 {offsets = [0], sizes = [1], strides = [1]} : vector<16xi32> to vector<1xi32>
      %squeeze3A = vector.extract %slice3A[0] : i32 from vector<1xi32>
      %multiple_of3A = tpu.assume_multiple %squeeze3A, 16 : i32
      %get3A_1675 = arith.index_cast %multiple_of3A : i32 to index
      %get3A_1676 = tpu.vector_load %arg10[%get3A_1675] {strides = array<i32>} : memref<14400xf32, #tpu.memory_space<vmem>>, vector<16xf32>,
      %get3A_1677 = vector.shape_cast %get3A_1676 : vector<16xf32> to vector<16xf32>
      %mul3A_1678 = arith.constant 16 : i32
      %mul3A_1679 = arith.muli %scan3A_1662, %mul3A_1678 : i32
      %add3A_1680 = arith.constant 0 : i32
      %add3A_1681 = arith.addi %mul3A_1679, %add3A_1680 : i32
      %mul3A_1682 = arith.constant 16 : i32
      %mul3A_1683 = arith.muli %add3A_1681, %mul3A_1682 : i32
      %swap3A_1684 = arith.index_cast %mul3A_1683 : i32 to index
      %swap3A_1685 = tpu.vector_load %arg11[%swap3A_1684] {strides = array<i32>} : memref<4864xf32, #tpu.memory_space<vmem>>, vector<16xf32>,
      %swap3A_1686 = vector.shape_cast %swap3A_1685 : vector<16xf32> to vector<16xf32>
      %swap3A_1687 = vector.shape_cast %get3A_1677 : vector<16xf32> to vector<16xf32>
      tpu.vector_store %arg11[%swap3A_1684], %swap3A_1687 {strides = array<i32>} : memref<4864xf32, #tpu.memory_space<vmem>>, vector<16xf32>,
      %slice3A_1688 = vector.extract_strided_slice %mul3A_1674 {offsets = [1], sizes = [1], strides = [1]} : vector<16xi32> to vector<1xi32>
      %squeeze3A_1689 = vector.extract %slice3A_1688[0] : i32 from vector<1xi32>
      %multiple_of3A_1690 = tpu.assume_multiple %squeeze3A_1689, 16 : i32
      %get3A_1691 = arith.index_cast %multiple_of3A_1690 : i32 to index
      %get3A_1692 = tpu.vector_load %arg10[%get3A_1691] {strides = array<i32>} : memref<14400xf32, #tpu.memory_space<vmem>>, vector<16xf32>,
      %get3A_1693 = vector.shape_cast %get3A_1692 : vector<16xf32> to vector<16xf32>
      %mul3A_1694 = arith.constant 16 : i32
      %mul3A_1695 = arith.muli %scan3A_1662, %mul3A_1694 : i32
      %add3A_1696 = arith.constant 1 : i32
      %add3A_1697 = arith.addi %mul3A_1695, %add3A_1696 : i32
      %mul3A_1698 = arith.constant 16 : i32
      %mul3A_1699 = arith.muli %add3A_1697, %mul3A_1698 : i32
      %swap3A_1700 = arith.index_cast %mul3A_1699 : i32 to index
      %swap3A_1701 = tpu.vector_load %arg11[%swap3A_1700] {strides = array<i32>} : memref<4864xf32, #tpu.memory_space<vmem>>, vector<16xf32>,
      %swap3A_1702 = vector.shape_cast %swap3A_1701 : vector<16xf32> to vector<16xf32>
      %swap3A_1703 = vector.shape_cast %get3A_1693 : vector<16xf32> to vector<16xf32>
      tpu.vector_store %arg11[%swap3A_1700], %swap3A_1703 {strides = array<i32>} : memref<4864xf32, #tpu.memory_space<vmem>>, vector<16xf32>,
      %slice3A_1704 = vector.extract_strided_slice %mul3A_1674 {offsets = [2], sizes = [1], strides = [1]} : vector<16xi32> to vector<1xi32>
      %squeeze3A_1705 = vector.extract %slice3A_1704[0] : i32 from vector<1xi32>
      %multiple_of3A_1706 = tpu.assume_multiple %squeeze3A_1705, 16 : i32
      %get3A_1707 = arith.index_cast %multiple_of3A_1706 : i32 to index
      %get3A_1708 = tpu.vector_load %arg10[%get3A_1707] {strides = array<i32>} : memref<14400xf32, #tpu.memory_space<vmem>>, vector<16xf32>,
      %get3A_1709 = vector.shape_cast %get3A_1708 : vector<16xf32> to vector<16xf32>
      %mul3A_1710 = arith.constant 16 : i32
      %mul3A_1711 = arith.muli %scan3A_1662, %mul3A_1710 : i32
      %add3A_1712 = arith.constant 2 : i32
      %add3A_1713 = arith.addi %mul3A_1711, %add3A_1712 : i32
      %mul3A_1714 = arith.constant 16 : i32
      %mul3A_1715 = arith.muli %add3A_1713, %mul3A_1714 : i32
      %swap3A_1716 = arith.index_cast %mul3A_1715 : i32 to index
      %swap3A_1717 = tpu.vector_load %arg11[%swap3A_1716] {strides = array<i32>} : memref<4864xf32, #tpu.memory_space<vmem>>, vector<16xf32>,
      %swap3A_1718 = vector.shape_cast %swap3A_1717 : vector<16xf32> to vector<16xf32>
      %swap3A_1719 = vector.shape_cast %get3A_1709 : vector<16xf32> to vector<16xf32>
      tpu.vector_store %arg11[%swap3A_1716], %swap3A_1719 {strides = array<i32>} : memref<4864xf32, #tpu.memory_space<vmem>>, vector<16xf32>,
      %slice3A_1720 = vector.extract_strided_slice %mul3A_1674 {offsets = [3], sizes = [1], strides = [1]} : vector<16xi32> to vector<1xi32>
      %squeeze3A_1721 = vector.extract %slice3A_1720[0] : i32 from vector<1xi32>
      %multiple_of3A_1722 = tpu.assume_multiple %squeeze3A_1721, 16 : i32
      %get3A_1723 = arith.index_cast %multiple_of3A_1722 : i32 to index
      %get3A_1724 = tpu.vector_load %arg10[%get3A_1723] {strides = array<i32>} : memref<14400xf32, #tpu.memory_space<vmem>>, vector<16xf32>,
      %get3A_1725 = vector.shape_cast %get3A_1724 : vector<16xf32> to vector<16xf32>
      %mul3A_1726 = arith.constant 16 : i32
      %mul3A_1727 = arith.muli %scan3A_1662, %mul3A_1726 : i32
      %add3A_1728 = arith.constant 3 : i32
      %add3A_1729 = arith.addi %mul3A_1727, %add3A_1728 : i32
      %mul3A_1730 = arith.constant 16 : i32
      %mul3A_1731 = arith.muli %add3A_1729, %mul3A_1730 : i32
      %swap3A_1732 = arith.index_cast %mul3A_1731 : i32 to index
      %swap3A_1733 = tpu.vector_load %arg11[%swap3A_1732] {strides = array<i32>} : memref<4864xf32, #tpu.memory_space<vmem>>, vector<16xf32>,
      %swap3A_1734 = vector.shape_cast %swap3A_1733 : vector<16xf32> to vector<16xf32>
      %swap3A_1735 = vector.shape_cast %get3A_1725 : vector<16xf32> to vector<16xf32>
      tpu.vector_store %arg11[%swap3A_1732], %swap3A_1735 {strides = array<i32>} : memref<4864xf32, #tpu.memory_space<vmem>>, vector<16xf32>,
      %slice3A_1736 = vector.extract_strided_slice %mul3A_1674 {offsets = [4], sizes = [1], strides = [1]} : vector<16xi32> to vector<1xi32>
      %squeeze3A_1737 = vector.extract %slice3A_1736[0] : i32 from vector<1xi32>
      %multiple_of3A_1738 = tpu.assume_multiple %squeeze3A_1737, 16 : i32
      %get3A_1739 = arith.index_cast %multiple_of3A_1738 : i32 to index
      %get3A_1740 = tpu.vector_load %arg10[%get3A_1739] {strides = array<i32>} : memref<14400xf32, #tpu.memory_space<vmem>>, vector<16xf32>,
      %get3A_1741 = vector.shape_cast %get3A_1740 : vector<16xf32> to vector<16xf32>
      %mul3A_1742 = arith.constant 16 : i32
      %mul3A_1743 = arith.muli %scan3A_1662, %mul3A_1742 : i32
      %add3A_1744 = arith.constant 4 : i32
      %add3A_1745 = arith.addi %mul3A_1743, %add3A_1744 : i32
      %mul3A_1746 = arith.constant 16 : i32
      %mul3A_1747 = arith.muli %add3A_1745, %mul3A_1746 : i32
      %swap3A_1748 = arith.index_cast %mul3A_1747 : i32 to index
      %swap3A_1749 = tpu.vector_load %arg11[%swap3A_1748] {strides = array<i32>} : memref<4864xf32, #tpu.memory_space<vmem>>, vector<16xf32>,
      %swap3A_1750 = vector.shape_cast %swap3A_1749 : vector<16xf32> to vector<16xf32>
      %swap3A_1751 = vector.shape_cast %get3A_1741 : vector<16xf32> to vector<16xf32>
      tpu.vector_store %arg11[%swap3A_1748], %swap3A_1751 {strides = array<i32>} : memref<4864xf32, #tpu.memory_space<vmem>>, vector<16xf32>,
      %slice3A_1752 = vector.extract_strided_slice %mul3A_1674 {offsets = [5], sizes = [1], strides = [1]} : vector<16xi32> to vector<1xi32>
      %squeeze3A_1753 = vector.extract %slice3A_1752[0] : i32 from vector<1xi32>
      %multiple_of3A_1754 = tpu.assume_multiple %squeeze3A_1753, 16 : i32
      %get3A_1755 = arith.index_cast %multiple_of3A_1754 : i32 to index
      %get3A_1756 = tpu.vector_load %arg10[%get3A_1755] {strides = array<i32>} : memref<14400xf32, #tpu.memory_space<vmem>>, vector<16xf32>,
      %get3A_1757 = vector.shape_cast %get3A_1756 : vector<16xf32> to vector<16xf32>
      %mul3A_1758 = arith.constant 16 : i32
      %mul3A_1759 = arith.muli %scan3A_1662, %mul3A_1758 : i32
      %add3A_1760 = arith.constant 5 : i32
      %add3A_1761 = arith.addi %mul3A_1759, %add3A_1760 : i32
      %mul3A_1762 = arith.constant 16 : i32
      %mul3A_1763 = arith.muli %add3A_1761, %mul3A_1762 : i32
      %swap3A_1764 = arith.index_cast %mul3A_1763 : i32 to index
      %swap3A_1765 = tpu.vector_load %arg11[%swap3A_1764] {strides = array<i32>} : memref<4864xf32, #tpu.memory_space<vmem>>, vector<16xf32>,
      %swap3A_1766 = vector.shape_cast %swap3A_1765 : vector<16xf32> to vector<16xf32>
      %swap3A_1767 = vector.shape_cast %get3A_1757 : vector<16xf32> to vector<16xf32>
      tpu.vector_store %arg11[%swap3A_1764], %swap3A_1767 {strides = array<i32>} : memref<4864xf32, #tpu.memory_space<vmem>>, vector<16xf32>,
      %slice3A_1768 = vector.extract_strided_slice %mul3A_1674 {offsets = [6], sizes = [1], strides = [1]} : vector<16xi32> to vector<1xi32>
      %squeeze3A_1769 = vector.extract %slice3A_1768[0] : i32 from vector<1xi32>
      %multiple_of3A_1770 = tpu.assume_multiple %squeeze3A_1769, 16 : i32
      %get3A_1771 = arith.index_cast %multiple_of3A_1770 : i32 to index
      %get3A_1772 = tpu.vector_load %arg10[%get3A_1771] {strides = array<i32>} : memref<14400xf32, #tpu.memory_space<vmem>>, vector<16xf32>,
      %get3A_1773 = vector.shape_cast %get3A_1772 : vector<16xf32> to vector<16xf32>
      %mul3A_1774 = arith.constant 16 : i32
      %mul3A_1775 = arith.muli %scan3A_1662, %mul3A_1774 : i32
      %add3A_1776 = arith.constant 6 : i32
      %add3A_1777 = arith.addi %mul3A_1775, %add3A_1776 : i32
      %mul3A_1778 = arith.constant 16 : i32
      %mul3A_1779 = arith.muli %add3A_1777, %mul3A_1778 : i32
      %swap3A_1780 = arith.index_cast %mul3A_1779 : i32 to index
      %swap3A_1781 = tpu.vector_load %arg11[%swap3A_1780] {strides = array<i32>} : memref<4864xf32, #tpu.memory_space<vmem>>, vector<16xf32>,
      %swap3A_1782 = vector.shape_cast %swap3A_1781 : vector<16xf32> to vector<16xf32>
      %swap3A_1783 = vector.shape_cast %get3A_1773 : vector<16xf32> to vector<16xf32>
      tpu.vector_store %arg11[%swap3A_1780], %swap3A_1783 {strides = array<i32>} : memref<4864xf32, #tpu.memory_space<vmem>>, vector<16xf32>,
      %slice3A_1784 = vector.extract_strided_slice %mul3A_1674 {offsets = [7], sizes = [1], strides = [1]} : vector<16xi32> to vector<1xi32>
      %squeeze3A_1785 = vector.extract %slice3A_1784[0] : i32 from vector<1xi32>
      %multiple_of3A_1786 = tpu.assume_multiple %squeeze3A_1785, 16 : i32
      %get3A_1787 = arith.index_cast %multiple_of3A_1786 : i32 to index
      %get3A_1788 = tpu.vector_load %arg10[%get3A_1787] {strides = array<i32>} : memref<14400xf32, #tpu.memory_space<vmem>>, vector<16xf32>,
      %get3A_1789 = vector.shape_cast %get3A_1788 : vector<16xf32> to vector<16xf32>
      %mul3A_1790 = arith.constant 16 : i32
      %mul3A_1791 = arith.muli %scan3A_1662, %mul3A_1790 : i32
      %add3A_1792 = arith.constant 7 : i32
      %add3A_1793 = arith.addi %mul3A_1791, %add3A_1792 : i32
      %mul3A_1794 = arith.constant 16 : i32
      %mul3A_1795 = arith.muli %add3A_1793, %mul3A_1794 : i32
      %swap3A_1796 = arith.index_cast %mul3A_1795 : i32 to index
      %swap3A_1797 = tpu.vector_load %arg11[%swap3A_1796] {strides = array<i32>} : memref<4864xf32, #tpu.memory_space<vmem>>, vector<16xf32>,
      %swap3A_1798 = vector.shape_cast %swap3A_1797 : vector<16xf32> to vector<16xf32>
      %swap3A_1799 = vector.shape_cast %get3A_1789 : vector<16xf32> to vector<16xf32>
      tpu.vector_store %arg11[%swap3A_1796], %swap3A_1799 {strides = array<i32>} : memref<4864xf32, #tpu.memory_space<vmem>>, vector<16xf32>,
      %slice3A_1800 = vector.extract_strided_slice %mul3A_1674 {offsets = [8], sizes = [1], strides = [1]} : vector<16xi32> to vector<1xi32>
      %squeeze3A_1801 = vector.extract %slice3A_1800[0] : i32 from vector<1xi32>
      %multiple_of3A_1802 = tpu.assume_multiple %squeeze3A_1801, 16 : i32
      %get3A_1803 = arith.index_cast %multiple_of3A_1802 : i32 to index
      %get3A_1804 = tpu.vector_load %arg10[%get3A_1803] {strides = array<i32>} : memref<14400xf32, #tpu.memory_space<vmem>>, vector<16xf32>,
      %get3A_1805 = vector.shape_cast %get3A_1804 : vector<16xf32> to vector<16xf32>
      %mul3A_1806 = arith.constant 16 : i32
      %mul3A_1807 = arith.muli %scan3A_1662, %mul3A_1806 : i32
      %add3A_1808 = arith.constant 8 : i32
      %add3A_1809 = arith.addi %mul3A_1807, %add3A_1808 : i32
      %mul3A_1810 = arith.constant 16 : i32
      %mul3A_1811 = arith.muli %add3A_1809, %mul3A_1810 : i32
      %swap3A_1812 = arith.index_cast %mul3A_1811 : i32 to index
      %swap3A_1813 = tpu.vector_load %arg11[%swap3A_1812] {strides = array<i32>} : memref<4864xf32, #tpu.memory_space<vmem>>, vector<16xf32>,
      %swap3A_1814 = vector.shape_cast %swap3A_1813 : vector<16xf32> to vector<16xf32>
      %swap3A_1815 = vector.shape_cast %get3A_1805 : vector<16xf32> to vector<16xf32>
      tpu.vector_store %arg11[%swap3A_1812], %swap3A_1815 {strides = array<i32>} : memref<4864xf32, #tpu.memory_space<vmem>>, vector<16xf32>,
      %slice3A_1816 = vector.extract_strided_slice %mul3A_1674 {offsets = [9], sizes = [1], strides = [1]} : vector<16xi32> to vector<1xi32>
      %squeeze3A_1817 = vector.extract %slice3A_1816[0] : i32 from vector<1xi32>
      %multiple_of3A_1818 = tpu.assume_multiple %squeeze3A_1817, 16 : i32
      %get3A_1819 = arith.index_cast %multiple_of3A_1818 : i32 to index
      %get3A_1820 = tpu.vector_load %arg10[%get3A_1819] {strides = array<i32>} : memref<14400xf32, #tpu.memory_space<vmem>>, vector<16xf32>,
      %get3A_1821 = vector.shape_cast %get3A_1820 : vector<16xf32> to vector<16xf32>
      %mul3A_1822 = arith.constant 16 : i32
      %mul3A_1823 = arith.muli %scan3A_1662, %mul3A_1822 : i32
      %add3A_1824 = arith.constant 9 : i32
      %add3A_1825 = arith.addi %mul3A_1823, %add3A_1824 : i32
      %mul3A_1826 = arith.constant 16 : i32
      %mul3A_1827 = arith.muli %add3A_1825, %mul3A_1826 : i32
      %swap3A_1828 = arith.index_cast %mul3A_1827 : i32 to index
      %swap3A_1829 = tpu.vector_load %arg11[%swap3A_1828] {strides = array<i32>} : memref<4864xf32, #tpu.memory_space<vmem>>, vector<16xf32>,
      %swap3A_1830 = vector.shape_cast %swap3A_1829 : vector<16xf32> to vector<16xf32>
      %swap3A_1831 = vector.shape_cast %get3A_1821 : vector<16xf32> to vector<16xf32>
      tpu.vector_store %arg11[%swap3A_1828], %swap3A_1831 {strides = array<i32>} : memref<4864xf32, #tpu.memory_space<vmem>>, vector<16xf32>,
      %slice3A_1832 = vector.extract_strided_slice %mul3A_1674 {offsets = [10], sizes = [1], strides = [1]} : vector<16xi32> to vector<1xi32>
      %squeeze3A_1833 = vector.extract %slice3A_1832[0] : i32 from vector<1xi32>
      %multiple_of3A_1834 = tpu.assume_multiple %squeeze3A_1833, 16 : i32
      %get3A_1835 = arith.index_cast %multiple_of3A_1834 : i32 to index
      %get3A_1836 = tpu.vector_load %arg10[%get3A_1835] {strides = array<i32>} : memref<14400xf32, #tpu.memory_space<vmem>>, vector<16xf32>,
      %get3A_1837 = vector.shape_cast %get3A_1836 : vector<16xf32> to vector<16xf32>
      %mul3A_1838 = arith.constant 16 : i32
      %mul3A_1839 = arith.muli %scan3A_1662, %mul3A_1838 : i32
      %add3A_1840 = arith.constant 10 : i32
      %add3A_1841 = arith.addi %mul3A_1839, %add3A_1840 : i32
      %mul3A_1842 = arith.constant 16 : i32
      %mul3A_1843 = arith.muli %add3A_1841, %mul3A_1842 : i32
      %swap3A_1844 = arith.index_cast %mul3A_1843 : i32 to index
      %swap3A_1845 = tpu.vector_load %arg11[%swap3A_1844] {strides = array<i32>} : memref<4864xf32, #tpu.memory_space<vmem>>, vector<16xf32>,
      %swap3A_1846 = vector.shape_cast %swap3A_1845 : vector<16xf32> to vector<16xf32>
      %swap3A_1847 = vector.shape_cast %get3A_1837 : vector<16xf32> to vector<16xf32>
      tpu.vector_store %arg11[%swap3A_1844], %swap3A_1847 {strides = array<i32>} : memref<4864xf32, #tpu.memory_space<vmem>>, vector<16xf32>,
      %slice3A_1848 = vector.extract_strided_slice %mul3A_1674 {offsets = [11], sizes = [1], strides = [1]} : vector<16xi32> to vector<1xi32>
      %squeeze3A_1849 = vector.extract %slice3A_1848[0] : i32 from vector<1xi32>
      %multiple_of3A_1850 = tpu.assume_multiple %squeeze3A_1849, 16 : i32
      %get3A_1851 = arith.index_cast %multiple_of3A_1850 : i32 to index
      %get3A_1852 = tpu.vector_load %arg10[%get3A_1851] {strides = array<i32>} : memref<14400xf32, #tpu.memory_space<vmem>>, vector<16xf32>,
      %get3A_1853 = vector.shape_cast %get3A_1852 : vector<16xf32> to vector<16xf32>
      %mul3A_1854 = arith.constant 16 : i32
      %mul3A_1855 = arith.muli %scan3A_1662, %mul3A_1854 : i32
      %add3A_1856 = arith.constant 11 : i32
      %add3A_1857 = arith.addi %mul3A_1855, %add3A_1856 : i32
      %mul3A_1858 = arith.constant 16 : i32
      %mul3A_1859 = arith.muli %add3A_1857, %mul3A_1858 : i32
      %swap3A_1860 = arith.index_cast %mul3A_1859 : i32 to index
      %swap3A_1861 = tpu.vector_load %arg11[%swap3A_1860] {strides = array<i32>} : memref<4864xf32, #tpu.memory_space<vmem>>, vector<16xf32>,
      %swap3A_1862 = vector.shape_cast %swap3A_1861 : vector<16xf32> to vector<16xf32>
      %swap3A_1863 = vector.shape_cast %get3A_1853 : vector<16xf32> to vector<16xf32>
      tpu.vector_store %arg11[%swap3A_1860], %swap3A_1863 {strides = array<i32>} : memref<4864xf32, #tpu.memory_space<vmem>>, vector<16xf32>,
      %slice3A_1864 = vector.extract_strided_slice %mul3A_1674 {offsets = [12], sizes = [1], strides = [1]} : vector<16xi32> to vector<1xi32>
      %squeeze3A_1865 = vector.extract %slice3A_1864[0] : i32 from vector<1xi32>
      %multiple_of3A_1866 = tpu.assume_multiple %squeeze3A_1865, 16 : i32
      %get3A_1867 = arith.index_cast %multiple_of3A_1866 : i32 to index
      %get3A_1868 = tpu.vector_load %arg10[%get3A_1867] {strides = array<i32>} : memref<14400xf32, #tpu.memory_space<vmem>>, vector<16xf32>,
      %get3A_1869 = vector.shape_cast %get3A_1868 : vector<16xf32> to vector<16xf32>
      %mul3A_1870 = arith.constant 16 : i32
      %mul3A_1871 = arith.muli %scan3A_1662, %mul3A_1870 : i32
      %add3A_1872 = arith.constant 12 : i32
      %add3A_1873 = arith.addi %mul3A_1871, %add3A_1872 : i32
      %mul3A_1874 = arith.constant 16 : i32
      %mul3A_1875 = arith.muli %add3A_1873, %mul3A_1874 : i32
      %swap3A_1876 = arith.index_cast %mul3A_1875 : i32 to index
      %swap3A_1877 = tpu.vector_load %arg11[%swap3A_1876] {strides = array<i32>} : memref<4864xf32, #tpu.memory_space<vmem>>, vector<16xf32>,
      %swap3A_1878 = vector.shape_cast %swap3A_1877 : vector<16xf32> to vector<16xf32>
      %swap3A_1879 = vector.shape_cast %get3A_1869 : vector<16xf32> to vector<16xf32>
      tpu.vector_store %arg11[%swap3A_1876], %swap3A_1879 {strides = array<i32>} : memref<4864xf32, #tpu.memory_space<vmem>>, vector<16xf32>,
      %slice3A_1880 = vector.extract_strided_slice %mul3A_1674 {offsets = [13], sizes = [1], strides = [1]} : vector<16xi32> to vector<1xi32>
      %squeeze3A_1881 = vector.extract %slice3A_1880[0] : i32 from vector<1xi32>
      %multiple_of3A_1882 = tpu.assume_multiple %squeeze3A_1881, 16 : i32
      %get3A_1883 = arith.index_cast %multiple_of3A_1882 : i32 to index
      %get3A_1884 = tpu.vector_load %arg10[%get3A_1883] {strides = array<i32>} : memref<14400xf32, #tpu.memory_space<vmem>>, vector<16xf32>,
      %get3A_1885 = vector.shape_cast %get3A_1884 : vector<16xf32> to vector<16xf32>
      %mul3A_1886 = arith.constant 16 : i32
      %mul3A_1887 = arith.muli %scan3A_1662, %mul3A_1886 : i32
      %add3A_1888 = arith.constant 13 : i32
      %add3A_1889 = arith.addi %mul3A_1887, %add3A_1888 : i32
      %mul3A_1890 = arith.constant 16 : i32
      %mul3A_1891 = arith.muli %add3A_1889, %mul3A_1890 : i32
      %swap3A_1892 = arith.index_cast %mul3A_1891 : i32 to index
      %swap3A_1893 = tpu.vector_load %arg11[%swap3A_1892] {strides = array<i32>} : memref<4864xf32, #tpu.memory_space<vmem>>, vector<16xf32>,
      %swap3A_1894 = vector.shape_cast %swap3A_1893 : vector<16xf32> to vector<16xf32>
      %swap3A_1895 = vector.shape_cast %get3A_1885 : vector<16xf32> to vector<16xf32>
      tpu.vector_store %arg11[%swap3A_1892], %swap3A_1895 {strides = array<i32>} : memref<4864xf32, #tpu.memory_space<vmem>>, vector<16xf32>,
      %slice3A_1896 = vector.extract_strided_slice %mul3A_1674 {offsets = [14], sizes = [1], strides = [1]} : vector<16xi32> to vector<1xi32>
      %squeeze3A_1897 = vector.extract %slice3A_1896[0] : i32 from vector<1xi32>
      %multiple_of3A_1898 = tpu.assume_multiple %squeeze3A_1897, 16 : i32
      %get3A_1899 = arith.index_cast %multiple_of3A_1898 : i32 to index
      %get3A_1900 = tpu.vector_load %arg10[%get3A_1899] {strides = array<i32>} : memref<14400xf32, #tpu.memory_space<vmem>>, vector<16xf32>,
      %get3A_1901 = vector.shape_cast %get3A_1900 : vector<16xf32> to vector<16xf32>
      %mul3A_1902 = arith.constant 16 : i32
      %mul3A_1903 = arith.muli %scan3A_1662, %mul3A_1902 : i32
      %add3A_1904 = arith.constant 14 : i32
      %add3A_1905 = arith.addi %mul3A_1903, %add3A_1904 : i32
      %mul3A_1906 = arith.constant 16 : i32
      %mul3A_1907 = arith.muli %add3A_1905, %mul3A_1906 : i32
      %swap3A_1908 = arith.index_cast %mul3A_1907 : i32 to index
      %swap3A_1909 = tpu.vector_load %arg11[%swap3A_1908] {strides = array<i32>} : memref<4864xf32, #tpu.memory_space<vmem>>, vector<16xf32>,
      %swap3A_1910 = vector.shape_cast %swap3A_1909 : vector<16xf32> to vector<16xf32>
      %swap3A_1911 = vector.shape_cast %get3A_1901 : vector<16xf32> to vector<16xf32>
      tpu.vector_store %arg11[%swap3A_1908], %swap3A_1911 {strides = array<i32>} : memref<4864xf32, #tpu.memory_space<vmem>>, vector<16xf32>,
      %slice3A_1912 = vector.extract_strided_slice %mul3A_1674 {offsets = [15], sizes = [1], strides = [1]} : vector<16xi32> to vector<1xi32>
      %squeeze3A_1913 = vector.extract %slice3A_1912[0] : i32 from vector<1xi32>
      %multiple_of3A_1914 = tpu.assume_multiple %squeeze3A_1913, 16 : i32
      %get3A_1915 = arith.index_cast %multiple_of3A_1914 : i32 to index
      %get3A_1916 = tpu.vector_load %arg10[%get3A_1915] {strides = array<i32>} : memref<14400xf32, #tpu.memory_space<vmem>>, vector<16xf32>,
      %get3A_1917 = vector.shape_cast %get3A_1916 : vector<16xf32> to vector<16xf32>
      %mul3A_1918 = arith.constant 16 : i32
      %mul3A_1919 = arith.muli %scan3A_1662, %mul3A_1918 : i32
      %add3A_1920 = arith.constant 15 : i32
      %add3A_1921 = arith.addi %mul3A_1919, %add3A_1920 : i32
      %mul3A_1922 = arith.constant 16 : i32
      %mul3A_1923 = arith.muli %add3A_1921, %mul3A_1922 : i32
      %swap3A_1924 = arith.index_cast %mul3A_1923 : i32 to index
      %swap3A_1925 = tpu.vector_load %arg11[%swap3A_1924] {strides = array<i32>} : memref<4864xf32, #tpu.memory_space<vmem>>, vector<16xf32>,
      %swap3A_1926 = vector.shape_cast %swap3A_1925 : vector<16xf32> to vector<16xf32>
      %swap3A_1927 = vector.shape_cast %get3A_1917 : vector<16xf32> to vector<16xf32>
      tpu.vector_store %arg11[%swap3A_1924], %swap3A_1927 {strides = array<i32>} : memref<4864xf32, #tpu.memory_space<vmem>>, vector<16xf32>,
      %scan3A_1928 = arith.constant 0 : i32
      scf.yield %scan3A_1928 : i32
    }
    %scan3A_873 = arith.constant 19 : i32
    %mul3A_874 = arith.constant 16 : i32
    %mul3A_875 = arith.muli %mul3A_834, %mul3A_874 : i32
    %add3A_876 = arith.constant 9600 : i32
    %add3A_877 = arith.addi %mul3A_875, %add3A_876 : i32
    %dma_start3A_878 = arith.constant 0 : i32
    %dma_start3A_879 = tpu.memref_slice %arg11[%dma_start3A_878] : memref<4864xf32, #tpu.memory_space<vmem>> -> memref<4800xf32, #tpu.memory_space<vmem>>
    %dma_start3A_880 = tpu.memref_slice %arg6[%add3A_877] : memref<921600xf32, #tpu.memory_space<hbm>> -> memref<4800xf32, #tpu.memory_space<hbm>>
    %dma_start3A_881 = tpu.memref_slice %arg6[%add3A_877] : memref<921600xf32, #tpu.memory_space<hbm>> -> memref<4800xf32, #tpu.memory_space<hbm>>
    %dma_start3A_882 = arith.constant 0 : i32
    %dma_start3A_883 = tpu.memref_slice %arg11[%dma_start3A_882] : memref<4864xf32, #tpu.memory_space<vmem>> -> memref<4800xf32, #tpu.memory_space<vmem>>
    tpu.enqueue_dma source(%dma_start3A_883 : memref<4800xf32, #tpu.memory_space<vmem>>) target(%dma_start3A_881 : memref<4800xf32, #tpu.memory_space<hbm>>) target_semaphore(%arg13 : memref<!tpu.dma_semaphore, #tpu.memory_space<semaphore_mem>>)
    %dma_wait3A_884 = arith.constant 0 : i32
    %dma_wait3A_885 = arith.constant 0 : i32
    %dma_wait3A_886 = tpu.memref_slice %arg8[%dma_wait3A_884, %dma_wait3A_885] : memref<304x256xf32, #tpu.memory_space<vmem>> -> memref<128x256xf32, #tpu.memory_space<vmem>>
    %dma_wait3A_887 = arith.constant 304 : i32
    %dma_wait3A_888 = tpu.memref_slice %arg7[%dma_wait3A_887] : memref<608xi32, #tpu.memory_space<vmem>> -> memref<128xi32, #tpu.memory_space<vmem>>
    %dma_wait3A_889 = arith.constant 0 : i32
    %dma_wait3A_890 = arith.constant 0 : i32
    %dma_wait3A_891 = tpu.memref_slice %arg2[%dma_wait3A_889, %dma_wait3A_890] : memref<57600x256xf32, #tpu.memory_space<hbm>> -> memref<57600x256xf32, #tpu.memory_space<hbm>>
    tpu.wait_indirect_dma semaphore(%arg12 : memref<!tpu.dma_semaphore, #tpu.memory_space<semaphore_mem>>) src(%dma_wait3A_891 : memref<57600x256xf32, #tpu.memory_space<hbm>>) dst(%dma_wait3A_886 : memref<128x256xf32, #tpu.memory_space<vmem>>)
    %dma_wait3A_892 = arith.constant 128 : i32
    %dma_wait3A_893 = arith.constant 0 : i32
    %dma_wait3A_894 = tpu.memref_slice %arg8[%dma_wait3A_892, %dma_wait3A_893] : memref<304x256xf32, #tpu.memory_space<vmem>> -> memref<128x256xf32, #tpu.memory_space<vmem>>
    %dma_wait3A_895 = arith.constant 432 : i32
    %dma_wait3A_896 = tpu.memref_slice %arg7[%dma_wait3A_895] : memref<608xi32, #tpu.memory_space<vmem>> -> memref<128xi32, #tpu.memory_space<vmem>>
    %dma_wait3A_897 = arith.constant 0 : i32
    %dma_wait3A_898 = arith.constant 0 : i32
    %dma_wait3A_899 = tpu.memref_slice %arg2[%dma_wait3A_897, %dma_wait3A_898] : memref<57600x256xf32, #tpu.memory_space<hbm>> -> memref<57600x256xf32, #tpu.memory_space<hbm>>
    tpu.wait_indirect_dma semaphore(%arg12 : memref<!tpu.dma_semaphore, #tpu.memory_space<semaphore_mem>>) src(%dma_wait3A_899 : memref<57600x256xf32, #tpu.memory_space<hbm>>) dst(%dma_wait3A_894 : memref<128x256xf32, #tpu.memory_space<vmem>>)
    %dma_wait3A_900 = arith.constant 256 : i32
    %dma_wait3A_901 = arith.constant 0 : i32
    %dma_wait3A_902 = tpu.memref_slice %arg8[%dma_wait3A_900, %dma_wait3A_901] : memref<304x256xf32, #tpu.memory_space<vmem>> -> memref<48x256xf32, #tpu.memory_space<vmem>>
    %dma_wait3A_903 = arith.constant 560 : i32
    %dma_wait3A_904 = tpu.memref_slice %arg7[%dma_wait3A_903] : memref<608xi32, #tpu.memory_space<vmem>> -> memref<48xi32, #tpu.memory_space<vmem>>
    %dma_wait3A_905 = arith.constant 0 : i32
    %dma_wait3A_906 = arith.constant 0 : i32
    %dma_wait3A_907 = tpu.memref_slice %arg2[%dma_wait3A_905, %dma_wait3A_906] : memref<57600x256xf32, #tpu.memory_space<hbm>> -> memref<57600x256xf32, #tpu.memory_space<hbm>>
    tpu.wait_indirect_dma semaphore(%arg12 : memref<!tpu.dma_semaphore, #tpu.memory_space<semaphore_mem>>) src(%dma_wait3A_907 : memref<57600x256xf32, #tpu.memory_space<hbm>>) dst(%dma_wait3A_902 : memref<48x256xf32, #tpu.memory_space<vmem>>)
    %dma_start3A_908 = arith.constant 0 : i32
    %dma_start3A_909 = arith.constant 0 : i32
    %dma_start3A_910 = tpu.memref_slice %arg8[%dma_start3A_908, %dma_start3A_909] : memref<304x256xf32, #tpu.memory_space<vmem>> -> memref<296x256xf32, #tpu.memory_space<vmem>>
    %dma_start3A_911 = arith.constant 600 : i32
    %dma_start3A_912 = arith.constant 0 : i32
    %dma_start3A_913 = tpu.memref_slice %arg5[%add3A_832, %dma_start3A_911, %dma_start3A_912] : memref<64x900x256xf32, #tpu.memory_space<hbm>> -> memref<1x296x256xf32, #tpu.memory_space<hbm>>
    %dma_start3A_914 = tpu.memref_squeeze %dma_start3A_913 : memref<1x296x256xf32, #tpu.memory_space<hbm>> -> memref<296x256xf32, #tpu.memory_space<hbm>>
    %dma_start3A_915 = arith.constant 600 : i32
    %dma_start3A_916 = arith.constant 0 : i32
    %dma_start3A_917 = tpu.memref_slice %arg5[%add3A_832, %dma_start3A_915, %dma_start3A_916] : memref<64x900x256xf32, #tpu.memory_space<hbm>> -> memref<1x296x256xf32, #tpu.memory_space<hbm>>
    %dma_start3A_918 = tpu.memref_squeeze %dma_start3A_917 : memref<1x296x256xf32, #tpu.memory_space<hbm>> -> memref<296x256xf32, #tpu.memory_space<hbm>>
    %dma_start3A_919 = arith.constant 0 : i32
    %dma_start3A_920 = arith.constant 0 : i32
    %dma_start3A_921 = tpu.memref_slice %arg8[%dma_start3A_919, %dma_start3A_920] : memref<304x256xf32, #tpu.memory_space<vmem>> -> memref<296x256xf32, #tpu.memory_space<vmem>>
    tpu.enqueue_dma source(%dma_start3A_921 : memref<296x256xf32, #tpu.memory_space<vmem>>) target(%dma_start3A_918 : memref<296x256xf32, #tpu.memory_space<hbm>>) target_semaphore(%arg12 : memref<!tpu.dma_semaphore, #tpu.memory_space<semaphore_mem>>)
    %get3A_922 = arith.constant 296 : i32
    %get3A_923 = arith.index_cast %get3A_922 : i32 to index
    %get3A_924 = arith.constant 0 : index
    %get3A_925 = tpu.vector_load %arg8[%get3A_923, %get3A_924] {strides = array<i32>} : memref<304x256xf32, #tpu.memory_space<vmem>>, vector<1x16xf32>,
    %get3A_926 = vector.shape_cast %get3A_925 : vector<1x16xf32> to vector<16xf32>
    %swap3A_927 = arith.constant 0 : i32
    %swap3A_928 = arith.index_cast %swap3A_927 : i32 to index
    %swap3A_929 = arith.constant 0 : index
    %swap3A_930 = tpu.vector_load %arg9[%swap3A_928, %swap3A_929] {strides = array<i32>} : memref<4x256xf32, #tpu.memory_space<vmem>>, vector<1x16xf32>,
    %swap3A_931 = vector.shape_cast %swap3A_930 : vector<1x16xf32> to vector<16xf32>
    %swap3A_932 = vector.shape_cast %get3A_926 : vector<16xf32> to vector<1x16xf32>
    tpu.vector_store %arg9[%swap3A_928, %swap3A_929], %swap3A_932 {strides = array<i32>} : memref<4x256xf32, #tpu.memory_space<vmem>>, vector<1x16xf32>,
    %get3A_933 = arith.constant 296 : i32
    %get3A_934 = arith.index_cast %get3A_933 : i32 to index
    %get3A_935 = arith.constant 16 : index
    %get3A_936 = tpu.vector_load %arg8[%get3A_934, %get3A_935] {strides = array<i32>} : memref<304x256xf32, #tpu.memory_space<vmem>>, vector<1x16xf32>,
    %get3A_937 = vector.shape_cast %get3A_936 : vector<1x16xf32> to vector<16xf32>
    %swap3A_938 = arith.constant 0 : i32
    %swap3A_939 = arith.index_cast %swap3A_938 : i32 to index
    %swap3A_940 = arith.constant 16 : index
    %swap3A_941 = tpu.vector_load %arg9[%swap3A_939, %swap3A_940] {strides = array<i32>} : memref<4x256xf32, #tpu.memory_space<vmem>>, vector<1x16xf32>,
    %swap3A_942 = vector.shape_cast %swap3A_941 : vector<1x16xf32> to vector<16xf32>
    %swap3A_943 = vector.shape_cast %get3A_937 : vector<16xf32> to vector<1x16xf32>
    tpu.vector_store %arg9[%swap3A_939, %swap3A_940], %swap3A_943 {strides = array<i32>} : memref<4x256xf32, #tpu.memory_space<vmem>>, vector<1x16xf32>,
    %get3A_944 = arith.constant 296 : i32
    %get3A_945 = arith.index_cast %get3A_944 : i32 to index
    %get3A_946 = arith.constant 32 : index
    %get3A_947 = tpu.vector_load %arg8[%get3A_945, %get3A_946] {strides = array<i32>} : memref<304x256xf32, #tpu.memory_space<vmem>>, vector<1x16xf32>,
    %get3A_948 = vector.shape_cast %get3A_947 : vector<1x16xf32> to vector<16xf32>
    %swap3A_949 = arith.constant 0 : i32
    %swap3A_950 = arith.index_cast %swap3A_949 : i32 to index
    %swap3A_951 = arith.constant 32 : index
    %swap3A_952 = tpu.vector_load %arg9[%swap3A_950, %swap3A_951] {strides = array<i32>} : memref<4x256xf32, #tpu.memory_space<vmem>>, vector<1x16xf32>,
    %swap3A_953 = vector.shape_cast %swap3A_952 : vector<1x16xf32> to vector<16xf32>
    %swap3A_954 = vector.shape_cast %get3A_948 : vector<16xf32> to vector<1x16xf32>
    tpu.vector_store %arg9[%swap3A_950, %swap3A_951], %swap3A_954 {strides = array<i32>} : memref<4x256xf32, #tpu.memory_space<vmem>>, vector<1x16xf32>,
    %get3A_955 = arith.constant 296 : i32
    %get3A_956 = arith.index_cast %get3A_955 : i32 to index
    %get3A_957 = arith.constant 48 : index
    %get3A_958 = tpu.vector_load %arg8[%get3A_956, %get3A_957] {strides = array<i32>} : memref<304x256xf32, #tpu.memory_space<vmem>>, vector<1x16xf32>,
    %get3A_959 = vector.shape_cast %get3A_958 : vector<1x16xf32> to vector<16xf32>
    %swap3A_960 = arith.constant 0 : i32
    %swap3A_961 = arith.index_cast %swap3A_960 : i32 to index
    %swap3A_962 = arith.constant 48 : index
    %swap3A_963 = tpu.vector_load %arg9[%swap3A_961, %swap3A_962] {strides = array<i32>} : memref<4x256xf32, #tpu.memory_space<vmem>>, vector<1x16xf32>,
    %swap3A_964 = vector.shape_cast %swap3A_963 : vector<1x16xf32> to vector<16xf32>
    %swap3A_965 = vector.shape_cast %get3A_959 : vector<16xf32> to vector<1x16xf32>
    tpu.vector_store %arg9[%swap3A_961, %swap3A_962], %swap3A_965 {strides = array<i32>} : memref<4x256xf32, #tpu.memory_space<vmem>>, vector<1x16xf32>,
    %get3A_966 = arith.constant 296 : i32
    %get3A_967 = arith.index_cast %get3A_966 : i32 to index
    %get3A_968 = arith.constant 64 : index
    %get3A_969 = tpu.vector_load %arg8[%get3A_967, %get3A_968] {strides = array<i32>} : memref<304x256xf32, #tpu.memory_space<vmem>>, vector<1x16xf32>,
    %get3A_970 = vector.shape_cast %get3A_969 : vector<1x16xf32> to vector<16xf32>
    %swap3A_971 = arith.constant 0 : i32
    %swap3A_972 = arith.index_cast %swap3A_971 : i32 to index
    %swap3A_973 = arith.constant 64 : index
    %swap3A_974 = tpu.vector_load %arg9[%swap3A_972, %swap3A_973] {strides = array<i32>} : memref<4x256xf32, #tpu.memory_space<vmem>>, vector<1x16xf32>,
    %swap3A_975 = vector.shape_cast %swap3A_974 : vector<1x16xf32> to vector<16xf32>
    %swap3A_976 = vector.shape_cast %get3A_970 : vector<16xf32> to vector<1x16xf32>
    tpu.vector_store %arg9[%swap3A_972, %swap3A_973], %swap3A_976 {strides = array<i32>} : memref<4x256xf32, #tpu.memory_space<vmem>>, vector<1x16xf32>,
    %get3A_977 = arith.constant 296 : i32
    %get3A_978 = arith.index_cast %get3A_977 : i32 to index
    %get3A_979 = arith.constant 80 : index
    %get3A_980 = tpu.vector_load %arg8[%get3A_978, %get3A_979] {strides = array<i32>} : memref<304x256xf32, #tpu.memory_space<vmem>>, vector<1x16xf32>,
    %get3A_981 = vector.shape_cast %get3A_980 : vector<1x16xf32> to vector<16xf32>
    %swap3A_982 = arith.constant 0 : i32
    %swap3A_983 = arith.index_cast %swap3A_982 : i32 to index
    %swap3A_984 = arith.constant 80 : index
    %swap3A_985 = tpu.vector_load %arg9[%swap3A_983, %swap3A_984] {strides = array<i32>} : memref<4x256xf32, #tpu.memory_space<vmem>>, vector<1x16xf32>,
    %swap3A_986 = vector.shape_cast %swap3A_985 : vector<1x16xf32> to vector<16xf32>
    %swap3A_987 = vector.shape_cast %get3A_981 : vector<16xf32> to vector<1x16xf32>
    tpu.vector_store %arg9[%swap3A_983, %swap3A_984], %swap3A_987 {strides = array<i32>} : memref<4x256xf32, #tpu.memory_space<vmem>>, vector<1x16xf32>,
    %get3A_988 = arith.constant 296 : i32
    %get3A_989 = arith.index_cast %get3A_988 : i32 to index
    %get3A_990 = arith.constant 96 : index
    %get3A_991 = tpu.vector_load %arg8[%get3A_989, %get3A_990] {strides = array<i32>} : memref<304x256xf32, #tpu.memory_space<vmem>>, vector<1x16xf32>,
    %get3A_992 = vector.shape_cast %get3A_991 : vector<1x16xf32> to vector<16xf32>
    %swap3A_993 = arith.constant 0 : i32
    %swap3A_994 = arith.index_cast %swap3A_993 : i32 to index
    %swap3A_995 = arith.constant 96 : index
    %swap3A_996 = tpu.vector_load %arg9[%swap3A_994, %swap3A_995] {strides = array<i32>} : memref<4x256xf32, #tpu.memory_space<vmem>>, vector<1x16xf32>,
    %swap3A_997 = vector.shape_cast %swap3A_996 : vector<1x16xf32> to vector<16xf32>
    %swap3A_998 = vector.shape_cast %get3A_992 : vector<16xf32> to vector<1x16xf32>
    tpu.vector_store %arg9[%swap3A_994, %swap3A_995], %swap3A_998 {strides = array<i32>} : memref<4x256xf32, #tpu.memory_space<vmem>>, vector<1x16xf32>,
    %get3A_999 = arith.constant 296 : i32
    %get3A_1000 = arith.index_cast %get3A_999 : i32 to index
    %get3A_1001 = arith.constant 112 : index
    %get3A_1002 = tpu.vector_load %arg8[%get3A_1000, %get3A_1001] {strides = array<i32>} : memref<304x256xf32, #tpu.memory_space<vmem>>, vector<1x16xf32>,
    %get3A_1003 = vector.shape_cast %get3A_1002 : vector<1x16xf32> to vector<16xf32>
    %swap3A_1004 = arith.constant 0 : i32
    %swap3A_1005 = arith.index_cast %swap3A_1004 : i32 to index
    %swap3A_1006 = arith.constant 112 : index
    %swap3A_1007 = tpu.vector_load %arg9[%swap3A_1005, %swap3A_1006] {strides = array<i32>} : memref<4x256xf32, #tpu.memory_space<vmem>>, vector<1x16xf32>,
    %swap3A_1008 = vector.shape_cast %swap3A_1007 : vector<1x16xf32> to vector<16xf32>
    %swap3A_1009 = vector.shape_cast %get3A_1003 : vector<16xf32> to vector<1x16xf32>
    tpu.vector_store %arg9[%swap3A_1005, %swap3A_1006], %swap3A_1009 {strides = array<i32>} : memref<4x256xf32, #tpu.memory_space<vmem>>, vector<1x16xf32>,
    %get3A_1010 = arith.constant 296 : i32
    %get3A_1011 = arith.index_cast %get3A_1010 : i32 to index
    %get3A_1012 = arith.constant 128 : index
    %get3A_1013 = tpu.vector_load %arg8[%get3A_1011, %get3A_1012] {strides = array<i32>} : memref<304x256xf32, #tpu.memory_space<vmem>>, vector<1x16xf32>,
    %get3A_1014 = vector.shape_cast %get3A_1013 : vector<1x16xf32> to vector<16xf32>
    %swap3A_1015 = arith.constant 0 : i32
    %swap3A_1016 = arith.index_cast %swap3A_1015 : i32 to index
    %swap3A_1017 = arith.constant 128 : index
    %swap3A_1018 = tpu.vector_load %arg9[%swap3A_1016, %swap3A_1017] {strides = array<i32>} : memref<4x256xf32, #tpu.memory_space<vmem>>, vector<1x16xf32>,
    %swap3A_1019 = vector.shape_cast %swap3A_1018 : vector<1x16xf32> to vector<16xf32>
    %swap3A_1020 = vector.shape_cast %get3A_1014 : vector<16xf32> to vector<1x16xf32>
    tpu.vector_store %arg9[%swap3A_1016, %swap3A_1017], %swap3A_1020 {strides = array<i32>} : memref<4x256xf32, #tpu.memory_space<vmem>>, vector<1x16xf32>,
    %get3A_1021 = arith.constant 296 : i32
    %get3A_1022 = arith.index_cast %get3A_1021 : i32 to index
    %get3A_1023 = arith.constant 144 : index
    %get3A_1024 = tpu.vector_load %arg8[%get3A_1022, %get3A_1023] {strides = array<i32>} : memref<304x256xf32, #tpu.memory_space<vmem>>, vector<1x16xf32>,
    %get3A_1025 = vector.shape_cast %get3A_1024 : vector<1x16xf32> to vector<16xf32>
    %swap3A_1026 = arith.constant 0 : i32
    %swap3A_1027 = arith.index_cast %swap3A_1026 : i32 to index
    %swap3A_1028 = arith.constant 144 : index
    %swap3A_1029 = tpu.vector_load %arg9[%swap3A_1027, %swap3A_1028] {strides = array<i32>} : memref<4x256xf32, #tpu.memory_space<vmem>>, vector<1x16xf32>,
    %swap3A_1030 = vector.shape_cast %swap3A_1029 : vector<1x16xf32> to vector<16xf32>
    %swap3A_1031 = vector.shape_cast %get3A_1025 : vector<16xf32> to vector<1x16xf32>
    tpu.vector_store %arg9[%swap3A_1027, %swap3A_1028], %swap3A_1031 {strides = array<i32>} : memref<4x256xf32, #tpu.memory_space<vmem>>, vector<1x16xf32>,
    %get3A_1032 = arith.constant 296 : i32
    %get3A_1033 = arith.index_cast %get3A_1032 : i32 to index
    %get3A_1034 = arith.constant 160 : index
    %get3A_1035 = tpu.vector_load %arg8[%get3A_1033, %get3A_1034] {strides = array<i32>} : memref<304x256xf32, #tpu.memory_space<vmem>>, vector<1x16xf32>,
    %get3A_1036 = vector.shape_cast %get3A_1035 : vector<1x16xf32> to vector<16xf32>
    %swap3A_1037 = arith.constant 0 : i32
    %swap3A_1038 = arith.index_cast %swap3A_1037 : i32 to index
    %swap3A_1039 = arith.constant 160 : index
    %swap3A_1040 = tpu.vector_load %arg9[%swap3A_1038, %swap3A_1039] {strides = array<i32>} : memref<4x256xf32, #tpu.memory_space<vmem>>, vector<1x16xf32>,
    %swap3A_1041 = vector.shape_cast %swap3A_1040 : vector<1x16xf32> to vector<16xf32>
    %swap3A_1042 = vector.shape_cast %get3A_1036 : vector<16xf32> to vector<1x16xf32>
    tpu.vector_store %arg9[%swap3A_1038, %swap3A_1039], %swap3A_1042 {strides = array<i32>} : memref<4x256xf32, #tpu.memory_space<vmem>>, vector<1x16xf32>,
    %get3A_1043 = arith.constant 296 : i32
    %get3A_1044 = arith.index_cast %get3A_1043 : i32 to index
    %get3A_1045 = arith.constant 176 : index
    %get3A_1046 = tpu.vector_load %arg8[%get3A_1044, %get3A_1045] {strides = array<i32>} : memref<304x256xf32, #tpu.memory_space<vmem>>, vector<1x16xf32>,
    %get3A_1047 = vector.shape_cast %get3A_1046 : vector<1x16xf32> to vector<16xf32>
    %swap3A_1048 = arith.constant 0 : i32
    %swap3A_1049 = arith.index_cast %swap3A_1048 : i32 to index
    %swap3A_1050 = arith.constant 176 : index
    %swap3A_1051 = tpu.vector_load %arg9[%swap3A_1049, %swap3A_1050] {strides = array<i32>} : memref<4x256xf32, #tpu.memory_space<vmem>>, vector<1x16xf32>,
    %swap3A_1052 = vector.shape_cast %swap3A_1051 : vector<1x16xf32> to vector<16xf32>
    %swap3A_1053 = vector.shape_cast %get3A_1047 : vector<16xf32> to vector<1x16xf32>
    tpu.vector_store %arg9[%swap3A_1049, %swap3A_1050], %swap3A_1053 {strides = array<i32>} : memref<4x256xf32, #tpu.memory_space<vmem>>, vector<1x16xf32>,
    %get3A_1054 = arith.constant 296 : i32
    %get3A_1055 = arith.index_cast %get3A_1054 : i32 to index
    %get3A_1056 = arith.constant 192 : index
    %get3A_1057 = tpu.vector_load %arg8[%get3A_1055, %get3A_1056] {strides = array<i32>} : memref<304x256xf32, #tpu.memory_space<vmem>>, vector<1x16xf32>,
    %get3A_1058 = vector.shape_cast %get3A_1057 : vector<1x16xf32> to vector<16xf32>
    %swap3A_1059 = arith.constant 0 : i32
    %swap3A_1060 = arith.index_cast %swap3A_1059 : i32 to index
    %swap3A_1061 = arith.constant 192 : index
    %swap3A_1062 = tpu.vector_load %arg9[%swap3A_1060, %swap3A_1061] {strides = array<i32>} : memref<4x256xf32, #tpu.memory_space<vmem>>, vector<1x16xf32>,
    %swap3A_1063 = vector.shape_cast %swap3A_1062 : vector<1x16xf32> to vector<16xf32>
    %swap3A_1064 = vector.shape_cast %get3A_1058 : vector<16xf32> to vector<1x16xf32>
    tpu.vector_store %arg9[%swap3A_1060, %swap3A_1061], %swap3A_1064 {strides = array<i32>} : memref<4x256xf32, #tpu.memory_space<vmem>>, vector<1x16xf32>,
    %get3A_1065 = arith.constant 296 : i32
    %get3A_1066 = arith.index_cast %get3A_1065 : i32 to index
    %get3A_1067 = arith.constant 208 : index
    %get3A_1068 = tpu.vector_load %arg8[%get3A_1066, %get3A_1067] {strides = array<i32>} : memref<304x256xf32, #tpu.memory_space<vmem>>, vector<1x16xf32>,
    %get3A_1069 = vector.shape_cast %get3A_1068 : vector<1x16xf32> to vector<16xf32>
    %swap3A_1070 = arith.constant 0 : i32
    %swap3A_1071 = arith.index_cast %swap3A_1070 : i32 to index
    %swap3A_1072 = arith.constant 208 : index
    %swap3A_1073 = tpu.vector_load %arg9[%swap3A_1071, %swap3A_1072] {strides = array<i32>} : memref<4x256xf32, #tpu.memory_space<vmem>>, vector<1x16xf32>,
    %swap3A_1074 = vector.shape_cast %swap3A_1073 : vector<1x16xf32> to vector<16xf32>
    %swap3A_1075 = vector.shape_cast %get3A_1069 : vector<16xf32> to vector<1x16xf32>
    tpu.vector_store %arg9[%swap3A_1071, %swap3A_1072], %swap3A_1075 {strides = array<i32>} : memref<4x256xf32, #tpu.memory_space<vmem>>, vector<1x16xf32>,
    %get3A_1076 = arith.constant 296 : i32
    %get3A_1077 = arith.index_cast %get3A_1076 : i32 to index
    %get3A_1078 = arith.constant 224 : index
    %get3A_1079 = tpu.vector_load %arg8[%get3A_1077, %get3A_1078] {strides = array<i32>} : memref<304x256xf32, #tpu.memory_space<vmem>>, vector<1x16xf32>,
    %get3A_1080 = vector.shape_cast %get3A_1079 : vector<1x16xf32> to vector<16xf32>
    %swap3A_1081 = arith.constant 0 : i32
    %swap3A_1082 = arith.index_cast %swap3A_1081 : i32 to index
    %swap3A_1083 = arith.constant 224 : index
    %swap3A_1084 = tpu.vector_load %arg9[%swap3A_1082, %swap3A_1083] {strides = array<i32>} : memref<4x256xf32, #tpu.memory_space<vmem>>, vector<1x16xf32>,
    %swap3A_1085 = vector.shape_cast %swap3A_1084 : vector<1x16xf32> to vector<16xf32>
    %swap3A_1086 = vector.shape_cast %get3A_1080 : vector<16xf32> to vector<1x16xf32>
    tpu.vector_store %arg9[%swap3A_1082, %swap3A_1083], %swap3A_1086 {strides = array<i32>} : memref<4x256xf32, #tpu.memory_space<vmem>>, vector<1x16xf32>,
    %get3A_1087 = arith.constant 296 : i32
    %get3A_1088 = arith.index_cast %get3A_1087 : i32 to index
    %get3A_1089 = arith.constant 240 : index
    %get3A_1090 = tpu.vector_load %arg8[%get3A_1088, %get3A_1089] {strides = array<i32>} : memref<304x256xf32, #tpu.memory_space<vmem>>, vector<1x16xf32>,
    %get3A_1091 = vector.shape_cast %get3A_1090 : vector<1x16xf32> to vector<16xf32>
    %swap3A_1092 = arith.constant 0 : i32
    %swap3A_1093 = arith.index_cast %swap3A_1092 : i32 to index
    %swap3A_1094 = arith.constant 240 : index
    %swap3A_1095 = tpu.vector_load %arg9[%swap3A_1093, %swap3A_1094] {strides = array<i32>} : memref<4x256xf32, #tpu.memory_space<vmem>>, vector<1x16xf32>,
    %swap3A_1096 = vector.shape_cast %swap3A_1095 : vector<1x16xf32> to vector<16xf32>
    %swap3A_1097 = vector.shape_cast %get3A_1091 : vector<16xf32> to vector<1x16xf32>
    tpu.vector_store %arg9[%swap3A_1093, %swap3A_1094], %swap3A_1097 {strides = array<i32>} : memref<4x256xf32, #tpu.memory_space<vmem>>, vector<1x16xf32>,
    %get3A_1098 = arith.constant 297 : i32
    %get3A_1099 = arith.index_cast %get3A_1098 : i32 to index
    %get3A_1100 = arith.constant 0 : index
    %get3A_1101 = tpu.vector_load %arg8[%get3A_1099, %get3A_1100] {strides = array<i32>} : memref<304x256xf32, #tpu.memory_space<vmem>>, vector<1x16xf32>,
    %get3A_1102 = vector.shape_cast %get3A_1101 : vector<1x16xf32> to vector<16xf32>
    %swap3A_1103 = arith.constant 1 : i32
    %swap3A_1104 = arith.index_cast %swap3A_1103 : i32 to index
    %swap3A_1105 = arith.constant 0 : index
    %swap3A_1106 = tpu.vector_load %arg9[%swap3A_1104, %swap3A_1105] {strides = array<i32>} : memref<4x256xf32, #tpu.memory_space<vmem>>, vector<1x16xf32>,
    %swap3A_1107 = vector.shape_cast %swap3A_1106 : vector<1x16xf32> to vector<16xf32>
    %swap3A_1108 = vector.shape_cast %get3A_1102 : vector<16xf32> to vector<1x16xf32>
    tpu.vector_store %arg9[%swap3A_1104, %swap3A_1105], %swap3A_1108 {strides = array<i32>} : memref<4x256xf32, #tpu.memory_space<vmem>>, vector<1x16xf32>,
    %get3A_1109 = arith.constant 297 : i32
    %get3A_1110 = arith.index_cast %get3A_1109 : i32 to index
    %get3A_1111 = arith.constant 16 : index
    %get3A_1112 = tpu.vector_load %arg8[%get3A_1110, %get3A_1111] {strides = array<i32>} : memref<304x256xf32, #tpu.memory_space<vmem>>, vector<1x16xf32>,
    %get3A_1113 = vector.shape_cast %get3A_1112 : vector<1x16xf32> to vector<16xf32>
    %swap3A_1114 = arith.constant 1 : i32
    %swap3A_1115 = arith.index_cast %swap3A_1114 : i32 to index
    %swap3A_1116 = arith.constant 16 : index
    %swap3A_1117 = tpu.vector_load %arg9[%swap3A_1115, %swap3A_1116] {strides = array<i32>} : memref<4x256xf32, #tpu.memory_space<vmem>>, vector<1x16xf32>,
    %swap3A_1118 = vector.shape_cast %swap3A_1117 : vector<1x16xf32> to vector<16xf32>
    %swap3A_1119 = vector.shape_cast %get3A_1113 : vector<16xf32> to vector<1x16xf32>
    tpu.vector_store %arg9[%swap3A_1115, %swap3A_1116], %swap3A_1119 {strides = array<i32>} : memref<4x256xf32, #tpu.memory_space<vmem>>, vector<1x16xf32>,
    %get3A_1120 = arith.constant 297 : i32
    %get3A_1121 = arith.index_cast %get3A_1120 : i32 to index
    %get3A_1122 = arith.constant 32 : index
    %get3A_1123 = tpu.vector_load %arg8[%get3A_1121, %get3A_1122] {strides = array<i32>} : memref<304x256xf32, #tpu.memory_space<vmem>>, vector<1x16xf32>,
    %get3A_1124 = vector.shape_cast %get3A_1123 : vector<1x16xf32> to vector<16xf32>
    %swap3A_1125 = arith.constant 1 : i32
    %swap3A_1126 = arith.index_cast %swap3A_1125 : i32 to index
    %swap3A_1127 = arith.constant 32 : index
    %swap3A_1128 = tpu.vector_load %arg9[%swap3A_1126, %swap3A_1127] {strides = array<i32>} : memref<4x256xf32, #tpu.memory_space<vmem>>, vector<1x16xf32>,
    %swap3A_1129 = vector.shape_cast %swap3A_1128 : vector<1x16xf32> to vector<16xf32>
    %swap3A_1130 = vector.shape_cast %get3A_1124 : vector<16xf32> to vector<1x16xf32>
    tpu.vector_store %arg9[%swap3A_1126, %swap3A_1127], %swap3A_1130 {strides = array<i32>} : memref<4x256xf32, #tpu.memory_space<vmem>>, vector<1x16xf32>,
    %get3A_1131 = arith.constant 297 : i32
    %get3A_1132 = arith.index_cast %get3A_1131 : i32 to index
    %get3A_1133 = arith.constant 48 : index
    %get3A_1134 = tpu.vector_load %arg8[%get3A_1132, %get3A_1133] {strides = array<i32>} : memref<304x256xf32, #tpu.memory_space<vmem>>, vector<1x16xf32>,
    %get3A_1135 = vector.shape_cast %get3A_1134 : vector<1x16xf32> to vector<16xf32>
    %swap3A_1136 = arith.constant 1 : i32
    %swap3A_1137 = arith.index_cast %swap3A_1136 : i32 to index
    %swap3A_1138 = arith.constant 48 : index
    %swap3A_1139 = tpu.vector_load %arg9[%swap3A_1137, %swap3A_1138] {strides = array<i32>} : memref<4x256xf32, #tpu.memory_space<vmem>>, vector<1x16xf32>,
    %swap3A_1140 = vector.shape_cast %swap3A_1139 : vector<1x16xf32> to vector<16xf32>
    %swap3A_1141 = vector.shape_cast %get3A_1135 : vector<16xf32> to vector<1x16xf32>
    tpu.vector_store %arg9[%swap3A_1137, %swap3A_1138], %swap3A_1141 {strides = array<i32>} : memref<4x256xf32, #tpu.memory_space<vmem>>, vector<1x16xf32>,
    %get3A_1142 = arith.constant 297 : i32
    %get3A_1143 = arith.index_cast %get3A_1142 : i32 to index
    %get3A_1144 = arith.constant 64 : index
    %get3A_1145 = tpu.vector_load %arg8[%get3A_1143, %get3A_1144] {strides = array<i32>} : memref<304x256xf32, #tpu.memory_space<vmem>>, vector<1x16xf32>,
    %get3A_1146 = vector.shape_cast %get3A_1145 : vector<1x16xf32> to vector<16xf32>
    %swap3A_1147 = arith.constant 1 : i32
    %swap3A_1148 = arith.index_cast %swap3A_1147 : i32 to index
    %swap3A_1149 = arith.constant 64 : index
    %swap3A_1150 = tpu.vector_load %arg9[%swap3A_1148, %swap3A_1149] {strides = array<i32>} : memref<4x256xf32, #tpu.memory_space<vmem>>, vector<1x16xf32>,
    %swap3A_1151 = vector.shape_cast %swap3A_1150 : vector<1x16xf32> to vector<16xf32>
    %swap3A_1152 = vector.shape_cast %get3A_1146 : vector<16xf32> to vector<1x16xf32>
    tpu.vector_store %arg9[%swap3A_1148, %swap3A_1149], %swap3A_1152 {strides = array<i32>} : memref<4x256xf32, #tpu.memory_space<vmem>>, vector<1x16xf32>,
    %get3A_1153 = arith.constant 297 : i32
    %get3A_1154 = arith.index_cast %get3A_1153 : i32 to index
    %get3A_1155 = arith.constant 80 : index
    %get3A_1156 = tpu.vector_load %arg8[%get3A_1154, %get3A_1155] {strides = array<i32>} : memref<304x256xf32, #tpu.memory_space<vmem>>, vector<1x16xf32>,
    %get3A_1157 = vector.shape_cast %get3A_1156 : vector<1x16xf32> to vector<16xf32>
    %swap3A_1158 = arith.constant 1 : i32
    %swap3A_1159 = arith.index_cast %swap3A_1158 : i32 to index
    %swap3A_1160 = arith.constant 80 : index
    %swap3A_1161 = tpu.vector_load %arg9[%swap3A_1159, %swap3A_1160] {strides = array<i32>} : memref<4x256xf32, #tpu.memory_space<vmem>>, vector<1x16xf32>,
    %swap3A_1162 = vector.shape_cast %swap3A_1161 : vector<1x16xf32> to vector<16xf32>
    %swap3A_1163 = vector.shape_cast %get3A_1157 : vector<16xf32> to vector<1x16xf32>
    tpu.vector_store %arg9[%swap3A_1159, %swap3A_1160], %swap3A_1163 {strides = array<i32>} : memref<4x256xf32, #tpu.memory_space<vmem>>, vector<1x16xf32>,
    %get3A_1164 = arith.constant 297 : i32
    %get3A_1165 = arith.index_cast %get3A_1164 : i32 to index
    %get3A_1166 = arith.constant 96 : index
    %get3A_1167 = tpu.vector_load %arg8[%get3A_1165, %get3A_1166] {strides = array<i32>} : memref<304x256xf32, #tpu.memory_space<vmem>>, vector<1x16xf32>,
    %get3A_1168 = vector.shape_cast %get3A_1167 : vector<1x16xf32> to vector<16xf32>
    %swap3A_1169 = arith.constant 1 : i32
    %swap3A_1170 = arith.index_cast %swap3A_1169 : i32 to index
    %swap3A_1171 = arith.constant 96 : index
    %swap3A_1172 = tpu.vector_load %arg9[%swap3A_1170, %swap3A_1171] {strides = array<i32>} : memref<4x256xf32, #tpu.memory_space<vmem>>, vector<1x16xf32>,
    %swap3A_1173 = vector.shape_cast %swap3A_1172 : vector<1x16xf32> to vector<16xf32>
    %swap3A_1174 = vector.shape_cast %get3A_1168 : vector<16xf32> to vector<1x16xf32>
    tpu.vector_store %arg9[%swap3A_1170, %swap3A_1171], %swap3A_1174 {strides = array<i32>} : memref<4x256xf32, #tpu.memory_space<vmem>>, vector<1x16xf32>,
    %get3A_1175 = arith.constant 297 : i32
    %get3A_1176 = arith.index_cast %get3A_1175 : i32 to index
    %get3A_1177 = arith.constant 112 : index
    %get3A_1178 = tpu.vector_load %arg8[%get3A_1176, %get3A_1177] {strides = array<i32>} : memref<304x256xf32, #tpu.memory_space<vmem>>, vector<1x16xf32>,
    %get3A_1179 = vector.shape_cast %get3A_1178 : vector<1x16xf32> to vector<16xf32>
    %swap3A_1180 = arith.constant 1 : i32
    %swap3A_1181 = arith.index_cast %swap3A_1180 : i32 to index
    %swap3A_1182 = arith.constant 112 : index
    %swap3A_1183 = tpu.vector_load %arg9[%swap3A_1181, %swap3A_1182] {strides = array<i32>} : memref<4x256xf32, #tpu.memory_space<vmem>>, vector<1x16xf32>,
    %swap3A_1184 = vector.shape_cast %swap3A_1183 : vector<1x16xf32> to vector<16xf32>
    %swap3A_1185 = vector.shape_cast %get3A_1179 : vector<16xf32> to vector<1x16xf32>
    tpu.vector_store %arg9[%swap3A_1181, %swap3A_1182], %swap3A_1185 {strides = array<i32>} : memref<4x256xf32, #tpu.memory_space<vmem>>, vector<1x16xf32>,
    %get3A_1186 = arith.constant 297 : i32
    %get3A_1187 = arith.index_cast %get3A_1186 : i32 to index
    %get3A_1188 = arith.constant 128 : index
    %get3A_1189 = tpu.vector_load %arg8[%get3A_1187, %get3A_1188] {strides = array<i32>} : memref<304x256xf32, #tpu.memory_space<vmem>>, vector<1x16xf32>,
    %get3A_1190 = vector.shape_cast %get3A_1189 : vector<1x16xf32> to vector<16xf32>
    %swap3A_1191 = arith.constant 1 : i32
    %swap3A_1192 = arith.index_cast %swap3A_1191 : i32 to index
    %swap3A_1193 = arith.constant 128 : index
    %swap3A_1194 = tpu.vector_load %arg9[%swap3A_1192, %swap3A_1193] {strides = array<i32>} : memref<4x256xf32, #tpu.memory_space<vmem>>, vector<1x16xf32>,
    %swap3A_1195 = vector.shape_cast %swap3A_1194 : vector<1x16xf32> to vector<16xf32>
    %swap3A_1196 = vector.shape_cast %get3A_1190 : vector<16xf32> to vector<1x16xf32>
    tpu.vector_store %arg9[%swap3A_1192, %swap3A_1193], %swap3A_1196 {strides = array<i32>} : memref<4x256xf32, #tpu.memory_space<vmem>>, vector<1x16xf32>,
    %get3A_1197 = arith.constant 297 : i32
    %get3A_1198 = arith.index_cast %get3A_1197 : i32 to index
    %get3A_1199 = arith.constant 144 : index
    %get3A_1200 = tpu.vector_load %arg8[%get3A_1198, %get3A_1199] {strides = array<i32>} : memref<304x256xf32, #tpu.memory_space<vmem>>, vector<1x16xf32>,
    %get3A_1201 = vector.shape_cast %get3A_1200 : vector<1x16xf32> to vector<16xf32>
    %swap3A_1202 = arith.constant 1 : i32
    %swap3A_1203 = arith.index_cast %swap3A_1202 : i32 to index
    %swap3A_1204 = arith.constant 144 : index
    %swap3A_1205 = tpu.vector_load %arg9[%swap3A_1203, %swap3A_1204] {strides = array<i32>} : memref<4x256xf32, #tpu.memory_space<vmem>>, vector<1x16xf32>,
    %swap3A_1206 = vector.shape_cast %swap3A_1205 : vector<1x16xf32> to vector<16xf32>
    %swap3A_1207 = vector.shape_cast %get3A_1201 : vector<16xf32> to vector<1x16xf32>
    tpu.vector_store %arg9[%swap3A_1203, %swap3A_1204], %swap3A_1207 {strides = array<i32>} : memref<4x256xf32, #tpu.memory_space<vmem>>, vector<1x16xf32>,
    %get3A_1208 = arith.constant 297 : i32
    %get3A_1209 = arith.index_cast %get3A_1208 : i32 to index
    %get3A_1210 = arith.constant 160 : index
    %get3A_1211 = tpu.vector_load %arg8[%get3A_1209, %get3A_1210] {strides = array<i32>} : memref<304x256xf32, #tpu.memory_space<vmem>>, vector<1x16xf32>,
    %get3A_1212 = vector.shape_cast %get3A_1211 : vector<1x16xf32> to vector<16xf32>
    %swap3A_1213 = arith.constant 1 : i32
    %swap3A_1214 = arith.index_cast %swap3A_1213 : i32 to index
    %swap3A_1215 = arith.constant 160 : index
    %swap3A_1216 = tpu.vector_load %arg9[%swap3A_1214, %swap3A_1215] {strides = array<i32>} : memref<4x256xf32, #tpu.memory_space<vmem>>, vector<1x16xf32>,
    %swap3A_1217 = vector.shape_cast %swap3A_1216 : vector<1x16xf32> to vector<16xf32>
    %swap3A_1218 = vector.shape_cast %get3A_1212 : vector<16xf32> to vector<1x16xf32>
    tpu.vector_store %arg9[%swap3A_1214, %swap3A_1215], %swap3A_1218 {strides = array<i32>} : memref<4x256xf32, #tpu.memory_space<vmem>>, vector<1x16xf32>,
    %get3A_1219 = arith.constant 297 : i32
    %get3A_1220 = arith.index_cast %get3A_1219 : i32 to index
    %get3A_1221 = arith.constant 176 : index
    %get3A_1222 = tpu.vector_load %arg8[%get3A_1220, %get3A_1221] {strides = array<i32>} : memref<304x256xf32, #tpu.memory_space<vmem>>, vector<1x16xf32>,
    %get3A_1223 = vector.shape_cast %get3A_1222 : vector<1x16xf32> to vector<16xf32>
    %swap3A_1224 = arith.constant 1 : i32
    %swap3A_1225 = arith.index_cast %swap3A_1224 : i32 to index
    %swap3A_1226 = arith.constant 176 : index
    %swap3A_1227 = tpu.vector_load %arg9[%swap3A_1225, %swap3A_1226] {strides = array<i32>} : memref<4x256xf32, #tpu.memory_space<vmem>>, vector<1x16xf32>,
    %swap3A_1228 = vector.shape_cast %swap3A_1227 : vector<1x16xf32> to vector<16xf32>
    %swap3A_1229 = vector.shape_cast %get3A_1223 : vector<16xf32> to vector<1x16xf32>
    tpu.vector_store %arg9[%swap3A_1225, %swap3A_1226], %swap3A_1229 {strides = array<i32>} : memref<4x256xf32, #tpu.memory_space<vmem>>, vector<1x16xf32>,
    %get3A_1230 = arith.constant 297 : i32
    %get3A_1231 = arith.index_cast %get3A_1230 : i32 to index
    %get3A_1232 = arith.constant 192 : index
    %get3A_1233 = tpu.vector_load %arg8[%get3A_1231, %get3A_1232] {strides = array<i32>} : memref<304x256xf32, #tpu.memory_space<vmem>>, vector<1x16xf32>,
    %get3A_1234 = vector.shape_cast %get3A_1233 : vector<1x16xf32> to vector<16xf32>
    %swap3A_1235 = arith.constant 1 : i32
    %swap3A_1236 = arith.index_cast %swap3A_1235 : i32 to index
    %swap3A_1237 = arith.constant 192 : index
    %swap3A_1238 = tpu.vector_load %arg9[%swap3A_1236, %swap3A_1237] {strides = array<i32>} : memref<4x256xf32, #tpu.memory_space<vmem>>, vector<1x16xf32>,
    %swap3A_1239 = vector.shape_cast %swap3A_1238 : vector<1x16xf32> to vector<16xf32>
    %swap3A_1240 = vector.shape_cast %get3A_1234 : vector<16xf32> to vector<1x16xf32>
    tpu.vector_store %arg9[%swap3A_1236, %swap3A_1237], %swap3A_1240 {strides = array<i32>} : memref<4x256xf32, #tpu.memory_space<vmem>>, vector<1x16xf32>,
    %get3A_1241 = arith.constant 297 : i32
    %get3A_1242 = arith.index_cast %get3A_1241 : i32 to index
    %get3A_1243 = arith.constant 208 : index
    %get3A_1244 = tpu.vector_load %arg8[%get3A_1242, %get3A_1243] {strides = array<i32>} : memref<304x256xf32, #tpu.memory_space<vmem>>, vector<1x16xf32>,
    %get3A_1245 = vector.shape_cast %get3A_1244 : vector<1x16xf32> to vector<16xf32>
    %swap3A_1246 = arith.constant 1 : i32
    %swap3A_1247 = arith.index_cast %swap3A_1246 : i32 to index
    %swap3A_1248 = arith.constant 208 : index
    %swap3A_1249 = tpu.vector_load %arg9[%swap3A_1247, %swap3A_1248] {strides = array<i32>} : memref<4x256xf32, #tpu.memory_space<vmem>>, vector<1x16xf32>,
    %swap3A_1250 = vector.shape_cast %swap3A_1249 : vector<1x16xf32> to vector<16xf32>
    %swap3A_1251 = vector.shape_cast %get3A_1245 : vector<16xf32> to vector<1x16xf32>
    tpu.vector_store %arg9[%swap3A_1247, %swap3A_1248], %swap3A_1251 {strides = array<i32>} : memref<4x256xf32, #tpu.memory_space<vmem>>, vector<1x16xf32>,
    %get3A_1252 = arith.constant 297 : i32
    %get3A_1253 = arith.index_cast %get3A_1252 : i32 to index
    %get3A_1254 = arith.constant 224 : index
    %get3A_1255 = tpu.vector_load %arg8[%get3A_1253, %get3A_1254] {strides = array<i32>} : memref<304x256xf32, #tpu.memory_space<vmem>>, vector<1x16xf32>,
    %get3A_1256 = vector.shape_cast %get3A_1255 : vector<1x16xf32> to vector<16xf32>
    %swap3A_1257 = arith.constant 1 : i32
    %swap3A_1258 = arith.index_cast %swap3A_1257 : i32 to index
    %swap3A_1259 = arith.constant 224 : index
    %swap3A_1260 = tpu.vector_load %arg9[%swap3A_1258, %swap3A_1259] {strides = array<i32>} : memref<4x256xf32, #tpu.memory_space<vmem>>, vector<1x16xf32>,
    %swap3A_1261 = vector.shape_cast %swap3A_1260 : vector<1x16xf32> to vector<16xf32>
    %swap3A_1262 = vector.shape_cast %get3A_1256 : vector<16xf32> to vector<1x16xf32>
    tpu.vector_store %arg9[%swap3A_1258, %swap3A_1259], %swap3A_1262 {strides = array<i32>} : memref<4x256xf32, #tpu.memory_space<vmem>>, vector<1x16xf32>,
    %get3A_1263 = arith.constant 297 : i32
    %get3A_1264 = arith.index_cast %get3A_1263 : i32 to index
    %get3A_1265 = arith.constant 240 : index
    %get3A_1266 = tpu.vector_load %arg8[%get3A_1264, %get3A_1265] {strides = array<i32>} : memref<304x256xf32, #tpu.memory_space<vmem>>, vector<1x16xf32>,
    %get3A_1267 = vector.shape_cast %get3A_1266 : vector<1x16xf32> to vector<16xf32>
    %swap3A_1268 = arith.constant 1 : i32
    %swap3A_1269 = arith.index_cast %swap3A_1268 : i32 to index
    %swap3A_1270 = arith.constant 240 : index
    %swap3A_1271 = tpu.vector_load %arg9[%swap3A_1269, %swap3A_1270] {strides = array<i32>} : memref<4x256xf32, #tpu.memory_space<vmem>>, vector<1x16xf32>,
    %swap3A_1272 = vector.shape_cast %swap3A_1271 : vector<1x16xf32> to vector<16xf32>
    %swap3A_1273 = vector.shape_cast %get3A_1267 : vector<16xf32> to vector<1x16xf32>
    tpu.vector_store %arg9[%swap3A_1269, %swap3A_1270], %swap3A_1273 {strides = array<i32>} : memref<4x256xf32, #tpu.memory_space<vmem>>, vector<1x16xf32>,
    %get3A_1274 = arith.constant 298 : i32
    %get3A_1275 = arith.index_cast %get3A_1274 : i32 to index
    %get3A_1276 = arith.constant 0 : index
    %get3A_1277 = tpu.vector_load %arg8[%get3A_1275, %get3A_1276] {strides = array<i32>} : memref<304x256xf32, #tpu.memory_space<vmem>>, vector<1x16xf32>,
    %get3A_1278 = vector.shape_cast %get3A_1277 : vector<1x16xf32> to vector<16xf32>
    %swap3A_1279 = arith.constant 2 : i32
    %swap3A_1280 = arith.index_cast %swap3A_1279 : i32 to index
    %swap3A_1281 = arith.constant 0 : index
    %swap3A_1282 = tpu.vector_load %arg9[%swap3A_1280, %swap3A_1281] {strides = array<i32>} : memref<4x256xf32, #tpu.memory_space<vmem>>, vector<1x16xf32>,
    %swap3A_1283 = vector.shape_cast %swap3A_1282 : vector<1x16xf32> to vector<16xf32>
    %swap3A_1284 = vector.shape_cast %get3A_1278 : vector<16xf32> to vector<1x16xf32>
    tpu.vector_store %arg9[%swap3A_1280, %swap3A_1281], %swap3A_1284 {strides = array<i32>} : memref<4x256xf32, #tpu.memory_space<vmem>>, vector<1x16xf32>,
    %get3A_1285 = arith.constant 298 : i32
    %get3A_1286 = arith.index_cast %get3A_1285 : i32 to index
    %get3A_1287 = arith.constant 16 : index
    %get3A_1288 = tpu.vector_load %arg8[%get3A_1286, %get3A_1287] {strides = array<i32>} : memref<304x256xf32, #tpu.memory_space<vmem>>, vector<1x16xf32>,
    %get3A_1289 = vector.shape_cast %get3A_1288 : vector<1x16xf32> to vector<16xf32>
    %swap3A_1290 = arith.constant 2 : i32
    %swap3A_1291 = arith.index_cast %swap3A_1290 : i32 to index
    %swap3A_1292 = arith.constant 16 : index
    %swap3A_1293 = tpu.vector_load %arg9[%swap3A_1291, %swap3A_1292] {strides = array<i32>} : memref<4x256xf32, #tpu.memory_space<vmem>>, vector<1x16xf32>,
    %swap3A_1294 = vector.shape_cast %swap3A_1293 : vector<1x16xf32> to vector<16xf32>
    %swap3A_1295 = vector.shape_cast %get3A_1289 : vector<16xf32> to vector<1x16xf32>
    tpu.vector_store %arg9[%swap3A_1291, %swap3A_1292], %swap3A_1295 {strides = array<i32>} : memref<4x256xf32, #tpu.memory_space<vmem>>, vector<1x16xf32>,
    %get3A_1296 = arith.constant 298 : i32
    %get3A_1297 = arith.index_cast %get3A_1296 : i32 to index
    %get3A_1298 = arith.constant 32 : index
    %get3A_1299 = tpu.vector_load %arg8[%get3A_1297, %get3A_1298] {strides = array<i32>} : memref<304x256xf32, #tpu.memory_space<vmem>>, vector<1x16xf32>,
    %get3A_1300 = vector.shape_cast %get3A_1299 : vector<1x16xf32> to vector<16xf32>
    %swap3A_1301 = arith.constant 2 : i32
    %swap3A_1302 = arith.index_cast %swap3A_1301 : i32 to index
    %swap3A_1303 = arith.constant 32 : index
    %swap3A_1304 = tpu.vector_load %arg9[%swap3A_1302, %swap3A_1303] {strides = array<i32>} : memref<4x256xf32, #tpu.memory_space<vmem>>, vector<1x16xf32>,
    %swap3A_1305 = vector.shape_cast %swap3A_1304 : vector<1x16xf32> to vector<16xf32>
    %swap3A_1306 = vector.shape_cast %get3A_1300 : vector<16xf32> to vector<1x16xf32>
    tpu.vector_store %arg9[%swap3A_1302, %swap3A_1303], %swap3A_1306 {strides = array<i32>} : memref<4x256xf32, #tpu.memory_space<vmem>>, vector<1x16xf32>,
    %get3A_1307 = arith.constant 298 : i32
    %get3A_1308 = arith.index_cast %get3A_1307 : i32 to index
    %get3A_1309 = arith.constant 48 : index
    %get3A_1310 = tpu.vector_load %arg8[%get3A_1308, %get3A_1309] {strides = array<i32>} : memref<304x256xf32, #tpu.memory_space<vmem>>, vector<1x16xf32>,
    %get3A_1311 = vector.shape_cast %get3A_1310 : vector<1x16xf32> to vector<16xf32>
    %swap3A_1312 = arith.constant 2 : i32
    %swap3A_1313 = arith.index_cast %swap3A_1312 : i32 to index
    %swap3A_1314 = arith.constant 48 : index
    %swap3A_1315 = tpu.vector_load %arg9[%swap3A_1313, %swap3A_1314] {strides = array<i32>} : memref<4x256xf32, #tpu.memory_space<vmem>>, vector<1x16xf32>,
    %swap3A_1316 = vector.shape_cast %swap3A_1315 : vector<1x16xf32> to vector<16xf32>
    %swap3A_1317 = vector.shape_cast %get3A_1311 : vector<16xf32> to vector<1x16xf32>
    tpu.vector_store %arg9[%swap3A_1313, %swap3A_1314], %swap3A_1317 {strides = array<i32>} : memref<4x256xf32, #tpu.memory_space<vmem>>, vector<1x16xf32>,
    %get3A_1318 = arith.constant 298 : i32
    %get3A_1319 = arith.index_cast %get3A_1318 : i32 to index
    %get3A_1320 = arith.constant 64 : index
    %get3A_1321 = tpu.vector_load %arg8[%get3A_1319, %get3A_1320] {strides = array<i32>} : memref<304x256xf32, #tpu.memory_space<vmem>>, vector<1x16xf32>,
    %get3A_1322 = vector.shape_cast %get3A_1321 : vector<1x16xf32> to vector<16xf32>
    %swap3A_1323 = arith.constant 2 : i32
    %swap3A_1324 = arith.index_cast %swap3A_1323 : i32 to index
    %swap3A_1325 = arith.constant 64 : index
    %swap3A_1326 = tpu.vector_load %arg9[%swap3A_1324, %swap3A_1325] {strides = array<i32>} : memref<4x256xf32, #tpu.memory_space<vmem>>, vector<1x16xf32>,
    %swap3A_1327 = vector.shape_cast %swap3A_1326 : vector<1x16xf32> to vector<16xf32>
    %swap3A_1328 = vector.shape_cast %get3A_1322 : vector<16xf32> to vector<1x16xf32>
    tpu.vector_store %arg9[%swap3A_1324, %swap3A_1325], %swap3A_1328 {strides = array<i32>} : memref<4x256xf32, #tpu.memory_space<vmem>>, vector<1x16xf32>,
    %get3A_1329 = arith.constant 298 : i32
    %get3A_1330 = arith.index_cast %get3A_1329 : i32 to index
    %get3A_1331 = arith.constant 80 : index
    %get3A_1332 = tpu.vector_load %arg8[%get3A_1330, %get3A_1331] {strides = array<i32>} : memref<304x256xf32, #tpu.memory_space<vmem>>, vector<1x16xf32>,
    %get3A_1333 = vector.shape_cast %get3A_1332 : vector<1x16xf32> to vector<16xf32>
    %swap3A_1334 = arith.constant 2 : i32
    %swap3A_1335 = arith.index_cast %swap3A_1334 : i32 to index
    %swap3A_1336 = arith.constant 80 : index
    %swap3A_1337 = tpu.vector_load %arg9[%swap3A_1335, %swap3A_1336] {strides = array<i32>} : memref<4x256xf32, #tpu.memory_space<vmem>>, vector<1x16xf32>,
    %swap3A_1338 = vector.shape_cast %swap3A_1337 : vector<1x16xf32> to vector<16xf32>
    %swap3A_1339 = vector.shape_cast %get3A_1333 : vector<16xf32> to vector<1x16xf32>
    tpu.vector_store %arg9[%swap3A_1335, %swap3A_1336], %swap3A_1339 {strides = array<i32>} : memref<4x256xf32, #tpu.memory_space<vmem>>, vector<1x16xf32>,
    %get3A_1340 = arith.constant 298 : i32
    %get3A_1341 = arith.index_cast %get3A_1340 : i32 to index
    %get3A_1342 = arith.constant 96 : index
    %get3A_1343 = tpu.vector_load %arg8[%get3A_1341, %get3A_1342] {strides = array<i32>} : memref<304x256xf32, #tpu.memory_space<vmem>>, vector<1x16xf32>,
    %get3A_1344 = vector.shape_cast %get3A_1343 : vector<1x16xf32> to vector<16xf32>
    %swap3A_1345 = arith.constant 2 : i32
    %swap3A_1346 = arith.index_cast %swap3A_1345 : i32 to index
    %swap3A_1347 = arith.constant 96 : index
    %swap3A_1348 = tpu.vector_load %arg9[%swap3A_1346, %swap3A_1347] {strides = array<i32>} : memref<4x256xf32, #tpu.memory_space<vmem>>, vector<1x16xf32>,
    %swap3A_1349 = vector.shape_cast %swap3A_1348 : vector<1x16xf32> to vector<16xf32>
    %swap3A_1350 = vector.shape_cast %get3A_1344 : vector<16xf32> to vector<1x16xf32>
    tpu.vector_store %arg9[%swap3A_1346, %swap3A_1347], %swap3A_1350 {strides = array<i32>} : memref<4x256xf32, #tpu.memory_space<vmem>>, vector<1x16xf32>,
    %get3A_1351 = arith.constant 298 : i32
    %get3A_1352 = arith.index_cast %get3A_1351 : i32 to index
    %get3A_1353 = arith.constant 112 : index
    %get3A_1354 = tpu.vector_load %arg8[%get3A_1352, %get3A_1353] {strides = array<i32>} : memref<304x256xf32, #tpu.memory_space<vmem>>, vector<1x16xf32>,
    %get3A_1355 = vector.shape_cast %get3A_1354 : vector<1x16xf32> to vector<16xf32>
    %swap3A_1356 = arith.constant 2 : i32
    %swap3A_1357 = arith.index_cast %swap3A_1356 : i32 to index
    %swap3A_1358 = arith.constant 112 : index
    %swap3A_1359 = tpu.vector_load %arg9[%swap3A_1357, %swap3A_1358] {strides = array<i32>} : memref<4x256xf32, #tpu.memory_space<vmem>>, vector<1x16xf32>,
    %swap3A_1360 = vector.shape_cast %swap3A_1359 : vector<1x16xf32> to vector<16xf32>
    %swap3A_1361 = vector.shape_cast %get3A_1355 : vector<16xf32> to vector<1x16xf32>
    tpu.vector_store %arg9[%swap3A_1357, %swap3A_1358], %swap3A_1361 {strides = array<i32>} : memref<4x256xf32, #tpu.memory_space<vmem>>, vector<1x16xf32>,
    %get3A_1362 = arith.constant 298 : i32
    %get3A_1363 = arith.index_cast %get3A_1362 : i32 to index
    %get3A_1364 = arith.constant 128 : index
    %get3A_1365 = tpu.vector_load %arg8[%get3A_1363, %get3A_1364] {strides = array<i32>} : memref<304x256xf32, #tpu.memory_space<vmem>>, vector<1x16xf32>,
    %get3A_1366 = vector.shape_cast %get3A_1365 : vector<1x16xf32> to vector<16xf32>
    %swap3A_1367 = arith.constant 2 : i32
    %swap3A_1368 = arith.index_cast %swap3A_1367 : i32 to index
    %swap3A_1369 = arith.constant 128 : index
    %swap3A_1370 = tpu.vector_load %arg9[%swap3A_1368, %swap3A_1369] {strides = array<i32>} : memref<4x256xf32, #tpu.memory_space<vmem>>, vector<1x16xf32>,
    %swap3A_1371 = vector.shape_cast %swap3A_1370 : vector<1x16xf32> to vector<16xf32>
    %swap3A_1372 = vector.shape_cast %get3A_1366 : vector<16xf32> to vector<1x16xf32>
    tpu.vector_store %arg9[%swap3A_1368, %swap3A_1369], %swap3A_1372 {strides = array<i32>} : memref<4x256xf32, #tpu.memory_space<vmem>>, vector<1x16xf32>,
    %get3A_1373 = arith.constant 298 : i32
    %get3A_1374 = arith.index_cast %get3A_1373 : i32 to index
    %get3A_1375 = arith.constant 144 : index
    %get3A_1376 = tpu.vector_load %arg8[%get3A_1374, %get3A_1375] {strides = array<i32>} : memref<304x256xf32, #tpu.memory_space<vmem>>, vector<1x16xf32>,
    %get3A_1377 = vector.shape_cast %get3A_1376 : vector<1x16xf32> to vector<16xf32>
    %swap3A_1378 = arith.constant 2 : i32
    %swap3A_1379 = arith.index_cast %swap3A_1378 : i32 to index
    %swap3A_1380 = arith.constant 144 : index
    %swap3A_1381 = tpu.vector_load %arg9[%swap3A_1379, %swap3A_1380] {strides = array<i32>} : memref<4x256xf32, #tpu.memory_space<vmem>>, vector<1x16xf32>,
    %swap3A_1382 = vector.shape_cast %swap3A_1381 : vector<1x16xf32> to vector<16xf32>
    %swap3A_1383 = vector.shape_cast %get3A_1377 : vector<16xf32> to vector<1x16xf32>
    tpu.vector_store %arg9[%swap3A_1379, %swap3A_1380], %swap3A_1383 {strides = array<i32>} : memref<4x256xf32, #tpu.memory_space<vmem>>, vector<1x16xf32>,
    %get3A_1384 = arith.constant 298 : i32
    %get3A_1385 = arith.index_cast %get3A_1384 : i32 to index
    %get3A_1386 = arith.constant 160 : index
    %get3A_1387 = tpu.vector_load %arg8[%get3A_1385, %get3A_1386] {strides = array<i32>} : memref<304x256xf32, #tpu.memory_space<vmem>>, vector<1x16xf32>,
    %get3A_1388 = vector.shape_cast %get3A_1387 : vector<1x16xf32> to vector<16xf32>
    %swap3A_1389 = arith.constant 2 : i32
    %swap3A_1390 = arith.index_cast %swap3A_1389 : i32 to index
    %swap3A_1391 = arith.constant 160 : index
    %swap3A_1392 = tpu.vector_load %arg9[%swap3A_1390, %swap3A_1391] {strides = array<i32>} : memref<4x256xf32, #tpu.memory_space<vmem>>, vector<1x16xf32>,
    %swap3A_1393 = vector.shape_cast %swap3A_1392 : vector<1x16xf32> to vector<16xf32>
    %swap3A_1394 = vector.shape_cast %get3A_1388 : vector<16xf32> to vector<1x16xf32>
    tpu.vector_store %arg9[%swap3A_1390, %swap3A_1391], %swap3A_1394 {strides = array<i32>} : memref<4x256xf32, #tpu.memory_space<vmem>>, vector<1x16xf32>,
    %get3A_1395 = arith.constant 298 : i32
    %get3A_1396 = arith.index_cast %get3A_1395 : i32 to index
    %get3A_1397 = arith.constant 176 : index
    %get3A_1398 = tpu.vector_load %arg8[%get3A_1396, %get3A_1397] {strides = array<i32>} : memref<304x256xf32, #tpu.memory_space<vmem>>, vector<1x16xf32>,
    %get3A_1399 = vector.shape_cast %get3A_1398 : vector<1x16xf32> to vector<16xf32>
    %swap3A_1400 = arith.constant 2 : i32
    %swap3A_1401 = arith.index_cast %swap3A_1400 : i32 to index
    %swap3A_1402 = arith.constant 176 : index
    %swap3A_1403 = tpu.vector_load %arg9[%swap3A_1401, %swap3A_1402] {strides = array<i32>} : memref<4x256xf32, #tpu.memory_space<vmem>>, vector<1x16xf32>,
    %swap3A_1404 = vector.shape_cast %swap3A_1403 : vector<1x16xf32> to vector<16xf32>
    %swap3A_1405 = vector.shape_cast %get3A_1399 : vector<16xf32> to vector<1x16xf32>
    tpu.vector_store %arg9[%swap3A_1401, %swap3A_1402], %swap3A_1405 {strides = array<i32>} : memref<4x256xf32, #tpu.memory_space<vmem>>, vector<1x16xf32>,
    %get3A_1406 = arith.constant 298 : i32
    %get3A_1407 = arith.index_cast %get3A_1406 : i32 to index
    %get3A_1408 = arith.constant 192 : index
    %get3A_1409 = tpu.vector_load %arg8[%get3A_1407, %get3A_1408] {strides = array<i32>} : memref<304x256xf32, #tpu.memory_space<vmem>>, vector<1x16xf32>,
    %get3A_1410 = vector.shape_cast %get3A_1409 : vector<1x16xf32> to vector<16xf32>
    %swap3A_1411 = arith.constant 2 : i32
    %swap3A_1412 = arith.index_cast %swap3A_1411 : i32 to index
    %swap3A_1413 = arith.constant 192 : index
    %swap3A_1414 = tpu.vector_load %arg9[%swap3A_1412, %swap3A_1413] {strides = array<i32>} : memref<4x256xf32, #tpu.memory_space<vmem>>, vector<1x16xf32>,
    %swap3A_1415 = vector.shape_cast %swap3A_1414 : vector<1x16xf32> to vector<16xf32>
    %swap3A_1416 = vector.shape_cast %get3A_1410 : vector<16xf32> to vector<1x16xf32>
    tpu.vector_store %arg9[%swap3A_1412, %swap3A_1413], %swap3A_1416 {strides = array<i32>} : memref<4x256xf32, #tpu.memory_space<vmem>>, vector<1x16xf32>,
    %get3A_1417 = arith.constant 298 : i32
    %get3A_1418 = arith.index_cast %get3A_1417 : i32 to index
    %get3A_1419 = arith.constant 208 : index
    %get3A_1420 = tpu.vector_load %arg8[%get3A_1418, %get3A_1419] {strides = array<i32>} : memref<304x256xf32, #tpu.memory_space<vmem>>, vector<1x16xf32>,
    %get3A_1421 = vector.shape_cast %get3A_1420 : vector<1x16xf32> to vector<16xf32>
    %swap3A_1422 = arith.constant 2 : i32
    %swap3A_1423 = arith.index_cast %swap3A_1422 : i32 to index
    %swap3A_1424 = arith.constant 208 : index
    %swap3A_1425 = tpu.vector_load %arg9[%swap3A_1423, %swap3A_1424] {strides = array<i32>} : memref<4x256xf32, #tpu.memory_space<vmem>>, vector<1x16xf32>,
    %swap3A_1426 = vector.shape_cast %swap3A_1425 : vector<1x16xf32> to vector<16xf32>
    %swap3A_1427 = vector.shape_cast %get3A_1421 : vector<16xf32> to vector<1x16xf32>
    tpu.vector_store %arg9[%swap3A_1423, %swap3A_1424], %swap3A_1427 {strides = array<i32>} : memref<4x256xf32, #tpu.memory_space<vmem>>, vector<1x16xf32>,
    %get3A_1428 = arith.constant 298 : i32
    %get3A_1429 = arith.index_cast %get3A_1428 : i32 to index
    %get3A_1430 = arith.constant 224 : index
    %get3A_1431 = tpu.vector_load %arg8[%get3A_1429, %get3A_1430] {strides = array<i32>} : memref<304x256xf32, #tpu.memory_space<vmem>>, vector<1x16xf32>,
    %get3A_1432 = vector.shape_cast %get3A_1431 : vector<1x16xf32> to vector<16xf32>
    %swap3A_1433 = arith.constant 2 : i32
    %swap3A_1434 = arith.index_cast %swap3A_1433 : i32 to index
    %swap3A_1435 = arith.constant 224 : index
    %swap3A_1436 = tpu.vector_load %arg9[%swap3A_1434, %swap3A_1435] {strides = array<i32>} : memref<4x256xf32, #tpu.memory_space<vmem>>, vector<1x16xf32>,
    %swap3A_1437 = vector.shape_cast %swap3A_1436 : vector<1x16xf32> to vector<16xf32>
    %swap3A_1438 = vector.shape_cast %get3A_1432 : vector<16xf32> to vector<1x16xf32>
    tpu.vector_store %arg9[%swap3A_1434, %swap3A_1435], %swap3A_1438 {strides = array<i32>} : memref<4x256xf32, #tpu.memory_space<vmem>>, vector<1x16xf32>,
    %get3A_1439 = arith.constant 298 : i32
    %get3A_1440 = arith.index_cast %get3A_1439 : i32 to index
    %get3A_1441 = arith.constant 240 : index
    %get3A_1442 = tpu.vector_load %arg8[%get3A_1440, %get3A_1441] {strides = array<i32>} : memref<304x256xf32, #tpu.memory_space<vmem>>, vector<1x16xf32>,
    %get3A_1443 = vector.shape_cast %get3A_1442 : vector<1x16xf32> to vector<16xf32>
    %swap3A_1444 = arith.constant 2 : i32
    %swap3A_1445 = arith.index_cast %swap3A_1444 : i32 to index
    %swap3A_1446 = arith.constant 240 : index
    %swap3A_1447 = tpu.vector_load %arg9[%swap3A_1445, %swap3A_1446] {strides = array<i32>} : memref<4x256xf32, #tpu.memory_space<vmem>>, vector<1x16xf32>,
    %swap3A_1448 = vector.shape_cast %swap3A_1447 : vector<1x16xf32> to vector<16xf32>
    %swap3A_1449 = vector.shape_cast %get3A_1443 : vector<16xf32> to vector<1x16xf32>
    tpu.vector_store %arg9[%swap3A_1445, %swap3A_1446], %swap3A_1449 {strides = array<i32>} : memref<4x256xf32, #tpu.memory_space<vmem>>, vector<1x16xf32>,
    %get3A_1450 = arith.constant 299 : i32
    %get3A_1451 = arith.index_cast %get3A_1450 : i32 to index
    %get3A_1452 = arith.constant 0 : index
    %get3A_1453 = tpu.vector_load %arg8[%get3A_1451, %get3A_1452] {strides = array<i32>} : memref<304x256xf32, #tpu.memory_space<vmem>>, vector<1x16xf32>,
    %get3A_1454 = vector.shape_cast %get3A_1453 : vector<1x16xf32> to vector<16xf32>
    %swap3A_1455 = arith.constant 3 : i32
    %swap3A_1456 = arith.index_cast %swap3A_1455 : i32 to index
    %swap3A_1457 = arith.constant 0 : index
    %swap3A_1458 = tpu.vector_load %arg9[%swap3A_1456, %swap3A_1457] {strides = array<i32>} : memref<4x256xf32, #tpu.memory_space<vmem>>, vector<1x16xf32>,
    %swap3A_1459 = vector.shape_cast %swap3A_1458 : vector<1x16xf32> to vector<16xf32>
    %swap3A_1460 = vector.shape_cast %get3A_1454 : vector<16xf32> to vector<1x16xf32>
    tpu.vector_store %arg9[%swap3A_1456, %swap3A_1457], %swap3A_1460 {strides = array<i32>} : memref<4x256xf32, #tpu.memory_space<vmem>>, vector<1x16xf32>,
    %get3A_1461 = arith.constant 299 : i32
    %get3A_1462 = arith.index_cast %get3A_1461 : i32 to index
    %get3A_1463 = arith.constant 16 : index
    %get3A_1464 = tpu.vector_load %arg8[%get3A_1462, %get3A_1463] {strides = array<i32>} : memref<304x256xf32, #tpu.memory_space<vmem>>, vector<1x16xf32>,
    %get3A_1465 = vector.shape_cast %get3A_1464 : vector<1x16xf32> to vector<16xf32>
    %swap3A_1466 = arith.constant 3 : i32
    %swap3A_1467 = arith.index_cast %swap3A_1466 : i32 to index
    %swap3A_1468 = arith.constant 16 : index
    %swap3A_1469 = tpu.vector_load %arg9[%swap3A_1467, %swap3A_1468] {strides = array<i32>} : memref<4x256xf32, #tpu.memory_space<vmem>>, vector<1x16xf32>,
    %swap3A_1470 = vector.shape_cast %swap3A_1469 : vector<1x16xf32> to vector<16xf32>
    %swap3A_1471 = vector.shape_cast %get3A_1465 : vector<16xf32> to vector<1x16xf32>
    tpu.vector_store %arg9[%swap3A_1467, %swap3A_1468], %swap3A_1471 {strides = array<i32>} : memref<4x256xf32, #tpu.memory_space<vmem>>, vector<1x16xf32>,
    %get3A_1472 = arith.constant 299 : i32
    %get3A_1473 = arith.index_cast %get3A_1472 : i32 to index
    %get3A_1474 = arith.constant 32 : index
    %get3A_1475 = tpu.vector_load %arg8[%get3A_1473, %get3A_1474] {strides = array<i32>} : memref<304x256xf32, #tpu.memory_space<vmem>>, vector<1x16xf32>,
    %get3A_1476 = vector.shape_cast %get3A_1475 : vector<1x16xf32> to vector<16xf32>
    %swap3A_1477 = arith.constant 3 : i32
    %swap3A_1478 = arith.index_cast %swap3A_1477 : i32 to index
    %swap3A_1479 = arith.constant 32 : index
    %swap3A_1480 = tpu.vector_load %arg9[%swap3A_1478, %swap3A_1479] {strides = array<i32>} : memref<4x256xf32, #tpu.memory_space<vmem>>, vector<1x16xf32>,
    %swap3A_1481 = vector.shape_cast %swap3A_1480 : vector<1x16xf32> to vector<16xf32>
    %swap3A_1482 = vector.shape_cast %get3A_1476 : vector<16xf32> to vector<1x16xf32>
    tpu.vector_store %arg9[%swap3A_1478, %swap3A_1479], %swap3A_1482 {strides = array<i32>} : memref<4x256xf32, #tpu.memory_space<vmem>>, vector<1x16xf32>,
    %get3A_1483 = arith.constant 299 : i32
    %get3A_1484 = arith.index_cast %get3A_1483 : i32 to index
    %get3A_1485 = arith.constant 48 : index
    %get3A_1486 = tpu.vector_load %arg8[%get3A_1484, %get3A_1485] {strides = array<i32>} : memref<304x256xf32, #tpu.memory_space<vmem>>, vector<1x16xf32>,
    %get3A_1487 = vector.shape_cast %get3A_1486 : vector<1x16xf32> to vector<16xf32>
    %swap3A_1488 = arith.constant 3 : i32
    %swap3A_1489 = arith.index_cast %swap3A_1488 : i32 to index
    %swap3A_1490 = arith.constant 48 : index
    %swap3A_1491 = tpu.vector_load %arg9[%swap3A_1489, %swap3A_1490] {strides = array<i32>} : memref<4x256xf32, #tpu.memory_space<vmem>>, vector<1x16xf32>,
    %swap3A_1492 = vector.shape_cast %swap3A_1491 : vector<1x16xf32> to vector<16xf32>
    %swap3A_1493 = vector.shape_cast %get3A_1487 : vector<16xf32> to vector<1x16xf32>
    tpu.vector_store %arg9[%swap3A_1489, %swap3A_1490], %swap3A_1493 {strides = array<i32>} : memref<4x256xf32, #tpu.memory_space<vmem>>, vector<1x16xf32>,
    %get3A_1494 = arith.constant 299 : i32
    %get3A_1495 = arith.index_cast %get3A_1494 : i32 to index
    %get3A_1496 = arith.constant 64 : index
    %get3A_1497 = tpu.vector_load %arg8[%get3A_1495, %get3A_1496] {strides = array<i32>} : memref<304x256xf32, #tpu.memory_space<vmem>>, vector<1x16xf32>,
    %get3A_1498 = vector.shape_cast %get3A_1497 : vector<1x16xf32> to vector<16xf32>
    %swap3A_1499 = arith.constant 3 : i32
    %swap3A_1500 = arith.index_cast %swap3A_1499 : i32 to index
    %swap3A_1501 = arith.constant 64 : index
    %swap3A_1502 = tpu.vector_load %arg9[%swap3A_1500, %swap3A_1501] {strides = array<i32>} : memref<4x256xf32, #tpu.memory_space<vmem>>, vector<1x16xf32>,
    %swap3A_1503 = vector.shape_cast %swap3A_1502 : vector<1x16xf32> to vector<16xf32>
    %swap3A_1504 = vector.shape_cast %get3A_1498 : vector<16xf32> to vector<1x16xf32>
    tpu.vector_store %arg9[%swap3A_1500, %swap3A_1501], %swap3A_1504 {strides = array<i32>} : memref<4x256xf32, #tpu.memory_space<vmem>>, vector<1x16xf32>,
    %get3A_1505 = arith.constant 299 : i32
    %get3A_1506 = arith.index_cast %get3A_1505 : i32 to index
    %get3A_1507 = arith.constant 80 : index
    %get3A_1508 = tpu.vector_load %arg8[%get3A_1506, %get3A_1507] {strides = array<i32>} : memref<304x256xf32, #tpu.memory_space<vmem>>, vector<1x16xf32>,
    %get3A_1509 = vector.shape_cast %get3A_1508 : vector<1x16xf32> to vector<16xf32>
    %swap3A_1510 = arith.constant 3 : i32
    %swap3A_1511 = arith.index_cast %swap3A_1510 : i32 to index
    %swap3A_1512 = arith.constant 80 : index
    %swap3A_1513 = tpu.vector_load %arg9[%swap3A_1511, %swap3A_1512] {strides = array<i32>} : memref<4x256xf32, #tpu.memory_space<vmem>>, vector<1x16xf32>,
    %swap3A_1514 = vector.shape_cast %swap3A_1513 : vector<1x16xf32> to vector<16xf32>
    %swap3A_1515 = vector.shape_cast %get3A_1509 : vector<16xf32> to vector<1x16xf32>
    tpu.vector_store %arg9[%swap3A_1511, %swap3A_1512], %swap3A_1515 {strides = array<i32>} : memref<4x256xf32, #tpu.memory_space<vmem>>, vector<1x16xf32>,
    %get3A_1516 = arith.constant 299 : i32
    %get3A_1517 = arith.index_cast %get3A_1516 : i32 to index
    %get3A_1518 = arith.constant 96 : index
    %get3A_1519 = tpu.vector_load %arg8[%get3A_1517, %get3A_1518] {strides = array<i32>} : memref<304x256xf32, #tpu.memory_space<vmem>>, vector<1x16xf32>,
    %get3A_1520 = vector.shape_cast %get3A_1519 : vector<1x16xf32> to vector<16xf32>
    %swap3A_1521 = arith.constant 3 : i32
    %swap3A_1522 = arith.index_cast %swap3A_1521 : i32 to index
    %swap3A_1523 = arith.constant 96 : index
    %swap3A_1524 = tpu.vector_load %arg9[%swap3A_1522, %swap3A_1523] {strides = array<i32>} : memref<4x256xf32, #tpu.memory_space<vmem>>, vector<1x16xf32>,
    %swap3A_1525 = vector.shape_cast %swap3A_1524 : vector<1x16xf32> to vector<16xf32>
    %swap3A_1526 = vector.shape_cast %get3A_1520 : vector<16xf32> to vector<1x16xf32>
    tpu.vector_store %arg9[%swap3A_1522, %swap3A_1523], %swap3A_1526 {strides = array<i32>} : memref<4x256xf32, #tpu.memory_space<vmem>>, vector<1x16xf32>,
    %get3A_1527 = arith.constant 299 : i32
    %get3A_1528 = arith.index_cast %get3A_1527 : i32 to index
    %get3A_1529 = arith.constant 112 : index
    %get3A_1530 = tpu.vector_load %arg8[%get3A_1528, %get3A_1529] {strides = array<i32>} : memref<304x256xf32, #tpu.memory_space<vmem>>, vector<1x16xf32>,
    %get3A_1531 = vector.shape_cast %get3A_1530 : vector<1x16xf32> to vector<16xf32>
    %swap3A_1532 = arith.constant 3 : i32
    %swap3A_1533 = arith.index_cast %swap3A_1532 : i32 to index
    %swap3A_1534 = arith.constant 112 : index
    %swap3A_1535 = tpu.vector_load %arg9[%swap3A_1533, %swap3A_1534] {strides = array<i32>} : memref<4x256xf32, #tpu.memory_space<vmem>>, vector<1x16xf32>,
    %swap3A_1536 = vector.shape_cast %swap3A_1535 : vector<1x16xf32> to vector<16xf32>
    %swap3A_1537 = vector.shape_cast %get3A_1531 : vector<16xf32> to vector<1x16xf32>
    tpu.vector_store %arg9[%swap3A_1533, %swap3A_1534], %swap3A_1537 {strides = array<i32>} : memref<4x256xf32, #tpu.memory_space<vmem>>, vector<1x16xf32>,
    %get3A_1538 = arith.constant 299 : i32
    %get3A_1539 = arith.index_cast %get3A_1538 : i32 to index
    %get3A_1540 = arith.constant 128 : index
    %get3A_1541 = tpu.vector_load %arg8[%get3A_1539, %get3A_1540] {strides = array<i32>} : memref<304x256xf32, #tpu.memory_space<vmem>>, vector<1x16xf32>,
    %get3A_1542 = vector.shape_cast %get3A_1541 : vector<1x16xf32> to vector<16xf32>
    %swap3A_1543 = arith.constant 3 : i32
    %swap3A_1544 = arith.index_cast %swap3A_1543 : i32 to index
    %swap3A_1545 = arith.constant 128 : index
    %swap3A_1546 = tpu.vector_load %arg9[%swap3A_1544, %swap3A_1545] {strides = array<i32>} : memref<4x256xf32, #tpu.memory_space<vmem>>, vector<1x16xf32>,
    %swap3A_1547 = vector.shape_cast %swap3A_1546 : vector<1x16xf32> to vector<16xf32>
    %swap3A_1548 = vector.shape_cast %get3A_1542 : vector<16xf32> to vector<1x16xf32>
    tpu.vector_store %arg9[%swap3A_1544, %swap3A_1545], %swap3A_1548 {strides = array<i32>} : memref<4x256xf32, #tpu.memory_space<vmem>>, vector<1x16xf32>,
    %get3A_1549 = arith.constant 299 : i32
    %get3A_1550 = arith.index_cast %get3A_1549 : i32 to index
    %get3A_1551 = arith.constant 144 : index
    %get3A_1552 = tpu.vector_load %arg8[%get3A_1550, %get3A_1551] {strides = array<i32>} : memref<304x256xf32, #tpu.memory_space<vmem>>, vector<1x16xf32>,
    %get3A_1553 = vector.shape_cast %get3A_1552 : vector<1x16xf32> to vector<16xf32>
    %swap3A_1554 = arith.constant 3 : i32
    %swap3A_1555 = arith.index_cast %swap3A_1554 : i32 to index
    %swap3A_1556 = arith.constant 144 : index
    %swap3A_1557 = tpu.vector_load %arg9[%swap3A_1555, %swap3A_1556] {strides = array<i32>} : memref<4x256xf32, #tpu.memory_space<vmem>>, vector<1x16xf32>,
    %swap3A_1558 = vector.shape_cast %swap3A_1557 : vector<1x16xf32> to vector<16xf32>
    %swap3A_1559 = vector.shape_cast %get3A_1553 : vector<16xf32> to vector<1x16xf32>
    tpu.vector_store %arg9[%swap3A_1555, %swap3A_1556], %swap3A_1559 {strides = array<i32>} : memref<4x256xf32, #tpu.memory_space<vmem>>, vector<1x16xf32>,
    %get3A_1560 = arith.constant 299 : i32
    %get3A_1561 = arith.index_cast %get3A_1560 : i32 to index
    %get3A_1562 = arith.constant 160 : index
    %get3A_1563 = tpu.vector_load %arg8[%get3A_1561, %get3A_1562] {strides = array<i32>} : memref<304x256xf32, #tpu.memory_space<vmem>>, vector<1x16xf32>,
    %get3A_1564 = vector.shape_cast %get3A_1563 : vector<1x16xf32> to vector<16xf32>
    %swap3A_1565 = arith.constant 3 : i32
    %swap3A_1566 = arith.index_cast %swap3A_1565 : i32 to index
    %swap3A_1567 = arith.constant 160 : index
    %swap3A_1568 = tpu.vector_load %arg9[%swap3A_1566, %swap3A_1567] {strides = array<i32>} : memref<4x256xf32, #tpu.memory_space<vmem>>, vector<1x16xf32>,
    %swap3A_1569 = vector.shape_cast %swap3A_1568 : vector<1x16xf32> to vector<16xf32>
    %swap3A_1570 = vector.shape_cast %get3A_1564 : vector<16xf32> to vector<1x16xf32>
    tpu.vector_store %arg9[%swap3A_1566, %swap3A_1567], %swap3A_1570 {strides = array<i32>} : memref<4x256xf32, #tpu.memory_space<vmem>>, vector<1x16xf32>,
    %get3A_1571 = arith.constant 299 : i32
    %get3A_1572 = arith.index_cast %get3A_1571 : i32 to index
    %get3A_1573 = arith.constant 176 : index
    %get3A_1574 = tpu.vector_load %arg8[%get3A_1572, %get3A_1573] {strides = array<i32>} : memref<304x256xf32, #tpu.memory_space<vmem>>, vector<1x16xf32>,
    %get3A_1575 = vector.shape_cast %get3A_1574 : vector<1x16xf32> to vector<16xf32>
    %swap3A_1576 = arith.constant 3 : i32
    %swap3A_1577 = arith.index_cast %swap3A_1576 : i32 to index
    %swap3A_1578 = arith.constant 176 : index
    %swap3A_1579 = tpu.vector_load %arg9[%swap3A_1577, %swap3A_1578] {strides = array<i32>} : memref<4x256xf32, #tpu.memory_space<vmem>>, vector<1x16xf32>,
    %swap3A_1580 = vector.shape_cast %swap3A_1579 : vector<1x16xf32> to vector<16xf32>
    %swap3A_1581 = vector.shape_cast %get3A_1575 : vector<16xf32> to vector<1x16xf32>
    tpu.vector_store %arg9[%swap3A_1577, %swap3A_1578], %swap3A_1581 {strides = array<i32>} : memref<4x256xf32, #tpu.memory_space<vmem>>, vector<1x16xf32>,
    %get3A_1582 = arith.constant 299 : i32
    %get3A_1583 = arith.index_cast %get3A_1582 : i32 to index
    %get3A_1584 = arith.constant 192 : index
    %get3A_1585 = tpu.vector_load %arg8[%get3A_1583, %get3A_1584] {strides = array<i32>} : memref<304x256xf32, #tpu.memory_space<vmem>>, vector<1x16xf32>,
    %get3A_1586 = vector.shape_cast %get3A_1585 : vector<1x16xf32> to vector<16xf32>
    %swap3A_1587 = arith.constant 3 : i32
    %swap3A_1588 = arith.index_cast %swap3A_1587 : i32 to index
    %swap3A_1589 = arith.constant 192 : index
    %swap3A_1590 = tpu.vector_load %arg9[%swap3A_1588, %swap3A_1589] {strides = array<i32>} : memref<4x256xf32, #tpu.memory_space<vmem>>, vector<1x16xf32>,
    %swap3A_1591 = vector.shape_cast %swap3A_1590 : vector<1x16xf32> to vector<16xf32>
    %swap3A_1592 = vector.shape_cast %get3A_1586 : vector<16xf32> to vector<1x16xf32>
    tpu.vector_store %arg9[%swap3A_1588, %swap3A_1589], %swap3A_1592 {strides = array<i32>} : memref<4x256xf32, #tpu.memory_space<vmem>>, vector<1x16xf32>,
    %get3A_1593 = arith.constant 299 : i32
    %get3A_1594 = arith.index_cast %get3A_1593 : i32 to index
    %get3A_1595 = arith.constant 208 : index
    %get3A_1596 = tpu.vector_load %arg8[%get3A_1594, %get3A_1595] {strides = array<i32>} : memref<304x256xf32, #tpu.memory_space<vmem>>, vector<1x16xf32>,
    %get3A_1597 = vector.shape_cast %get3A_1596 : vector<1x16xf32> to vector<16xf32>
    %swap3A_1598 = arith.constant 3 : i32
    %swap3A_1599 = arith.index_cast %swap3A_1598 : i32 to index
    %swap3A_1600 = arith.constant 208 : index
    %swap3A_1601 = tpu.vector_load %arg9[%swap3A_1599, %swap3A_1600] {strides = array<i32>} : memref<4x256xf32, #tpu.memory_space<vmem>>, vector<1x16xf32>,
    %swap3A_1602 = vector.shape_cast %swap3A_1601 : vector<1x16xf32> to vector<16xf32>
    %swap3A_1603 = vector.shape_cast %get3A_1597 : vector<16xf32> to vector<1x16xf32>
    tpu.vector_store %arg9[%swap3A_1599, %swap3A_1600], %swap3A_1603 {strides = array<i32>} : memref<4x256xf32, #tpu.memory_space<vmem>>, vector<1x16xf32>,
    %get3A_1604 = arith.constant 299 : i32
    %get3A_1605 = arith.index_cast %get3A_1604 : i32 to index
    %get3A_1606 = arith.constant 224 : index
    %get3A_1607 = tpu.vector_load %arg8[%get3A_1605, %get3A_1606] {strides = array<i32>} : memref<304x256xf32, #tpu.memory_space<vmem>>, vector<1x16xf32>,
    %get3A_1608 = vector.shape_cast %get3A_1607 : vector<1x16xf32> to vector<16xf32>
    %swap3A_1609 = arith.constant 3 : i32
    %swap3A_1610 = arith.index_cast %swap3A_1609 : i32 to index
    %swap3A_1611 = arith.constant 224 : index
    %swap3A_1612 = tpu.vector_load %arg9[%swap3A_1610, %swap3A_1611] {strides = array<i32>} : memref<4x256xf32, #tpu.memory_space<vmem>>, vector<1x16xf32>,
    %swap3A_1613 = vector.shape_cast %swap3A_1612 : vector<1x16xf32> to vector<16xf32>
    %swap3A_1614 = vector.shape_cast %get3A_1608 : vector<16xf32> to vector<1x16xf32>
    tpu.vector_store %arg9[%swap3A_1610, %swap3A_1611], %swap3A_1614 {strides = array<i32>} : memref<4x256xf32, #tpu.memory_space<vmem>>, vector<1x16xf32>,
    %get3A_1615 = arith.constant 299 : i32
    %get3A_1616 = arith.index_cast %get3A_1615 : i32 to index
    %get3A_1617 = arith.constant 240 : index
    %get3A_1618 = tpu.vector_load %arg8[%get3A_1616, %get3A_1617] {strides = array<i32>} : memref<304x256xf32, #tpu.memory_space<vmem>>, vector<1x16xf32>,
    %get3A_1619 = vector.shape_cast %get3A_1618 : vector<1x16xf32> to vector<16xf32>
    %swap3A_1620 = arith.constant 3 : i32
    %swap3A_1621 = arith.index_cast %swap3A_1620 : i32 to index
    %swap3A_1622 = arith.constant 240 : index
    %swap3A_1623 = tpu.vector_load %arg9[%swap3A_1621, %swap3A_1622] {strides = array<i32>} : memref<4x256xf32, #tpu.memory_space<vmem>>, vector<1x16xf32>,
    %swap3A_1624 = vector.shape_cast %swap3A_1623 : vector<1x16xf32> to vector<16xf32>
    %swap3A_1625 = vector.shape_cast %get3A_1619 : vector<16xf32> to vector<1x16xf32>
    tpu.vector_store %arg9[%swap3A_1621, %swap3A_1622], %swap3A_1625 {strides = array<i32>} : memref<4x256xf32, #tpu.memory_space<vmem>>, vector<1x16xf32>,
    %dma_start3A_1626 = arith.constant 896 : i32
    %dma_start3A_1627 = arith.constant 0 : i32
    %dma_start3A_1628 = tpu.memref_slice %arg5[%add3A_832, %dma_start3A_1626, %dma_start3A_1627] : memref<64x900x256xf32, #tpu.memory_space<hbm>> -> memref<1x4x256xf32, #tpu.memory_space<hbm>>
    %dma_start3A_1629 = tpu.memref_squeeze %dma_start3A_1628 : memref<1x4x256xf32, #tpu.memory_space<hbm>> -> memref<4x256xf32, #tpu.memory_space<hbm>>
    %dma_start3A_1630 = arith.constant 896 : i32
    %dma_start3A_1631 = arith.constant 0 : i32
    %dma_start3A_1632 = tpu.memref_slice %arg5[%add3A_832, %dma_start3A_1630, %dma_start3A_1631] : memref<64x900x256xf32, #tpu.memory_space<hbm>> -> memref<1x4x256xf32, #tpu.memory_space<hbm>>
    %dma_start3A_1633 = tpu.memref_squeeze %dma_start3A_1632 : memref<1x4x256xf32, #tpu.memory_space<hbm>> -> memref<4x256xf32, #tpu.memory_space<hbm>>
    tpu.enqueue_dma source(%arg9 : memref<4x256xf32, #tpu.memory_space<vmem>>) target(%dma_start3A_1633 : memref<4x256xf32, #tpu.memory_space<hbm>>) target_semaphore(%arg12 : memref<!tpu.dma_semaphore, #tpu.memory_space<semaphore_mem>>)
    %dma_wait3A_1634 = arith.constant 0 : i32
    %dma_wait3A_1635 = arith.constant 0 : i32
    %dma_wait3A_1636 = tpu.memref_slice %arg8[%dma_wait3A_1634, %dma_wait3A_1635] : memref<304x256xf32, #tpu.memory_space<vmem>> -> memref<296x256xf32, #tpu.memory_space<vmem>>
    %dma_wait3A_1637 = arith.constant 600 : i32
    %dma_wait3A_1638 = arith.constant 0 : i32
    %dma_wait3A_1639 = tpu.memref_slice %arg5[%add3A_832, %dma_wait3A_1637, %dma_wait3A_1638] : memref<64x900x256xf32, #tpu.memory_space<hbm>> -> memref<1x296x256xf32, #tpu.memory_space<hbm>>
    %dma_wait3A_1640 = tpu.memref_squeeze %dma_wait3A_1639 : memref<1x296x256xf32, #tpu.memory_space<hbm>> -> memref<296x256xf32, #tpu.memory_space<hbm>>
    %dma_wait3A_1641 = arith.constant 600 : i32
    %dma_wait3A_1642 = arith.constant 0 : i32
    %dma_wait3A_1643 = tpu.memref_slice %arg5[%add3A_832, %dma_wait3A_1641, %dma_wait3A_1642] : memref<64x900x256xf32, #tpu.memory_space<hbm>> -> memref<1x296x256xf32, #tpu.memory_space<hbm>>
    %dma_wait3A_1644 = tpu.memref_squeeze %dma_wait3A_1643 : memref<1x296x256xf32, #tpu.memory_space<hbm>> -> memref<296x256xf32, #tpu.memory_space<hbm>>
    %dma_wait3A_1645 = arith.constant 0 : i32
    %dma_wait3A_1646 = arith.constant 0 : i32
    %dma_wait3A_1647 = tpu.memref_slice %arg8[%dma_wait3A_1645, %dma_wait3A_1646] : memref<304x256xf32, #tpu.memory_space<vmem>> -> memref<296x256xf32, #tpu.memory_space<vmem>>
    tpu.wait_dma2 semaphore(%arg12 : memref<!tpu.dma_semaphore, #tpu.memory_space<semaphore_mem>>) src(%dma_wait3A_1647 : memref<296x256xf32, #tpu.memory_space<vmem>>) dst(%dma_wait3A_1644 : memref<296x256xf32, #tpu.memory_space<hbm>>)
    %dma_wait3A_1648 = arith.constant 896 : i32
    %dma_wait3A_1649 = arith.constant 0 : i32
    %dma_wait3A_1650 = tpu.memref_slice %arg5[%add3A_832, %dma_wait3A_1648, %dma_wait3A_1649] : memref<64x900x256xf32, #tpu.memory_space<hbm>> -> memref<1x4x256xf32, #tpu.memory_space<hbm>>
    %dma_wait3A_1651 = tpu.memref_squeeze %dma_wait3A_1650 : memref<1x4x256xf32, #tpu.memory_space<hbm>> -> memref<4x256xf32, #tpu.memory_space<hbm>>
    %dma_wait3A_1652 = arith.constant 896 : i32
    %dma_wait3A_1653 = arith.constant 0 : i32
    %dma_wait3A_1654 = tpu.memref_slice %arg5[%add3A_832, %dma_wait3A_1652, %dma_wait3A_1653] : memref<64x900x256xf32, #tpu.memory_space<hbm>> -> memref<1x4x256xf32, #tpu.memory_space<hbm>>
    %dma_wait3A_1655 = tpu.memref_squeeze %dma_wait3A_1654 : memref<1x4x256xf32, #tpu.memory_space<hbm>> -> memref<4x256xf32, #tpu.memory_space<hbm>>
    tpu.wait_dma2 semaphore(%arg12 : memref<!tpu.dma_semaphore, #tpu.memory_space<semaphore_mem>>) src(%arg9 : memref<4x256xf32, #tpu.memory_space<vmem>>) dst(%dma_wait3A_1655 : memref<4x256xf32, #tpu.memory_space<hbm>>)
    %dma_wait3A_1656 = arith.constant 0 : i32
    %dma_wait3A_1657 = tpu.memref_slice %arg11[%dma_wait3A_1656] : memref<4864xf32, #tpu.memory_space<vmem>> -> memref<4800xf32, #tpu.memory_space<vmem>>
    %dma_wait3A_1658 = tpu.memref_slice %arg6[%add3A_877] : memref<921600xf32, #tpu.memory_space<hbm>> -> memref<4800xf32, #tpu.memory_space<hbm>>
    %dma_wait3A_1659 = tpu.memref_slice %arg6[%add3A_877] : memref<921600xf32, #tpu.memory_space<hbm>> -> memref<4800xf32, #tpu.memory_space<hbm>>
    %dma_wait3A_1660 = arith.constant 0 : i32
    %dma_wait3A_1661 = tpu.memref_slice %arg11[%dma_wait3A_1660] : memref<4864xf32, #tpu.memory_space<vmem>> -> memref<4800xf32, #tpu.memory_space<vmem>>
    tpu.wait_dma2 semaphore(%arg13 : memref<!tpu.dma_semaphore, #tpu.memory_space<semaphore_mem>>) src(%dma_wait3A_1661 : memref<4800xf32, #tpu.memory_space<vmem>>) dst(%dma_wait3A_1659 : memref<4800xf32, #tpu.memory_space<hbm>>)
    return
  }
}

module attributes {stable_mosaic.version = 14 : i64} {
  func.func @_topk_body(%arg0: i32, %arg1: memref<1x10x900xf32, #tpu.memory_space<vmem>>, %arg2: memref<64xi32, #tpu.memory_space<smem>>, %arg3: memref<1x1x300xf32, #tpu.memory_space<vmem>>, %arg4: memref<1x1x304xi32, #tpu.memory_space<vmem>>) attributes {dimension_semantics = [#tpu.dimension_semantics<arbitrary>], iteration_bounds = array<i64: 64>, scalar_prefetch = 0 : i64, scratch_operands = 0 : i64, tpu.core_type = #tpu.core_type<tc>, window_params = [{transform_indices = @transform_0, window_bounds = array<i64: 1, 10, 900>}, {transform_indices = @transform_1, window_bounds = array<i64: 64>}, {transform_indices = @transform_2, window_bounds = array<i64: 1, 1, 300>}, {transform_indices = @transform_3, window_bounds = array<i64: 1, 1, 304>}]} {
    %get3A = arith.constant 0 : index
    %get3A_0 = arith.constant 0 : index
    %get3A_1 = arith.constant 0 : index
    %get3A_2 = vector.load %arg1[%get3A, %get3A_0, %get3A_1] : memref<1x10x900xf32, #tpu.memory_space<vmem>>, vector<1x10x900xf32>
    %get3A_3 = vector.shape_cast %get3A_2 : vector<1x10x900xf32> to vector<10x900xf32>
    %reduce_max3A = arith.constant dense<0xFF800000> : vector<900xf32>
    %reduce_max3A_4 = vector.multi_reduction <maximumf>, %get3A_3, %reduce_max3A [0] : vector<10x900xf32> to vector<900xf32>
    %broadcast_in_dim3A = vector.shape_cast %reduce_max3A_4 : vector<900xf32> to vector<900x1xf32>
    %broadcast_in_dim3A_5 = vector.shape_cast %reduce_max3A_4 : vector<900xf32> to vector<1x900xf32>
    %iota3A = tpu.iota {dimensions = array<i32: 0>} : vector<900x900xi32>
    %iota3A_6 = tpu.iota {dimensions = array<i32: 1>} : vector<900x900xi32>
    %gt3A = vector.broadcast %broadcast_in_dim3A : vector<900x1xf32> to vector<900x900xf32>
    %gt3A_7 = vector.broadcast %broadcast_in_dim3A_5 : vector<1x900xf32> to vector<900x900xf32>
    %gt3A_8 = arith.cmpf ogt, %gt3A, %gt3A_7 : vector<900x900xf32>
    %eq3A = vector.broadcast %broadcast_in_dim3A : vector<900x1xf32> to vector<900x900xf32>
    %eq3A_9 = vector.broadcast %broadcast_in_dim3A_5 : vector<1x900xf32> to vector<900x900xf32>
    %eq3A_10 = arith.cmpf oeq, %eq3A, %eq3A_9 : vector<900x900xf32>
    %lt3A = arith.cmpi slt, %iota3A, %iota3A_6 : vector<900x900xi32>
    %and3A = arith.andi %eq3A_10, %lt3A : vector<900x900xi1>
    %or3A = arith.ori %gt3A_8, %and3A : vector<900x900xi1>
    %convert_element_type3A = arith.extui %or3A : vector<900x900xi1> to vector<900x900xi32>
    %reduce_sum3A = arith.constant dense<0> : vector<900xi32>
    %reduce_sum3A_11 = vector.multi_reduction <add>, %convert_element_type3A, %reduce_sum3A [0] : vector<900x900xi32> to vector<900xi32>
    %iota3A_12 = tpu.iota {dimensions = array<i32: 1>} : vector<900x300xi32>
    %broadcast_in_dim3A_13 = vector.shape_cast %reduce_sum3A_11 : vector<900xi32> to vector<900x1xi32>
    %eq3A_14 = vector.broadcast %broadcast_in_dim3A_13 : vector<900x1xi32> to vector<900x300xi32>
    %eq3A_15 = arith.cmpi eq, %eq3A_14, %iota3A_12 : vector<900x300xi32>
    %convert_element_type3A_16 = arith.extui %eq3A_15 : vector<900x300xi1> to vector<900x300xi32>
    %convert_element_type3A_17 = arith.sitofp %convert_element_type3A_16 : vector<900x300xi32> to vector<900x300xf32>
    %broadcast_in_dim3A_18 = vector.shape_cast %reduce_max3A_4 : vector<900xf32> to vector<900x1xf32>
    %mul3A = vector.broadcast %broadcast_in_dim3A_18 : vector<900x1xf32> to vector<900x300xf32>
    %mul3A_19 = arith.mulf %convert_element_type3A_17, %mul3A : vector<900x300xf32>
    %reduce_sum3A_20 = arith.constant dense<0.000000e+00> : vector<300xf32>
    %reduce_sum3A_21 = vector.multi_reduction <add>, %mul3A_19, %reduce_sum3A_20 [0] : vector<900x300xf32> to vector<300xf32>
    %swap3A = arith.constant 0 : index
    %swap3A_22 = arith.constant 0 : index
    %swap3A_23 = arith.constant 0 : index
    %swap3A_24 = vector.load %arg3[%swap3A, %swap3A_22, %swap3A_23] : memref<1x1x300xf32, #tpu.memory_space<vmem>>, vector<1x1x300xf32>
    %swap3A_25 = vector.shape_cast %swap3A_24 : vector<1x1x300xf32> to vector<300xf32>
    %swap3A_26 = vector.shape_cast %reduce_sum3A_21 : vector<300xf32> to vector<1x1x300xf32>
    tpu.vector_store %arg3[%swap3A, %swap3A_22, %swap3A_23], %swap3A_26 {strides = array<i32>} : memref<1x1x300xf32, #tpu.memory_space<vmem>>, vector<1x1x300xf32>,
    %iota3A_27 = tpu.iota {dimensions = array<i32: 0>} : vector<900x300xi32>
    %jit3A = arith.constant 0 : i32
    %broadcast_in_dim3A_28 = vector.broadcast %jit3A : i32 to vector<900x300xi32>
    %select_n3A = arith.select %eq3A_15, %iota3A_27, %broadcast_in_dim3A_28 : vector<900x300xi1>, vector<900x300xi32>
    %reduce_sum3A_29 = arith.constant dense<0> : vector<300xi32>
    %reduce_sum3A_30 = vector.multi_reduction <add>, %select_n3A, %reduce_sum3A_29 [0] : vector<900x300xi32> to vector<300xi32>
    %broadcast_in_dim3A_31 = vector.shape_cast %reduce_sum3A_30 : vector<300xi32> to vector<1x300xi32>
    %get3A_32 = arith.index_cast %arg0 : i32 to index
    %get3A_33 = memref.load %arg2[%get3A_32] : memref<64xi32, #tpu.memory_space<smem>>
    %iota3A_34 = tpu.iota {dimensions = array<i32: 1>} : vector<1x300xi32>
    %ne3A = arith.constant 0 : i32
    %ne3A_35 = arith.cmpi ne, %get3A_33, %ne3A : i32
    %add3A = arith.constant 600 : i32
    %add3A_36 = vector.broadcast %add3A : i32 to vector<1x300xi32>
    %add3A_37 = arith.addi %add3A_36, %iota3A_34 : vector<1x300xi32>
    %select_n3A_38 = arith.select %ne3A_35, %broadcast_in_dim3A_31, %add3A_37 : vector<1x300xi32>
    %mul3A_39 = arith.constant 900 : i32
    %mul3A_40 = arith.muli %arg0, %mul3A_39 : i32
    %add3A_41 = vector.broadcast %mul3A_40 : i32 to vector<1x300xi32>
    %add3A_42 = arith.addi %select_n3A_38, %add3A_41 : vector<1x300xi32>
    %iota3A_43 = tpu.iota {dimensions = array<i32: 1>} : vector<1x4xi32>
    %eq3A_44 = arith.constant 3 : i32
    %eq3A_45 = vector.broadcast %eq3A_44 : i32 to vector<1x4xi32>
    %eq3A_46 = arith.cmpi eq, %iota3A_43, %eq3A_45 : vector<1x4xi32>
    %add3A_47 = arith.constant 4 : i32
    %add3A_48 = arith.addi %add3A_47, %get3A_33 : i32
    %broadcast_in_dim3A_49 = vector.broadcast %add3A_48 : i32 to vector<1x4xi32>
    %select_n3A_50 = arith.select %eq3A_46, %broadcast_in_dim3A_49, %iota3A_43 : vector<1x4xi1>, vector<1x4xi32>
    %mul3A_51 = arith.constant 900 : i32
    %mul3A_52 = arith.muli %arg0, %mul3A_51 : i32
    %add3A_53 = vector.broadcast %mul3A_52 : i32 to vector<1x4xi32>
    %add3A_54 = arith.addi %select_n3A_50, %add3A_53 : vector<1x4xi32>
    %concatenate3A = tpu.concatenate %add3A_42, %add3A_54 in 1 : vector<1x300xi32>, vector<1x4xi32> -> vector<1x304xi32>
    %squeeze3A = vector.shape_cast %concatenate3A : vector<1x304xi32> to vector<304xi32>
    %swap3A_55 = arith.constant 0 : index
    %swap3A_56 = arith.constant 0 : index
    %swap3A_57 = arith.constant 0 : index
    %swap3A_58 = vector.load %arg4[%swap3A_55, %swap3A_56, %swap3A_57] : memref<1x1x304xi32, #tpu.memory_space<vmem>>, vector<1x1x304xi32>
    %swap3A_59 = vector.shape_cast %swap3A_58 : vector<1x1x304xi32> to vector<304xi32>
    %swap3A_60 = vector.shape_cast %squeeze3A : vector<304xi32> to vector<1x1x304xi32>
    tpu.vector_store %arg4[%swap3A_55, %swap3A_56, %swap3A_57], %swap3A_60 {strides = array<i32>} : memref<1x1x304xi32, #tpu.memory_space<vmem>>, vector<1x1x304xi32>,
    return
  }
  func.func @transform_0(%arg0: i32) -> (i32, i32, i32) {
    %c0_i32 = arith.constant 0 : i32
    %c0_i32_0 = arith.constant 0 : i32
    %c0_i32_1 = arith.constant 0 : i32
    return %arg0, %c0_i32, %c0_i32_0 : i32, i32, i32
  }
  func.func @transform_1(%arg0: i32) -> i32 {
    %c0_i32 = arith.constant 0 : i32
    %c0_i32_0 = arith.constant 0 : i32
    return %c0_i32 : i32
  }
  func.func @transform_2(%arg0: i32) -> (i32, i32, i32) {
    %c0_i32 = arith.constant 0 : i32
    %c0_i32_0 = arith.constant 0 : i32
    %c0_i32_1 = arith.constant 0 : i32
    return %arg0, %c0_i32, %c0_i32_0 : i32, i32, i32
  }
  func.func @transform_3(%arg0: i32) -> (i32, i32, i32) {
    %c0_i32 = arith.constant 0 : i32
    %c0_i32_0 = arith.constant 0 : i32
    %c0_i32_1 = arith.constant 0 : i32
    return %arg0, %c0_i32, %c0_i32_0 : i32, i32, i32
  }
}

module attributes {stable_mosaic.version = 14 : i64} {
  func.func @_fill_body(%arg0: i32, %arg1: memref<64xi32, #tpu.memory_space<smem>>, %arg2: memref<1x600x256xf32, #tpu.memory_space<vmem>>, %arg3: memref<1x600x16xf32, #tpu.memory_space<vmem>>, %arg4: memref<64x900x256xf32, #tpu.memory_space<any>>, %arg5: memref<64x900x16xf32, #tpu.memory_space<any>>, %arg6: memref<64x900x256xf32, #tpu.memory_space<any>>, %arg7: memref<64x900x16xf32, #tpu.memory_space<any>>, %arg8: memref<1x600x256xf32, #tpu.memory_space<vmem>>, %arg9: memref<1x600x16xf32, #tpu.memory_space<vmem>>, %arg10: memref<!tpu.dma_semaphore, #tpu.memory_space<semaphore_mem>>) attributes {dimension_semantics = [#tpu.dimension_semantics<arbitrary>], iteration_bounds = array<i64: 64>, scalar_prefetch = 0 : i64, scratch_operands = 1 : i64, tpu.core_type = #tpu.core_type<tc>, window_params = [{transform_indices = @transform_0, window_bounds = array<i64: 64>}, {transform_indices = @transform_1, window_bounds = array<i64: 1, 600, 256>}, {transform_indices = @transform_2, window_bounds = array<i64: 1, 600, 16>}, {}, {}, {}, {}, {transform_indices = @transform_7, window_bounds = array<i64: 1, 600, 256>}, {transform_indices = @transform_8, window_bounds = array<i64: 1, 600, 16>}]} {
    %get3A = arith.index_cast %arg0 : i32 to index
    %get3A_0 = memref.load %arg1[%get3A] : memref<64xi32, #tpu.memory_space<smem>>
    %ne3A = arith.constant 0 : i32
    %ne3A_1 = arith.cmpi ne, %get3A_0, %ne3A : i32
    %convert_element_type3A = arith.extui %ne3A_1 : i1 to i32
    %cond3A = arith.constant 0 : i32
    %cond3A_2 = arith.cmpi ne, %convert_element_type3A, %cond3A : i32
    scf.if %cond3A_2 {
      %get3A_7 = arith.constant 0 : index
      %get3A_8 = arith.constant 0 : index
      %get3A_9 = arith.constant 0 : index
      %get3A_10 = vector.load %arg2[%get3A_7, %get3A_8, %get3A_9] : memref<1x600x256xf32, #tpu.memory_space<vmem>>, vector<1x600x256xf32>
      %get3A_11 = vector.shape_cast %get3A_10 : vector<1x600x256xf32> to vector<600x256xf32>
      %swap3A = arith.constant 0 : index
      %swap3A_12 = arith.constant 0 : index
      %swap3A_13 = arith.constant 0 : index
      %swap3A_14 = vector.load %arg8[%swap3A, %swap3A_12, %swap3A_13] : memref<1x600x256xf32, #tpu.memory_space<vmem>>, vector<1x600x256xf32>
      %swap3A_15 = vector.shape_cast %swap3A_14 : vector<1x600x256xf32> to vector<600x256xf32>
      %swap3A_16 = vector.shape_cast %get3A_11 : vector<600x256xf32> to vector<1x600x256xf32>
      tpu.vector_store %arg8[%swap3A, %swap3A_12, %swap3A_13], %swap3A_16 {strides = array<i32>} : memref<1x600x256xf32, #tpu.memory_space<vmem>>, vector<1x600x256xf32>,
      %get3A_17 = arith.constant 0 : index
      %get3A_18 = arith.constant 0 : index
      %get3A_19 = arith.constant 0 : index
      %get3A_20 = vector.load %arg3[%get3A_17, %get3A_18, %get3A_19] : memref<1x600x16xf32, #tpu.memory_space<vmem>>, vector<1x600x16xf32>
      %get3A_21 = vector.shape_cast %get3A_20 : vector<1x600x16xf32> to vector<600x16xf32>
      %swap3A_22 = arith.constant 0 : index
      %swap3A_23 = arith.constant 0 : index
      %swap3A_24 = arith.constant 0 : index
      %swap3A_25 = vector.load %arg9[%swap3A_22, %swap3A_23, %swap3A_24] : memref<1x600x16xf32, #tpu.memory_space<vmem>>, vector<1x600x16xf32>
      %swap3A_26 = vector.shape_cast %swap3A_25 : vector<1x600x16xf32> to vector<600x16xf32>
      %swap3A_27 = vector.shape_cast %get3A_21 : vector<600x16xf32> to vector<1x600x16xf32>
      tpu.vector_store %arg9[%swap3A_22, %swap3A_23, %swap3A_24], %swap3A_27 {strides = array<i32>} : memref<1x600x16xf32, #tpu.memory_space<vmem>>, vector<1x600x16xf32>,
    } else {
    }
    %not3A = arith.constant true
    %not3A_3 = arith.xori %ne3A_1, %not3A : i1
    %convert_element_type3A_4 = arith.extui %not3A_3 : i1 to i32
    %cond3A_5 = arith.constant 0 : i32
    %cond3A_6 = arith.cmpi ne, %convert_element_type3A_4, %cond3A_5 : i32
    scf.if %cond3A_6 {
      %dma_start3A = arith.constant 0 : i32
      %dma_start3A_7 = arith.constant 0 : i32
      %dma_start3A_8 = arith.constant 0 : i32
      %dma_start3A_9 = tpu.memref_slice %arg8[%dma_start3A, %dma_start3A_7, %dma_start3A_8] : memref<1x600x256xf32, #tpu.memory_space<vmem>> -> memref<1x600x256xf32, #tpu.memory_space<vmem>>
      %dma_start3A_10 = tpu.memref_squeeze %dma_start3A_9 : memref<1x600x256xf32, #tpu.memory_space<vmem>> -> memref<600x256xf32, #tpu.memory_space<vmem>>
      %dma_start3A_11 = arith.constant 0 : i32
      %dma_start3A_12 = arith.constant 0 : i32
      %dma_start3A_13 = tpu.memref_slice %arg4[%arg0, %dma_start3A_11, %dma_start3A_12] : memref<64x900x256xf32, #tpu.memory_space<any>> -> memref<1x600x256xf32, #tpu.memory_space<any>>
      %dma_start3A_14 = tpu.memref_squeeze %dma_start3A_13 : memref<1x600x256xf32, #tpu.memory_space<any>> -> memref<600x256xf32, #tpu.memory_space<any>>
      tpu.enqueue_dma source(%dma_start3A_14 : memref<600x256xf32, #tpu.memory_space<any>>) target(%dma_start3A_10 : memref<600x256xf32, #tpu.memory_space<vmem>>) target_semaphore(%arg10 : memref<!tpu.dma_semaphore, #tpu.memory_space<semaphore_mem>>)
      %dma_wait3A = arith.constant 0 : i32
      %dma_wait3A_15 = arith.constant 0 : i32
      %dma_wait3A_16 = arith.constant 0 : i32
      %dma_wait3A_17 = tpu.memref_slice %arg8[%dma_wait3A, %dma_wait3A_15, %dma_wait3A_16] : memref<1x600x256xf32, #tpu.memory_space<vmem>> -> memref<1x600x256xf32, #tpu.memory_space<vmem>>
      %dma_wait3A_18 = tpu.memref_squeeze %dma_wait3A_17 : memref<1x600x256xf32, #tpu.memory_space<vmem>> -> memref<600x256xf32, #tpu.memory_space<vmem>>
      %dma_wait3A_19 = arith.constant 0 : i32
      %dma_wait3A_20 = arith.constant 0 : i32
      %dma_wait3A_21 = tpu.memref_slice %arg4[%arg0, %dma_wait3A_19, %dma_wait3A_20] : memref<64x900x256xf32, #tpu.memory_space<any>> -> memref<1x600x256xf32, #tpu.memory_space<any>>
      %dma_wait3A_22 = tpu.memref_squeeze %dma_wait3A_21 : memref<1x600x256xf32, #tpu.memory_space<any>> -> memref<600x256xf32, #tpu.memory_space<any>>
      tpu.wait_dma2 semaphore(%arg10 : memref<!tpu.dma_semaphore, #tpu.memory_space<semaphore_mem>>) src(%dma_wait3A_22 : memref<600x256xf32, #tpu.memory_space<any>>) dst(%dma_wait3A_18 : memref<600x256xf32, #tpu.memory_space<vmem>>)
      %dma_start3A_23 = arith.constant 0 : i32
      %dma_start3A_24 = arith.constant 0 : i32
      %dma_start3A_25 = arith.constant 0 : i32
      %dma_start3A_26 = tpu.memref_slice %arg9[%dma_start3A_23, %dma_start3A_24, %dma_start3A_25] : memref<1x600x16xf32, #tpu.memory_space<vmem>> -> memref<1x600x16xf32, #tpu.memory_space<vmem>>
      %dma_start3A_27 = tpu.memref_squeeze %dma_start3A_26 : memref<1x600x16xf32, #tpu.memory_space<vmem>> -> memref<600x16xf32, #tpu.memory_space<vmem>>
      %dma_start3A_28 = arith.constant 0 : i32
      %dma_start3A_29 = arith.constant 0 : i32
      %dma_start3A_30 = tpu.memref_slice %arg5[%arg0, %dma_start3A_28, %dma_start3A_29] : memref<64x900x16xf32, #tpu.memory_space<any>> -> memref<1x600x16xf32, #tpu.memory_space<any>>
      %dma_start3A_31 = tpu.memref_squeeze %dma_start3A_30 : memref<1x600x16xf32, #tpu.memory_space<any>> -> memref<600x16xf32, #tpu.memory_space<any>>
      tpu.enqueue_dma source(%dma_start3A_31 : memref<600x16xf32, #tpu.memory_space<any>>) target(%dma_start3A_27 : memref<600x16xf32, #tpu.memory_space<vmem>>) target_semaphore(%arg10 : memref<!tpu.dma_semaphore, #tpu.memory_space<semaphore_mem>>)
      %dma_wait3A_32 = arith.constant 0 : i32
      %dma_wait3A_33 = arith.constant 0 : i32
      %dma_wait3A_34 = arith.constant 0 : i32
      %dma_wait3A_35 = tpu.memref_slice %arg9[%dma_wait3A_32, %dma_wait3A_33, %dma_wait3A_34] : memref<1x600x16xf32, #tpu.memory_space<vmem>> -> memref<1x600x16xf32, #tpu.memory_space<vmem>>
      %dma_wait3A_36 = tpu.memref_squeeze %dma_wait3A_35 : memref<1x600x16xf32, #tpu.memory_space<vmem>> -> memref<600x16xf32, #tpu.memory_space<vmem>>
      %dma_wait3A_37 = arith.constant 0 : i32
      %dma_wait3A_38 = arith.constant 0 : i32
      %dma_wait3A_39 = tpu.memref_slice %arg5[%arg0, %dma_wait3A_37, %dma_wait3A_38] : memref<64x900x16xf32, #tpu.memory_space<any>> -> memref<1x600x16xf32, #tpu.memory_space<any>>
      %dma_wait3A_40 = tpu.memref_squeeze %dma_wait3A_39 : memref<1x600x16xf32, #tpu.memory_space<any>> -> memref<600x16xf32, #tpu.memory_space<any>>
      tpu.wait_dma2 semaphore(%arg10 : memref<!tpu.dma_semaphore, #tpu.memory_space<semaphore_mem>>) src(%dma_wait3A_40 : memref<600x16xf32, #tpu.memory_space<any>>) dst(%dma_wait3A_36 : memref<600x16xf32, #tpu.memory_space<vmem>>)
    } else {
    }
    return
  }
  func.func @transform_0(%arg0: i32) -> i32 {
    %c0_i32 = arith.constant 0 : i32
    %c0_i32_0 = arith.constant 0 : i32
    return %c0_i32 : i32
  }
  func.func @transform_1(%arg0: i32) -> (i32, i32, i32) {
    %c0_i32 = arith.constant 0 : i32
    %c0_i32_0 = arith.constant 0 : i32
    %c0_i32_1 = arith.constant 0 : i32
    return %arg0, %c0_i32, %c0_i32_0 : i32, i32, i32
  }
  func.func @transform_2(%arg0: i32) -> (i32, i32, i32) {
    %c0_i32 = arith.constant 0 : i32
    %c0_i32_0 = arith.constant 0 : i32
    %c0_i32_1 = arith.constant 0 : i32
    return %arg0, %c0_i32, %c0_i32_0 : i32, i32, i32
  }
  func.func @transform_7(%arg0: i32) -> (i32, i32, i32) {
    %c0_i32 = arith.constant 0 : i32
    %c0_i32_0 = arith.constant 0 : i32
    %c0_i32_1 = arith.constant 0 : i32
    return %arg0, %c0_i32, %c0_i32_0 : i32, i32, i32
  }
  func.func @transform_8(%arg0: i32) -> (i32, i32, i32) {
    %c0_i32 = arith.constant 0 : i32
    %c0_i32_0 = arith.constant 0 : i32
    %c0_i32_1 = arith.constant 0 : i32
    return %arg0, %c0_i32, %c0_i32_0 : i32, i32, i32
  }
}

</mosaic_0001>

<sc_bundles>
// kernel: kernel.5.cloned.1.call-start
scs
__scs_entry_jumppad:
0x0: {  	(pc) =	sbr.rel $0x88, $3  }
0x1: {  	(tag) =	ssettag $0x0;
	lr =	simm.s32 $0x1  }
0x2: {  	[smem:$0x3F9B] =	sst lr;
	_ =	strace $0xD0000000  }
0x3: {  	_ = 	snop  }
0x4: {  	_ = 	snop  }
0x5: {  	_ = 	snop  }
0x6: {  	_ = 	snop  }
0x7: {  	_ = 	snop  }
__scs_overlays_trampoline_lowered:
0x8: {  	[smem:$0x3FAA] =	sst s0  }
0x9: {  	[smem:$0x3FAB] =	sst s1  }
0xa: {  	[smem:$0x3FAC] =	sst s2  }
0xb: {  	[smem:$0x3FAD] =	sst s3  }
0xc: {  	[smem:$0x3FAE] =	sst s4  }
0xd: {  	[smem:$0x3FAF] =	sst s5  }
0xe: {  	[smem:$0x3FB0] =	sst s6  }
0xf: {  	[smem:$0x3FB1] =	sst s7  }
0x10: {  	[smem:$0x3FB2] =	sst s8  }
0x11: {  	[smem:$0x3FB3] =	sst s9;
	s0 =	simm.s32 @!p0 $0x0  }
0x12: {  	s1 =	sld [smem:$0x3F99];
	s0 =	simm.s32 @p0 $0x1  }
0x13: {  	[smem:$0x3FB4] =	sst s0;
	s0 =	simm.s32 @!p1 $0x0  }
0x14: {  	s2 =	sld [smem:$0x3F98];
	s0 =	simm.s32 @p1 $0x1  }
0x15: {  	[smem:$0x3FB5] =	sst s0;
	s0 =	simm.s32 @!p2 $0x0  }
0x16: {  	s3 =	sld [smem:$0x3FDB];
	s0 =	simm.s32 @p2 $0x1  }
0x17: {  	s4 =	simm.s32 $0x1BF5;
	[smem:$0x3FB7] =	sst s0  }
0x18: {  	s0 =	sld [smem:$0x3F9A];
	_ =	swait.ge [sflag:s4], $0x0  }
0x19: {  	s7 =	sld [smem:$0x3F9B]  }
0x1a: {  	s8 =	sadd.s32 $0xFFFFE003, lr  }
0x1b: {  	s9 =	sadd.s32 $0xFFFFFEF7, lr;
	s5 =	simm.s32 $0xFFFFFFFF;
	p2 =	slt.u32 s8, $0xFFFFF086  }
0x1c: {  	p1 =	slt.u32 s9, $0xF7A;
	s5 =	simm.s32 @!p2 $0x0  }
0x1d: {  	s5 =	simm.s32 @p1 $0x1;
	p0 =	seq.s32 s7, s2  }
0x1e: {  	s7 =	smul.u32 @!p0 $0xF7A, s2;
	p2 =	seq.s32 @!p0 s5, $0x0  }
0x1f: {  	s9 =	smul.u32 $0xF7A, s1;
	s8 =	simm.s32 @!p0 $0x1BF5;
	p2 =	por !p2, p0  }
0x20: {  	[sflag:s8] =	ssyncset.s32 @!p0 $0xFFFFF086;
	s6 =	sadd.s32 @!p0 s3, s7;
	s7 =	simm.s32 @!p0 $0x108  }
0x21: {  	s3 =	sadd.s32 s3, s9;
	s6 =	sadd.s32 @!p0 $0x88, s6;
	s7 =	simm.s32 @p2 $0x1082  }
0x22: {  	[simem:s7], [sflag:s8] =	dma.local @!p0 [hbm:s6], $0xF7A  }
0x23: {  	s9 =	sor.u32 $0xD0000000, s2;
	s6 =	simm.s32 $0x108;
	_ =	swait.ge @!p0 [sflag:s8], $0x0  }
0x24: {  	s3 =	sadd.s32 $0x88, s3;
	s6 =	simm.s32 @!p1 $0x1082;
	[sflag:s4] =	ssyncset.s32 $0xFFFFF086  }
0x25: {  	[simem:s6], [sflag:s4] =	dma.local [hbm:s3], $0xF7A  }
0x26: {  	[smem:$0x3F9B] =	sst s1;
	(tag) =	ssettag s2;
	_ =	strace s9  }
0x27: {  	s1 =	sld [smem:$0x3FAB]  }
0x28: {  	s2 =	sld [smem:$0x3FAC]  }
0x29: {  	s4 =	sld [smem:$0x3FAE]  }
0x2a: {  	p0 =	seq.s32 s5, $0x0;
	s5 =	sld [smem:$0x3FAF]  }
0x2b: {  	s6 =	sld [smem:$0x3FB0]  }
0x2c: {  	s7 =	sld [smem:$0x3FB1]  }
0x2d: {  	s3 =	simm.s32 $0x108;
	s8 =	sld [smem:$0x3FB2]  }
0x2e: {  	s3 =	simm.s32 @!p0 $0x1082;
	s9 =	sld [smem:$0x3FB3]  }
0x2f: {  	lr =	sadd.s32 s0, s3;
	s0 =	sld [smem:$0x3FAA]  }
0x30: {  	s3 =	sld [smem:$0x3FAD]  }
0x31: {  	[smem:$0x3FB6] =	sst s10  }
0x32: {  	s10 =	sld [smem:$0x3FB4];
	_ =	sdelay $0x3  }
0x33: {  	p0 =	seq.s32 s10, $0x1;
	s10 =	sld [smem:$0x3FB6];
	_ =	sdelay $0x3  }
0x34: {  	[smem:$0x3FB6] =	sst s10  }
0x35: {  	s10 =	sld [smem:$0x3FB5];
	_ =	sdelay $0x3  }
0x36: {  	p1 =	seq.s32 s10, $0x1;
	s10 =	sld [smem:$0x3FB6];
	_ =	sdelay $0x3  }
0x37: {  	[smem:$0x3FB6] =	sst s10  }
0x38: {  	s10 =	sld [smem:$0x3FB7]  }
0x39: {  	_ = 	snop;
	(pc) =	sbr.ind lr, $3  }
0x3a: {  	_ = 	snop  }
0x3b: {  	_ = 	snop  }
0x3c: {  	p2 =	seq.s32 s10, $0x1;
	s10 =	sld [smem:$0x3FB6]  }
0x3d: {  	_ =	shalt  }
0x3e: {  	_ =	shalt  }
0x3f: {  	_ =	shalt  }
0x40: {  	_ =	shalt  }
0x41: {  	_ =	shalt  }
0x42: {  	_ =	shalt  }
0x43: {  	_ =	shalt  }
0x44: {  	_ =	shalt  }
0x45: {  	_ =	shalt  }
0x46: {  	_ =	shalt  }
0x47: {  	_ =	shalt  }
0x48: {  	_ =	shalt  }
0x49: {  	_ =	shalt  }
0x4a: {  	_ =	shalt  }
0x4b: {  	_ =	shalt  }
0x4c: {  	_ =	shalt  }
0x4d: {  	_ =	shalt  }
0x4e: {  	_ =	shalt  }
0x4f: {  	_ =	shalt  }
0x50: {  	_ =	shalt  }
0x51: {  	_ =	shalt  }
0x52: {  	_ =	shalt  }
0x53: {  	_ =	shalt  }
0x54: {  	_ =	shalt  }
0x55: {  	_ =	shalt  }
0x56: {  	_ =	shalt  }
0x57: {  	_ =	shalt  }
0x58: {  	_ =	shalt  }
0x59: {  	_ =	shalt  }
0x5a: {  	_ =	shalt  }
0x5b: {  	_ =	shalt  }
0x5c: {  	_ =	shalt  }
0x5d: {  	_ =	shalt  }
0x5e: {  	_ =	shalt  }
0x5f: {  	_ =	shalt  }
0x60: {  	_ =	shalt  }
0x61: {  	_ =	shalt  }
0x62: {  	_ =	shalt  }
0x63: {  	_ =	shalt  }
0x64: {  	_ =	shalt  }
0x65: {  	_ =	shalt  }
0x66: {  	_ =	shalt  }
0x67: {  	_ =	shalt  }
0x68: {  	_ =	shalt  }
0x69: {  	_ =	shalt  }
0x6a: {  	_ =	shalt  }
0x6b: {  	_ =	shalt  }
0x6c: {  	_ =	shalt  }
0x6d: {  	_ =	shalt  }
0x6e: {  	_ =	shalt  }
0x6f: {  	_ =	shalt  }
0x70: {  	_ =	shalt  }
0x71: {  	_ =	shalt  }
0x72: {  	_ =	shalt  }
0x73: {  	_ =	shalt  }
0x74: {  	_ =	shalt  }
0x75: {  	_ =	shalt  }
0x76: {  	_ =	shalt  }
0x77: {  	_ =	shalt  }
0x78: {  	_ =	shalt  }
0x79: {  	_ =	shalt  }
0x7a: {  	_ =	shalt  }
0x7b: {  	_ =	shalt  }
0x7c: {  	_ =	shalt  }
0x7d: {  	_ =	shalt  }
0x7e: {  	_ =	shalt  }
0x7f: {  	_ =	shalt  }
0x80: {  	_ =	shalt  }
0x81: {  	_ =	shalt  }
0x82: {  	_ =	shalt  }
0x83: {  	_ =	shalt  }
0x84: {  	_ =	shalt  }
0x85: {  	_ =	shalt  }
0x86: {  	_ =	shalt  }
0x87: {  	_ =	shalt  }
.Lfunc_end0:
.L_simem_size_0:
called_computation_lowered:
.L_overlay_start_0:
0x88: {  	s2 =	sld [smem:$0x3FD9]  }
0x89: {  	s3 =	sld [smem:$0x3FFE];
	_ =	sdelay $0x1  }
0x8a: {  	s1 =	srdreg.scid  }
0x8b: {  	s0 =	sand.u32 $0x1, s1  }
0x8c: {  	s14 =	sshll.u32 s0, $0xA;
	s2 =	sadd.s32 s3, s2  }
0x8d: {  	s2 =	sadd.s32 s2, s14  }
0x8e: {  	[smem:$0x3FC2] =	sst s2  }
0x8f: {  	_ = 	snop  }
0x90: {  	s2 =	sld [smem:$0x3FD0];
	_ =	sdelay $0x2  }
0x91: {  	s15 =	simm.s32 $0xA;
	s4 =	simm.s32 $0x10  }
0x92: {  	[smem:s4], [sflag:s15] =	dma.local [hbm:s2], $0x1  }
0x93: {  	_ =	swait.eq [sflag:s15], $0x1  }
0x94: {  	[sflag:s15] =	ssyncset.done $0x0  }
0x95: {  	s16 =	sld [smem:$0x10];
	[sflag:s15] =	ssyncadd.s32 $0xFFFFFFFF  }
0x96: {  	s17 =	sld [smem:$0x11];
	(tm) =	ssettm $0x1  }
0x97: {  	s18 =	sld [smem:$0x3FFB];
	_ =	sdelay $0x3  }
0x98: {  	_ =	strace s18  }
0x99: {  	s4 =	sld [smem:$0x3FFC];
	_ =	sdelay $0x3  }
0x9a: {  	_ =	strace s4  }
0x9b: {  	s4 =	sld [smem:$0x3FFD];
	_ =	sdelay $0x3  }
0x9c: {  	_ =	strace s4  }
0x9d: {  	_ =	strace $0x8FFFFFFF  }
0x9e: {  	s19 =	sld [smem:$0x3FDB];
	_ =	sdelay $0x1  }
0x9f: {  	s5 =	simm.s32 $_scs_section_size  }
0xa0: {  	s6 =	simm.s32 $_size__tile_overlayer_lowered;
	s7 =	simm.s32 $_tile_overlayer_lowered  }
0xa1: {  	s22 =	simm.s32 $0x1BFF;
	s21 =	sshll.u32 s7, $0x1;
	s4 =	sadd.s32 s5, s19  }
0xa2: {  	s8 =	simm.s32 $0x0;
	s20 =	sshll.u32 s6, $0x1;
	s6 =	sadd.s32 s21, s4  }
0xa3: {  	[timem:s8], [sflag:s22] =	dma.local [hbm:s6], s20  }
0xa4: {  	_ =	swait.ge [sflag:s22], s20  }
0xa5: {  	s5 =	ssub.s32 $0x0, s20;
	[sflag:s22] =	ssyncset.done $0x0  }
0xa6: {  	[sflag:s22] =	ssyncadd.s32 s5;
	_ =	sdelay $0x1  }
0xa7: {  	s23 =	simm.s32 $0x1B8B  }
0xa8: {  	_ =	swait.ge [sflag:s23], $0x1  }
0xa9: {  	[sflag:s23] =	ssyncset.done $0x0  }
0xaa: {  	s25 =	simm.s32 $0x1B8E;
	s24 =	sld [smem:$0x3FFE];
	[sflag:s23] =	ssyncadd.s32 $0xFFFFFFFF  }
0xab: {  	s26 =	simm.s32 $execute0_lowered;
	[smem:$0x3FD2] =	sst s25  }
0xac: {  	s6 =	sshll.u32 s26, $0x1;
	_ =	strace $0x80000046;
	[dreg:$0x1] =	wrdreg $0xFFFFFFFF  }
0xad: {  	s28 =	simm.s32 $_size_execute0_lowered;
	s4 =	sadd.s32 s4, s6;
	[dreg:$0x0] =	wrdreg $0x0  }
0xae: {  	s6 =	sshll.u32 s28, $0x1;
	[dreg:$0x2] =	wrdreg s4  }
0xaf: {  	[dreg:$0x3] =	wrdreg s6  }
0xb0: {  	[dreg:$0x4] =	wrdreg $0xC0  }
0xb1: {  	_ =	task [dreg:s8], $0x5FFFF  }
0xb2: {  	[dreg:$0x1] =	wrdreg $0xFFFFFFFF  }
0xb3: {  	[dreg:$0x0] =	wrdreg $0x60  }
0xb4: {  	[dreg:$0x2] =	wrdreg s16  }
0xb5: {  	[dreg:$0x3] =	wrdreg s24  }
0xb6: {  	[dreg:$0x4] =	wrdreg s17  }
0xb7: {  	[dreg:$0x5] =	wrdreg $0x9  }
0xb8: {  	_ =	task.clear_ibuf [dreg:s8], $0x6FFFF;
	_ =	strace $0x90000046  }
0xb9: {  	s29 =	simm.s32 $0x9;
	_ =	strace $0x80000048  }
0xba: {  	_ =	swait.ge [sflag:s29], $0x1  }
0xbb: {  	[sflag:s29] =	ssyncadd.s32 $0xFFFFFFFF  }
0xbc: {  	_ =	strace $0x90000048  }
0xbd: {  	_ =	sfence  }
0xbe: {  	s30 =	sld [smem:$0x0];
	_ =	sdelay $0x2  }
0xbf: {  	s31 =	sshll.u32 s1, $0xD;
	s1 =	sshrl.u32 s1, $0x2  }
0xc0: {  	s3 =	sand.u32 $0x4000, s31;
	s1 =	sadd.s32 s1, s30  }
0xc1: {  	s0 =	sor.u32 s3, s0;
	s1 =	sshll.u32 s1, $0x11  }
0xc2: {  	s0 =	sor.u32 s1, s0  }
0xc3: {  	s0 =	sadd.s32 $0x8F2B, s0  }
0xc4: {  	[sflag:s0] =	ssyncadd.remote.s32 $0x1  }
0xc5: {  	_ =	sfence.sel $0xFFFF  }
0xc6: {  	[dreg:$0x0] =	wrdreg $0xFFFFFFFF;
	(pc) =	sbr.abs _section_cstart, $3  }
0xc7: {  	[dreg:$0x1] =	wrdreg $0xFFFFFFFF  }
0xc8: {  	_ =	task.clear_ibuf [dreg:s8], $0x2FFFF;
	_ =	strace $0x9FFFFFFF  }
0xc9: {  	(tm) =	ssettm $0x7FFFFFFF  }
tec
execute0_lowered:
.L_overlay_start_1:
0x0: {  	(tag) =	ssettag $0x1  }
0x1: {  	s1 =	rddreg [dreg:$0x0]  }
0x2: {  	s0 =	rddreg [dreg:$0x1]  }
0x3: {  	s2 =	rddreg [dreg:$0x2]  }
0x4: {  	s4 =	srdreg.scid;
	s5 =	stileid.u32  }
0x5: {  	s3 =	simm.s32 $0x0;
	s4 =	sand.u32 $0x1, s4;
	s5 =	sshll.u32 s5, $0x1  }
0x6: {  	s20 =	simm.s32 $0xBA80;
	s28 =	simm.s32 $0x10A80;
	s5 =	sor.u32 s4, s5  }
0x7: {  	s29 =	simm.s32 $0x11280;
	s30 =	simm.s32 $0x11A80;
	s8 =	smul.u32 $0x4C, s5  }
0x8: {  	s31 =	simm.s32 $0x12A80;
	s12 =	simm.s32 $0x0;
	s10 =	smul.u32 $0x7080, s5  }
0x9: {  	[smem:$0x7FF] =	sst s3;
	s6 =	sadd.s32 $0xE3800, s0;
	s14 =	smul.u32 $0x71000, s5  }
0xa: {  	s7 =	sadd.s32 $0x2DFC00, s0;
	s15 =	smul.u32 $0xFFFFF8F8, s5;
	s5 =	sshllo.u32 s5, $0x1  }
0xb: {  	s0 =	sadd.s32 $0x2C3A00, s0;
	s4 =	ssub.s32 $0x2, s4;
	s17 =	smul.u32 $0x3840, s5  }
0xc: {  	_ =	strace $0x80000047;
	s9 =	sshrl.u32 s4, $0x1;
	s11 =	smul.u32 $0x38800, s5  }
0xd: {  	s4 =	ssub.s32 s4, s9;
	s19 =	smul.u32 $0xFFFFFC7C, s5;
	s9 =	simm.s32 $0x12280  }
0xe: {  	s2 =	sadd.s32 s2, s8;
	s16 =	sshrl.u32 s10, $0x3;
	s26 =	smax.u32 s4, $0x1  }
0xf: {  	v0 =	vmov s15;
	s4 =	simm.s32 $0x200;
	s15 =	simm.s32 $0x13280;
	[dreg:$0x4] =	wrdreg s2  }
0x10: {  	s10 =	sadd.s32 s6, s16;
	s2 =	sshrl.u32 s14, $0x3;
	s8 =	sadd.s32 s0, s16  }
0x11: {  	s21 =	sshrl.u32 s17, $0x3;
	s22 =	sshrl.u32 s11, $0x3;
	[dreg:$0xd] =	wrdreg s26  }
0x12: {  	s14 =	simm.s32 $0x3;
	s16 =	simm.s32 $0x280;
	s26 =	simm.s32 $0x10280  }
0x13: {  	s11 =	simm.s32 $0x400;
	[dreg:$0x5] =	wrdreg s10;
	s2 =	sadd.s32 s7, s2  }
0x14: {  	s8 =	sadd.s32 $0x4B0, s8;
	s6 =	sadd.s32 s6, s21;
	s0 =	sadd.s32 s0, s21  }
0x15: {  	s23 =	sadd.s32 s7, s22;
	s21 =	simm.s32 $0xC280;
	[dreg:$0x6] =	wrdreg s8  }
0x16: {  	s22 =	simm.s32 $0xCA80;
	s18 =	sadd.s32 $0x4B00, s2;
	[dreg:$0x9] =	wrdreg s6  }
0x17: {  	s7 =	simm.s32 $0xEA80;
	s2 =	sadd.s32 $0x7000, s2;
	[dreg:$0x7] =	wrdreg s18  }
0x18: {  	s10 =	simm.s32 $0x1;
	s0 =	sadd.s32 $0x4B0, s0;
	[dreg:$0x8] =	wrdreg s2  }
0x19: {  	s24 =	sadd.s32 $0x4B00, s23;
	s25 =	sadd.s32 $0x7000, s23;
	[dreg:$0xa] =	wrdreg s0  }
0x1a: {  	v4 =	vlaneseq.u32;
	s23 =	simm.s32 $0xD280;
	s6 =	simm.s32 $0xDA80;
	[dreg:$0xb] =	wrdreg s24  }
0x1b: {  	vm0 =	vmmov $0xffff;
	v2 =	vand.u32 $0x7, v4;
	v3 =	vshrl.u32 v4, $0x3;
	s8 =	simm.s32 $0xFA80;
	[dreg:$0xc] =	wrdreg s25;
	s24 =	simm.s32 $0xE280  }
0x1c: {  	v4 =	vor.u32 $0x8, v4;
	v3 =	vmul.u32 $0x8, v3;
	v1 =	vmov s19;
	s25 =	simm.s32 $0xF280;
	s0 =	simm.s32 $0x2;
	s2 =	simm.s32 $0x16F00  }
.LBB2_1:
0x1d: {  	s5 =	rddreg [dreg:$0x4]  }
0x1e: {  	[tilespmem:s3], [sflag:$0x3] =	stream.linear.gather [hbm4b:s5+s3], $0x260, $0x38;
	[tilespmem:$0x18200] =	vst v63  }
0x1f: {  	_ =	swait.ge [sflag:s14], $0x260  }
0x20: {  	[sflag:s14] =	ssyncset.done $0x0  }
0x21: {  	s13 =	simm.s32 $0x13680;
	s19 =	rddreg [dreg:$0x5];
	[sflag:s14] =	ssyncadd.s32 $0xFFFFFDA0  }
0x22: {  	[tilespmem:s13], [sflag:$0x2] =	stream.linear.gather [hbm4b:s19+s3], $0x3840, $0x38;
	[tilespmem:$0x18200] =	vst v63  }
0x23: {  	v5 =	vld [tilespmem:$0x0];
	_ =	sdelay $0x4  }
0x24: {  	v6 =	vshll.u32 v5, $0x1  }
0x25: {  	v5 =	vand.u32 $0x7, v5;
	v6 =	vand.u32 $0xFFFFFFF0, v6  }
0x26: {  	v5 =	vor.u32 v5, v6  }
0x27: {  	v6 =	vperm.xlane v5, v2;
	_ =	sdelay $0x1  }
0x28: {  	v5 =	vperm.xlane v5, v4;
	v6 =	vadd.s32 v3, v6;
	_ =	sdelay $0x1  }
0x29: {  	v5 =	vadd.s32 v3, v5;
	_ =	sdelay $0x2  }
0x2a: {  	[tilespmem:s16], [sflag:$0x1] =	stream.indirect_vreg.gather [hbm4b:s1+s3], $0x80, v6, vm0, $0xb8;
	[tilespmem:$0x18200] =	vst v63  }
0x2b: {  	s13 =	simm.s32 $0xA80  }
0x2c: {  	[tilespmem:s13], [sflag:$0x1] =	stream.indirect_vreg.gather [hbm4b:s1+s3], $0x80, v5, vm0, $0xb8;
	[tilespmem:$0x18200] =	vst v63  }
0x2d: {  	v5 =	vld [tilespmem:$0x10];
	_ =	sdelay $0x4  }
0x2e: {  	v6 =	vshll.u32 v5, $0x1  }
0x2f: {  	v5 =	vand.u32 $0x7, v5;
	v6 =	vand.u32 $0xFFFFFFF0, v6  }
0x30: {  	v5 =	vor.u32 v5, v6  }
0x31: {  	v6 =	vperm.xlane v5, v2;
	_ =	sdelay $0x1  }
0x32: {  	v5 =	vperm.xlane v5, v4;
	v6 =	vadd.s32 v3, v6;
	_ =	sdelay $0x1  }
0x33: {  	v5 =	vadd.s32 v3, v5;
	_ =	sdelay $0x1  }
0x34: {  	s17 =	simm.s32 $0x1280  }
0x35: {  	[tilespmem:s17], [sflag:$0x1] =	stream.indirect_vreg.gather [hbm4b:s1+s3], $0x80, v6, vm0, $0xb8;
	[tilespmem:$0x18200] =	vst v63  }
0x36: {  	s18 =	simm.s32 $0x1A80  }
0x37: {  	[tilespmem:s18], [sflag:$0x1] =	stream.indirect_vreg.gather [hbm4b:s1+s3], $0x80, v5, vm0, $0xb8;
	[tilespmem:$0x18200] =	vst v63  }
0x38: {  	v5 =	vld [tilespmem:$0x20];
	_ =	sdelay $0x4  }
0x39: {  	v6 =	vshll.u32 v5, $0x1  }
0x3a: {  	v5 =	vand.u32 $0x7, v5;
	v6 =	vand.u32 $0xFFFFFFF0, v6  }
0x3b: {  	v5 =	vor.u32 v5, v6  }
0x3c: {  	v6 =	vperm.xlane v5, v2;
	_ =	sdelay $0x1  }
0x3d: {  	v5 =	vperm.xlane v5, v4;
	v6 =	vadd.s32 v3, v6;
	_ =	sdelay $0x1  }
0x3e: {  	v5 =	vadd.s32 v3, v5;
	_ =	sdelay $0x1  }
0x3f: {  	s19 =	simm.s32 $0x2280  }
0x40: {  	[tilespmem:s19], [sflag:$0x1] =	stream.indirect_vreg.gather [hbm4b:s1+s3], $0x80, v6, vm0, $0xb8;
	[tilespmem:$0x18200] =	vst v63  }
0x41: {  	s13 =	simm.s32 $0x2A80  }
0x42: {  	[tilespmem:s13], [sflag:$0x1] =	stream.indirect_vreg.gather [hbm4b:s1+s3], $0x80, v5, vm0, $0xb8;
	[tilespmem:$0x18200] =	vst v63  }
0x43: {  	v5 =	vld [tilespmem:$0x30];
	_ =	sdelay $0x4  }
0x44: {  	v6 =	vshll.u32 v5, $0x1  }
0x45: {  	v5 =	vand.u32 $0x7, v5;
	v6 =	vand.u32 $0xFFFFFFF0, v6  }
0x46: {  	v5 =	vor.u32 v5, v6  }
0x47: {  	v6 =	vperm.xlane v5, v2;
	_ =	sdelay $0x1  }
0x48: {  	v5 =	vperm.xlane v5, v4;
	v6 =	vadd.s32 v3, v6;
	_ =	sdelay $0x1  }
0x49: {  	v5 =	vadd.s32 v3, v5;
	_ =	sdelay $0x1  }
0x4a: {  	s17 =	simm.s32 $0x3280  }
0x4b: {  	[tilespmem:s17], [sflag:$0x1] =	stream.indirect_vreg.gather [hbm4b:s1+s3], $0x80, v6, vm0, $0xb8;
	[tilespmem:$0x18200] =	vst v63  }
0x4c: {  	s18 =	simm.s32 $0x3A80  }
0x4d: {  	[tilespmem:s18], [sflag:$0x1] =	stream.indirect_vreg.gather [hbm4b:s1+s3], $0x80, v5, vm0, $0xb8;
	[tilespmem:$0x18200] =	vst v63  }
0x4e: {  	v5 =	vld [tilespmem:$0x40];
	_ =	sdelay $0x4  }
0x4f: {  	v6 =	vshll.u32 v5, $0x1  }
0x50: {  	v5 =	vand.u32 $0x7, v5;
	v6 =	vand.u32 $0xFFFFFFF0, v6  }
0x51: {  	v5 =	vor.u32 v5, v6  }
0x52: {  	v6 =	vperm.xlane v5, v2;
	_ =	sdelay $0x1  }
0x53: {  	v5 =	vperm.xlane v5, v4;
	v6 =	vadd.s32 v3, v6;
	_ =	sdelay $0x1  }
0x54: {  	v5 =	vadd.s32 v3, v5;
	_ =	sdelay $0x1  }
0x55: {  	s19 =	simm.s32 $0x4280  }
0x56: {  	[tilespmem:s19], [sflag:$0x1] =	stream.indirect_vreg.gather [hbm4b:s1+s3], $0x80, v6, vm0, $0xb8;
	[tilespmem:$0x18200] =	vst v63  }
0x57: {  	s13 =	simm.s32 $0x4A80  }
0x58: {  	[tilespmem:s13], [sflag:$0x1] =	stream.indirect_vreg.gather [hbm4b:s1+s3], $0x80, v5, vm0, $0xb8;
	[tilespmem:$0x18200] =	vst v63  }
0x59: {  	v5 =	vld [tilespmem:$0x50];
	_ =	sdelay $0x4  }
0x5a: {  	v6 =	vshll.u32 v5, $0x1  }
0x5b: {  	v5 =	vand.u32 $0x7, v5;
	v6 =	vand.u32 $0xFFFFFFF0, v6  }
0x5c: {  	v5 =	vor.u32 v5, v6  }
0x5d: {  	v6 =	vperm.xlane v5, v2;
	_ =	sdelay $0x1  }
0x5e: {  	v5 =	vperm.xlane v5, v4;
	v6 =	vadd.s32 v3, v6;
	_ =	sdelay $0x1  }
0x5f: {  	v5 =	vadd.s32 v3, v5;
	_ =	sdelay $0x1  }
0x60: {  	s17 =	simm.s32 $0x5280  }
0x61: {  	[tilespmem:s17], [sflag:$0x1] =	stream.indirect_vreg.gather [hbm4b:s1+s3], $0x80, v6, vm0, $0xb8;
	[tilespmem:$0x18200] =	vst v63  }
0x62: {  	s18 =	simm.s32 $0x5A80  }
0x63: {  	[tilespmem:s18], [sflag:$0x1] =	stream.indirect_vreg.gather [hbm4b:s1+s3], $0x80, v5, vm0, $0xb8;
	[tilespmem:$0x18200] =	vst v63  }
0x64: {  	v5 =	vld [tilespmem:$0x60];
	_ =	sdelay $0x4  }
0x65: {  	v6 =	vshll.u32 v5, $0x1  }
0x66: {  	v5 =	vand.u32 $0x7, v5;
	v6 =	vand.u32 $0xFFFFFFF0, v6  }
0x67: {  	v5 =	vor.u32 v5, v6  }
0x68: {  	v6 =	vperm.xlane v5, v2;
	_ =	sdelay $0x1  }
0x69: {  	v5 =	vperm.xlane v5, v4;
	v6 =	vadd.s32 v3, v6;
	_ =	sdelay $0x1  }
0x6a: {  	v5 =	vadd.s32 v3, v5;
	_ =	sdelay $0x1  }
0x6b: {  	s19 =	simm.s32 $0x6280  }
0x6c: {  	[tilespmem:s19], [sflag:$0x1] =	stream.indirect_vreg.gather [hbm4b:s1+s3], $0x80, v6, vm0, $0xb8;
	[tilespmem:$0x18200] =	vst v63  }
0x6d: {  	s13 =	simm.s32 $0x6A80  }
0x6e: {  	[tilespmem:s13], [sflag:$0x1] =	stream.indirect_vreg.gather [hbm4b:s1+s3], $0x80, v5, vm0, $0xb8;
	[tilespmem:$0x18200] =	vst v63  }
0x6f: {  	v5 =	vld [tilespmem:$0x70];
	_ =	sdelay $0x4  }
0x70: {  	v6 =	vshll.u32 v5, $0x1  }
0x71: {  	v5 =	vand.u32 $0x7, v5;
	v6 =	vand.u32 $0xFFFFFFF0, v6  }
0x72: {  	v5 =	vor.u32 v5, v6  }
0x73: {  	v6 =	vperm.xlane v5, v2;
	_ =	sdelay $0x1  }
0x74: {  	v5 =	vperm.xlane v5, v4;
	v6 =	vadd.s32 v3, v6;
	_ =	sdelay $0x1  }
0x75: {  	v5 =	vadd.s32 v3, v5;
	_ =	sdelay $0x1  }
0x76: {  	s17 =	simm.s32 $0x7280  }
0x77: {  	[tilespmem:s17], [sflag:$0x1] =	stream.indirect_vreg.gather [hbm4b:s1+s3], $0x80, v6, vm0, $0xb8;
	[tilespmem:$0x18200] =	vst v63  }
0x78: {  	s18 =	simm.s32 $0x7A80  }
0x79: {  	[tilespmem:s18], [sflag:$0x1] =	stream.indirect_vreg.gather [hbm4b:s1+s3], $0x80, v5, vm0, $0xb8;
	[tilespmem:$0x18200] =	vst v63  }
0x7a: {  	v5 =	vld [tilespmem:$0x80];
	_ =	sdelay $0x4  }
0x7b: {  	v6 =	vshll.u32 v5, $0x1  }
0x7c: {  	v5 =	vand.u32 $0x7, v5;
	v6 =	vand.u32 $0xFFFFFFF0, v6  }
0x7d: {  	v5 =	vor.u32 v5, v6  }
0x7e: {  	v6 =	vperm.xlane v5, v2;
	_ =	sdelay $0x1  }
0x7f: {  	v5 =	vperm.xlane v5, v4;
	v6 =	vadd.s32 v3, v6;
	_ =	sdelay $0x1  }
0x80: {  	v5 =	vadd.s32 v3, v5;
	_ =	sdelay $0x1  }
0x81: {  	s19 =	simm.s32 $0x8280  }
0x82: {  	[tilespmem:s19], [sflag:$0x1] =	stream.indirect_vreg.gather [hbm4b:s1+s3], $0x80, v6, vm0, $0xb8;
	[tilespmem:$0x18200] =	vst v63  }
0x83: {  	s13 =	simm.s32 $0x8A80  }
0x84: {  	[tilespmem:s13], [sflag:$0x1] =	stream.indirect_vreg.gather [hbm4b:s1+s3], $0x80, v5, vm0, $0xb8;
	[tilespmem:$0x18200] =	vst v63  }
0x85: {  	v5 =	vld [tilespmem:$0x90];
	_ =	sdelay $0x4  }
0x86: {  	v6 =	vshll.u32 v5, $0x1  }
0x87: {  	v5 =	vand.u32 $0x7, v5;
	v6 =	vand.u32 $0xFFFFFFF0, v6  }
0x88: {  	v5 =	vor.u32 v5, v6  }
0x89: {  	v6 =	vperm.xlane v5, v2;
	_ =	sdelay $0x1  }
0x8a: {  	v5 =	vperm.xlane v5, v4;
	v6 =	vadd.s32 v3, v6;
	_ =	sdelay $0x1  }
0x8b: {  	v5 =	vadd.s32 v3, v5;
	_ =	sdelay $0x1  }
0x8c: {  	s17 =	simm.s32 $0x9280  }
0x8d: {  	[tilespmem:s17], [sflag:$0x1] =	stream.indirect_vreg.gather [hbm4b:s1+s3], $0x80, v6, vm0, $0xb8;
	[tilespmem:$0x18200] =	vst v63  }
0x8e: {  	s18 =	simm.s32 $0x9A80  }
0x8f: {  	[tilespmem:s18], [sflag:$0x1] =	stream.indirect_vreg.gather [hbm4b:s1+s3], $0x80, v5, vm0, $0xb8;
	[tilespmem:$0x18200] =	vst v63  }
0x90: {  	v5 =	vld [tilespmem:$0xA0];
	_ =	sdelay $0x4  }
0x91: {  	v6 =	vshll.u32 v5, $0x1  }
0x92: {  	v5 =	vand.u32 $0x7, v5;
	v6 =	vand.u32 $0xFFFFFFF0, v6  }
0x93: {  	v5 =	vor.u32 v5, v6  }
0x94: {  	v6 =	vperm.xlane v5, v2;
	_ =	sdelay $0x1  }
0x95: {  	v5 =	vperm.xlane v5, v4;
	v6 =	vadd.s32 v3, v6;
	_ =	sdelay $0x1  }
0x96: {  	v5 =	vadd.s32 v3, v5;
	_ =	sdelay $0x1  }
0x97: {  	s19 =	simm.s32 $0xA280  }
0x98: {  	[tilespmem:s19], [sflag:$0x1] =	stream.indirect_vreg.gather [hbm4b:s1+s3], $0x80, v6, vm0, $0xb8;
	[tilespmem:$0x18200] =	vst v63  }
0x99: {  	s13 =	simm.s32 $0xAA80  }
0x9a: {  	[tilespmem:s13], [sflag:$0x1] =	stream.indirect_vreg.gather [hbm4b:s1+s3], $0x80, v5, vm0, $0xb8;
	[tilespmem:$0x18200] =	vst v63  }
0x9b: {  	v5 =	vld [tilespmem:$0xB0];
	_ =	sdelay $0x4  }
0x9c: {  	v6 =	vshll.u32 v5, $0x1  }
0x9d: {  	v5 =	vand.u32 $0x7, v5;
	v6 =	vand.u32 $0xFFFFFFF0, v6  }
0x9e: {  	v5 =	vor.u32 v5, v6  }
0x9f: {  	v6 =	vperm.xlane v5, v2;
	_ =	sdelay $0x1  }
0xa0: {  	v5 =	vperm.xlane v5, v4;
	v6 =	vadd.s32 v3, v6;
	_ =	sdelay $0x1  }
0xa1: {  	v5 =	vadd.s32 v3, v5;
	_ =	sdelay $0x1  }
0xa2: {  	s17 =	simm.s32 $0xB280  }
0xa3: {  	[tilespmem:s17], [sflag:$0x1] =	stream.indirect_vreg.gather [hbm4b:s1+s3], $0x80, v6, vm0, $0xb8;
	[tilespmem:$0x18200] =	vst v63  }
0xa4: {  	_ = 	snop  }
0xa5: {  	[tilespmem:s20], [sflag:$0x1] =	stream.indirect_vreg.gather [hbm4b:s1+s3], $0x80, v5, vm0, $0xb8;
	[tilespmem:$0x18200] =	vst v63  }
0xa6: {  	v5 =	vld [tilespmem:$0xC0];
	_ =	sdelay $0x4  }
0xa7: {  	v6 =	vshll.u32 v5, $0x1  }
0xa8: {  	v5 =	vand.u32 $0x7, v5;
	v6 =	vand.u32 $0xFFFFFFF0, v6  }
0xa9: {  	v5 =	vor.u32 v5, v6  }
0xaa: {  	v6 =	vperm.xlane v5, v2;
	_ =	sdelay $0x1  }
0xab: {  	v5 =	vperm.xlane v5, v4;
	v6 =	vadd.s32 v3, v6;
	_ =	sdelay $0x1  }
0xac: {  	v5 =	vadd.s32 v3, v5;
	_ =	sdelay $0x2  }
0xad: {  	[tilespmem:s21], [sflag:$0x1] =	stream.indirect_vreg.gather [hbm4b:s1+s3], $0x80, v6, vm0, $0xb8;
	[tilespmem:$0x18200] =	vst v63  }
0xae: {  	_ = 	snop  }
0xaf: {  	[tilespmem:s22], [sflag:$0x1] =	stream.indirect_vreg.gather [hbm4b:s1+s3], $0x80, v5, vm0, $0xb8;
	[tilespmem:$0x18200] =	vst v63  }
0xb0: {  	v5 =	vld [tilespmem:$0xD0];
	_ =	sdelay $0x4  }
0xb1: {  	v6 =	vshll.u32 v5, $0x1  }
0xb2: {  	v5 =	vand.u32 $0x7, v5;
	v6 =	vand.u32 $0xFFFFFFF0, v6  }
0xb3: {  	v5 =	vor.u32 v5, v6  }
0xb4: {  	v6 =	vperm.xlane v5, v2;
	_ =	sdelay $0x1  }
0xb5: {  	v5 =	vperm.xlane v5, v4;
	v6 =	vadd.s32 v3, v6;
	_ =	sdelay $0x1  }
0xb6: {  	v5 =	vadd.s32 v3, v5;
	_ =	sdelay $0x2  }
0xb7: {  	[tilespmem:s23], [sflag:$0x1] =	stream.indirect_vreg.gather [hbm4b:s1+s3], $0x80, v6, vm0, $0xb8;
	[tilespmem:$0x18200] =	vst v63  }
0xb8: {  	_ = 	snop  }
0xb9: {  	[tilespmem:s6], [sflag:$0x1] =	stream.indirect_vreg.gather [hbm4b:s1+s3], $0x80, v5, vm0, $0xb8;
	[tilespmem:$0x18200] =	vst v63  }
0xba: {  	v5 =	vld [tilespmem:$0xE0];
	_ =	sdelay $0x4  }
0xbb: {  	v6 =	vshll.u32 v5, $0x1  }
0xbc: {  	v5 =	vand.u32 $0x7, v5;
	v6 =	vand.u32 $0xFFFFFFF0, v6  }
0xbd: {  	v5 =	vor.u32 v5, v6  }
0xbe: {  	v6 =	vperm.xlane v5, v2;
	_ =	sdelay $0x1  }
0xbf: {  	v5 =	vperm.xlane v5, v4;
	v6 =	vadd.s32 v3, v6;
	_ =	sdelay $0x1  }
0xc0: {  	v5 =	vadd.s32 v3, v5;
	_ =	sdelay $0x2  }
0xc1: {  	[tilespmem:s24], [sflag:$0x1] =	stream.indirect_vreg.gather [hbm4b:s1+s3], $0x80, v6, vm0, $0xb8;
	[tilespmem:$0x18200] =	vst v63  }
0xc2: {  	_ = 	snop  }
0xc3: {  	[tilespmem:s7], [sflag:$0x1] =	stream.indirect_vreg.gather [hbm4b:s1+s3], $0x80, v5, vm0, $0xb8;
	[tilespmem:$0x18200] =	vst v63  }
0xc4: {  	v5 =	vld [tilespmem:$0xF0];
	_ =	sdelay $0x4  }
0xc5: {  	v6 =	vshll.u32 v5, $0x1  }
0xc6: {  	v5 =	vand.u32 $0x7, v5;
	v6 =	vand.u32 $0xFFFFFFF0, v6  }
0xc7: {  	v5 =	vor.u32 v5, v6  }
0xc8: {  	v6 =	vperm.xlane v5, v2;
	_ =	sdelay $0x1  }
0xc9: {  	v5 =	vperm.xlane v5, v4;
	v6 =	vadd.s32 v3, v6;
	_ =	sdelay $0x1  }
0xca: {  	v5 =	vadd.s32 v3, v5;
	_ =	sdelay $0x2  }
0xcb: {  	[tilespmem:s25], [sflag:$0x1] =	stream.indirect_vreg.gather [hbm4b:s1+s3], $0x80, v6, vm0, $0xb8;
	[tilespmem:$0x18200] =	vst v63  }
0xcc: {  	_ = 	snop  }
0xcd: {  	[tilespmem:s8], [sflag:$0x1] =	stream.indirect_vreg.gather [hbm4b:s1+s3], $0x80, v5, vm0, $0xb8;
	[tilespmem:$0x18200] =	vst v63  }
0xce: {  	v5 =	vld [tilespmem:$0x100];
	_ =	sdelay $0x4  }
0xcf: {  	v6 =	vshll.u32 v5, $0x1  }
0xd0: {  	v5 =	vand.u32 $0x7, v5;
	v6 =	vand.u32 $0xFFFFFFF0, v6  }
0xd1: {  	v5 =	vor.u32 v5, v6  }
0xd2: {  	v6 =	vperm.xlane v5, v2;
	_ =	sdelay $0x1  }
0xd3: {  	v5 =	vperm.xlane v5, v4;
	v6 =	vadd.s32 v3, v6;
	_ =	sdelay $0x1  }
0xd4: {  	v5 =	vadd.s32 v3, v5;
	_ =	sdelay $0x2  }
0xd5: {  	[tilespmem:s26], [sflag:$0x1] =	stream.indirect_vreg.gather [hbm4b:s1+s3], $0x80, v6, vm0, $0xb8;
	[tilespmem:$0x18200] =	vst v63  }
0xd6: {  	_ = 	snop  }
0xd7: {  	[tilespmem:s28], [sflag:$0x1] =	stream.indirect_vreg.gather [hbm4b:s1+s3], $0x80, v5, vm0, $0xb8;
	[tilespmem:$0x18200] =	vst v63  }
0xd8: {  	v5 =	vld [tilespmem:$0x110];
	_ =	sdelay $0x4  }
0xd9: {  	v6 =	vshll.u32 v5, $0x1  }
0xda: {  	v5 =	vand.u32 $0x7, v5;
	v6 =	vand.u32 $0xFFFFFFF0, v6  }
0xdb: {  	v5 =	vor.u32 v5, v6  }
0xdc: {  	v6 =	vperm.xlane v5, v2;
	_ =	sdelay $0x1  }
0xdd: {  	v5 =	vperm.xlane v5, v4;
	v6 =	vadd.s32 v3, v6;
	_ =	sdelay $0x1  }
0xde: {  	v5 =	vadd.s32 v3, v5;
	_ =	sdelay $0x2  }
0xdf: {  	[tilespmem:s29], [sflag:$0x1] =	stream.indirect_vreg.gather [hbm4b:s1+s3], $0x80, v6, vm0, $0xb8;
	[tilespmem:$0x18200] =	vst v63  }
0xe0: {  	_ = 	snop  }
0xe1: {  	[tilespmem:s30], [sflag:$0x1] =	stream.indirect_vreg.gather [hbm4b:s1+s3], $0x80, v5, vm0, $0xb8;
	[tilespmem:$0x18200] =	vst v63  }
0xe2: {  	v5 =	vld [tilespmem:$0x120];
	_ =	sdelay $0x4  }
0xe3: {  	v6 =	vshll.u32 v5, $0x1  }
0xe4: {  	v5 =	vand.u32 $0x7, v5;
	v6 =	vand.u32 $0xFFFFFFF0, v6  }
0xe5: {  	v5 =	vor.u32 v5, v6  }
0xe6: {  	v6 =	vperm.xlane v5, v2;
	_ =	sdelay $0x1  }
0xe7: {  	v5 =	vperm.xlane v5, v4;
	v6 =	vadd.s32 v3, v6;
	_ =	sdelay $0x1  }
0xe8: {  	v5 =	vadd.s32 v3, v5;
	_ =	sdelay $0x2  }
0xe9: {  	[tilespmem:s9], [sflag:$0x1] =	stream.indirect_vreg.gather [hbm4b:s1+s3], $0x80, v6, vm0, $0xb8;
	[tilespmem:$0x18200] =	vst v63  }
0xea: {  	_ = 	snop  }
0xeb: {  	[tilespmem:s31], [sflag:$0x1] =	stream.indirect_vreg.gather [hbm4b:s1+s3], $0x80, v5, vm0, $0xb8;
	[tilespmem:$0x18200] =	vst v63  }
0xec: {  	_ =	swait.ge [sflag:s0], $0x3840  }
0xed: {  	[sflag:s0] =	ssyncset.done $0x0  }
0xee: {  	s18 =	simm.s32 $0x0;
	[sflag:s0] =	ssyncadd.s32 $0xFFFFC7C0  }
0xef: {  	v5 =	vld [tilespmem:s18+$0x0];
	_ =	sdelay $0x4  }
0xf0: {  	v5 =	vadd.s32 v0, v5  }
0xf1: {  	v5 =	vshll.u32 v5, $0x4  }
0xf2: {  	v5 =	vadd.s32 $0x13680, v5  }
0xf3: {  	(v2sf) =	vpush v5, $0x0;
	_ =	sdelay $0x5  }
0xf4: {  	(v2sf) =	vpush v5, $0x1;
	_ =	sdelay $0x5  }
0xf5: {  	(v2sf) =	vpush v5, $0x2;
	_ =	sdelay $0x2  }
0xf6: {  	s19 =	spop (v2sf)  }
0xf7: {  	v6 =	vld [tilespmem:s19+$0x0];
	_ =	sdelay $0x1  }
0xf8: {  	(v2sf) =	vpush v5, $0x3;
	_ =	sdelay $0x1  }
0xf9: {  	s17 =	simm.s32 $0x16F80  }
0xfa: {  	s13 =	spop (v2sf);
	[tilespmem:s17+$0xFFFFFF80] =	vst v6  }
0xfb: {  	v6 =	vld [tilespmem:s13+$0x0];
	_ =	sdelay $0x1  }
0xfc: {  	(v2sf) =	vpush v5, $0x4;
	_ =	sdelay $0x2  }
0xfd: {  	s18 =	spop (v2sf);
	[tilespmem:s17+$0xFFFFFF90] =	vst v6  }
0xfe: {  	v6 =	vld [tilespmem:s18+$0x0];
	_ =	sdelay $0x1  }
0xff: {  	(v2sf) =	vpush v5, $0x5;
	_ =	sdelay $0x2  }
0x100: {  	s19 =	spop (v2sf);
	[tilespmem:s17+$0xFFFFFFA0] =	vst v6  }
0x101: {  	v6 =	vld [tilespmem:s19+$0x0];
	_ =	sdelay $0x1  }
0x102: {  	(v2sf) =	vpush v5, $0x6;
	_ =	sdelay $0x2  }
0x103: {  	s13 =	spop (v2sf);
	[tilespmem:s17+$0xFFFFFFB0] =	vst v6  }
0x104: {  	v6 =	vld [tilespmem:s13+$0x0];
	_ =	sdelay $0x1  }
0x105: {  	(v2sf) =	vpush v5, $0x7;
	_ =	sdelay $0x2  }
0x106: {  	s18 =	spop (v2sf);
	[tilespmem:s17+$0xFFFFFFC0] =	vst v6  }
0x107: {  	v6 =	vld [tilespmem:s18+$0x0];
	_ =	sdelay $0x1  }
0x108: {  	(v2sf) =	vpush v5, $0x8;
	_ =	sdelay $0x2  }
0x109: {  	s19 =	spop (v2sf);
	[tilespmem:s17+$0xFFFFFFD0] =	vst v6  }
0x10a: {  	v6 =	vld [tilespmem:s19+$0x0];
	_ =	sdelay $0x1  }
0x10b: {  	(v2sf) =	vpush v5, $0x9;
	_ =	sdelay $0x2  }
0x10c: {  	s13 =	spop (v2sf);
	[tilespmem:s17+$0xFFFFFFE0] =	vst v6  }
0x10d: {  	v6 =	vld [tilespmem:s13+$0x0];
	_ =	sdelay $0x1  }
0x10e: {  	(v2sf) =	vpush v5, $0xA;
	_ =	sdelay $0x2  }
0x10f: {  	s18 =	spop (v2sf);
	[tilespmem:s17+$0xFFFFFFF0] =	vst v6  }
0x110: {  	v6 =	vld [tilespmem:s18+$0x0];
	_ =	sdelay $0x1  }
0x111: {  	(v2sf) =	vpush v5, $0xB;
	_ =	sdelay $0x2  }
0x112: {  	s19 =	spop (v2sf);
	[tilespmem:s17+$0x0] =	vst v6  }
0x113: {  	v6 =	vld [tilespmem:s19+$0x0];
	_ =	sdelay $0x1  }
0x114: {  	(v2sf) =	vpush v5, $0xC;
	_ =	sdelay $0x2  }
0x115: {  	s13 =	spop (v2sf);
	[tilespmem:s17+$0x10] =	vst v6  }
0x116: {  	v6 =	vld [tilespmem:s13+$0x0];
	_ =	sdelay $0x1  }
0x117: {  	(v2sf) =	vpush v5, $0xD;
	_ =	sdelay $0x2  }
0x118: {  	s18 =	spop (v2sf);
	[tilespmem:s17+$0x20] =	vst v6  }
0x119: {  	v6 =	vld [tilespmem:s18+$0x0];
	_ =	sdelay $0x1  }
0x11a: {  	(v2sf) =	vpush v5, $0xE;
	_ =	sdelay $0x2  }
0x11b: {  	s19 =	spop (v2sf);
	[tilespmem:s17+$0x30] =	vst v6  }
0x11c: {  	v6 =	vld [tilespmem:s19+$0x0];
	_ =	sdelay $0x1  }
0x11d: {  	(v2sf) =	vpush v5, $0xF;
	_ =	sdelay $0x2  }
0x11e: {  	s13 =	spop (v2sf);
	[tilespmem:s17+$0x40] =	vst v6  }
0x11f: {  	v5 =	vld [tilespmem:s13+$0x0];
	_ =	sdelay $0x4  }
0x120: {  	s18 =	spop (v2sf);
	[tilespmem:s17+$0x50] =	vst v5  }
0x121: {  	v5 =	vld [tilespmem:s18+$0x0];
	_ =	sdelay $0x4  }
0x122: {  	s19 =	spop (v2sf);
	[tilespmem:s17+$0x60] =	vst v5  }
0x123: {  	s5 =	simm.s32 $0x80;
	s13 =	simm.s32 $0x40;
	v5 =	vld [tilespmem:s19+$0x0]  }
.LBB2_2:
0x124: {  	_ =	sdelay $0x2  }
0x125: {  	s19 =	sshra.s32 s13, $0x2  }
0x126: {  	s13 =	smov.u32 s5;
	s18 =	sadd.s32 $0x40, s5;
	[tilespmem:s17+$0x70] =	vst v5;
	s17 =	sadd.s32 $0x100, s17  }
0x127: {  	p0 =	sne.s32 s5, $0x480;
	v5 =	vld [tilespmem:s19+$0x0];
	_ =	sdelay $0x4  }
0x128: {  	v5 =	vadd.s32 v0, v5  }
0x129: {  	v5 =	vshll.u32 v5, $0x4  }
0x12a: {  	v5 =	vadd.s32 $0x13680, v5  }
0x12b: {  	(v2sf) =	vpush v5, $0x0;
	_ =	sdelay $0x5  }
0x12c: {  	(v2sf) =	vpush v5, $0x1;
	_ =	sdelay $0x5  }
0x12d: {  	(v2sf) =	vpush v5, $0x2;
	_ =	sdelay $0x2  }
0x12e: {  	s5 =	spop (v2sf)  }
0x12f: {  	v6 =	vld [tilespmem:s5+$0x0];
	_ =	sdelay $0x1  }
0x130: {  	(v2sf) =	vpush v5, $0x3;
	_ =	sdelay $0x2  }
0x131: {  	[tilespmem:s17+$0xFFFFFF80] =	vst v6;
	s5 =	spop (v2sf)  }
0x132: {  	v6 =	vld [tilespmem:s5+$0x0];
	_ =	sdelay $0x1  }
0x133: {  	(v2sf) =	vpush v5, $0x4;
	_ =	sdelay $0x2  }
0x134: {  	[tilespmem:s17+$0xFFFFFF90] =	vst v6;
	s5 =	spop (v2sf)  }
0x135: {  	v6 =	vld [tilespmem:s5+$0x0];
	_ =	sdelay $0x1  }
0x136: {  	(v2sf) =	vpush v5, $0x5;
	_ =	sdelay $0x2  }
0x137: {  	[tilespmem:s17+$0xFFFFFFA0] =	vst v6;
	s5 =	spop (v2sf)  }
0x138: {  	v6 =	vld [tilespmem:s5+$0x0];
	_ =	sdelay $0x1  }
0x139: {  	(v2sf) =	vpush v5, $0x6;
	_ =	sdelay $0x2  }
0x13a: {  	[tilespmem:s17+$0xFFFFFFB0] =	vst v6;
	s5 =	spop (v2sf)  }
0x13b: {  	v6 =	vld [tilespmem:s5+$0x0];
	_ =	sdelay $0x1  }
0x13c: {  	(v2sf) =	vpush v5, $0x7;
	_ =	sdelay $0x2  }
0x13d: {  	[tilespmem:s17+$0xFFFFFFC0] =	vst v6;
	s5 =	spop (v2sf)  }
0x13e: {  	v6 =	vld [tilespmem:s5+$0x0];
	_ =	sdelay $0x1  }
0x13f: {  	(v2sf) =	vpush v5, $0x8;
	_ =	sdelay $0x2  }
0x140: {  	[tilespmem:s17+$0xFFFFFFD0] =	vst v6;
	s5 =	spop (v2sf)  }
0x141: {  	v6 =	vld [tilespmem:s5+$0x0];
	_ =	sdelay $0x1  }
0x142: {  	(v2sf) =	vpush v5, $0x9;
	_ =	sdelay $0x2  }
0x143: {  	[tilespmem:s17+$0xFFFFFFE0] =	vst v6;
	s5 =	spop (v2sf)  }
0x144: {  	v6 =	vld [tilespmem:s5+$0x0];
	_ =	sdelay $0x1  }
0x145: {  	(v2sf) =	vpush v5, $0xA;
	_ =	sdelay $0x2  }
0x146: {  	[tilespmem:s17+$0xFFFFFFF0] =	vst v6;
	s5 =	spop (v2sf)  }
0x147: {  	v6 =	vld [tilespmem:s5+$0x0];
	_ =	sdelay $0x1  }
0x148: {  	(v2sf) =	vpush v5, $0xB;
	_ =	sdelay $0x2  }
0x149: {  	[tilespmem:s17+$0x0] =	vst v6;
	s5 =	spop (v2sf)  }
0x14a: {  	v6 =	vld [tilespmem:s5+$0x0];
	_ =	sdelay $0x1  }
0x14b: {  	(v2sf) =	vpush v5, $0xC;
	_ =	sdelay $0x2  }
0x14c: {  	[tilespmem:s17+$0x10] =	vst v6;
	s5 =	spop (v2sf)  }
0x14d: {  	v6 =	vld [tilespmem:s5+$0x0];
	_ =	sdelay $0x1  }
0x14e: {  	(v2sf) =	vpush v5, $0xD;
	_ =	sdelay $0x2  }
0x14f: {  	[tilespmem:s17+$0x20] =	vst v6;
	s5 =	spop (v2sf)  }
0x150: {  	v6 =	vld [tilespmem:s5+$0x0];
	_ =	sdelay $0x1  }
0x151: {  	(v2sf) =	vpush v5, $0xE;
	_ =	sdelay $0x2  }
0x152: {  	[tilespmem:s17+$0x30] =	vst v6;
	s5 =	spop (v2sf)  }
0x153: {  	v6 =	vld [tilespmem:s5+$0x0];
	_ =	sdelay $0x1  }
0x154: {  	(v2sf) =	vpush v5, $0xF;
	_ =	sdelay $0x2  }
0x155: {  	[tilespmem:s17+$0x40] =	vst v6;
	s5 =	spop (v2sf)  }
0x156: {  	v5 =	vld [tilespmem:s5+$0x0];
	_ =	sdelay $0x4  }
0x157: {  	[tilespmem:s17+$0x50] =	vst v5;
	s5 =	spop (v2sf)  }
0x158: {  	v5 =	vld [tilespmem:s5+$0x0];
	_ =	sdelay $0x1  }
.Ltmp0:
0x159: {  	(pc) =	sbr.rel @p0 .LBB2_2-.Ltmp0, $3  }
0x15a: {  	_ =	sdelay $0x1  }
0x15b: {  	[tilespmem:s17+$0x60] =	vst v5;
	s5 =	spop (v2sf)  }
0x15c: {  	v5 =	vld [tilespmem:s5+$0x0];
	s5 =	smov.u32 s18  }
0x15d: {  	_ =	sdelay $0x3  }
0x15e: {  	s5 =	sshra.s32 s13, $0x2;
	[tilespmem:s17+$0x70] =	vst v5  }
0x15f: {  	v5 =	vld [tilespmem:s5+$0x0];
	_ =	sdelay $0x4  }
0x160: {  	v5 =	vadd.s32 v0, v5  }
0x161: {  	v5 =	vshll.u32 v5, $0x4  }
0x162: {  	v5 =	vadd.s32 $0x13680, v5  }
0x163: {  	(v2sf) =	vpush v5, $0x0;
	_ =	sdelay $0x5  }
0x164: {  	(v2sf) =	vpush v5, $0x1;
	_ =	sdelay $0x5  }
0x165: {  	(v2sf) =	vpush v5, $0x2;
	_ =	sdelay $0x2  }
0x166: {  	s13 =	spop (v2sf)  }
0x167: {  	v6 =	vld [tilespmem:s13+$0x0];
	_ =	sdelay $0x1  }
0x168: {  	(v2sf) =	vpush v5, $0x3;
	_ =	sdelay $0x1  }
0x169: {  	s5 =	sadd.s32 $0x100, s17  }
0x16a: {  	s18 =	spop (v2sf);
	[tilespmem:s5+$0xFFFFFF80] =	vst v6  }
0x16b: {  	v6 =	vld [tilespmem:s18+$0x0];
	_ =	sdelay $0x1  }
0x16c: {  	(v2sf) =	vpush v5, $0x4;
	_ =	sdelay $0x2  }
0x16d: {  	s19 =	spop (v2sf);
	[tilespmem:s5+$0xFFFFFF90] =	vst v6  }
0x16e: {  	v6 =	vld [tilespmem:s19+$0x0];
	_ =	sdelay $0x1  }
0x16f: {  	(v2sf) =	vpush v5, $0x5;
	_ =	sdelay $0x2  }
0x170: {  	s17 =	spop (v2sf);
	[tilespmem:s5+$0xFFFFFFA0] =	vst v6  }
0x171: {  	v6 =	vld [tilespmem:s17+$0x0];
	_ =	sdelay $0x1  }
0x172: {  	(v2sf) =	vpush v5, $0x6;
	_ =	sdelay $0x2  }
0x173: {  	s18 =	spop (v2sf);
	[tilespmem:s5+$0xFFFFFFB0] =	vst v6  }
0x174: {  	v6 =	vld [tilespmem:s18+$0x0];
	_ =	sdelay $0x1  }
0x175: {  	(v2sf) =	vpush v5, $0x7;
	_ =	sdelay $0x2  }
0x176: {  	s19 =	spop (v2sf);
	[tilespmem:s5+$0xFFFFFFC0] =	vst v6  }
0x177: {  	v6 =	vld [tilespmem:s19+$0x0];
	_ =	sdelay $0x1  }
0x178: {  	(v2sf) =	vpush v5, $0x8;
	_ =	sdelay $0x2  }
0x179: {  	s17 =	spop (v2sf);
	[tilespmem:s5+$0xFFFFFFD0] =	vst v6  }
0x17a: {  	v6 =	vld [tilespmem:s17+$0x0];
	_ =	sdelay $0x1  }
0x17b: {  	(v2sf) =	vpush v5, $0x9;
	_ =	sdelay $0x2  }
0x17c: {  	s18 =	spop (v2sf);
	[tilespmem:s5+$0xFFFFFFE0] =	vst v6  }
0x17d: {  	v6 =	vld [tilespmem:s18+$0x0];
	_ =	sdelay $0x1  }
0x17e: {  	(v2sf) =	vpush v5, $0xA;
	_ =	sdelay $0x2  }
0x17f: {  	s19 =	spop (v2sf);
	[tilespmem:s5+$0xFFFFFFF0] =	vst v6  }
0x180: {  	v6 =	vld [tilespmem:s19+$0x0];
	_ =	sdelay $0x1  }
0x181: {  	(v2sf) =	vpush v5, $0xB;
	_ =	sdelay $0x2  }
0x182: {  	s17 =	spop (v2sf);
	[tilespmem:s5+$0x0] =	vst v6  }
0x183: {  	v6 =	vld [tilespmem:s17+$0x0];
	_ =	sdelay $0x1  }
0x184: {  	(v2sf) =	vpush v5, $0xC;
	_ =	sdelay $0x2  }
0x185: {  	s18 =	spop (v2sf);
	[tilespmem:s5+$0x10] =	vst v6  }
0x186: {  	v6 =	vld [tilespmem:s18+$0x0];
	_ =	sdelay $0x1  }
0x187: {  	(v2sf) =	vpush v5, $0xD;
	_ =	sdelay $0x2  }
0x188: {  	s19 =	spop (v2sf);
	[tilespmem:s5+$0x20] =	vst v6  }
0x189: {  	v6 =	vld [tilespmem:s19+$0x0];
	_ =	sdelay $0x1  }
0x18a: {  	(v2sf) =	vpush v5, $0xE;
	_ =	sdelay $0x2  }
0x18b: {  	s17 =	spop (v2sf);
	[tilespmem:s5+$0x30] =	vst v6  }
0x18c: {  	v6 =	vld [tilespmem:s17+$0x0];
	_ =	sdelay $0x1  }
0x18d: {  	(v2sf) =	vpush v5, $0xF;
	_ =	sdelay $0x2  }
0x18e: {  	s18 =	spop (v2sf);
	[tilespmem:s5+$0x40] =	vst v6  }
0x18f: {  	v5 =	vld [tilespmem:s18+$0x0];
	_ =	sdelay $0x4  }
0x190: {  	s19 =	spop (v2sf);
	[tilespmem:s5+$0x50] =	vst v5  }
0x191: {  	v5 =	vld [tilespmem:s19+$0x0];
	_ =	sdelay $0x4  }
0x192: {  	s17 =	spop (v2sf);
	[tilespmem:s5+$0x60] =	vst v5  }
0x193: {  	v5 =	vld [tilespmem:s17+$0x0];
	_ =	sdelay $0x4  }
0x194: {  	s18 =	rddreg [dreg:$0x6];
	s17 =	simm.s32 $0x0;
	[tilespmem:s5+$0x70] =	vst v5  }
0x195: {  	[hbm4b:s18+s17] =	stream.linear.scatter [tilespmem:s2], [sflag:$0x2], $0x12C0, $0x38;
	[tilespmem:$0x18200] =	vst v63  }
0x196: {  	_ =	swait.ge [sflag:s10], $0x8000  }
0x197: {  	[sflag:s10] =	ssyncset.done $0x0  }
0x198: {  	[sflag:s10] =	ssyncadd.s32 $0xFFFF8000  }
0x199: {  	_ =	swait.ge [sflag:s10], $0x8000  }
0x19a: {  	[sflag:s10] =	ssyncset.done $0x0  }
0x19b: {  	[sflag:s10] =	ssyncadd.s32 $0xFFFF8000  }
0x19c: {  	_ =	swait.ge [sflag:s10], $0x3000  }
0x19d: {  	[sflag:s10] =	ssyncset.done $0x0  }
0x19e: {  	s19 =	rddreg [dreg:$0x7];
	[sflag:s10] =	ssyncadd.s32 $0xFFFFD000  }
0x19f: {  	[hbm4b:s19+s17] =	stream.linear.scatter [tilespmem:s16], [sflag:$0x1], $0x12800, $0x38;
	[tilespmem:$0x18200] =	vst v63  }
0x1a0: {  	v5 =	vld [tilespmem:$0x12A80]  }
0x1a1: {  	v6 =	vld [tilespmem:$0x12A90]  }
0x1a2: {  	v7 =	vld [tilespmem:$0x12AA0]  }
0x1a3: {  	v8 =	vld [tilespmem:$0x12AB0]  }
0x1a4: {  	v9 =	vld [tilespmem:$0x12AC0]  }
0x1a5: {  	v41 =	vld [tilespmem:$0x12E80];
	[tilespmem:$0x13280] =	vst v5  }
0x1a6: {  	v5 =	vld [tilespmem:$0x12AD0];
	[tilespmem:$0x13290] =	vst v6  }
0x1a7: {  	v6 =	vld [tilespmem:$0x12AE0];
	[tilespmem:$0x132A0] =	vst v7  }
0x1a8: {  	v7 =	vld [tilespmem:$0x12AF0];
	[tilespmem:$0x132B0] =	vst v8  }
0x1a9: {  	v42 =	vld [tilespmem:$0x12E90];
	[tilespmem:$0x132C0] =	vst v9  }
0x1aa: {  	v43 =	vld [tilespmem:$0x12ED0];
	[tilespmem:$0x13480] =	vst v41  }
0x1ab: {  	[tilespmem:$0x132D0] =	vst v5;
	v5 =	vld [tilespmem:$0x12EA0]  }
0x1ac: {  	[tilespmem:$0x132E0] =	vst v6;
	v6 =	vld [tilespmem:$0x12EB0]  }
0x1ad: {  	[tilespmem:$0x132F0] =	vst v7;
	v7 =	vld [tilespmem:$0x12EC0]  }
0x1ae: {  	v44 =	vld [tilespmem:$0x12EE0];
	[tilespmem:$0x13490] =	vst v42  }
0x1af: {  	v45 =	vld [tilespmem:$0x12B20];
	[tilespmem:$0x134D0] =	vst v43  }
0x1b0: {  	[tilespmem:$0x134A0] =	vst v5;
	v5 =	vld [tilespmem:$0x12EF0]  }
0x1b1: {  	[tilespmem:$0x134B0] =	vst v6;
	v6 =	vld [tilespmem:$0x12B00]  }
0x1b2: {  	[tilespmem:$0x134C0] =	vst v7;
	v7 =	vld [tilespmem:$0x12B10]  }
0x1b3: {  	v46 =	vld [tilespmem:$0x12B30];
	[tilespmem:$0x134E0] =	vst v44  }
0x1b4: {  	v47 =	vld [tilespmem:$0x12B70];
	[tilespmem:$0x13320] =	vst v45  }
0x1b5: {  	[tilespmem:$0x134F0] =	vst v5;
	v5 =	vld [tilespmem:$0x12B40]  }
0x1b6: {  	[tilespmem:$0x13300] =	vst v6;
	v6 =	vld [tilespmem:$0x12B50]  }
0x1b7: {  	[tilespmem:$0x13310] =	vst v7;
	v7 =	vld [tilespmem:$0x12B60]  }
0x1b8: {  	v48 =	vld [tilespmem:$0x12F00];
	[tilespmem:$0x13330] =	vst v46  }
0x1b9: {  	v49 =	vld [tilespmem:$0x12F40];
	[tilespmem:$0x13370] =	vst v47  }
0x1ba: {  	[tilespmem:$0x13340] =	vst v5;
	v5 =	vld [tilespmem:$0x12F10]  }
0x1bb: {  	[tilespmem:$0x13350] =	vst v6;
	v6 =	vld [tilespmem:$0x12F20]  }
0x1bc: {  	[tilespmem:$0x13360] =	vst v7;
	v7 =	vld [tilespmem:$0x12F30]  }
0x1bd: {  	v50 =	vld [tilespmem:$0x12F50];
	[tilespmem:$0x13500] =	vst v48  }
0x1be: {  	v51 =	vld [tilespmem:$0x12B90];
	[tilespmem:$0x13540] =	vst v49  }
0x1bf: {  	[tilespmem:$0x13510] =	vst v5;
	v5 =	vld [tilespmem:$0x12F60]  }
0x1c0: {  	[tilespmem:$0x13520] =	vst v6;
	v6 =	vld [tilespmem:$0x12F70]  }
0x1c1: {  	[tilespmem:$0x13530] =	vst v7;
	v7 =	vld [tilespmem:$0x12B80]  }
0x1c2: {  	v52 =	vld [tilespmem:$0x12BA0];
	[tilespmem:$0x13550] =	vst v50  }
0x1c3: {  	v53 =	vld [tilespmem:$0x12BE0];
	[tilespmem:$0x13390] =	vst v51  }
0x1c4: {  	[tilespmem:$0x13560] =	vst v5;
	v5 =	vld [tilespmem:$0x12BB0]  }
0x1c5: {  	[tilespmem:$0x13570] =	vst v6;
	v6 =	vld [tilespmem:$0x12BC0]  }
0x1c6: {  	[tilespmem:$0x13380] =	vst v7;
	v7 =	vld [tilespmem:$0x12BD0]  }
0x1c7: {  	v54 =	vld [tilespmem:$0x12BF0];
	[tilespmem:$0x133A0] =	vst v52  }
0x1c8: {  	v55 =	vld [tilespmem:$0x12FB0];
	[tilespmem:$0x133E0] =	vst v53  }
0x1c9: {  	[tilespmem:$0x133B0] =	vst v5;
	v5 =	vld [tilespmem:$0x12F80]  }
0x1ca: {  	[tilespmem:$0x133C0] =	vst v6;
	v6 =	vld [tilespmem:$0x12F90]  }
0x1cb: {  	[tilespmem:$0x133D0] =	vst v7;
	v7 =	vld [tilespmem:$0x12FA0]  }
0x1cc: {  	v56 =	vld [tilespmem:$0x12FC0];
	[tilespmem:$0x133F0] =	vst v54  }
0x1cd: {  	v57 =	vld [tilespmem:$0x12C00];
	[tilespmem:$0x135B0] =	vst v55  }
0x1ce: {  	[tilespmem:$0x13580] =	vst v5;
	v5 =	vld [tilespmem:$0x12FD0]  }
0x1cf: {  	[tilespmem:$0x13590] =	vst v6;
	v6 =	vld [tilespmem:$0x12FE0]  }
0x1d0: {  	[tilespmem:$0x135A0] =	vst v7;
	v7 =	vld [tilespmem:$0x12FF0]  }
0x1d1: {  	v58 =	vld [tilespmem:$0x12C10];
	[tilespmem:$0x135C0] =	vst v56  }
0x1d2: {  	v59 =	vld [tilespmem:$0x12C50];
	[tilespmem:$0x13400] =	vst v57  }
0x1d3: {  	[tilespmem:$0x135D0] =	vst v5;
	v5 =	vld [tilespmem:$0x12C20]  }
0x1d4: {  	[tilespmem:$0x135E0] =	vst v6;
	v6 =	vld [tilespmem:$0x12C30]  }
0x1d5: {  	[tilespmem:$0x135F0] =	vst v7;
	v7 =	vld [tilespmem:$0x12C40]  }
0x1d6: {  	v60 =	vld [tilespmem:$0x12C60];
	[tilespmem:$0x13410] =	vst v58  }
0x1d7: {  	v61 =	vld [tilespmem:$0x13020];
	[tilespmem:$0x13450] =	vst v59  }
0x1d8: {  	[tilespmem:$0x13420] =	vst v5;
	v5 =	vld [tilespmem:$0x12C70]  }
0x1d9: {  	[tilespmem:$0x13430] =	vst v6;
	v6 =	vld [tilespmem:$0x13000]  }
0x1da: {  	[tilespmem:$0x13440] =	vst v7;
	v7 =	vld [tilespmem:$0x13010]  }
0x1db: {  	v62 =	vld [tilespmem:$0x13030];
	[tilespmem:$0x13460] =	vst v60  }
0x1dc: {  	v63 =	vld [tilespmem:$0x13070];
	[tilespmem:$0x13620] =	vst v61  }
0x1dd: {  	[tilespmem:$0x13470] =	vst v5;
	v5 =	vld [tilespmem:$0x13040]  }
0x1de: {  	[tilespmem:$0x13600] =	vst v6;
	v6 =	vld [tilespmem:$0x13050]  }
0x1df: {  	[tilespmem:$0x13610] =	vst v7;
	v7 =	vld [tilespmem:$0x13060]  }
0x1e0: {  	[tilespmem:$0x13630] =	vst v62  }
0x1e1: {  	[tilespmem:$0x13670] =	vst v63  }
0x1e2: {  	[tilespmem:$0x13640] =	vst v5  }
0x1e3: {  	[tilespmem:$0x13650] =	vst v6  }
0x1e4: {  	s13 =	rddreg [dreg:$0x8];
	[tilespmem:$0x13660] =	vst v7  }
0x1e5: {  	[hbm4b:s13+s4] =	stream.strided.scatter [tilespmem:s15], [sflag:$0x1], $0x400, s11, s4, $0x38;
	[tilespmem:$0x18200] =	vst v63  }
0x1e6: {  	_ =	swait.ge [sflag:s10], $0x12800  }
0x1e7: {  	[sflag:s10] =	ssyncset.done $0x0  }
0x1e8: {  	[sflag:s10] =	ssyncadd.s32 $0xFFFED800  }
0x1e9: {  	_ =	swait.ge [sflag:s10], $0x400  }
0x1ea: {  	[sflag:s10] =	ssyncset.done $0x0  }
0x1eb: {  	[sflag:s10] =	ssyncadd.s32 $0xFFFFFC00  }
0x1ec: {  	_ =	swait.ge [sflag:s0], $0x12C0  }
0x1ed: {  	[sflag:s0] =	ssyncset.done $0x0  }
0x1ee: {  	s19 =	simm.s32 $0x13680;
	s18 =	rddreg [dreg:$0x9];
	[sflag:s0] =	ssyncadd.s32 $0xFFFFED40  }
0x1ef: {  	[tilespmem:s19], [sflag:$0x2] =	stream.linear.gather [hbm4b:s18+s17], $0x3840, $0x38;
	[tilespmem:$0x18200] =	vst v63  }
0x1f0: {  	v5 =	vld [tilespmem:$0x130];
	_ =	sdelay $0x4  }
0x1f1: {  	v6 =	vshll.u32 v5, $0x1  }
0x1f2: {  	v5 =	vand.u32 $0x7, v5;
	v6 =	vand.u32 $0xFFFFFFF0, v6  }
0x1f3: {  	v5 =	vor.u32 v5, v6  }
0x1f4: {  	v6 =	vperm.xlane v5, v2;
	_ =	sdelay $0x1  }
0x1f5: {  	v5 =	vperm.xlane v5, v4;
	v6 =	vadd.s32 v3, v6;
	_ =	sdelay $0x1  }
0x1f6: {  	v5 =	vadd.s32 v3, v5;
	_ =	sdelay $0x2  }
0x1f7: {  	[tilespmem:s16], [sflag:$0x1] =	stream.indirect_vreg.gather [hbm4b:s1+s17], $0x80, v6, vm0, $0xb8;
	[tilespmem:$0x18200] =	vst v63  }
0x1f8: {  	s13 =	simm.s32 $0xA80  }
0x1f9: {  	[tilespmem:s13], [sflag:$0x1] =	stream.indirect_vreg.gather [hbm4b:s1+s17], $0x80, v5, vm0, $0xb8;
	[tilespmem:$0x18200] =	vst v63  }
0x1fa: {  	v5 =	vld [tilespmem:$0x140];
	_ =	sdelay $0x4  }
0x1fb: {  	v6 =	vshll.u32 v5, $0x1  }
0x1fc: {  	v5 =	vand.u32 $0x7, v5;
	v6 =	vand.u32 $0xFFFFFFF0, v6  }
0x1fd: {  	v5 =	vor.u32 v5, v6  }
0x1fe: {  	v6 =	vperm.xlane v5, v2;
	_ =	sdelay $0x1  }
0x1ff: {  	v5 =	vperm.xlane v5, v4;
	v6 =	vadd.s32 v3, v6;
	_ =	sdelay $0x1  }
0x200: {  	v5 =	vadd.s32 v3, v5;
	_ =	sdelay $0x1  }
0x201: {  	s18 =	simm.s32 $0x1280  }
0x202: {  	[tilespmem:s18], [sflag:$0x1] =	stream.indirect_vreg.gather [hbm4b:s1+s17], $0x80, v6, vm0, $0xb8;
	[tilespmem:$0x18200] =	vst v63  }
0x203: {  	s19 =	simm.s32 $0x1A80  }
0x204: {  	[tilespmem:s19], [sflag:$0x1] =	stream.indirect_vreg.gather [hbm4b:s1+s17], $0x80, v5, vm0, $0xb8;
	[tilespmem:$0x18200] =	vst v63  }
0x205: {  	v5 =	vld [tilespmem:$0x150];
	_ =	sdelay $0x4  }
0x206: {  	v6 =	vshll.u32 v5, $0x1  }
0x207: {  	v5 =	vand.u32 $0x7, v5;
	v6 =	vand.u32 $0xFFFFFFF0, v6  }
0x208: {  	v5 =	vor.u32 v5, v6  }
0x209: {  	v6 =	vperm.xlane v5, v2;
	_ =	sdelay $0x1  }
0x20a: {  	v5 =	vperm.xlane v5, v4;
	v6 =	vadd.s32 v3, v6;
	_ =	sdelay $0x1  }
0x20b: {  	v5 =	vadd.s32 v3, v5;
	_ =	sdelay $0x1  }
0x20c: {  	s13 =	simm.s32 $0x2280  }
0x20d: {  	[tilespmem:s13], [sflag:$0x1] =	stream.indirect_vreg.gather [hbm4b:s1+s17], $0x80, v6, vm0, $0xb8;
	[tilespmem:$0x18200] =	vst v63  }
0x20e: {  	s18 =	simm.s32 $0x2A80  }
0x20f: {  	[tilespmem:s18], [sflag:$0x1] =	stream.indirect_vreg.gather [hbm4b:s1+s17], $0x80, v5, vm0, $0xb8;
	[tilespmem:$0x18200] =	vst v63  }
0x210: {  	v5 =	vld [tilespmem:$0x160];
	_ =	sdelay $0x4  }
0x211: {  	v6 =	vshll.u32 v5, $0x1  }
0x212: {  	v5 =	vand.u32 $0x7, v5;
	v6 =	vand.u32 $0xFFFFFFF0, v6  }
0x213: {  	v5 =	vor.u32 v5, v6  }
0x214: {  	v6 =	vperm.xlane v5, v2;
	_ =	sdelay $0x1  }
0x215: {  	v5 =	vperm.xlane v5, v4;
	v6 =	vadd.s32 v3, v6;
	_ =	sdelay $0x1  }
0x216: {  	v5 =	vadd.s32 v3, v5;
	_ =	sdelay $0x1  }
0x217: {  	s19 =	simm.s32 $0x3280  }
0x218: {  	[tilespmem:s19], [sflag:$0x1] =	stream.indirect_vreg.gather [hbm4b:s1+s17], $0x80, v6, vm0, $0xb8;
	[tilespmem:$0x18200] =	vst v63  }
0x219: {  	s13 =	simm.s32 $0x3A80  }
0x21a: {  	[tilespmem:s13], [sflag:$0x1] =	stream.indirect_vreg.gather [hbm4b:s1+s17], $0x80, v5, vm0, $0xb8;
	[tilespmem:$0x18200] =	vst v63  }
0x21b: {  	v5 =	vld [tilespmem:$0x170];
	_ =	sdelay $0x4  }
0x21c: {  	v6 =	vshll.u32 v5, $0x1  }
0x21d: {  	v5 =	vand.u32 $0x7, v5;
	v6 =	vand.u32 $0xFFFFFFF0, v6  }
0x21e: {  	v5 =	vor.u32 v5, v6  }
0x21f: {  	v6 =	vperm.xlane v5, v2;
	_ =	sdelay $0x1  }
0x220: {  	v5 =	vperm.xlane v5, v4;
	v6 =	vadd.s32 v3, v6;
	_ =	sdelay $0x1  }
0x221: {  	v5 =	vadd.s32 v3, v5;
	_ =	sdelay $0x1  }
0x222: {  	s18 =	simm.s32 $0x4280  }
0x223: {  	[tilespmem:s18], [sflag:$0x1] =	stream.indirect_vreg.gather [hbm4b:s1+s17], $0x80, v6, vm0, $0xb8;
	[tilespmem:$0x18200] =	vst v63  }
0x224: {  	s19 =	simm.s32 $0x4A80  }
0x225: {  	[tilespmem:s19], [sflag:$0x1] =	stream.indirect_vreg.gather [hbm4b:s1+s17], $0x80, v5, vm0, $0xb8;
	[tilespmem:$0x18200] =	vst v63  }
0x226: {  	v5 =	vld [tilespmem:$0x180];
	_ =	sdelay $0x4  }
0x227: {  	v6 =	vshll.u32 v5, $0x1  }
0x228: {  	v5 =	vand.u32 $0x7, v5;
	v6 =	vand.u32 $0xFFFFFFF0, v6  }
0x229: {  	v5 =	vor.u32 v5, v6  }
0x22a: {  	v6 =	vperm.xlane v5, v2;
	_ =	sdelay $0x1  }
0x22b: {  	v5 =	vperm.xlane v5, v4;
	v6 =	vadd.s32 v3, v6;
	_ =	sdelay $0x1  }
0x22c: {  	v5 =	vadd.s32 v3, v5;
	_ =	sdelay $0x1  }
0x22d: {  	s13 =	simm.s32 $0x5280  }
0x22e: {  	[tilespmem:s13], [sflag:$0x1] =	stream.indirect_vreg.gather [hbm4b:s1+s17], $0x80, v6, vm0, $0xb8;
	[tilespmem:$0x18200] =	vst v63  }
0x22f: {  	s18 =	simm.s32 $0x5A80  }
0x230: {  	[tilespmem:s18], [sflag:$0x1] =	stream.indirect_vreg.gather [hbm4b:s1+s17], $0x80, v5, vm0, $0xb8;
	[tilespmem:$0x18200] =	vst v63  }
0x231: {  	v5 =	vld [tilespmem:$0x190];
	_ =	sdelay $0x4  }
0x232: {  	v6 =	vshll.u32 v5, $0x1  }
0x233: {  	v5 =	vand.u32 $0x7, v5;
	v6 =	vand.u32 $0xFFFFFFF0, v6  }
0x234: {  	v5 =	vor.u32 v5, v6  }
0x235: {  	v6 =	vperm.xlane v5, v2;
	_ =	sdelay $0x1  }
0x236: {  	v5 =	vperm.xlane v5, v4;
	v6 =	vadd.s32 v3, v6;
	_ =	sdelay $0x1  }
0x237: {  	v5 =	vadd.s32 v3, v5;
	_ =	sdelay $0x1  }
0x238: {  	s19 =	simm.s32 $0x6280  }
0x239: {  	[tilespmem:s19], [sflag:$0x1] =	stream.indirect_vreg.gather [hbm4b:s1+s17], $0x80, v6, vm0, $0xb8;
	[tilespmem:$0x18200] =	vst v63  }
0x23a: {  	s13 =	simm.s32 $0x6A80  }
0x23b: {  	[tilespmem:s13], [sflag:$0x1] =	stream.indirect_vreg.gather [hbm4b:s1+s17], $0x80, v5, vm0, $0xb8;
	[tilespmem:$0x18200] =	vst v63  }
0x23c: {  	v5 =	vld [tilespmem:$0x1A0];
	_ =	sdelay $0x4  }
0x23d: {  	v6 =	vshll.u32 v5, $0x1  }
0x23e: {  	v5 =	vand.u32 $0x7, v5;
	v6 =	vand.u32 $0xFFFFFFF0, v6  }
0x23f: {  	v5 =	vor.u32 v5, v6  }
0x240: {  	v6 =	vperm.xlane v5, v2;
	_ =	sdelay $0x1  }
0x241: {  	v5 =	vperm.xlane v5, v4;
	v6 =	vadd.s32 v3, v6;
	_ =	sdelay $0x1  }
0x242: {  	v5 =	vadd.s32 v3, v5;
	_ =	sdelay $0x1  }
0x243: {  	s18 =	simm.s32 $0x7280  }
0x244: {  	[tilespmem:s18], [sflag:$0x1] =	stream.indirect_vreg.gather [hbm4b:s1+s17], $0x80, v6, vm0, $0xb8;
	[tilespmem:$0x18200] =	vst v63  }
0x245: {  	s19 =	simm.s32 $0x7A80  }
0x246: {  	[tilespmem:s19], [sflag:$0x1] =	stream.indirect_vreg.gather [hbm4b:s1+s17], $0x80, v5, vm0, $0xb8;
	[tilespmem:$0x18200] =	vst v63  }
0x247: {  	v5 =	vld [tilespmem:$0x1B0];
	_ =	sdelay $0x4  }
0x248: {  	v6 =	vshll.u32 v5, $0x1  }
0x249: {  	v5 =	vand.u32 $0x7, v5;
	v6 =	vand.u32 $0xFFFFFFF0, v6  }
0x24a: {  	v5 =	vor.u32 v5, v6  }
0x24b: {  	v6 =	vperm.xlane v5, v2;
	_ =	sdelay $0x1  }
0x24c: {  	v5 =	vperm.xlane v5, v4;
	v6 =	vadd.s32 v3, v6;
	_ =	sdelay $0x1  }
0x24d: {  	v5 =	vadd.s32 v3, v5;
	_ =	sdelay $0x1  }
0x24e: {  	s13 =	simm.s32 $0x8280  }
0x24f: {  	[tilespmem:s13], [sflag:$0x1] =	stream.indirect_vreg.gather [hbm4b:s1+s17], $0x80, v6, vm0, $0xb8;
	[tilespmem:$0x18200] =	vst v63  }
0x250: {  	s18 =	simm.s32 $0x8A80  }
0x251: {  	[tilespmem:s18], [sflag:$0x1] =	stream.indirect_vreg.gather [hbm4b:s1+s17], $0x80, v5, vm0, $0xb8;
	[tilespmem:$0x18200] =	vst v63  }
0x252: {  	v5 =	vld [tilespmem:$0x1C0];
	_ =	sdelay $0x4  }
0x253: {  	v6 =	vshll.u32 v5, $0x1  }
0x254: {  	v5 =	vand.u32 $0x7, v5;
	v6 =	vand.u32 $0xFFFFFFF0, v6  }
0x255: {  	v5 =	vor.u32 v5, v6  }
0x256: {  	v6 =	vperm.xlane v5, v2;
	_ =	sdelay $0x1  }
0x257: {  	v5 =	vperm.xlane v5, v4;
	v6 =	vadd.s32 v3, v6;
	_ =	sdelay $0x1  }
0x258: {  	v5 =	vadd.s32 v3, v5;
	_ =	sdelay $0x1  }
0x259: {  	s19 =	simm.s32 $0x9280  }
0x25a: {  	[tilespmem:s19], [sflag:$0x1] =	stream.indirect_vreg.gather [hbm4b:s1+s17], $0x80, v6, vm0, $0xb8;
	[tilespmem:$0x18200] =	vst v63  }
0x25b: {  	s13 =	simm.s32 $0x9A80  }
0x25c: {  	[tilespmem:s13], [sflag:$0x1] =	stream.indirect_vreg.gather [hbm4b:s1+s17], $0x80, v5, vm0, $0xb8;
	[tilespmem:$0x18200] =	vst v63  }
0x25d: {  	v5 =	vld [tilespmem:$0x1D0];
	_ =	sdelay $0x4  }
0x25e: {  	v6 =	vshll.u32 v5, $0x1  }
0x25f: {  	v5 =	vand.u32 $0x7, v5;
	v6 =	vand.u32 $0xFFFFFFF0, v6  }
0x260: {  	v5 =	vor.u32 v5, v6  }
0x261: {  	v6 =	vperm.xlane v5, v2;
	_ =	sdelay $0x1  }
0x262: {  	v5 =	vperm.xlane v5, v4;
	v6 =	vadd.s32 v3, v6;
	_ =	sdelay $0x1  }
0x263: {  	v5 =	vadd.s32 v3, v5;
	_ =	sdelay $0x1  }
0x264: {  	s18 =	simm.s32 $0xA280  }
0x265: {  	[tilespmem:s18], [sflag:$0x1] =	stream.indirect_vreg.gather [hbm4b:s1+s17], $0x80, v6, vm0, $0xb8;
	[tilespmem:$0x18200] =	vst v63  }
0x266: {  	s19 =	simm.s32 $0xAA80  }
0x267: {  	[tilespmem:s19], [sflag:$0x1] =	stream.indirect_vreg.gather [hbm4b:s1+s17], $0x80, v5, vm0, $0xb8;
	[tilespmem:$0x18200] =	vst v63  }
0x268: {  	v5 =	vld [tilespmem:$0x1E0];
	_ =	sdelay $0x4  }
0x269: {  	v6 =	vshll.u32 v5, $0x1  }
0x26a: {  	v5 =	vand.u32 $0x7, v5;
	v6 =	vand.u32 $0xFFFFFFF0, v6  }
0x26b: {  	v5 =	vor.u32 v5, v6  }
0x26c: {  	v6 =	vperm.xlane v5, v2;
	_ =	sdelay $0x1  }
0x26d: {  	v5 =	vperm.xlane v5, v4;
	v6 =	vadd.s32 v3, v6;
	_ =	sdelay $0x1  }
0x26e: {  	v5 =	vadd.s32 v3, v5;
	_ =	sdelay $0x1  }
0x26f: {  	s13 =	simm.s32 $0xB280  }
0x270: {  	[tilespmem:s13], [sflag:$0x1] =	stream.indirect_vreg.gather [hbm4b:s1+s17], $0x80, v6, vm0, $0xb8;
	[tilespmem:$0x18200] =	vst v63  }
0x271: {  	_ = 	snop  }
0x272: {  	[tilespmem:s20], [sflag:$0x1] =	stream.indirect_vreg.gather [hbm4b:s1+s17], $0x80, v5, vm0, $0xb8;
	[tilespmem:$0x18200] =	vst v63  }
0x273: {  	v5 =	vld [tilespmem:$0x1F0];
	_ =	sdelay $0x4  }
0x274: {  	v6 =	vshll.u32 v5, $0x1  }
0x275: {  	v5 =	vand.u32 $0x7, v5;
	v6 =	vand.u32 $0xFFFFFFF0, v6  }
0x276: {  	v5 =	vor.u32 v5, v6  }
0x277: {  	v6 =	vperm.xlane v5, v2;
	_ =	sdelay $0x1  }
0x278: {  	v5 =	vperm.xlane v5, v4;
	v6 =	vadd.s32 v3, v6;
	_ =	sdelay $0x1  }
0x279: {  	v5 =	vadd.s32 v3, v5;
	_ =	sdelay $0x2  }
0x27a: {  	[tilespmem:s21], [sflag:$0x1] =	stream.indirect_vreg.gather [hbm4b:s1+s17], $0x80, v6, vm0, $0xb8;
	[tilespmem:$0x18200] =	vst v63  }
0x27b: {  	_ = 	snop  }
0x27c: {  	[tilespmem:s22], [sflag:$0x1] =	stream.indirect_vreg.gather [hbm4b:s1+s17], $0x80, v5, vm0, $0xb8;
	[tilespmem:$0x18200] =	vst v63  }
0x27d: {  	v5 =	vld [tilespmem:$0x200];
	_ =	sdelay $0x4  }
0x27e: {  	v6 =	vshll.u32 v5, $0x1  }
0x27f: {  	v5 =	vand.u32 $0x7, v5;
	v6 =	vand.u32 $0xFFFFFFF0, v6  }
0x280: {  	v5 =	vor.u32 v5, v6  }
0x281: {  	v6 =	vperm.xlane v5, v2;
	_ =	sdelay $0x1  }
0x282: {  	v5 =	vperm.xlane v5, v4;
	v6 =	vadd.s32 v3, v6;
	_ =	sdelay $0x1  }
0x283: {  	v5 =	vadd.s32 v3, v5;
	_ =	sdelay $0x2  }
0x284: {  	[tilespmem:s23], [sflag:$0x1] =	stream.indirect_vreg.gather [hbm4b:s1+s17], $0x80, v6, vm0, $0xb8;
	[tilespmem:$0x18200] =	vst v63  }
0x285: {  	_ = 	snop  }
0x286: {  	[tilespmem:s6], [sflag:$0x1] =	stream.indirect_vreg.gather [hbm4b:s1+s17], $0x80, v5, vm0, $0xb8;
	[tilespmem:$0x18200] =	vst v63  }
0x287: {  	v5 =	vld [tilespmem:$0x210];
	_ =	sdelay $0x4  }
0x288: {  	v6 =	vshll.u32 v5, $0x1  }
0x289: {  	v5 =	vand.u32 $0x7, v5;
	v6 =	vand.u32 $0xFFFFFFF0, v6  }
0x28a: {  	v5 =	vor.u32 v5, v6  }
0x28b: {  	v6 =	vperm.xlane v5, v2;
	_ =	sdelay $0x1  }
0x28c: {  	v5 =	vperm.xlane v5, v4;
	v6 =	vadd.s32 v3, v6;
	_ =	sdelay $0x1  }
0x28d: {  	v5 =	vadd.s32 v3, v5;
	_ =	sdelay $0x2  }
0x28e: {  	[tilespmem:s24], [sflag:$0x1] =	stream.indirect_vreg.gather [hbm4b:s1+s17], $0x80, v6, vm0, $0xb8;
	[tilespmem:$0x18200] =	vst v63  }
0x28f: {  	_ = 	snop  }
0x290: {  	[tilespmem:s7], [sflag:$0x1] =	stream.indirect_vreg.gather [hbm4b:s1+s17], $0x80, v5, vm0, $0xb8;
	[tilespmem:$0x18200] =	vst v63  }
0x291: {  	v5 =	vld [tilespmem:$0x220];
	_ =	sdelay $0x4  }
0x292: {  	v6 =	vshll.u32 v5, $0x1  }
0x293: {  	v5 =	vand.u32 $0x7, v5;
	v6 =	vand.u32 $0xFFFFFFF0, v6  }
0x294: {  	v5 =	vor.u32 v5, v6  }
0x295: {  	v6 =	vperm.xlane v5, v2;
	_ =	sdelay $0x1  }
0x296: {  	v5 =	vperm.xlane v5, v4;
	v6 =	vadd.s32 v3, v6;
	_ =	sdelay $0x1  }
0x297: {  	v5 =	vadd.s32 v3, v5;
	_ =	sdelay $0x2  }
0x298: {  	[tilespmem:s25], [sflag:$0x1] =	stream.indirect_vreg.gather [hbm4b:s1+s17], $0x80, v6, vm0, $0xb8;
	[tilespmem:$0x18200] =	vst v63  }
0x299: {  	_ = 	snop  }
0x29a: {  	[tilespmem:s8], [sflag:$0x1] =	stream.indirect_vreg.gather [hbm4b:s1+s17], $0x80, v5, vm0, $0xb8;
	[tilespmem:$0x18200] =	vst v63  }
0x29b: {  	v5 =	vld [tilespmem:$0x230];
	_ =	sdelay $0x4  }
0x29c: {  	v6 =	vshll.u32 v5, $0x1  }
0x29d: {  	v5 =	vand.u32 $0x7, v5;
	v6 =	vand.u32 $0xFFFFFFF0, v6  }
0x29e: {  	v5 =	vor.u32 v5, v6  }
0x29f: {  	v6 =	vperm.xlane v5, v2;
	_ =	sdelay $0x1  }
0x2a0: {  	v5 =	vperm.xlane v5, v4;
	v6 =	vadd.s32 v3, v6;
	_ =	sdelay $0x1  }
0x2a1: {  	v5 =	vadd.s32 v3, v5;
	_ =	sdelay $0x2  }
0x2a2: {  	[tilespmem:s26], [sflag:$0x1] =	stream.indirect_vreg.gather [hbm4b:s1+s17], $0x80, v6, vm0, $0xb8;
	[tilespmem:$0x18200] =	vst v63  }
0x2a3: {  	_ = 	snop  }
0x2a4: {  	[tilespmem:s28], [sflag:$0x1] =	stream.indirect_vreg.gather [hbm4b:s1+s17], $0x80, v5, vm0, $0xb8;
	[tilespmem:$0x18200] =	vst v63  }
0x2a5: {  	v5 =	vld [tilespmem:$0x240];
	_ =	sdelay $0x4  }
0x2a6: {  	v6 =	vshll.u32 v5, $0x1  }
0x2a7: {  	v5 =	vand.u32 $0x7, v5;
	v6 =	vand.u32 $0xFFFFFFF0, v6  }
0x2a8: {  	v5 =	vor.u32 v5, v6  }
0x2a9: {  	v6 =	vperm.xlane v5, v2;
	_ =	sdelay $0x1  }
0x2aa: {  	v5 =	vperm.xlane v5, v4;
	v6 =	vadd.s32 v3, v6;
	_ =	sdelay $0x1  }
0x2ab: {  	v5 =	vadd.s32 v3, v5;
	_ =	sdelay $0x2  }
0x2ac: {  	[tilespmem:s29], [sflag:$0x1] =	stream.indirect_vreg.gather [hbm4b:s1+s17], $0x80, v6, vm0, $0xb8;
	[tilespmem:$0x18200] =	vst v63  }
0x2ad: {  	_ = 	snop  }
0x2ae: {  	[tilespmem:s30], [sflag:$0x1] =	stream.indirect_vreg.gather [hbm4b:s1+s17], $0x80, v5, vm0, $0xb8;
	[tilespmem:$0x18200] =	vst v63  }
0x2af: {  	v5 =	vld [tilespmem:$0x250];
	_ =	sdelay $0x4  }
0x2b0: {  	v6 =	vshll.u32 v5, $0x1  }
0x2b1: {  	v5 =	vand.u32 $0x7, v5;
	v6 =	vand.u32 $0xFFFFFFF0, v6  }
0x2b2: {  	v5 =	vor.u32 v5, v6  }
0x2b3: {  	v6 =	vperm.xlane v5, v2;
	_ =	sdelay $0x1  }
0x2b4: {  	v5 =	vperm.xlane v5, v4;
	v6 =	vadd.s32 v3, v6;
	_ =	sdelay $0x1  }
0x2b5: {  	v5 =	vadd.s32 v3, v5;
	_ =	sdelay $0x2  }
0x2b6: {  	[tilespmem:s9], [sflag:$0x1] =	stream.indirect_vreg.gather [hbm4b:s1+s17], $0x80, v6, vm0, $0xb8;
	[tilespmem:$0x18200] =	vst v63  }
0x2b7: {  	_ = 	snop  }
0x2b8: {  	[tilespmem:s31], [sflag:$0x1] =	stream.indirect_vreg.gather [hbm4b:s1+s17], $0x80, v5, vm0, $0xb8;
	[tilespmem:$0x18200] =	vst v63  }
0x2b9: {  	_ =	swait.ge [sflag:s0], $0x3840  }
0x2ba: {  	[sflag:s0] =	ssyncset.done $0x0  }
0x2bb: {  	s18 =	simm.s32 $0x0;
	[sflag:s0] =	ssyncadd.s32 $0xFFFFC7C0  }
0x2bc: {  	v5 =	vld [tilespmem:s18+$0x130];
	_ =	sdelay $0x4  }
0x2bd: {  	v5 =	vadd.s32 v1, v5  }
0x2be: {  	v5 =	vshll.u32 v5, $0x4  }
0x2bf: {  	v5 =	vadd.s32 $0x13680, v5  }
0x2c0: {  	(v2sf) =	vpush v5, $0x0;
	_ =	sdelay $0x5  }
0x2c1: {  	(v2sf) =	vpush v5, $0x1;
	_ =	sdelay $0x5  }
0x2c2: {  	(v2sf) =	vpush v5, $0x2;
	_ =	sdelay $0x2  }
0x2c3: {  	s19 =	spop (v2sf)  }
0x2c4: {  	v6 =	vld [tilespmem:s19+$0x0];
	_ =	sdelay $0x1  }
0x2c5: {  	(v2sf) =	vpush v5, $0x3;
	_ =	sdelay $0x1  }
0x2c6: {  	s17 =	simm.s32 $0x16F80  }
0x2c7: {  	s13 =	spop (v2sf);
	[tilespmem:s17+$0xFFFFFF80] =	vst v6  }
0x2c8: {  	v6 =	vld [tilespmem:s13+$0x0];
	_ =	sdelay $0x1  }
0x2c9: {  	(v2sf) =	vpush v5, $0x4;
	_ =	sdelay $0x2  }
0x2ca: {  	s18 =	spop (v2sf);
	[tilespmem:s17+$0xFFFFFF90] =	vst v6  }
0x2cb: {  	v6 =	vld [tilespmem:s18+$0x0];
	_ =	sdelay $0x1  }
0x2cc: {  	(v2sf) =	vpush v5, $0x5;
	_ =	sdelay $0x2  }
0x2cd: {  	s19 =	spop (v2sf);
	[tilespmem:s17+$0xFFFFFFA0] =	vst v6  }
0x2ce: {  	v6 =	vld [tilespmem:s19+$0x0];
	_ =	sdelay $0x1  }
0x2cf: {  	(v2sf) =	vpush v5, $0x6;
	_ =	sdelay $0x2  }
0x2d0: {  	s13 =	spop (v2sf);
	[tilespmem:s17+$0xFFFFFFB0] =	vst v6  }
0x2d1: {  	v6 =	vld [tilespmem:s13+$0x0];
	_ =	sdelay $0x1  }
0x2d2: {  	(v2sf) =	vpush v5, $0x7;
	_ =	sdelay $0x2  }
0x2d3: {  	s18 =	spop (v2sf);
	[tilespmem:s17+$0xFFFFFFC0] =	vst v6  }
0x2d4: {  	v6 =	vld [tilespmem:s18+$0x0];
	_ =	sdelay $0x1  }
0x2d5: {  	(v2sf) =	vpush v5, $0x8;
	_ =	sdelay $0x2  }
0x2d6: {  	s19 =	spop (v2sf);
	[tilespmem:s17+$0xFFFFFFD0] =	vst v6  }
0x2d7: {  	v6 =	vld [tilespmem:s19+$0x0];
	_ =	sdelay $0x1  }
0x2d8: {  	(v2sf) =	vpush v5, $0x9;
	_ =	sdelay $0x2  }
0x2d9: {  	s13 =	spop (v2sf);
	[tilespmem:s17+$0xFFFFFFE0] =	vst v6  }
0x2da: {  	v6 =	vld [tilespmem:s13+$0x0];
	_ =	sdelay $0x1  }
0x2db: {  	(v2sf) =	vpush v5, $0xA;
	_ =	sdelay $0x2  }
0x2dc: {  	s18 =	spop (v2sf);
	[tilespmem:s17+$0xFFFFFFF0] =	vst v6  }
0x2dd: {  	v6 =	vld [tilespmem:s18+$0x0];
	_ =	sdelay $0x1  }
0x2de: {  	(v2sf) =	vpush v5, $0xB;
	_ =	sdelay $0x2  }
0x2df: {  	s19 =	spop (v2sf);
	[tilespmem:s17+$0x0] =	vst v6  }
0x2e0: {  	v6 =	vld [tilespmem:s19+$0x0];
	_ =	sdelay $0x1  }
0x2e1: {  	(v2sf) =	vpush v5, $0xC;
	_ =	sdelay $0x2  }
0x2e2: {  	s13 =	spop (v2sf);
	[tilespmem:s17+$0x10] =	vst v6  }
0x2e3: {  	v6 =	vld [tilespmem:s13+$0x0];
	_ =	sdelay $0x1  }
0x2e4: {  	(v2sf) =	vpush v5, $0xD;
	_ =	sdelay $0x2  }
0x2e5: {  	s18 =	spop (v2sf);
	[tilespmem:s17+$0x20] =	vst v6  }
0x2e6: {  	v6 =	vld [tilespmem:s18+$0x0];
	_ =	sdelay $0x1  }
0x2e7: {  	(v2sf) =	vpush v5, $0xE;
	_ =	sdelay $0x2  }
0x2e8: {  	s19 =	spop (v2sf);
	[tilespmem:s17+$0x30] =	vst v6  }
0x2e9: {  	v6 =	vld [tilespmem:s19+$0x0];
	_ =	sdelay $0x1  }
0x2ea: {  	(v2sf) =	vpush v5, $0xF;
	_ =	sdelay $0x2  }
0x2eb: {  	s13 =	spop (v2sf);
	[tilespmem:s17+$0x40] =	vst v6  }
0x2ec: {  	v5 =	vld [tilespmem:s13+$0x0];
	_ =	sdelay $0x4  }
0x2ed: {  	s18 =	spop (v2sf);
	[tilespmem:s17+$0x50] =	vst v5  }
0x2ee: {  	v5 =	vld [tilespmem:s18+$0x0];
	_ =	sdelay $0x4  }
0x2ef: {  	s19 =	spop (v2sf);
	[tilespmem:s17+$0x60] =	vst v5  }
0x2f0: {  	s13 =	simm.s32 $0x40;
	s18 =	simm.s32 $0x80;
	v5 =	vld [tilespmem:s19+$0x0]  }
.LBB2_4:
0x2f1: {  	_ =	sdelay $0x2  }
0x2f2: {  	s19 =	sshra.s32 s13, $0x2  }
0x2f3: {  	s13 =	smov.u32 s18;
	s5 =	sadd.s32 $0x40, s18;
	[tilespmem:s17+$0x70] =	vst v5;
	s17 =	sadd.s32 $0x100, s17  }
0x2f4: {  	p0 =	sne.s32 s18, $0x480;
	v5 =	vld [tilespmem:s19+$0x130];
	_ =	sdelay $0x4  }
0x2f5: {  	v5 =	vadd.s32 v1, v5  }
0x2f6: {  	v5 =	vshll.u32 v5, $0x4  }
0x2f7: {  	v5 =	vadd.s32 $0x13680, v5  }
0x2f8: {  	(v2sf) =	vpush v5, $0x0;
	_ =	sdelay $0x5  }
0x2f9: {  	(v2sf) =	vpush v5, $0x1;
	_ =	sdelay $0x5  }
0x2fa: {  	(v2sf) =	vpush v5, $0x2;
	_ =	sdelay $0x2  }
0x2fb: {  	s18 =	spop (v2sf)  }
0x2fc: {  	v6 =	vld [tilespmem:s18+$0x0];
	_ =	sdelay $0x1  }
0x2fd: {  	(v2sf) =	vpush v5, $0x3;
	_ =	sdelay $0x2  }
0x2fe: {  	[tilespmem:s17+$0xFFFFFF80] =	vst v6;
	s18 =	spop (v2sf)  }
0x2ff: {  	v6 =	vld [tilespmem:s18+$0x0];
	_ =	sdelay $0x1  }
0x300: {  	(v2sf) =	vpush v5, $0x4;
	_ =	sdelay $0x2  }
0x301: {  	[tilespmem:s17+$0xFFFFFF90] =	vst v6;
	s18 =	spop (v2sf)  }
0x302: {  	v6 =	vld [tilespmem:s18+$0x0];
	_ =	sdelay $0x1  }
0x303: {  	(v2sf) =	vpush v5, $0x5;
	_ =	sdelay $0x2  }
0x304: {  	[tilespmem:s17+$0xFFFFFFA0] =	vst v6;
	s18 =	spop (v2sf)  }
0x305: {  	v6 =	vld [tilespmem:s18+$0x0];
	_ =	sdelay $0x1  }
0x306: {  	(v2sf) =	vpush v5, $0x6;
	_ =	sdelay $0x2  }
0x307: {  	[tilespmem:s17+$0xFFFFFFB0] =	vst v6;
	s18 =	spop (v2sf)  }
0x308: {  	v6 =	vld [tilespmem:s18+$0x0];
	_ =	sdelay $0x1  }
0x309: {  	(v2sf) =	vpush v5, $0x7;
	_ =	sdelay $0x2  }
0x30a: {  	[tilespmem:s17+$0xFFFFFFC0] =	vst v6;
	s18 =	spop (v2sf)  }
0x30b: {  	v6 =	vld [tilespmem:s18+$0x0];
	_ =	sdelay $0x1  }
0x30c: {  	(v2sf) =	vpush v5, $0x8;
	_ =	sdelay $0x2  }
0x30d: {  	[tilespmem:s17+$0xFFFFFFD0] =	vst v6;
	s18 =	spop (v2sf)  }
0x30e: {  	v6 =	vld [tilespmem:s18+$0x0];
	_ =	sdelay $0x1  }
0x30f: {  	(v2sf) =	vpush v5, $0x9;
	_ =	sdelay $0x2  }
0x310: {  	[tilespmem:s17+$0xFFFFFFE0] =	vst v6;
	s18 =	spop (v2sf)  }
0x311: {  	v6 =	vld [tilespmem:s18+$0x0];
	_ =	sdelay $0x1  }
0x312: {  	(v2sf) =	vpush v5, $0xA;
	_ =	sdelay $0x2  }
0x313: {  	[tilespmem:s17+$0xFFFFFFF0] =	vst v6;
	s18 =	spop (v2sf)  }
0x314: {  	v6 =	vld [tilespmem:s18+$0x0];
	_ =	sdelay $0x1  }
0x315: {  	(v2sf) =	vpush v5, $0xB;
	_ =	sdelay $0x2  }
0x316: {  	[tilespmem:s17+$0x0] =	vst v6;
	s18 =	spop (v2sf)  }
0x317: {  	v6 =	vld [tilespmem:s18+$0x0];
	_ =	sdelay $0x1  }
0x318: {  	(v2sf) =	vpush v5, $0xC;
	_ =	sdelay $0x2  }
0x319: {  	[tilespmem:s17+$0x10] =	vst v6;
	s18 =	spop (v2sf)  }
0x31a: {  	v6 =	vld [tilespmem:s18+$0x0];
	_ =	sdelay $0x1  }
0x31b: {  	(v2sf) =	vpush v5, $0xD;
	_ =	sdelay $0x2  }
0x31c: {  	[tilespmem:s17+$0x20] =	vst v6;
	s18 =	spop (v2sf)  }
0x31d: {  	v6 =	vld [tilespmem:s18+$0x0];
	_ =	sdelay $0x1  }
0x31e: {  	(v2sf) =	vpush v5, $0xE;
	_ =	sdelay $0x2  }
0x31f: {  	[tilespmem:s17+$0x30] =	vst v6;
	s18 =	spop (v2sf)  }
0x320: {  	v6 =	vld [tilespmem:s18+$0x0];
	_ =	sdelay $0x1  }
0x321: {  	(v2sf) =	vpush v5, $0xF;
	_ =	sdelay $0x2  }
0x322: {  	[tilespmem:s17+$0x40] =	vst v6;
	s18 =	spop (v2sf)  }
0x323: {  	v5 =	vld [tilespmem:s18+$0x0];
	_ =	sdelay $0x4  }
0x324: {  	[tilespmem:s17+$0x50] =	vst v5;
	s18 =	spop (v2sf)  }
0x325: {  	v5 =	vld [tilespmem:s18+$0x0];
	_ =	sdelay $0x1  }
.Ltmp1:
0x326: {  	(pc) =	sbr.rel @p0 .LBB2_4-.Ltmp1, $3  }
0x327: {  	_ =	sdelay $0x1  }
0x328: {  	[tilespmem:s17+$0x60] =	vst v5;
	s18 =	spop (v2sf)  }
0x329: {  	v5 =	vld [tilespmem:s18+$0x0];
	s18 =	smov.u32 s5  }
0x32a: {  	_ =	sdelay $0x3  }
0x32b: {  	s5 =	sshra.s32 s13, $0x2;
	[tilespmem:s17+$0x70] =	vst v5  }
0x32c: {  	v5 =	vld [tilespmem:s5+$0x130];
	_ =	sdelay $0x4  }
0x32d: {  	v5 =	vadd.s32 v1, v5  }
0x32e: {  	v5 =	vshll.u32 v5, $0x4  }
0x32f: {  	v5 =	vadd.s32 $0x13680, v5  }
0x330: {  	(v2sf) =	vpush v5, $0x0;
	_ =	sdelay $0x5  }
0x331: {  	(v2sf) =	vpush v5, $0x1;
	_ =	sdelay $0x5  }
0x332: {  	(v2sf) =	vpush v5, $0x2;
	_ =	sdelay $0x2  }
0x333: {  	s13 =	spop (v2sf)  }
0x334: {  	v6 =	vld [tilespmem:s13+$0x0];
	_ =	sdelay $0x1  }
0x335: {  	(v2sf) =	vpush v5, $0x3;
	_ =	sdelay $0x1  }
0x336: {  	s5 =	sadd.s32 $0x100, s17  }
0x337: {  	s17 =	spop (v2sf);
	[tilespmem:s5+$0xFFFFFF80] =	vst v6  }
0x338: {  	v6 =	vld [tilespmem:s17+$0x0];
	_ =	sdelay $0x1  }
0x339: {  	(v2sf) =	vpush v5, $0x4;
	_ =	sdelay $0x2  }
0x33a: {  	s18 =	spop (v2sf);
	[tilespmem:s5+$0xFFFFFF90] =	vst v6  }
0x33b: {  	v6 =	vld [tilespmem:s18+$0x0];
	_ =	sdelay $0x1  }
0x33c: {  	(v2sf) =	vpush v5, $0x5;
	_ =	sdelay $0x2  }
0x33d: {  	s19 =	spop (v2sf);
	[tilespmem:s5+$0xFFFFFFA0] =	vst v6  }
0x33e: {  	v6 =	vld [tilespmem:s19+$0x0];
	_ =	sdelay $0x1  }
0x33f: {  	(v2sf) =	vpush v5, $0x6;
	_ =	sdelay $0x2  }
0x340: {  	s17 =	spop (v2sf);
	[tilespmem:s5+$0xFFFFFFB0] =	vst v6  }
0x341: {  	v6 =	vld [tilespmem:s17+$0x0];
	_ =	sdelay $0x1  }
0x342: {  	(v2sf) =	vpush v5, $0x7;
	_ =	sdelay $0x2  }
0x343: {  	s18 =	spop (v2sf);
	[tilespmem:s5+$0xFFFFFFC0] =	vst v6  }
0x344: {  	v6 =	vld [tilespmem:s18+$0x0];
	_ =	sdelay $0x1  }
0x345: {  	(v2sf) =	vpush v5, $0x8;
	_ =	sdelay $0x2  }
0x346: {  	s19 =	spop (v2sf);
	[tilespmem:s5+$0xFFFFFFD0] =	vst v6  }
0x347: {  	v6 =	vld [tilespmem:s19+$0x0];
	_ =	sdelay $0x1  }
0x348: {  	(v2sf) =	vpush v5, $0x9;
	_ =	sdelay $0x2  }
0x349: {  	s17 =	spop (v2sf);
	[tilespmem:s5+$0xFFFFFFE0] =	vst v6  }
0x34a: {  	v6 =	vld [tilespmem:s17+$0x0];
	_ =	sdelay $0x1  }
0x34b: {  	(v2sf) =	vpush v5, $0xA;
	_ =	sdelay $0x2  }
0x34c: {  	s18 =	spop (v2sf);
	[tilespmem:s5+$0xFFFFFFF0] =	vst v6  }
0x34d: {  	v6 =	vld [tilespmem:s18+$0x0];
	_ =	sdelay $0x1  }
0x34e: {  	(v2sf) =	vpush v5, $0xB;
	_ =	sdelay $0x2  }
0x34f: {  	s19 =	spop (v2sf);
	[tilespmem:s5+$0x0] =	vst v6  }
0x350: {  	v6 =	vld [tilespmem:s19+$0x0];
	_ =	sdelay $0x1  }
0x351: {  	(v2sf) =	vpush v5, $0xC;
	_ =	sdelay $0x2  }
0x352: {  	s17 =	spop (v2sf);
	[tilespmem:s5+$0x10] =	vst v6  }
0x353: {  	v6 =	vld [tilespmem:s17+$0x0];
	_ =	sdelay $0x1  }
0x354: {  	(v2sf) =	vpush v5, $0xD;
	_ =	sdelay $0x2  }
0x355: {  	s18 =	spop (v2sf);
	[tilespmem:s5+$0x20] =	vst v6  }
0x356: {  	v6 =	vld [tilespmem:s18+$0x0];
	_ =	sdelay $0x1  }
0x357: {  	(v2sf) =	vpush v5, $0xE;
	_ =	sdelay $0x2  }
0x358: {  	s19 =	spop (v2sf);
	[tilespmem:s5+$0x30] =	vst v6  }
0x359: {  	v6 =	vld [tilespmem:s19+$0x0];
	_ =	sdelay $0x1  }
0x35a: {  	(v2sf) =	vpush v5, $0xF;
	_ =	sdelay $0x2  }
0x35b: {  	s17 =	spop (v2sf);
	[tilespmem:s5+$0x40] =	vst v6  }
0x35c: {  	v5 =	vld [tilespmem:s17+$0x0];
	_ =	sdelay $0x4  }
0x35d: {  	s18 =	spop (v2sf);
	[tilespmem:s5+$0x50] =	vst v5  }
0x35e: {  	v5 =	vld [tilespmem:s18+$0x0];
	_ =	sdelay $0x4  }
0x35f: {  	s19 =	spop (v2sf);
	[tilespmem:s5+$0x60] =	vst v5  }
0x360: {  	v5 =	vld [tilespmem:s19+$0x0];
	_ =	sdelay $0x4  }
0x361: {  	s13 =	rddreg [dreg:$0xa];
	[tilespmem:s5+$0x70] =	vst v5  }
0x362: {  	[hbm4b:s13+s3] =	stream.linear.scatter [tilespmem:s2], [sflag:$0x2], $0x12C0, $0x38;
	[tilespmem:$0x18200] =	vst v63  }
0x363: {  	_ =	swait.ge [sflag:s10], $0x8000  }
0x364: {  	[sflag:s10] =	ssyncset.done $0x0  }
0x365: {  	[sflag:s10] =	ssyncadd.s32 $0xFFFF8000  }
0x366: {  	_ =	swait.ge [sflag:s10], $0x8000  }
0x367: {  	[sflag:s10] =	ssyncset.done $0x0  }
0x368: {  	[sflag:s10] =	ssyncadd.s32 $0xFFFF8000  }
0x369: {  	_ =	swait.ge [sflag:s10], $0x3000  }
0x36a: {  	[sflag:s10] =	ssyncset.done $0x0  }
0x36b: {  	s17 =	rddreg [dreg:$0xb];
	[sflag:s10] =	ssyncadd.s32 $0xFFFFD000  }
0x36c: {  	[hbm4b:s17+s3] =	stream.linear.scatter [tilespmem:s16], [sflag:$0x1], $0x12800, $0x38;
	[tilespmem:$0x18200] =	vst v63  }
0x36d: {  	v5 =	vld [tilespmem:$0x12A80]  }
0x36e: {  	v6 =	vld [tilespmem:$0x12A90]  }
0x36f: {  	v7 =	vld [tilespmem:$0x12AA0]  }
0x370: {  	v8 =	vld [tilespmem:$0x12AB0]  }
0x371: {  	v9 =	vld [tilespmem:$0x12AC0]  }
0x372: {  	v41 =	vld [tilespmem:$0x12E80];
	[tilespmem:$0x13280] =	vst v5  }
0x373: {  	v5 =	vld [tilespmem:$0x12AD0];
	[tilespmem:$0x13290] =	vst v6  }
0x374: {  	v6 =	vld [tilespmem:$0x12AE0];
	[tilespmem:$0x132A0] =	vst v7  }
0x375: {  	v7 =	vld [tilespmem:$0x12AF0];
	[tilespmem:$0x132B0] =	vst v8  }
0x376: {  	v42 =	vld [tilespmem:$0x12E90];
	[tilespmem:$0x132C0] =	vst v9  }
0x377: {  	v43 =	vld [tilespmem:$0x12ED0];
	[tilespmem:$0x13480] =	vst v41  }
0x378: {  	[tilespmem:$0x132D0] =	vst v5;
	v5 =	vld [tilespmem:$0x12EA0]  }
0x379: {  	[tilespmem:$0x132E0] =	vst v6;
	v6 =	vld [tilespmem:$0x12EB0]  }
0x37a: {  	[tilespmem:$0x132F0] =	vst v7;
	v7 =	vld [tilespmem:$0x12EC0]  }
0x37b: {  	v44 =	vld [tilespmem:$0x12EE0];
	[tilespmem:$0x13490] =	vst v42  }
0x37c: {  	v45 =	vld [tilespmem:$0x12B20];
	[tilespmem:$0x134D0] =	vst v43  }
0x37d: {  	[tilespmem:$0x134A0] =	vst v5;
	v5 =	vld [tilespmem:$0x12EF0]  }
0x37e: {  	[tilespmem:$0x134B0] =	vst v6;
	v6 =	vld [tilespmem:$0x12B00]  }
0x37f: {  	[tilespmem:$0x134C0] =	vst v7;
	v7 =	vld [tilespmem:$0x12B10]  }
0x380: {  	v46 =	vld [tilespmem:$0x12B30];
	[tilespmem:$0x134E0] =	vst v44  }
0x381: {  	v47 =	vld [tilespmem:$0x12B70];
	[tilespmem:$0x13320] =	vst v45  }
0x382: {  	[tilespmem:$0x134F0] =	vst v5;
	v5 =	vld [tilespmem:$0x12B40]  }
0x383: {  	[tilespmem:$0x13300] =	vst v6;
	v6 =	vld [tilespmem:$0x12B50]  }
0x384: {  	[tilespmem:$0x13310] =	vst v7;
	v7 =	vld [tilespmem:$0x12B60]  }
0x385: {  	v48 =	vld [tilespmem:$0x12F00];
	[tilespmem:$0x13330] =	vst v46  }
0x386: {  	v49 =	vld [tilespmem:$0x12F40];
	[tilespmem:$0x13370] =	vst v47  }
0x387: {  	[tilespmem:$0x13340] =	vst v5;
	v5 =	vld [tilespmem:$0x12F10]  }
0x388: {  	[tilespmem:$0x13350] =	vst v6;
	v6 =	vld [tilespmem:$0x12F20]  }
0x389: {  	[tilespmem:$0x13360] =	vst v7;
	v7 =	vld [tilespmem:$0x12F30]  }
0x38a: {  	v50 =	vld [tilespmem:$0x12F50];
	[tilespmem:$0x13500] =	vst v48  }
0x38b: {  	v51 =	vld [tilespmem:$0x12B90];
	[tilespmem:$0x13540] =	vst v49  }
0x38c: {  	[tilespmem:$0x13510] =	vst v5;
	v5 =	vld [tilespmem:$0x12F60]  }
0x38d: {  	[tilespmem:$0x13520] =	vst v6;
	v6 =	vld [tilespmem:$0x12F70]  }
0x38e: {  	[tilespmem:$0x13530] =	vst v7;
	v7 =	vld [tilespmem:$0x12B80]  }
0x38f: {  	v52 =	vld [tilespmem:$0x12BA0];
	[tilespmem:$0x13550] =	vst v50  }
0x390: {  	v53 =	vld [tilespmem:$0x12BE0];
	[tilespmem:$0x13390] =	vst v51  }
0x391: {  	[tilespmem:$0x13560] =	vst v5;
	v5 =	vld [tilespmem:$0x12BB0]  }
0x392: {  	[tilespmem:$0x13570] =	vst v6;
	v6 =	vld [tilespmem:$0x12BC0]  }
0x393: {  	[tilespmem:$0x13380] =	vst v7;
	v7 =	vld [tilespmem:$0x12BD0]  }
0x394: {  	v54 =	vld [tilespmem:$0x12BF0];
	[tilespmem:$0x133A0] =	vst v52  }
0x395: {  	v55 =	vld [tilespmem:$0x12FB0];
	[tilespmem:$0x133E0] =	vst v53  }
0x396: {  	[tilespmem:$0x133B0] =	vst v5;
	v5 =	vld [tilespmem:$0x12F80]  }
0x397: {  	[tilespmem:$0x133C0] =	vst v6;
	v6 =	vld [tilespmem:$0x12F90]  }
0x398: {  	[tilespmem:$0x133D0] =	vst v7;
	v7 =	vld [tilespmem:$0x12FA0]  }
0x399: {  	v56 =	vld [tilespmem:$0x12FC0];
	[tilespmem:$0x133F0] =	vst v54  }
0x39a: {  	v57 =	vld [tilespmem:$0x12C00];
	[tilespmem:$0x135B0] =	vst v55  }
0x39b: {  	[tilespmem:$0x13580] =	vst v5;
	v5 =	vld [tilespmem:$0x12FD0]  }
0x39c: {  	[tilespmem:$0x13590] =	vst v6;
	v6 =	vld [tilespmem:$0x12FE0]  }
0x39d: {  	[tilespmem:$0x135A0] =	vst v7;
	v7 =	vld [tilespmem:$0x12FF0]  }
0x39e: {  	v58 =	vld [tilespmem:$0x12C10];
	[tilespmem:$0x135C0] =	vst v56  }
0x39f: {  	v59 =	vld [tilespmem:$0x12C50];
	[tilespmem:$0x13400] =	vst v57  }
0x3a0: {  	[tilespmem:$0x135D0] =	vst v5;
	v5 =	vld [tilespmem:$0x12C20]  }
0x3a1: {  	[tilespmem:$0x135E0] =	vst v6;
	v6 =	vld [tilespmem:$0x12C30]  }
0x3a2: {  	[tilespmem:$0x135F0] =	vst v7;
	v7 =	vld [tilespmem:$0x12C40]  }
0x3a3: {  	v60 =	vld [tilespmem:$0x12C60];
	[tilespmem:$0x13410] =	vst v58  }
0x3a4: {  	v61 =	vld [tilespmem:$0x13020];
	[tilespmem:$0x13450] =	vst v59  }
0x3a5: {  	[tilespmem:$0x13420] =	vst v5;
	v5 =	vld [tilespmem:$0x12C70]  }
0x3a6: {  	[tilespmem:$0x13430] =	vst v6;
	v6 =	vld [tilespmem:$0x13000]  }
0x3a7: {  	[tilespmem:$0x13440] =	vst v7;
	v7 =	vld [tilespmem:$0x13010]  }
0x3a8: {  	v62 =	vld [tilespmem:$0x13030];
	[tilespmem:$0x13460] =	vst v60  }
0x3a9: {  	v63 =	vld [tilespmem:$0x13070];
	[tilespmem:$0x13620] =	vst v61  }
0x3aa: {  	[tilespmem:$0x13470] =	vst v5;
	v5 =	vld [tilespmem:$0x13040]  }
0x3ab: {  	[tilespmem:$0x13600] =	vst v6;
	v6 =	vld [tilespmem:$0x13050]  }
0x3ac: {  	[tilespmem:$0x13610] =	vst v7;
	v7 =	vld [tilespmem:$0x13060]  }
0x3ad: {  	[tilespmem:$0x13630] =	vst v62  }
0x3ae: {  	[tilespmem:$0x13670] =	vst v63  }
0x3af: {  	[tilespmem:$0x13640] =	vst v5  }
0x3b0: {  	[tilespmem:$0x13650] =	vst v6  }
0x3b1: {  	s18 =	rddreg [dreg:$0xc];
	[tilespmem:$0x13660] =	vst v7  }
0x3b2: {  	[hbm4b:s18+s4] =	stream.strided.scatter [tilespmem:s15], [sflag:$0x1], $0x400, s11, s4, $0x38;
	[tilespmem:$0x18200] =	vst v63  }
0x3b3: {  	_ =	swait.ge [sflag:s10], $0x12800  }
0x3b4: {  	[sflag:s10] =	ssyncset.done $0x0  }
0x3b5: {  	[sflag:s10] =	ssyncadd.s32 $0xFFFED800  }
0x3b6: {  	_ =	swait.ge [sflag:s10], $0x400  }
0x3b7: {  	[sflag:s10] =	ssyncset.done $0x0  }
0x3b8: {  	[sflag:s10] =	ssyncadd.s32 $0xFFFFFC00  }
0x3b9: {  	_ =	swait.ge [sflag:s0], $0x12C0  }
0x3ba: {  	s12 =	sadd.s32 $0x1, s12;
	s19 =	rddreg [dreg:$0xd]  }
0x3bb: {  	p0 =	sne.s32 s12, s19  }
.Ltmp2:
0x3bc: {  	_ = 	snop;
	(pc) =	sbr.rel @p0 .LBB2_1-.Ltmp2, $3  }
0x3bd: {  	_ =	sdelay $0x1  }
0x3be: {  	[sflag:s0] =	ssyncset.done $0x0  }
0x3bf: {  	[sflag:s0] =	ssyncadd.s32 $0xFFFFED40  }
0x3c0: {  	_ =	sfence.sel $0x180000  }
0x3c1: {  	[bflag:$0x0] =	sbarrier.arrive $0xFFFF  }
0x3c2: {  	_ =	strace $0x90000047  }
0x3c3: {  	s0 =	stileid.u32;
	[bflag:$0x2] =	sbarrier.arrive $0xFFFF  }
0x3c4: {  	p0 =	sne.s32 s0, $0x0;
	s0 =	rddreg [dreg:$0x3]  }
0x3c5: {  	s0 =	sadd.s32 @!p0 $0x100000, s0  }
0x3c6: {  	[sflag:s0] =	ssyncadd.tile.s32 @!p0 $0x1;
	_ =	shalt  }
.Lfunc_end2:
_tile_overlayer_lowered:
.L_overlay_start_2:
0x3c7: {  	(tag) =	ssettag $0x2  }
0x3c8: {  	s0 =	rddreg [dreg:$0x0];
	s2 =	stileid.u32  }
0x3c9: {  	s1 =	rddreg [dreg:$0x1];
	p0 =	sne.s32 s2, $0x0  }
0x3ca: {  	s3 =	rddreg [dreg:$0x2];
	[bflag:$0x3] =	sbarrier.arrive $0xFFFF;
	s2 =	simm.s32 @!p0 $0x1C03  }
0x3cb: {  	[timem:s3], [sflag:s2] =	dma.local @!p0 [hbm:s0], s1  }
0x3cc: {  	s0 =	simm.s32 @!p0 $0x3  }
0x3cd: {  	_ =	swait.ge @!p0 [sflag:s0], s1  }
0x3ce: {  	s1 =	ssub.s32 @!p0 $0x0, s1;
	[sflag:s0] =	ssyncset.done @!p0 $0x0  }
0x3cf: {  	[sflag:s0] =	ssyncadd.s32 @!p0 s1  }
0x3d0: {  	[bflag:$0x3] =	sbarrier.arrive $0xFFFF  }
0x3d1: {  	_ =	shalt  }

</sc_bundles>
